<compile_context>
chip_gen: v7x
topology: tpu7x:2x2x1
jax: 0.10.2.dev20260603
libtpu: 0.0.44.dev20260713+nightly
codegen_flags: <defaults>
</compile_context>

<pallas_src>
import functools

import jax
import jax.numpy as jnp
from jax import lax
from jax.experimental import pallas as pl
from jax.experimental.pallas import tpu as pltpu
from jax.experimental.pallas import tpu_sc as plsc

NC = 2
NS = 16
NW = NC * NS
L = 16
CH = 16384
NB = 3

_MAGIC = 12582912.0
_MAGIC_I = 1262485504


def _quantize16(x):
    f = (x - 0.5) + _MAGIC
    i = jax.lax.bitcast_convert_type(f, jnp.int32) - (_MAGIC_I - 8)
    idx = jnp.minimum(jnp.maximum(i, 0), 15)
    vals = idx.astype(jnp.float32) - 7.5
    return vals, idx


def _sc_body(x_hbm, vals_hbm, idx_hbm, *scratch, n):
    x_v = scratch[0:NB]
    vals_v = scratch[NB:NB + 2]
    idx_v = scratch[NB + 2:NB + 4]
    sin = scratch[NB + 4:2 * NB + 4]
    sout = scratch[2 * NB + 4:2 * NB + 6]

    wid = lax.axis_index("s") * NC + lax.axis_index("c")
    per_w = n // NW
    chunks = per_w // CH
    base0 = wid * per_w

    def in_copy(g):
        return pltpu.make_async_copy(
            x_hbm.at[pl.ds(base0 + g * CH, CH)], x_v[g % NB], sin[g % NB])

    def out_copies(g):
        base = base0 + g * CH
        b = g % 2
        return (
            pltpu.make_async_copy(vals_v[b], vals_hbm.at[pl.ds(base, CH)],
                                  sout[b]),
            pltpu.make_async_copy(idx_v[b], idx_hbm.at[pl.ds(base, CH)],
                                  sout[b]),
        )

    for g in range(min(NB - 1, chunks)):
        in_copy(g).start()
    for g in range(chunks):
        bx = g % NB
        bo = g % 2
        if g + NB - 1 < chunks:
            in_copy(g + NB - 1).start()
        in_copy(g).wait()
        if g >= 2:
            for c in out_copies(g - 2):
                c.wait()

        @plsc.parallel_loop(0, CH, step=L, unroll=8)
        def _vec_body(i):
            vals, idx = _quantize16(x_v[bx][pl.ds(i, L)])
            vals_v[bo][pl.ds(i, L)] = vals
            idx_v[bo][pl.ds(i, L)] = idx

        for c in out_copies(g):
            c.start()
    for g in range(max(0, chunks - 2), chunks):
        for c in out_copies(g):
            c.wait()


@jax.jit
def _sc_quantize(x_flat):
    n = x_flat.shape[0]
    assert n % (NW * CH) == 0
    mesh = plsc.VectorSubcoreMesh(
        core_axis_name="c", subcore_axis_name="s", num_cores=NC, num_subcores=NS
    )
    f = pl.kernel(
        functools.partial(_sc_body, n=n),
        out_type=(
            jax.ShapeDtypeStruct((n,), jnp.float32),
            jax.ShapeDtypeStruct((n,), jnp.int32),
        ),
        mesh=mesh,
        scratch_types=(
            [pltpu.VMEM((CH,), jnp.float32) for _ in range(NB)]
            + [pltpu.VMEM((CH,), jnp.float32) for _ in range(2)]
            + [pltpu.VMEM((CH,), jnp.int32) for _ in range(2)]
            + [pltpu.SemaphoreType.DMA for _ in range(NB)]
            + [pltpu.SemaphoreType.DMA for _ in range(2)]
        ),
    )
    return f(x_flat)


def kernel(X, grid, grid_norm):
    vals, idx = _sc_quantize(X.reshape(-1))
    return vals.reshape(-1, 1), idx

# --- scband reference (transcript-rebuilt; emitter-appended) ---
"""Pipeline reference for scband-hi4-b1-c-codebook-69587060130221 (READ-ONLY COPY).

The authoritative reference and input builder live on the scoring server;
editing this copy changes nothing except your own understanding.
"""

import jax, jax.numpy as jnp
import numpy as np


def get_grid():
    hintr = jnp.arange(-8, 8).astype(jnp.float32) + 0.5
    return hintr[:, None]  # [16, 1]


def setup_inputs(seed: int = 0) -> dict:
    key = jax.random.key(seed)
    X = jax.random.normal(key, (8388608, 1), dtype=jnp.float32)
    grid = get_grid()                      # buffer: [16, 1]
    grid_norm = jnp.diag(grid @ grid.T)    # buffer: [16]
    return {"X": X, "grid": grid, "grid_norm": grid_norm}


def reference(X, grid, grid_norm):
    # round(): nearest-codeword via maximizing 2*X@grid.T - ||grid||^2
    assert X.shape[-1] == 1  # codesz == 1
    scores = 2.0 * (X @ grid.T) - grid_norm            # [N, 16]
    Xqidx = jnp.argmax(scores, axis=-1)                # [N]
    vals = jnp.take(grid, Xqidx, axis=0)               # [N, 1] gather from codebook
    idx = Xqidx.astype(jnp.int32)                      # idx_dtype = int32
    return (vals, idx)

if __name__ == "__main__":
    import jax
    _d = setup_inputs()
    print(jax.jit(kernel)(*tuple(_d.values())))

</pallas_src>

<mosaic_0001>
#map = affine_map<(d0, d1) -> (0)>
module attributes {stable_mosaic.version = 14 : i64} {
  func.func @_sc_body(%arg0: i32, %arg1: i32, %arg2: memref<8388608xf32, #tpu.memory_space<hbm>>, %arg3: memref<8388608xf32, #tpu.memory_space<hbm>>, %arg4: memref<8388608xi32, #tpu.memory_space<hbm>>, %arg5: memref<16384xf32, #tpu.memory_space<vmem>>, %arg6: memref<16384xf32, #tpu.memory_space<vmem>>, %arg7: memref<16384xf32, #tpu.memory_space<vmem>>, %arg8: memref<16384xf32, #tpu.memory_space<vmem>>, %arg9: memref<16384xf32, #tpu.memory_space<vmem>>, %arg10: memref<16384xi32, #tpu.memory_space<vmem>>, %arg11: memref<16384xi32, #tpu.memory_space<vmem>>, %arg12: memref<!tpu.dma_semaphore, #tpu.memory_space<semaphore_mem>>, %arg13: memref<!tpu.dma_semaphore, #tpu.memory_space<semaphore_mem>>, %arg14: memref<!tpu.dma_semaphore, #tpu.memory_space<semaphore_mem>>, %arg15: memref<!tpu.dma_semaphore, #tpu.memory_space<semaphore_mem>>, %arg16: memref<!tpu.dma_semaphore, #tpu.memory_space<semaphore_mem>>) attributes {dimension_semantics = [#tpu.dimension_semantics<core_parallel>, #tpu.dimension_semantics<subcore_parallel>], iteration_bounds = array<i64: 2, 16>, scalar_prefetch = 0 : i64, scratch_operands = 12 : i64, tpu.core_type = #tpu.core_type<sc_vector_subcore>, window_params = [{transform_indices = #map}, {transform_indices = #map}, {transform_indices = #map}]} {
    %mul3A = arith.constant 2 : i32
    %mul3A_0 = arith.muli %arg1, %mul3A : i32
    %add3A = arith.addi %mul3A_0, %arg0 : i32
    %mul3A_1 = arith.constant 262144 : i32
    %mul3A_2 = arith.muli %add3A, %mul3A_1 : i32
    %add3A_3 = arith.constant 0 : i32
    %add3A_4 = arith.addi %mul3A_2, %add3A_3 : i32
    %dma_start3A = tpu.memref_slice %arg2[%add3A_4] : memref<8388608xf32, #tpu.memory_space<hbm>> -> memref<16384xf32, #tpu.memory_space<hbm>>
    %dma_start3A_5 = tpu.memref_slice %arg2[%add3A_4] : memref<8388608xf32, #tpu.memory_space<hbm>> -> memref<16384xf32, #tpu.memory_space<hbm>>
    tpu.enqueue_dma source(%dma_start3A_5 : memref<16384xf32, #tpu.memory_space<hbm>>) target(%arg5 : memref<16384xf32, #tpu.memory_space<vmem>>) target_semaphore(%arg12 : memref<!tpu.dma_semaphore, #tpu.memory_space<semaphore_mem>>)
    %add3A_6 = arith.constant 16384 : i32
    %add3A_7 = arith.addi %mul3A_2, %add3A_6 : i32
    %dma_start3A_8 = tpu.memref_slice %arg2[%add3A_7] : memref<8388608xf32, #tpu.memory_space<hbm>> -> memref<16384xf32, #tpu.memory_space<hbm>>
    %dma_start3A_9 = tpu.memref_slice %arg2[%add3A_7] : memref<8388608xf32, #tpu.memory_space<hbm>> -> memref<16384xf32, #tpu.memory_space<hbm>>
    tpu.enqueue_dma source(%dma_start3A_9 : memref<16384xf32, #tpu.memory_space<hbm>>) target(%arg6 : memref<16384xf32, #tpu.memory_space<vmem>>) target_semaphore(%arg13 : memref<!tpu.dma_semaphore, #tpu.memory_space<semaphore_mem>>)
    %add3A_10 = arith.constant 32768 : i32
    %add3A_11 = arith.addi %mul3A_2, %add3A_10 : i32
    %dma_start3A_12 = tpu.memref_slice %arg2[%add3A_11] : memref<8388608xf32, #tpu.memory_space<hbm>> -> memref<16384xf32, #tpu.memory_space<hbm>>
    %dma_start3A_13 = tpu.memref_slice %arg2[%add3A_11] : memref<8388608xf32, #tpu.memory_space<hbm>> -> memref<16384xf32, #tpu.memory_space<hbm>>
    tpu.enqueue_dma source(%dma_start3A_13 : memref<16384xf32, #tpu.memory_space<hbm>>) target(%arg7 : memref<16384xf32, #tpu.memory_space<vmem>>) target_semaphore(%arg14 : memref<!tpu.dma_semaphore, #tpu.memory_space<semaphore_mem>>)
    %add3A_14 = arith.constant 0 : i32
    %add3A_15 = arith.addi %mul3A_2, %add3A_14 : i32
    %dma_wait3A = tpu.memref_slice %arg2[%add3A_15] : memref<8388608xf32, #tpu.memory_space<hbm>> -> memref<16384xf32, #tpu.memory_space<hbm>>
    %dma_wait3A_16 = tpu.memref_slice %arg2[%add3A_15] : memref<8388608xf32, #tpu.memory_space<hbm>> -> memref<16384xf32, #tpu.memory_space<hbm>>
    tpu.wait_dma2 semaphore(%arg12 : memref<!tpu.dma_semaphore, #tpu.memory_space<semaphore_mem>>) src(%dma_wait3A_16 : memref<16384xf32, #tpu.memory_space<hbm>>) dst(%arg5 : memref<16384xf32, #tpu.memory_space<vmem>>)
    %parallel_loop3A = arith.constant 0 : i32
    %parallel_loop3A_17 = arith.constant 16384 : i32
    %parallel_loop3A_18 = arith.constant 16 : i32
    scf.for %parallel_loop3A_368 = %parallel_loop3A to %parallel_loop3A_17 step %parallel_loop3A_18  : i32 {
      %parallel_loop3A_369 = arith.index_cast %parallel_loop3A_368 : i32 to index
      %parallel_loop3A_370 = tpu.vector_load %arg5[%parallel_loop3A_369] {strides = array<i32>} : memref<16384xf32, #tpu.memory_space<vmem>>, vector<16xf32>,
      %parallel_loop3A_371 = vector.shape_cast %parallel_loop3A_370 : vector<16xf32> to vector<16xf32>
      %parallel_loop3A_372 = arith.constant 5.000000e-01 : f32
      %parallel_loop3A_373 = vector.broadcast %parallel_loop3A_372 : f32 to vector<16xf32>
      %parallel_loop3A_374 = arith.subf %parallel_loop3A_371, %parallel_loop3A_373 : vector<16xf32>
      %parallel_loop3A_375 = arith.constant 0x4B400000 : f32
      %parallel_loop3A_376 = vector.broadcast %parallel_loop3A_375 : f32 to vector<16xf32>
      %parallel_loop3A_377 = arith.addf %parallel_loop3A_374, %parallel_loop3A_376 : vector<16xf32>
      %parallel_loop3A_378 = tpu.bitcast %parallel_loop3A_377 : vector<16xf32> -> vector<16xi32>
      %parallel_loop3A_379 = arith.constant 1262485496 : i32
      %parallel_loop3A_380 = vector.broadcast %parallel_loop3A_379 : i32 to vector<16xi32>
      %parallel_loop3A_381 = arith.subi %parallel_loop3A_378, %parallel_loop3A_380 : vector<16xi32>
      %parallel_loop3A_382 = arith.constant 0 : i32
      %parallel_loop3A_383 = vector.broadcast %parallel_loop3A_382 : i32 to vector<16xi32>
      %parallel_loop3A_384 = arith.maxsi %parallel_loop3A_381, %parallel_loop3A_383 : vector<16xi32>
      %parallel_loop3A_385 = arith.constant 15 : i32
      %parallel_loop3A_386 = vector.broadcast %parallel_loop3A_385 : i32 to vector<16xi32>
      %parallel_loop3A_387 = arith.minsi %parallel_loop3A_384, %parallel_loop3A_386 : vector<16xi32>
      %parallel_loop3A_388 = arith.sitofp %parallel_loop3A_387 : vector<16xi32> to vector<16xf32>
      %parallel_loop3A_389 = arith.constant 7.500000e+00 : f32
      %parallel_loop3A_390 = vector.broadcast %parallel_loop3A_389 : f32 to vector<16xf32>
      %parallel_loop3A_391 = arith.subf %parallel_loop3A_388, %parallel_loop3A_390 : vector<16xf32>
      %parallel_loop3A_392 = arith.index_cast %parallel_loop3A_368 : i32 to index
      %parallel_loop3A_393 = tpu.vector_load %arg8[%parallel_loop3A_392] {strides = array<i32>} : memref<16384xf32, #tpu.memory_space<vmem>>, vector<16xf32>,
      %parallel_loop3A_394 = vector.shape_cast %parallel_loop3A_393 : vector<16xf32> to vector<16xf32>
      %parallel_loop3A_395 = vector.shape_cast %parallel_loop3A_391 : vector<16xf32> to vector<16xf32>
      tpu.vector_store %arg8[%parallel_loop3A_392], %parallel_loop3A_395 {strides = array<i32>} : memref<16384xf32, #tpu.memory_space<vmem>>, vector<16xf32>,
      %parallel_loop3A_396 = arith.index_cast %parallel_loop3A_368 : i32 to index
      %parallel_loop3A_397 = tpu.vector_load %arg10[%parallel_loop3A_396] {strides = array<i32>} : memref<16384xi32, #tpu.memory_space<vmem>>, vector<16xi32>,
      %parallel_loop3A_398 = vector.shape_cast %parallel_loop3A_397 : vector<16xi32> to vector<16xi32>
      %parallel_loop3A_399 = vector.shape_cast %parallel_loop3A_387 : vector<16xi32> to vector<16xi32>
      tpu.vector_store %arg10[%parallel_loop3A_396], %parallel_loop3A_399 {strides = array<i32>} : memref<16384xi32, #tpu.memory_space<vmem>>, vector<16xi32>,
    } {sc.loop_unroll_factor = 8 : i64, sc.parallel_access}
    %add3A_19 = arith.constant 0 : i32
    %add3A_20 = arith.addi %mul3A_2, %add3A_19 : i32
    %dma_start3A_21 = tpu.memref_slice %arg3[%add3A_20] : memref<8388608xf32, #tpu.memory_space<hbm>> -> memref<16384xf32, #tpu.memory_space<hbm>>
    %dma_start3A_22 = tpu.memref_slice %arg3[%add3A_20] : memref<8388608xf32, #tpu.memory_space<hbm>> -> memref<16384xf32, #tpu.memory_space<hbm>>
    tpu.enqueue_dma source(%arg8 : memref<16384xf32, #tpu.memory_space<vmem>>) target(%dma_start3A_22 : memref<16384xf32, #tpu.memory_space<hbm>>) target_semaphore(%arg15 : memref<!tpu.dma_semaphore, #tpu.memory_space<semaphore_mem>>)
    %dma_start3A_23 = tpu.memref_slice %arg4[%add3A_20] : memref<8388608xi32, #tpu.memory_space<hbm>> -> memref<16384xi32, #tpu.memory_space<hbm>>
    %dma_start3A_24 = tpu.memref_slice %arg4[%add3A_20] : memref<8388608xi32, #tpu.memory_space<hbm>> -> memref<16384xi32, #tpu.memory_space<hbm>>
    tpu.enqueue_dma source(%arg10 : memref<16384xi32, #tpu.memory_space<vmem>>) target(%dma_start3A_24 : memref<16384xi32, #tpu.memory_space<hbm>>) target_semaphore(%arg15 : memref<!tpu.dma_semaphore, #tpu.memory_space<semaphore_mem>>)
    %add3A_25 = arith.constant 49152 : i32
    %add3A_26 = arith.addi %mul3A_2, %add3A_25 : i32
    %dma_start3A_27 = tpu.memref_slice %arg2[%add3A_26] : memref<8388608xf32, #tpu.memory_space<hbm>> -> memref<16384xf32, #tpu.memory_space<hbm>>
    %dma_start3A_28 = tpu.memref_slice %arg2[%add3A_26] : memref<8388608xf32, #tpu.memory_space<hbm>> -> memref<16384xf32, #tpu.memory_space<hbm>>
    tpu.enqueue_dma source(%dma_start3A_28 : memref<16384xf32, #tpu.memory_space<hbm>>) target(%arg5 : memref<16384xf32, #tpu.memory_space<vmem>>) target_semaphore(%arg12 : memref<!tpu.dma_semaphore, #tpu.memory_space<semaphore_mem>>)
    %add3A_29 = arith.constant 16384 : i32
    %add3A_30 = arith.addi %mul3A_2, %add3A_29 : i32
    %dma_wait3A_31 = tpu.memref_slice %arg2[%add3A_30] : memref<8388608xf32, #tpu.memory_space<hbm>> -> memref<16384xf32, #tpu.memory_space<hbm>>
    %dma_wait3A_32 = tpu.memref_slice %arg2[%add3A_30] : memref<8388608xf32, #tpu.memory_space<hbm>> -> memref<16384xf32, #tpu.memory_space<hbm>>
    tpu.wait_dma2 semaphore(%arg13 : memref<!tpu.dma_semaphore, #tpu.memory_space<semaphore_mem>>) src(%dma_wait3A_32 : memref<16384xf32, #tpu.memory_space<hbm>>) dst(%arg6 : memref<16384xf32, #tpu.memory_space<vmem>>)
    %parallel_loop3A_33 = arith.constant 0 : i32
    %parallel_loop3A_34 = arith.constant 16384 : i32
    %parallel_loop3A_35 = arith.constant 16 : i32
    scf.for %parallel_loop3A_368 = %parallel_loop3A_33 to %parallel_loop3A_34 step %parallel_loop3A_35  : i32 {
      %parallel_loop3A_369 = arith.index_cast %parallel_loop3A_368 : i32 to index
      %parallel_loop3A_370 = tpu.vector_load %arg6[%parallel_loop3A_369] {strides = array<i32>} : memref<16384xf32, #tpu.memory_space<vmem>>, vector<16xf32>,
      %parallel_loop3A_371 = vector.shape_cast %parallel_loop3A_370 : vector<16xf32> to vector<16xf32>
      %parallel_loop3A_372 = arith.constant 5.000000e-01 : f32
      %parallel_loop3A_373 = vector.broadcast %parallel_loop3A_372 : f32 to vector<16xf32>
      %parallel_loop3A_374 = arith.subf %parallel_loop3A_371, %parallel_loop3A_373 : vector<16xf32>
      %parallel_loop3A_375 = arith.constant 0x4B400000 : f32
      %parallel_loop3A_376 = vector.broadcast %parallel_loop3A_375 : f32 to vector<16xf32>
      %parallel_loop3A_377 = arith.addf %parallel_loop3A_374, %parallel_loop3A_376 : vector<16xf32>
      %parallel_loop3A_378 = tpu.bitcast %parallel_loop3A_377 : vector<16xf32> -> vector<16xi32>
      %parallel_loop3A_379 = arith.constant 1262485496 : i32
      %parallel_loop3A_380 = vector.broadcast %parallel_loop3A_379 : i32 to vector<16xi32>
      %parallel_loop3A_381 = arith.subi %parallel_loop3A_378, %parallel_loop3A_380 : vector<16xi32>
      %parallel_loop3A_382 = arith.constant 0 : i32
      %parallel_loop3A_383 = vector.broadcast %parallel_loop3A_382 : i32 to vector<16xi32>
      %parallel_loop3A_384 = arith.maxsi %parallel_loop3A_381, %parallel_loop3A_383 : vector<16xi32>
      %parallel_loop3A_385 = arith.constant 15 : i32
      %parallel_loop3A_386 = vector.broadcast %parallel_loop3A_385 : i32 to vector<16xi32>
      %parallel_loop3A_387 = arith.minsi %parallel_loop3A_384, %parallel_loop3A_386 : vector<16xi32>
      %parallel_loop3A_388 = arith.sitofp %parallel_loop3A_387 : vector<16xi32> to vector<16xf32>
      %parallel_loop3A_389 = arith.constant 7.500000e+00 : f32
      %parallel_loop3A_390 = vector.broadcast %parallel_loop3A_389 : f32 to vector<16xf32>
      %parallel_loop3A_391 = arith.subf %parallel_loop3A_388, %parallel_loop3A_390 : vector<16xf32>
      %parallel_loop3A_392 = arith.index_cast %parallel_loop3A_368 : i32 to index
      %parallel_loop3A_393 = tpu.vector_load %arg9[%parallel_loop3A_392] {strides = array<i32>} : memref<16384xf32, #tpu.memory_space<vmem>>, vector<16xf32>,
      %parallel_loop3A_394 = vector.shape_cast %parallel_loop3A_393 : vector<16xf32> to vector<16xf32>
      %parallel_loop3A_395 = vector.shape_cast %parallel_loop3A_391 : vector<16xf32> to vector<16xf32>
      tpu.vector_store %arg9[%parallel_loop3A_392], %parallel_loop3A_395 {strides = array<i32>} : memref<16384xf32, #tpu.memory_space<vmem>>, vector<16xf32>,
      %parallel_loop3A_396 = arith.index_cast %parallel_loop3A_368 : i32 to index
      %parallel_loop3A_397 = tpu.vector_load %arg11[%parallel_loop3A_396] {strides = array<i32>} : memref<16384xi32, #tpu.memory_space<vmem>>, vector<16xi32>,
      %parallel_loop3A_398 = vector.shape_cast %parallel_loop3A_397 : vector<16xi32> to vector<16xi32>
      %parallel_loop3A_399 = vector.shape_cast %parallel_loop3A_387 : vector<16xi32> to vector<16xi32>
      tpu.vector_store %arg11[%parallel_loop3A_396], %parallel_loop3A_399 {strides = array<i32>} : memref<16384xi32, #tpu.memory_space<vmem>>, vector<16xi32>,
    } {sc.loop_unroll_factor = 8 : i64, sc.parallel_access}
    %add3A_36 = arith.constant 16384 : i32
    %add3A_37 = arith.addi %mul3A_2, %add3A_36 : i32
    %dma_start3A_38 = tpu.memref_slice %arg3[%add3A_37] : memref<8388608xf32, #tpu.memory_space<hbm>> -> memref<16384xf32, #tpu.memory_space<hbm>>
    %dma_start3A_39 = tpu.memref_slice %arg3[%add3A_37] : memref<8388608xf32, #tpu.memory_space<hbm>> -> memref<16384xf32, #tpu.memory_space<hbm>>
    tpu.enqueue_dma source(%arg9 : memref<16384xf32, #tpu.memory_space<vmem>>) target(%dma_start3A_39 : memref<16384xf32, #tpu.memory_space<hbm>>) target_semaphore(%arg16 : memref<!tpu.dma_semaphore, #tpu.memory_space<semaphore_mem>>)
    %dma_start3A_40 = tpu.memref_slice %arg4[%add3A_37] : memref<8388608xi32, #tpu.memory_space<hbm>> -> memref<16384xi32, #tpu.memory_space<hbm>>
    %dma_start3A_41 = tpu.memref_slice %arg4[%add3A_37] : memref<8388608xi32, #tpu.memory_space<hbm>> -> memref<16384xi32, #tpu.memory_space<hbm>>
    tpu.enqueue_dma source(%arg11 : memref<16384xi32, #tpu.memory_space<vmem>>) target(%dma_start3A_41 : memref<16384xi32, #tpu.memory_space<hbm>>) target_semaphore(%arg16 : memref<!tpu.dma_semaphore, #tpu.memory_space<semaphore_mem>>)
    %add3A_42 = arith.constant 65536 : i32
    %add3A_43 = arith.addi %mul3A_2, %add3A_42 : i32
    %dma_start3A_44 = tpu.memref_slice %arg2[%add3A_43] : memref<8388608xf32, #tpu.memory_space<hbm>> -> memref<16384xf32, #tpu.memory_space<hbm>>
    %dma_start3A_45 = tpu.memref_slice %arg2[%add3A_43] : memref<8388608xf32, #tpu.memory_space<hbm>> -> memref<16384xf32, #tpu.memory_space<hbm>>
    tpu.enqueue_dma source(%dma_start3A_45 : memref<16384xf32, #tpu.memory_space<hbm>>) target(%arg6 : memref<16384xf32, #tpu.memory_space<vmem>>) target_semaphore(%arg13 : memref<!tpu.dma_semaphore, #tpu.memory_space<semaphore_mem>>)
    %add3A_46 = arith.constant 32768 : i32
    %add3A_47 = arith.addi %mul3A_2, %add3A_46 : i32
    %dma_wait3A_48 = tpu.memref_slice %arg2[%add3A_47] : memref<8388608xf32, #tpu.memory_space<hbm>> -> memref<16384xf32, #tpu.memory_space<hbm>>
    %dma_wait3A_49 = tpu.memref_slice %arg2[%add3A_47] : memref<8388608xf32, #tpu.memory_space<hbm>> -> memref<16384xf32, #tpu.memory_space<hbm>>
    tpu.wait_dma2 semaphore(%arg14 : memref<!tpu.dma_semaphore, #tpu.memory_space<semaphore_mem>>) src(%dma_wait3A_49 : memref<16384xf32, #tpu.memory_space<hbm>>) dst(%arg7 : memref<16384xf32, #tpu.memory_space<vmem>>)
    %add3A_50 = arith.constant 0 : i32
    %add3A_51 = arith.addi %mul3A_2, %add3A_50 : i32
    %dma_wait3A_52 = tpu.memref_slice %arg3[%add3A_51] : memref<8388608xf32, #tpu.memory_space<hbm>> -> memref<16384xf32, #tpu.memory_space<hbm>>
    %dma_wait3A_53 = tpu.memref_slice %arg3[%add3A_51] : memref<8388608xf32, #tpu.memory_space<hbm>> -> memref<16384xf32, #tpu.memory_space<hbm>>
    tpu.wait_dma2 semaphore(%arg15 : memref<!tpu.dma_semaphore, #tpu.memory_space<semaphore_mem>>) src(%arg8 : memref<16384xf32, #tpu.memory_space<vmem>>) dst(%dma_wait3A_53 : memref<16384xf32, #tpu.memory_space<hbm>>)
    %dma_wait3A_54 = tpu.memref_slice %arg4[%add3A_51] : memref<8388608xi32, #tpu.memory_space<hbm>> -> memref<16384xi32, #tpu.memory_space<hbm>>
    %dma_wait3A_55 = tpu.memref_slice %arg4[%add3A_51] : memref<8388608xi32, #tpu.memory_space<hbm>> -> memref<16384xi32, #tpu.memory_space<hbm>>
    tpu.wait_dma2 semaphore(%arg15 : memref<!tpu.dma_semaphore, #tpu.memory_space<semaphore_mem>>) src(%arg10 : memref<16384xi32, #tpu.memory_space<vmem>>) dst(%dma_wait3A_55 : memref<16384xi32, #tpu.memory_space<hbm>>)
    %parallel_loop3A_56 = arith.constant 0 : i32
    %parallel_loop3A_57 = arith.constant 16384 : i32
    %parallel_loop3A_58 = arith.constant 16 : i32
    scf.for %parallel_loop3A_368 = %parallel_loop3A_56 to %parallel_loop3A_57 step %parallel_loop3A_58  : i32 {
      %parallel_loop3A_369 = arith.index_cast %parallel_loop3A_368 : i32 to index
      %parallel_loop3A_370 = tpu.vector_load %arg7[%parallel_loop3A_369] {strides = array<i32>} : memref<16384xf32, #tpu.memory_space<vmem>>, vector<16xf32>,
      %parallel_loop3A_371 = vector.shape_cast %parallel_loop3A_370 : vector<16xf32> to vector<16xf32>
      %parallel_loop3A_372 = arith.constant 5.000000e-01 : f32
      %parallel_loop3A_373 = vector.broadcast %parallel_loop3A_372 : f32 to vector<16xf32>
      %parallel_loop3A_374 = arith.subf %parallel_loop3A_371, %parallel_loop3A_373 : vector<16xf32>
      %parallel_loop3A_375 = arith.constant 0x4B400000 : f32
      %parallel_loop3A_376 = vector.broadcast %parallel_loop3A_375 : f32 to vector<16xf32>
      %parallel_loop3A_377 = arith.addf %parallel_loop3A_374, %parallel_loop3A_376 : vector<16xf32>
      %parallel_loop3A_378 = tpu.bitcast %parallel_loop3A_377 : vector<16xf32> -> vector<16xi32>
      %parallel_loop3A_379 = arith.constant 1262485496 : i32
      %parallel_loop3A_380 = vector.broadcast %parallel_loop3A_379 : i32 to vector<16xi32>
      %parallel_loop3A_381 = arith.subi %parallel_loop3A_378, %parallel_loop3A_380 : vector<16xi32>
      %parallel_loop3A_382 = arith.constant 0 : i32
      %parallel_loop3A_383 = vector.broadcast %parallel_loop3A_382 : i32 to vector<16xi32>
      %parallel_loop3A_384 = arith.maxsi %parallel_loop3A_381, %parallel_loop3A_383 : vector<16xi32>
      %parallel_loop3A_385 = arith.constant 15 : i32
      %parallel_loop3A_386 = vector.broadcast %parallel_loop3A_385 : i32 to vector<16xi32>
      %parallel_loop3A_387 = arith.minsi %parallel_loop3A_384, %parallel_loop3A_386 : vector<16xi32>
      %parallel_loop3A_388 = arith.sitofp %parallel_loop3A_387 : vector<16xi32> to vector<16xf32>
      %parallel_loop3A_389 = arith.constant 7.500000e+00 : f32
      %parallel_loop3A_390 = vector.broadcast %parallel_loop3A_389 : f32 to vector<16xf32>
      %parallel_loop3A_391 = arith.subf %parallel_loop3A_388, %parallel_loop3A_390 : vector<16xf32>
      %parallel_loop3A_392 = arith.index_cast %parallel_loop3A_368 : i32 to index
      %parallel_loop3A_393 = tpu.vector_load %arg8[%parallel_loop3A_392] {strides = array<i32>} : memref<16384xf32, #tpu.memory_space<vmem>>, vector<16xf32>,
      %parallel_loop3A_394 = vector.shape_cast %parallel_loop3A_393 : vector<16xf32> to vector<16xf32>
      %parallel_loop3A_395 = vector.shape_cast %parallel_loop3A_391 : vector<16xf32> to vector<16xf32>
      tpu.vector_store %arg8[%parallel_loop3A_392], %parallel_loop3A_395 {strides = array<i32>} : memref<16384xf32, #tpu.memory_space<vmem>>, vector<16xf32>,
      %parallel_loop3A_396 = arith.index_cast %parallel_loop3A_368 : i32 to index
      %parallel_loop3A_397 = tpu.vector_load %arg10[%parallel_loop3A_396] {strides = array<i32>} : memref<16384xi32, #tpu.memory_space<vmem>>, vector<16xi32>,
      %parallel_loop3A_398 = vector.shape_cast %parallel_loop3A_397 : vector<16xi32> to vector<16xi32>
      %parallel_loop3A_399 = vector.shape_cast %parallel_loop3A_387 : vector<16xi32> to vector<16xi32>
      tpu.vector_store %arg10[%parallel_loop3A_396], %parallel_loop3A_399 {strides = array<i32>} : memref<16384xi32, #tpu.memory_space<vmem>>, vector<16xi32>,
    } {sc.loop_unroll_factor = 8 : i64, sc.parallel_access}
    %add3A_59 = arith.constant 32768 : i32
    %add3A_60 = arith.addi %mul3A_2, %add3A_59 : i32
    %dma_start3A_61 = tpu.memref_slice %arg3[%add3A_60] : memref<8388608xf32, #tpu.memory_space<hbm>> -> memref<16384xf32, #tpu.memory_space<hbm>>
    %dma_start3A_62 = tpu.memref_slice %arg3[%add3A_60] : memref<8388608xf32, #tpu.memory_space<hbm>> -> memref<16384xf32, #tpu.memory_space<hbm>>
    tpu.enqueue_dma source(%arg8 : memref<16384xf32, #tpu.memory_space<vmem>>) target(%dma_start3A_62 : memref<16384xf32, #tpu.memory_space<hbm>>) target_semaphore(%arg15 : memref<!tpu.dma_semaphore, #tpu.memory_space<semaphore_mem>>)
    %dma_start3A_63 = tpu.memref_slice %arg4[%add3A_60] : memref<8388608xi32, #tpu.memory_space<hbm>> -> memref<16384xi32, #tpu.memory_space<hbm>>
    %dma_start3A_64 = tpu.memref_slice %arg4[%add3A_60] : memref<8388608xi32, #tpu.memory_space<hbm>> -> memref<16384xi32, #tpu.memory_space<hbm>>
    tpu.enqueue_dma source(%arg10 : memref<16384xi32, #tpu.memory_space<vmem>>) target(%dma_start3A_64 : memref<16384xi32, #tpu.memory_space<hbm>>) target_semaphore(%arg15 : memref<!tpu.dma_semaphore, #tpu.memory_space<semaphore_mem>>)
    %add3A_65 = arith.constant 81920 : i32
    %add3A_66 = arith.addi %mul3A_2, %add3A_65 : i32
    %dma_start3A_67 = tpu.memref_slice %arg2[%add3A_66] : memref<8388608xf32, #tpu.memory_space<hbm>> -> memref<16384xf32, #tpu.memory_space<hbm>>
    %dma_start3A_68 = tpu.memref_slice %arg2[%add3A_66] : memref<8388608xf32, #tpu.memory_space<hbm>> -> memref<16384xf32, #tpu.memory_space<hbm>>
    tpu.enqueue_dma source(%dma_start3A_68 : memref<16384xf32, #tpu.memory_space<hbm>>) target(%arg7 : memref<16384xf32, #tpu.memory_space<vmem>>) target_semaphore(%arg14 : memref<!tpu.dma_semaphore, #tpu.memory_space<semaphore_mem>>)
    %add3A_69 = arith.constant 49152 : i32
    %add3A_70 = arith.addi %mul3A_2, %add3A_69 : i32
    %dma_wait3A_71 = tpu.memref_slice %arg2[%add3A_70] : memref<8388608xf32, #tpu.memory_space<hbm>> -> memref<16384xf32, #tpu.memory_space<hbm>>
    %dma_wait3A_72 = tpu.memref_slice %arg2[%add3A_70] : memref<8388608xf32, #tpu.memory_space<hbm>> -> memref<16384xf32, #tpu.memory_space<hbm>>
    tpu.wait_dma2 semaphore(%arg12 : memref<!tpu.dma_semaphore, #tpu.memory_space<semaphore_mem>>) src(%dma_wait3A_72 : memref<16384xf32, #tpu.memory_space<hbm>>) dst(%arg5 : memref<16384xf32, #tpu.memory_space<vmem>>)
    %add3A_73 = arith.constant 16384 : i32
    %add3A_74 = arith.addi %mul3A_2, %add3A_73 : i32
    %dma_wait3A_75 = tpu.memref_slice %arg3[%add3A_74] : memref<8388608xf32, #tpu.memory_space<hbm>> -> memref<16384xf32, #tpu.memory_space<hbm>>
    %dma_wait3A_76 = tpu.memref_slice %arg3[%add3A_74] : memref<8388608xf32, #tpu.memory_space<hbm>> -> memref<16384xf32, #tpu.memory_space<hbm>>
    tpu.wait_dma2 semaphore(%arg16 : memref<!tpu.dma_semaphore, #tpu.memory_space<semaphore_mem>>) src(%arg9 : memref<16384xf32, #tpu.memory_space<vmem>>) dst(%dma_wait3A_76 : memref<16384xf32, #tpu.memory_space<hbm>>)
    %dma_wait3A_77 = tpu.memref_slice %arg4[%add3A_74] : memref<8388608xi32, #tpu.memory_space<hbm>> -> memref<16384xi32, #tpu.memory_space<hbm>>
    %dma_wait3A_78 = tpu.memref_slice %arg4[%add3A_74] : memref<8388608xi32, #tpu.memory_space<hbm>> -> memref<16384xi32, #tpu.memory_space<hbm>>
    tpu.wait_dma2 semaphore(%arg16 : memref<!tpu.dma_semaphore, #tpu.memory_space<semaphore_mem>>) src(%arg11 : memref<16384xi32, #tpu.memory_space<vmem>>) dst(%dma_wait3A_78 : memref<16384xi32, #tpu.memory_space<hbm>>)
    %parallel_loop3A_79 = arith.constant 0 : i32
    %parallel_loop3A_80 = arith.constant 16384 : i32
    %parallel_loop3A_81 = arith.constant 16 : i32
    scf.for %parallel_loop3A_368 = %parallel_loop3A_79 to %parallel_loop3A_80 step %parallel_loop3A_81  : i32 {
      %parallel_loop3A_369 = arith.index_cast %parallel_loop3A_368 : i32 to index
      %parallel_loop3A_370 = tpu.vector_load %arg5[%parallel_loop3A_369] {strides = array<i32>} : memref<16384xf32, #tpu.memory_space<vmem>>, vector<16xf32>,
      %parallel_loop3A_371 = vector.shape_cast %parallel_loop3A_370 : vector<16xf32> to vector<16xf32>
      %parallel_loop3A_372 = arith.constant 5.000000e-01 : f32
      %parallel_loop3A_373 = vector.broadcast %parallel_loop3A_372 : f32 to vector<16xf32>
      %parallel_loop3A_374 = arith.subf %parallel_loop3A_371, %parallel_loop3A_373 : vector<16xf32>
      %parallel_loop3A_375 = arith.constant 0x4B400000 : f32
      %parallel_loop3A_376 = vector.broadcast %parallel_loop3A_375 : f32 to vector<16xf32>
      %parallel_loop3A_377 = arith.addf %parallel_loop3A_374, %parallel_loop3A_376 : vector<16xf32>
      %parallel_loop3A_378 = tpu.bitcast %parallel_loop3A_377 : vector<16xf32> -> vector<16xi32>
      %parallel_loop3A_379 = arith.constant 1262485496 : i32
      %parallel_loop3A_380 = vector.broadcast %parallel_loop3A_379 : i32 to vector<16xi32>
      %parallel_loop3A_381 = arith.subi %parallel_loop3A_378, %parallel_loop3A_380 : vector<16xi32>
      %parallel_loop3A_382 = arith.constant 0 : i32
      %parallel_loop3A_383 = vector.broadcast %parallel_loop3A_382 : i32 to vector<16xi32>
      %parallel_loop3A_384 = arith.maxsi %parallel_loop3A_381, %parallel_loop3A_383 : vector<16xi32>
      %parallel_loop3A_385 = arith.constant 15 : i32
      %parallel_loop3A_386 = vector.broadcast %parallel_loop3A_385 : i32 to vector<16xi32>
      %parallel_loop3A_387 = arith.minsi %parallel_loop3A_384, %parallel_loop3A_386 : vector<16xi32>
      %parallel_loop3A_388 = arith.sitofp %parallel_loop3A_387 : vector<16xi32> to vector<16xf32>
      %parallel_loop3A_389 = arith.constant 7.500000e+00 : f32
      %parallel_loop3A_390 = vector.broadcast %parallel_loop3A_389 : f32 to vector<16xf32>
      %parallel_loop3A_391 = arith.subf %parallel_loop3A_388, %parallel_loop3A_390 : vector<16xf32>
      %parallel_loop3A_392 = arith.index_cast %parallel_loop3A_368 : i32 to index
      %parallel_loop3A_393 = tpu.vector_load %arg9[%parallel_loop3A_392] {strides = array<i32>} : memref<16384xf32, #tpu.memory_space<vmem>>, vector<16xf32>,
      %parallel_loop3A_394 = vector.shape_cast %parallel_loop3A_393 : vector<16xf32> to vector<16xf32>
      %parallel_loop3A_395 = vector.shape_cast %parallel_loop3A_391 : vector<16xf32> to vector<16xf32>
      tpu.vector_store %arg9[%parallel_loop3A_392], %parallel_loop3A_395 {strides = array<i32>} : memref<16384xf32, #tpu.memory_space<vmem>>, vector<16xf32>,
      %parallel_loop3A_396 = arith.index_cast %parallel_loop3A_368 : i32 to index
      %parallel_loop3A_397 = tpu.vector_load %arg11[%parallel_loop3A_396] {strides = array<i32>} : memref<16384xi32, #tpu.memory_space<vmem>>, vector<16xi32>,
      %parallel_loop3A_398 = vector.shape_cast %parallel_loop3A_397 : vector<16xi32> to vector<16xi32>
      %parallel_loop3A_399 = vector.shape_cast %parallel_loop3A_387 : vector<16xi32> to vector<16xi32>
      tpu.vector_store %arg11[%parallel_loop3A_396], %parallel_loop3A_399 {strides = array<i32>} : memref<16384xi32, #tpu.memory_space<vmem>>, vector<16xi32>,
    } {sc.loop_unroll_factor = 8 : i64, sc.parallel_access}
    %add3A_82 = arith.constant 49152 : i32
    %add3A_83 = arith.addi %mul3A_2, %add3A_82 : i32
    %dma_start3A_84 = tpu.memref_slice %arg3[%add3A_83] : memref<8388608xf32, #tpu.memory_space<hbm>> -> memref<16384xf32, #tpu.memory_space<hbm>>
    %dma_start3A_85 = tpu.memref_slice %arg3[%add3A_83] : memref<8388608xf32, #tpu.memory_space<hbm>> -> memref<16384xf32, #tpu.memory_space<hbm>>
    tpu.enqueue_dma source(%arg9 : memref<16384xf32, #tpu.memory_space<vmem>>) target(%dma_start3A_85 : memref<16384xf32, #tpu.memory_space<hbm>>) target_semaphore(%arg16 : memref<!tpu.dma_semaphore, #tpu.memory_space<semaphore_mem>>)
    %dma_start3A_86 = tpu.memref_slice %arg4[%add3A_83] : memref<8388608xi32, #tpu.memory_space<hbm>> -> memref<16384xi32, #tpu.memory_space<hbm>>
    %dma_start3A_87 = tpu.memref_slice %arg4[%add3A_83] : memref<8388608xi32, #tpu.memory_space<hbm>> -> memref<16384xi32, #tpu.memory_space<hbm>>
    tpu.enqueue_dma source(%arg11 : memref<16384xi32, #tpu.memory_space<vmem>>) target(%dma_start3A_87 : memref<16384xi32, #tpu.memory_space<hbm>>) target_semaphore(%arg16 : memref<!tpu.dma_semaphore, #tpu.memory_space<semaphore_mem>>)
    %add3A_88 = arith.constant 98304 : i32
    %add3A_89 = arith.addi %mul3A_2, %add3A_88 : i32
    %dma_start3A_90 = tpu.memref_slice %arg2[%add3A_89] : memref<8388608xf32, #tpu.memory_space<hbm>> -> memref<16384xf32, #tpu.memory_space<hbm>>
    %dma_start3A_91 = tpu.memref_slice %arg2[%add3A_89] : memref<8388608xf32, #tpu.memory_space<hbm>> -> memref<16384xf32, #tpu.memory_space<hbm>>
    tpu.enqueue_dma source(%dma_start3A_91 : memref<16384xf32, #tpu.memory_space<hbm>>) target(%arg5 : memref<16384xf32, #tpu.memory_space<vmem>>) target_semaphore(%arg12 : memref<!tpu.dma_semaphore, #tpu.memory_space<semaphore_mem>>)
    %add3A_92 = arith.constant 65536 : i32
    %add3A_93 = arith.addi %mul3A_2, %add3A_92 : i32
    %dma_wait3A_94 = tpu.memref_slice %arg2[%add3A_93] : memref<8388608xf32, #tpu.memory_space<hbm>> -> memref<16384xf32, #tpu.memory_space<hbm>>
    %dma_wait3A_95 = tpu.memref_slice %arg2[%add3A_93] : memref<8388608xf32, #tpu.memory_space<hbm>> -> memref<16384xf32, #tpu.memory_space<hbm>>
    tpu.wait_dma2 semaphore(%arg13 : memref<!tpu.dma_semaphore, #tpu.memory_space<semaphore_mem>>) src(%dma_wait3A_95 : memref<16384xf32, #tpu.memory_space<hbm>>) dst(%arg6 : memref<16384xf32, #tpu.memory_space<vmem>>)
    %add3A_96 = arith.constant 32768 : i32
    %add3A_97 = arith.addi %mul3A_2, %add3A_96 : i32
    %dma_wait3A_98 = tpu.memref_slice %arg3[%add3A_97] : memref<8388608xf32, #tpu.memory_space<hbm>> -> memref<16384xf32, #tpu.memory_space<hbm>>
    %dma_wait3A_99 = tpu.memref_slice %arg3[%add3A_97] : memref<8388608xf32, #tpu.memory_space<hbm>> -> memref<16384xf32, #tpu.memory_space<hbm>>
    tpu.wait_dma2 semaphore(%arg15 : memref<!tpu.dma_semaphore, #tpu.memory_space<semaphore_mem>>) src(%arg8 : memref<16384xf32, #tpu.memory_space<vmem>>) dst(%dma_wait3A_99 : memref<16384xf32, #tpu.memory_space<hbm>>)
    %dma_wait3A_100 = tpu.memref_slice %arg4[%add3A_97] : memref<8388608xi32, #tpu.memory_space<hbm>> -> memref<16384xi32, #tpu.memory_space<hbm>>
    %dma_wait3A_101 = tpu.memref_slice %arg4[%add3A_97] : memref<8388608xi32, #tpu.memory_space<hbm>> -> memref<16384xi32, #tpu.memory_space<hbm>>
    tpu.wait_dma2 semaphore(%arg15 : memref<!tpu.dma_semaphore, #tpu.memory_space<semaphore_mem>>) src(%arg10 : memref<16384xi32, #tpu.memory_space<vmem>>) dst(%dma_wait3A_101 : memref<16384xi32, #tpu.memory_space<hbm>>)
    %parallel_loop3A_102 = arith.constant 0 : i32
    %parallel_loop3A_103 = arith.constant 16384 : i32
    %parallel_loop3A_104 = arith.constant 16 : i32
    scf.for %parallel_loop3A_368 = %parallel_loop3A_102 to %parallel_loop3A_103 step %parallel_loop3A_104  : i32 {
      %parallel_loop3A_369 = arith.index_cast %parallel_loop3A_368 : i32 to index
      %parallel_loop3A_370 = tpu.vector_load %arg6[%parallel_loop3A_369] {strides = array<i32>} : memref<16384xf32, #tpu.memory_space<vmem>>, vector<16xf32>,
      %parallel_loop3A_371 = vector.shape_cast %parallel_loop3A_370 : vector<16xf32> to vector<16xf32>
      %parallel_loop3A_372 = arith.constant 5.000000e-01 : f32
      %parallel_loop3A_373 = vector.broadcast %parallel_loop3A_372 : f32 to vector<16xf32>
      %parallel_loop3A_374 = arith.subf %parallel_loop3A_371, %parallel_loop3A_373 : vector<16xf32>
      %parallel_loop3A_375 = arith.constant 0x4B400000 : f32
      %parallel_loop3A_376 = vector.broadcast %parallel_loop3A_375 : f32 to vector<16xf32>
      %parallel_loop3A_377 = arith.addf %parallel_loop3A_374, %parallel_loop3A_376 : vector<16xf32>
      %parallel_loop3A_378 = tpu.bitcast %parallel_loop3A_377 : vector<16xf32> -> vector<16xi32>
      %parallel_loop3A_379 = arith.constant 1262485496 : i32
      %parallel_loop3A_380 = vector.broadcast %parallel_loop3A_379 : i32 to vector<16xi32>
      %parallel_loop3A_381 = arith.subi %parallel_loop3A_378, %parallel_loop3A_380 : vector<16xi32>
      %parallel_loop3A_382 = arith.constant 0 : i32
      %parallel_loop3A_383 = vector.broadcast %parallel_loop3A_382 : i32 to vector<16xi32>
      %parallel_loop3A_384 = arith.maxsi %parallel_loop3A_381, %parallel_loop3A_383 : vector<16xi32>
      %parallel_loop3A_385 = arith.constant 15 : i32
      %parallel_loop3A_386 = vector.broadcast %parallel_loop3A_385 : i32 to vector<16xi32>
      %parallel_loop3A_387 = arith.minsi %parallel_loop3A_384, %parallel_loop3A_386 : vector<16xi32>
      %parallel_loop3A_388 = arith.sitofp %parallel_loop3A_387 : vector<16xi32> to vector<16xf32>
      %parallel_loop3A_389 = arith.constant 7.500000e+00 : f32
      %parallel_loop3A_390 = vector.broadcast %parallel_loop3A_389 : f32 to vector<16xf32>
      %parallel_loop3A_391 = arith.subf %parallel_loop3A_388, %parallel_loop3A_390 : vector<16xf32>
      %parallel_loop3A_392 = arith.index_cast %parallel_loop3A_368 : i32 to index
      %parallel_loop3A_393 = tpu.vector_load %arg8[%parallel_loop3A_392] {strides = array<i32>} : memref<16384xf32, #tpu.memory_space<vmem>>, vector<16xf32>,
      %parallel_loop3A_394 = vector.shape_cast %parallel_loop3A_393 : vector<16xf32> to vector<16xf32>
      %parallel_loop3A_395 = vector.shape_cast %parallel_loop3A_391 : vector<16xf32> to vector<16xf32>
      tpu.vector_store %arg8[%parallel_loop3A_392], %parallel_loop3A_395 {strides = array<i32>} : memref<16384xf32, #tpu.memory_space<vmem>>, vector<16xf32>,
      %parallel_loop3A_396 = arith.index_cast %parallel_loop3A_368 : i32 to index
      %parallel_loop3A_397 = tpu.vector_load %arg10[%parallel_loop3A_396] {strides = array<i32>} : memref<16384xi32, #tpu.memory_space<vmem>>, vector<16xi32>,
      %parallel_loop3A_398 = vector.shape_cast %parallel_loop3A_397 : vector<16xi32> to vector<16xi32>
      %parallel_loop3A_399 = vector.shape_cast %parallel_loop3A_387 : vector<16xi32> to vector<16xi32>
      tpu.vector_store %arg10[%parallel_loop3A_396], %parallel_loop3A_399 {strides = array<i32>} : memref<16384xi32, #tpu.memory_space<vmem>>, vector<16xi32>,
    } {sc.loop_unroll_factor = 8 : i64, sc.parallel_access}
    %add3A_105 = arith.constant 65536 : i32
    %add3A_106 = arith.addi %mul3A_2, %add3A_105 : i32
    %dma_start3A_107 = tpu.memref_slice %arg3[%add3A_106] : memref<8388608xf32, #tpu.memory_space<hbm>> -> memref<16384xf32, #tpu.memory_space<hbm>>
    %dma_start3A_108 = tpu.memref_slice %arg3[%add3A_106] : memref<8388608xf32, #tpu.memory_space<hbm>> -> memref<16384xf32, #tpu.memory_space<hbm>>
    tpu.enqueue_dma source(%arg8 : memref<16384xf32, #tpu.memory_space<vmem>>) target(%dma_start3A_108 : memref<16384xf32, #tpu.memory_space<hbm>>) target_semaphore(%arg15 : memref<!tpu.dma_semaphore, #tpu.memory_space<semaphore_mem>>)
    %dma_start3A_109 = tpu.memref_slice %arg4[%add3A_106] : memref<8388608xi32, #tpu.memory_space<hbm>> -> memref<16384xi32, #tpu.memory_space<hbm>>
    %dma_start3A_110 = tpu.memref_slice %arg4[%add3A_106] : memref<8388608xi32, #tpu.memory_space<hbm>> -> memref<16384xi32, #tpu.memory_space<hbm>>
    tpu.enqueue_dma source(%arg10 : memref<16384xi32, #tpu.memory_space<vmem>>) target(%dma_start3A_110 : memref<16384xi32, #tpu.memory_space<hbm>>) target_semaphore(%arg15 : memref<!tpu.dma_semaphore, #tpu.memory_space<semaphore_mem>>)
    %add3A_111 = arith.constant 114688 : i32
    %add3A_112 = arith.addi %mul3A_2, %add3A_111 : i32
    %dma_start3A_113 = tpu.memref_slice %arg2[%add3A_112] : memref<8388608xf32, #tpu.memory_space<hbm>> -> memref<16384xf32, #tpu.memory_space<hbm>>
    %dma_start3A_114 = tpu.memref_slice %arg2[%add3A_112] : memref<8388608xf32, #tpu.memory_space<hbm>> -> memref<16384xf32, #tpu.memory_space<hbm>>
    tpu.enqueue_dma source(%dma_start3A_114 : memref<16384xf32, #tpu.memory_space<hbm>>) target(%arg6 : memref<16384xf32, #tpu.memory_space<vmem>>) target_semaphore(%arg13 : memref<!tpu.dma_semaphore, #tpu.memory_space<semaphore_mem>>)
    %add3A_115 = arith.constant 81920 : i32
    %add3A_116 = arith.addi %mul3A_2, %add3A_115 : i32
    %dma_wait3A_117 = tpu.memref_slice %arg2[%add3A_116] : memref<8388608xf32, #tpu.memory_space<hbm>> -> memref<16384xf32, #tpu.memory_space<hbm>>
    %dma_wait3A_118 = tpu.memref_slice %arg2[%add3A_116] : memref<8388608xf32, #tpu.memory_space<hbm>> -> memref<16384xf32, #tpu.memory_space<hbm>>
    tpu.wait_dma2 semaphore(%arg14 : memref<!tpu.dma_semaphore, #tpu.memory_space<semaphore_mem>>) src(%dma_wait3A_118 : memref<16384xf32, #tpu.memory_space<hbm>>) dst(%arg7 : memref<16384xf32, #tpu.memory_space<vmem>>)
    %add3A_119 = arith.constant 49152 : i32
    %add3A_120 = arith.addi %mul3A_2, %add3A_119 : i32
    %dma_wait3A_121 = tpu.memref_slice %arg3[%add3A_120] : memref<8388608xf32, #tpu.memory_space<hbm>> -> memref<16384xf32, #tpu.memory_space<hbm>>
    %dma_wait3A_122 = tpu.memref_slice %arg3[%add3A_120] : memref<8388608xf32, #tpu.memory_space<hbm>> -> memref<16384xf32, #tpu.memory_space<hbm>>
    tpu.wait_dma2 semaphore(%arg16 : memref<!tpu.dma_semaphore, #tpu.memory_space<semaphore_mem>>) src(%arg9 : memref<16384xf32, #tpu.memory_space<vmem>>) dst(%dma_wait3A_122 : memref<16384xf32, #tpu.memory_space<hbm>>)
    %dma_wait3A_123 = tpu.memref_slice %arg4[%add3A_120] : memref<8388608xi32, #tpu.memory_space<hbm>> -> memref<16384xi32, #tpu.memory_space<hbm>>
    %dma_wait3A_124 = tpu.memref_slice %arg4[%add3A_120] : memref<8388608xi32, #tpu.memory_space<hbm>> -> memref<16384xi32, #tpu.memory_space<hbm>>
    tpu.wait_dma2 semaphore(%arg16 : memref<!tpu.dma_semaphore, #tpu.memory_space<semaphore_mem>>) src(%arg11 : memref<16384xi32, #tpu.memory_space<vmem>>) dst(%dma_wait3A_124 : memref<16384xi32, #tpu.memory_space<hbm>>)
    %parallel_loop3A_125 = arith.constant 0 : i32
    %parallel_loop3A_126 = arith.constant 16384 : i32
    %parallel_loop3A_127 = arith.constant 16 : i32
    scf.for %parallel_loop3A_368 = %parallel_loop3A_125 to %parallel_loop3A_126 step %parallel_loop3A_127  : i32 {
      %parallel_loop3A_369 = arith.index_cast %parallel_loop3A_368 : i32 to index
      %parallel_loop3A_370 = tpu.vector_load %arg7[%parallel_loop3A_369] {strides = array<i32>} : memref<16384xf32, #tpu.memory_space<vmem>>, vector<16xf32>,
      %parallel_loop3A_371 = vector.shape_cast %parallel_loop3A_370 : vector<16xf32> to vector<16xf32>
      %parallel_loop3A_372 = arith.constant 5.000000e-01 : f32
      %parallel_loop3A_373 = vector.broadcast %parallel_loop3A_372 : f32 to vector<16xf32>
      %parallel_loop3A_374 = arith.subf %parallel_loop3A_371, %parallel_loop3A_373 : vector<16xf32>
      %parallel_loop3A_375 = arith.constant 0x4B400000 : f32
      %parallel_loop3A_376 = vector.broadcast %parallel_loop3A_375 : f32 to vector<16xf32>
      %parallel_loop3A_377 = arith.addf %parallel_loop3A_374, %parallel_loop3A_376 : vector<16xf32>
      %parallel_loop3A_378 = tpu.bitcast %parallel_loop3A_377 : vector<16xf32> -> vector<16xi32>
      %parallel_loop3A_379 = arith.constant 1262485496 : i32
      %parallel_loop3A_380 = vector.broadcast %parallel_loop3A_379 : i32 to vector<16xi32>
      %parallel_loop3A_381 = arith.subi %parallel_loop3A_378, %parallel_loop3A_380 : vector<16xi32>
      %parallel_loop3A_382 = arith.constant 0 : i32
      %parallel_loop3A_383 = vector.broadcast %parallel_loop3A_382 : i32 to vector<16xi32>
      %parallel_loop3A_384 = arith.maxsi %parallel_loop3A_381, %parallel_loop3A_383 : vector<16xi32>
      %parallel_loop3A_385 = arith.constant 15 : i32
      %parallel_loop3A_386 = vector.broadcast %parallel_loop3A_385 : i32 to vector<16xi32>
      %parallel_loop3A_387 = arith.minsi %parallel_loop3A_384, %parallel_loop3A_386 : vector<16xi32>
      %parallel_loop3A_388 = arith.sitofp %parallel_loop3A_387 : vector<16xi32> to vector<16xf32>
      %parallel_loop3A_389 = arith.constant 7.500000e+00 : f32
      %parallel_loop3A_390 = vector.broadcast %parallel_loop3A_389 : f32 to vector<16xf32>
      %parallel_loop3A_391 = arith.subf %parallel_loop3A_388, %parallel_loop3A_390 : vector<16xf32>
      %parallel_loop3A_392 = arith.index_cast %parallel_loop3A_368 : i32 to index
      %parallel_loop3A_393 = tpu.vector_load %arg9[%parallel_loop3A_392] {strides = array<i32>} : memref<16384xf32, #tpu.memory_space<vmem>>, vector<16xf32>,
      %parallel_loop3A_394 = vector.shape_cast %parallel_loop3A_393 : vector<16xf32> to vector<16xf32>
      %parallel_loop3A_395 = vector.shape_cast %parallel_loop3A_391 : vector<16xf32> to vector<16xf32>
      tpu.vector_store %arg9[%parallel_loop3A_392], %parallel_loop3A_395 {strides = array<i32>} : memref<16384xf32, #tpu.memory_space<vmem>>, vector<16xf32>,
      %parallel_loop3A_396 = arith.index_cast %parallel_loop3A_368 : i32 to index
      %parallel_loop3A_397 = tpu.vector_load %arg11[%parallel_loop3A_396] {strides = array<i32>} : memref<16384xi32, #tpu.memory_space<vmem>>, vector<16xi32>,
      %parallel_loop3A_398 = vector.shape_cast %parallel_loop3A_397 : vector<16xi32> to vector<16xi32>
      %parallel_loop3A_399 = vector.shape_cast %parallel_loop3A_387 : vector<16xi32> to vector<16xi32>
      tpu.vector_store %arg11[%parallel_loop3A_396], %parallel_loop3A_399 {strides = array<i32>} : memref<16384xi32, #tpu.memory_space<vmem>>, vector<16xi32>,
    } {sc.loop_unroll_factor = 8 : i64, sc.parallel_access}
    %add3A_128 = arith.constant 81920 : i32
    %add3A_129 = arith.addi %mul3A_2, %add3A_128 : i32
    %dma_start3A_130 = tpu.memref_slice %arg3[%add3A_129] : memref<8388608xf32, #tpu.memory_space<hbm>> -> memref<16384xf32, #tpu.memory_space<hbm>>
    %dma_start3A_131 = tpu.memref_slice %arg3[%add3A_129] : memref<8388608xf32, #tpu.memory_space<hbm>> -> memref<16384xf32, #tpu.memory_space<hbm>>
    tpu.enqueue_dma source(%arg9 : memref<16384xf32, #tpu.memory_space<vmem>>) target(%dma_start3A_131 : memref<16384xf32, #tpu.memory_space<hbm>>) target_semaphore(%arg16 : memref<!tpu.dma_semaphore, #tpu.memory_space<semaphore_mem>>)
    %dma_start3A_132 = tpu.memref_slice %arg4[%add3A_129] : memref<8388608xi32, #tpu.memory_space<hbm>> -> memref<16384xi32, #tpu.memory_space<hbm>>
    %dma_start3A_133 = tpu.memref_slice %arg4[%add3A_129] : memref<8388608xi32, #tpu.memory_space<hbm>> -> memref<16384xi32, #tpu.memory_space<hbm>>
    tpu.enqueue_dma source(%arg11 : memref<16384xi32, #tpu.memory_space<vmem>>) target(%dma_start3A_133 : memref<16384xi32, #tpu.memory_space<hbm>>) target_semaphore(%arg16 : memref<!tpu.dma_semaphore, #tpu.memory_space<semaphore_mem>>)
    %add3A_134 = arith.constant 131072 : i32
    %add3A_135 = arith.addi %mul3A_2, %add3A_134 : i32
    %dma_start3A_136 = tpu.memref_slice %arg2[%add3A_135] : memref<8388608xf32, #tpu.memory_space<hbm>> -> memref<16384xf32, #tpu.memory_space<hbm>>
    %dma_start3A_137 = tpu.memref_slice %arg2[%add3A_135] : memref<8388608xf32, #tpu.memory_space<hbm>> -> memref<16384xf32, #tpu.memory_space<hbm>>
    tpu.enqueue_dma source(%dma_start3A_137 : memref<16384xf32, #tpu.memory_space<hbm>>) target(%arg7 : memref<16384xf32, #tpu.memory_space<vmem>>) target_semaphore(%arg14 : memref<!tpu.dma_semaphore, #tpu.memory_space<semaphore_mem>>)
    %add3A_138 = arith.constant 98304 : i32
    %add3A_139 = arith.addi %mul3A_2, %add3A_138 : i32
    %dma_wait3A_140 = tpu.memref_slice %arg2[%add3A_139] : memref<8388608xf32, #tpu.memory_space<hbm>> -> memref<16384xf32, #tpu.memory_space<hbm>>
    %dma_wait3A_141 = tpu.memref_slice %arg2[%add3A_139] : memref<8388608xf32, #tpu.memory_space<hbm>> -> memref<16384xf32, #tpu.memory_space<hbm>>
    tpu.wait_dma2 semaphore(%arg12 : memref<!tpu.dma_semaphore, #tpu.memory_space<semaphore_mem>>) src(%dma_wait3A_141 : memref<16384xf32, #tpu.memory_space<hbm>>) dst(%arg5 : memref<16384xf32, #tpu.memory_space<vmem>>)
    %add3A_142 = arith.constant 65536 : i32
    %add3A_143 = arith.addi %mul3A_2, %add3A_142 : i32
    %dma_wait3A_144 = tpu.memref_slice %arg3[%add3A_143] : memref<8388608xf32, #tpu.memory_space<hbm>> -> memref<16384xf32, #tpu.memory_space<hbm>>
    %dma_wait3A_145 = tpu.memref_slice %arg3[%add3A_143] : memref<8388608xf32, #tpu.memory_space<hbm>> -> memref<16384xf32, #tpu.memory_space<hbm>>
    tpu.wait_dma2 semaphore(%arg15 : memref<!tpu.dma_semaphore, #tpu.memory_space<semaphore_mem>>) src(%arg8 : memref<16384xf32, #tpu.memory_space<vmem>>) dst(%dma_wait3A_145 : memref<16384xf32, #tpu.memory_space<hbm>>)
    %dma_wait3A_146 = tpu.memref_slice %arg4[%add3A_143] : memref<8388608xi32, #tpu.memory_space<hbm>> -> memref<16384xi32, #tpu.memory_space<hbm>>
    %dma_wait3A_147 = tpu.memref_slice %arg4[%add3A_143] : memref<8388608xi32, #tpu.memory_space<hbm>> -> memref<16384xi32, #tpu.memory_space<hbm>>
    tpu.wait_dma2 semaphore(%arg15 : memref<!tpu.dma_semaphore, #tpu.memory_space<semaphore_mem>>) src(%arg10 : memref<16384xi32, #tpu.memory_space<vmem>>) dst(%dma_wait3A_147 : memref<16384xi32, #tpu.memory_space<hbm>>)
    %parallel_loop3A_148 = arith.constant 0 : i32
    %parallel_loop3A_149 = arith.constant 16384 : i32
    %parallel_loop3A_150 = arith.constant 16 : i32
    scf.for %parallel_loop3A_368 = %parallel_loop3A_148 to %parallel_loop3A_149 step %parallel_loop3A_150  : i32 {
      %parallel_loop3A_369 = arith.index_cast %parallel_loop3A_368 : i32 to index
      %parallel_loop3A_370 = tpu.vector_load %arg5[%parallel_loop3A_369] {strides = array<i32>} : memref<16384xf32, #tpu.memory_space<vmem>>, vector<16xf32>,
      %parallel_loop3A_371 = vector.shape_cast %parallel_loop3A_370 : vector<16xf32> to vector<16xf32>
      %parallel_loop3A_372 = arith.constant 5.000000e-01 : f32
      %parallel_loop3A_373 = vector.broadcast %parallel_loop3A_372 : f32 to vector<16xf32>
      %parallel_loop3A_374 = arith.subf %parallel_loop3A_371, %parallel_loop3A_373 : vector<16xf32>
      %parallel_loop3A_375 = arith.constant 0x4B400000 : f32
      %parallel_loop3A_376 = vector.broadcast %parallel_loop3A_375 : f32 to vector<16xf32>
      %parallel_loop3A_377 = arith.addf %parallel_loop3A_374, %parallel_loop3A_376 : vector<16xf32>
      %parallel_loop3A_378 = tpu.bitcast %parallel_loop3A_377 : vector<16xf32> -> vector<16xi32>
      %parallel_loop3A_379 = arith.constant 1262485496 : i32
      %parallel_loop3A_380 = vector.broadcast %parallel_loop3A_379 : i32 to vector<16xi32>
      %parallel_loop3A_381 = arith.subi %parallel_loop3A_378, %parallel_loop3A_380 : vector<16xi32>
      %parallel_loop3A_382 = arith.constant 0 : i32
      %parallel_loop3A_383 = vector.broadcast %parallel_loop3A_382 : i32 to vector<16xi32>
      %parallel_loop3A_384 = arith.maxsi %parallel_loop3A_381, %parallel_loop3A_383 : vector<16xi32>
      %parallel_loop3A_385 = arith.constant 15 : i32
      %parallel_loop3A_386 = vector.broadcast %parallel_loop3A_385 : i32 to vector<16xi32>
      %parallel_loop3A_387 = arith.minsi %parallel_loop3A_384, %parallel_loop3A_386 : vector<16xi32>
      %parallel_loop3A_388 = arith.sitofp %parallel_loop3A_387 : vector<16xi32> to vector<16xf32>
      %parallel_loop3A_389 = arith.constant 7.500000e+00 : f32
      %parallel_loop3A_390 = vector.broadcast %parallel_loop3A_389 : f32 to vector<16xf32>
      %parallel_loop3A_391 = arith.subf %parallel_loop3A_388, %parallel_loop3A_390 : vector<16xf32>
      %parallel_loop3A_392 = arith.index_cast %parallel_loop3A_368 : i32 to index
      %parallel_loop3A_393 = tpu.vector_load %arg8[%parallel_loop3A_392] {strides = array<i32>} : memref<16384xf32, #tpu.memory_space<vmem>>, vector<16xf32>,
      %parallel_loop3A_394 = vector.shape_cast %parallel_loop3A_393 : vector<16xf32> to vector<16xf32>
      %parallel_loop3A_395 = vector.shape_cast %parallel_loop3A_391 : vector<16xf32> to vector<16xf32>
      tpu.vector_store %arg8[%parallel_loop3A_392], %parallel_loop3A_395 {strides = array<i32>} : memref<16384xf32, #tpu.memory_space<vmem>>, vector<16xf32>,
      %parallel_loop3A_396 = arith.index_cast %parallel_loop3A_368 : i32 to index
      %parallel_loop3A_397 = tpu.vector_load %arg10[%parallel_loop3A_396] {strides = array<i32>} : memref<16384xi32, #tpu.memory_space<vmem>>, vector<16xi32>,
      %parallel_loop3A_398 = vector.shape_cast %parallel_loop3A_397 : vector<16xi32> to vector<16xi32>
      %parallel_loop3A_399 = vector.shape_cast %parallel_loop3A_387 : vector<16xi32> to vector<16xi32>
      tpu.vector_store %arg10[%parallel_loop3A_396], %parallel_loop3A_399 {strides = array<i32>} : memref<16384xi32, #tpu.memory_space<vmem>>, vector<16xi32>,
    } {sc.loop_unroll_factor = 8 : i64, sc.parallel_access}
    %add3A_151 = arith.constant 98304 : i32
    %add3A_152 = arith.addi %mul3A_2, %add3A_151 : i32
    %dma_start3A_153 = tpu.memref_slice %arg3[%add3A_152] : memref<8388608xf32, #tpu.memory_space<hbm>> -> memref<16384xf32, #tpu.memory_space<hbm>>
    %dma_start3A_154 = tpu.memref_slice %arg3[%add3A_152] : memref<8388608xf32, #tpu.memory_space<hbm>> -> memref<16384xf32, #tpu.memory_space<hbm>>
    tpu.enqueue_dma source(%arg8 : memref<16384xf32, #tpu.memory_space<vmem>>) target(%dma_start3A_154 : memref<16384xf32, #tpu.memory_space<hbm>>) target_semaphore(%arg15 : memref<!tpu.dma_semaphore, #tpu.memory_space<semaphore_mem>>)
    %dma_start3A_155 = tpu.memref_slice %arg4[%add3A_152] : memref<8388608xi32, #tpu.memory_space<hbm>> -> memref<16384xi32, #tpu.memory_space<hbm>>
    %dma_start3A_156 = tpu.memref_slice %arg4[%add3A_152] : memref<8388608xi32, #tpu.memory_space<hbm>> -> memref<16384xi32, #tpu.memory_space<hbm>>
    tpu.enqueue_dma source(%arg10 : memref<16384xi32, #tpu.memory_space<vmem>>) target(%dma_start3A_156 : memref<16384xi32, #tpu.memory_space<hbm>>) target_semaphore(%arg15 : memref<!tpu.dma_semaphore, #tpu.memory_space<semaphore_mem>>)
    %add3A_157 = arith.constant 147456 : i32
    %add3A_158 = arith.addi %mul3A_2, %add3A_157 : i32
    %dma_start3A_159 = tpu.memref_slice %arg2[%add3A_158] : memref<8388608xf32, #tpu.memory_space<hbm>> -> memref<16384xf32, #tpu.memory_space<hbm>>
    %dma_start3A_160 = tpu.memref_slice %arg2[%add3A_158] : memref<8388608xf32, #tpu.memory_space<hbm>> -> memref<16384xf32, #tpu.memory_space<hbm>>
    tpu.enqueue_dma source(%dma_start3A_160 : memref<16384xf32, #tpu.memory_space<hbm>>) target(%arg5 : memref<16384xf32, #tpu.memory_space<vmem>>) target_semaphore(%arg12 : memref<!tpu.dma_semaphore, #tpu.memory_space<semaphore_mem>>)
    %add3A_161 = arith.constant 114688 : i32
    %add3A_162 = arith.addi %mul3A_2, %add3A_161 : i32
    %dma_wait3A_163 = tpu.memref_slice %arg2[%add3A_162] : memref<8388608xf32, #tpu.memory_space<hbm>> -> memref<16384xf32, #tpu.memory_space<hbm>>
    %dma_wait3A_164 = tpu.memref_slice %arg2[%add3A_162] : memref<8388608xf32, #tpu.memory_space<hbm>> -> memref<16384xf32, #tpu.memory_space<hbm>>
    tpu.wait_dma2 semaphore(%arg13 : memref<!tpu.dma_semaphore, #tpu.memory_space<semaphore_mem>>) src(%dma_wait3A_164 : memref<16384xf32, #tpu.memory_space<hbm>>) dst(%arg6 : memref<16384xf32, #tpu.memory_space<vmem>>)
    %add3A_165 = arith.constant 81920 : i32
    %add3A_166 = arith.addi %mul3A_2, %add3A_165 : i32
    %dma_wait3A_167 = tpu.memref_slice %arg3[%add3A_166] : memref<8388608xf32, #tpu.memory_space<hbm>> -> memref<16384xf32, #tpu.memory_space<hbm>>
    %dma_wait3A_168 = tpu.memref_slice %arg3[%add3A_166] : memref<8388608xf32, #tpu.memory_space<hbm>> -> memref<16384xf32, #tpu.memory_space<hbm>>
    tpu.wait_dma2 semaphore(%arg16 : memref<!tpu.dma_semaphore, #tpu.memory_space<semaphore_mem>>) src(%arg9 : memref<16384xf32, #tpu.memory_space<vmem>>) dst(%dma_wait3A_168 : memref<16384xf32, #tpu.memory_space<hbm>>)
    %dma_wait3A_169 = tpu.memref_slice %arg4[%add3A_166] : memref<8388608xi32, #tpu.memory_space<hbm>> -> memref<16384xi32, #tpu.memory_space<hbm>>
    %dma_wait3A_170 = tpu.memref_slice %arg4[%add3A_166] : memref<8388608xi32, #tpu.memory_space<hbm>> -> memref<16384xi32, #tpu.memory_space<hbm>>
    tpu.wait_dma2 semaphore(%arg16 : memref<!tpu.dma_semaphore, #tpu.memory_space<semaphore_mem>>) src(%arg11 : memref<16384xi32, #tpu.memory_space<vmem>>) dst(%dma_wait3A_170 : memref<16384xi32, #tpu.memory_space<hbm>>)
    %parallel_loop3A_171 = arith.constant 0 : i32
    %parallel_loop3A_172 = arith.constant 16384 : i32
    %parallel_loop3A_173 = arith.constant 16 : i32
    scf.for %parallel_loop3A_368 = %parallel_loop3A_171 to %parallel_loop3A_172 step %parallel_loop3A_173  : i32 {
      %parallel_loop3A_369 = arith.index_cast %parallel_loop3A_368 : i32 to index
      %parallel_loop3A_370 = tpu.vector_load %arg6[%parallel_loop3A_369] {strides = array<i32>} : memref<16384xf32, #tpu.memory_space<vmem>>, vector<16xf32>,
      %parallel_loop3A_371 = vector.shape_cast %parallel_loop3A_370 : vector<16xf32> to vector<16xf32>
      %parallel_loop3A_372 = arith.constant 5.000000e-01 : f32
      %parallel_loop3A_373 = vector.broadcast %parallel_loop3A_372 : f32 to vector<16xf32>
      %parallel_loop3A_374 = arith.subf %parallel_loop3A_371, %parallel_loop3A_373 : vector<16xf32>
      %parallel_loop3A_375 = arith.constant 0x4B400000 : f32
      %parallel_loop3A_376 = vector.broadcast %parallel_loop3A_375 : f32 to vector<16xf32>
      %parallel_loop3A_377 = arith.addf %parallel_loop3A_374, %parallel_loop3A_376 : vector<16xf32>
      %parallel_loop3A_378 = tpu.bitcast %parallel_loop3A_377 : vector<16xf32> -> vector<16xi32>
      %parallel_loop3A_379 = arith.constant 1262485496 : i32
      %parallel_loop3A_380 = vector.broadcast %parallel_loop3A_379 : i32 to vector<16xi32>
      %parallel_loop3A_381 = arith.subi %parallel_loop3A_378, %parallel_loop3A_380 : vector<16xi32>
      %parallel_loop3A_382 = arith.constant 0 : i32
      %parallel_loop3A_383 = vector.broadcast %parallel_loop3A_382 : i32 to vector<16xi32>
      %parallel_loop3A_384 = arith.maxsi %parallel_loop3A_381, %parallel_loop3A_383 : vector<16xi32>
      %parallel_loop3A_385 = arith.constant 15 : i32
      %parallel_loop3A_386 = vector.broadcast %parallel_loop3A_385 : i32 to vector<16xi32>
      %parallel_loop3A_387 = arith.minsi %parallel_loop3A_384, %parallel_loop3A_386 : vector<16xi32>
      %parallel_loop3A_388 = arith.sitofp %parallel_loop3A_387 : vector<16xi32> to vector<16xf32>
      %parallel_loop3A_389 = arith.constant 7.500000e+00 : f32
      %parallel_loop3A_390 = vector.broadcast %parallel_loop3A_389 : f32 to vector<16xf32>
      %parallel_loop3A_391 = arith.subf %parallel_loop3A_388, %parallel_loop3A_390 : vector<16xf32>
      %parallel_loop3A_392 = arith.index_cast %parallel_loop3A_368 : i32 to index
      %parallel_loop3A_393 = tpu.vector_load %arg9[%parallel_loop3A_392] {strides = array<i32>} : memref<16384xf32, #tpu.memory_space<vmem>>, vector<16xf32>,
      %parallel_loop3A_394 = vector.shape_cast %parallel_loop3A_393 : vector<16xf32> to vector<16xf32>
      %parallel_loop3A_395 = vector.shape_cast %parallel_loop3A_391 : vector<16xf32> to vector<16xf32>
      tpu.vector_store %arg9[%parallel_loop3A_392], %parallel_loop3A_395 {strides = array<i32>} : memref<16384xf32, #tpu.memory_space<vmem>>, vector<16xf32>,
      %parallel_loop3A_396 = arith.index_cast %parallel_loop3A_368 : i32 to index
      %parallel_loop3A_397 = tpu.vector_load %arg11[%parallel_loop3A_396] {strides = array<i32>} : memref<16384xi32, #tpu.memory_space<vmem>>, vector<16xi32>,
      %parallel_loop3A_398 = vector.shape_cast %parallel_loop3A_397 : vector<16xi32> to vector<16xi32>
      %parallel_loop3A_399 = vector.shape_cast %parallel_loop3A_387 : vector<16xi32> to vector<16xi32>
      tpu.vector_store %arg11[%parallel_loop3A_396], %parallel_loop3A_399 {strides = array<i32>} : memref<16384xi32, #tpu.memory_space<vmem>>, vector<16xi32>,
    } {sc.loop_unroll_factor = 8 : i64, sc.parallel_access}
    %add3A_174 = arith.constant 114688 : i32
    %add3A_175 = arith.addi %mul3A_2, %add3A_174 : i32
    %dma_start3A_176 = tpu.memref_slice %arg3[%add3A_175] : memref<8388608xf32, #tpu.memory_space<hbm>> -> memref<16384xf32, #tpu.memory_space<hbm>>
    %dma_start3A_177 = tpu.memref_slice %arg3[%add3A_175] : memref<8388608xf32, #tpu.memory_space<hbm>> -> memref<16384xf32, #tpu.memory_space<hbm>>
    tpu.enqueue_dma source(%arg9 : memref<16384xf32, #tpu.memory_space<vmem>>) target(%dma_start3A_177 : memref<16384xf32, #tpu.memory_space<hbm>>) target_semaphore(%arg16 : memref<!tpu.dma_semaphore, #tpu.memory_space<semaphore_mem>>)
    %dma_start3A_178 = tpu.memref_slice %arg4[%add3A_175] : memref<8388608xi32, #tpu.memory_space<hbm>> -> memref<16384xi32, #tpu.memory_space<hbm>>
    %dma_start3A_179 = tpu.memref_slice %arg4[%add3A_175] : memref<8388608xi32, #tpu.memory_space<hbm>> -> memref<16384xi32, #tpu.memory_space<hbm>>
    tpu.enqueue_dma source(%arg11 : memref<16384xi32, #tpu.memory_space<vmem>>) target(%dma_start3A_179 : memref<16384xi32, #tpu.memory_space<hbm>>) target_semaphore(%arg16 : memref<!tpu.dma_semaphore, #tpu.memory_space<semaphore_mem>>)
    %add3A_180 = arith.constant 163840 : i32
    %add3A_181 = arith.addi %mul3A_2, %add3A_180 : i32
    %dma_start3A_182 = tpu.memref_slice %arg2[%add3A_181] : memref<8388608xf32, #tpu.memory_space<hbm>> -> memref<16384xf32, #tpu.memory_space<hbm>>
    %dma_start3A_183 = tpu.memref_slice %arg2[%add3A_181] : memref<8388608xf32, #tpu.memory_space<hbm>> -> memref<16384xf32, #tpu.memory_space<hbm>>
    tpu.enqueue_dma source(%dma_start3A_183 : memref<16384xf32, #tpu.memory_space<hbm>>) target(%arg6 : memref<16384xf32, #tpu.memory_space<vmem>>) target_semaphore(%arg13 : memref<!tpu.dma_semaphore, #tpu.memory_space<semaphore_mem>>)
    %add3A_184 = arith.constant 131072 : i32
    %add3A_185 = arith.addi %mul3A_2, %add3A_184 : i32
    %dma_wait3A_186 = tpu.memref_slice %arg2[%add3A_185] : memref<8388608xf32, #tpu.memory_space<hbm>> -> memref<16384xf32, #tpu.memory_space<hbm>>
    %dma_wait3A_187 = tpu.memref_slice %arg2[%add3A_185] : memref<8388608xf32, #tpu.memory_space<hbm>> -> memref<16384xf32, #tpu.memory_space<hbm>>
    tpu.wait_dma2 semaphore(%arg14 : memref<!tpu.dma_semaphore, #tpu.memory_space<semaphore_mem>>) src(%dma_wait3A_187 : memref<16384xf32, #tpu.memory_space<hbm>>) dst(%arg7 : memref<16384xf32, #tpu.memory_space<vmem>>)
    %add3A_188 = arith.constant 98304 : i32
    %add3A_189 = arith.addi %mul3A_2, %add3A_188 : i32
    %dma_wait3A_190 = tpu.memref_slice %arg3[%add3A_189] : memref<8388608xf32, #tpu.memory_space<hbm>> -> memref<16384xf32, #tpu.memory_space<hbm>>
    %dma_wait3A_191 = tpu.memref_slice %arg3[%add3A_189] : memref<8388608xf32, #tpu.memory_space<hbm>> -> memref<16384xf32, #tpu.memory_space<hbm>>
    tpu.wait_dma2 semaphore(%arg15 : memref<!tpu.dma_semaphore, #tpu.memory_space<semaphore_mem>>) src(%arg8 : memref<16384xf32, #tpu.memory_space<vmem>>) dst(%dma_wait3A_191 : memref<16384xf32, #tpu.memory_space<hbm>>)
    %dma_wait3A_192 = tpu.memref_slice %arg4[%add3A_189] : memref<8388608xi32, #tpu.memory_space<hbm>> -> memref<16384xi32, #tpu.memory_space<hbm>>
    %dma_wait3A_193 = tpu.memref_slice %arg4[%add3A_189] : memref<8388608xi32, #tpu.memory_space<hbm>> -> memref<16384xi32, #tpu.memory_space<hbm>>
    tpu.wait_dma2 semaphore(%arg15 : memref<!tpu.dma_semaphore, #tpu.memory_space<semaphore_mem>>) src(%arg10 : memref<16384xi32, #tpu.memory_space<vmem>>) dst(%dma_wait3A_193 : memref<16384xi32, #tpu.memory_space<hbm>>)
    %parallel_loop3A_194 = arith.constant 0 : i32
    %parallel_loop3A_195 = arith.constant 16384 : i32
    %parallel_loop3A_196 = arith.constant 16 : i32
    scf.for %parallel_loop3A_368 = %parallel_loop3A_194 to %parallel_loop3A_195 step %parallel_loop3A_196  : i32 {
      %parallel_loop3A_369 = arith.index_cast %parallel_loop3A_368 : i32 to index
      %parallel_loop3A_370 = tpu.vector_load %arg7[%parallel_loop3A_369] {strides = array<i32>} : memref<16384xf32, #tpu.memory_space<vmem>>, vector<16xf32>,
      %parallel_loop3A_371 = vector.shape_cast %parallel_loop3A_370 : vector<16xf32> to vector<16xf32>
      %parallel_loop3A_372 = arith.constant 5.000000e-01 : f32
      %parallel_loop3A_373 = vector.broadcast %parallel_loop3A_372 : f32 to vector<16xf32>
      %parallel_loop3A_374 = arith.subf %parallel_loop3A_371, %parallel_loop3A_373 : vector<16xf32>
      %parallel_loop3A_375 = arith.constant 0x4B400000 : f32
      %parallel_loop3A_376 = vector.broadcast %parallel_loop3A_375 : f32 to vector<16xf32>
      %parallel_loop3A_377 = arith.addf %parallel_loop3A_374, %parallel_loop3A_376 : vector<16xf32>
      %parallel_loop3A_378 = tpu.bitcast %parallel_loop3A_377 : vector<16xf32> -> vector<16xi32>
      %parallel_loop3A_379 = arith.constant 1262485496 : i32
      %parallel_loop3A_380 = vector.broadcast %parallel_loop3A_379 : i32 to vector<16xi32>
      %parallel_loop3A_381 = arith.subi %parallel_loop3A_378, %parallel_loop3A_380 : vector<16xi32>
      %parallel_loop3A_382 = arith.constant 0 : i32
      %parallel_loop3A_383 = vector.broadcast %parallel_loop3A_382 : i32 to vector<16xi32>
      %parallel_loop3A_384 = arith.maxsi %parallel_loop3A_381, %parallel_loop3A_383 : vector<16xi32>
      %parallel_loop3A_385 = arith.constant 15 : i32
      %parallel_loop3A_386 = vector.broadcast %parallel_loop3A_385 : i32 to vector<16xi32>
      %parallel_loop3A_387 = arith.minsi %parallel_loop3A_384, %parallel_loop3A_386 : vector<16xi32>
      %parallel_loop3A_388 = arith.sitofp %parallel_loop3A_387 : vector<16xi32> to vector<16xf32>
      %parallel_loop3A_389 = arith.constant 7.500000e+00 : f32
      %parallel_loop3A_390 = vector.broadcast %parallel_loop3A_389 : f32 to vector<16xf32>
      %parallel_loop3A_391 = arith.subf %parallel_loop3A_388, %parallel_loop3A_390 : vector<16xf32>
      %parallel_loop3A_392 = arith.index_cast %parallel_loop3A_368 : i32 to index
      %parallel_loop3A_393 = tpu.vector_load %arg8[%parallel_loop3A_392] {strides = array<i32>} : memref<16384xf32, #tpu.memory_space<vmem>>, vector<16xf32>,
      %parallel_loop3A_394 = vector.shape_cast %parallel_loop3A_393 : vector<16xf32> to vector<16xf32>
      %parallel_loop3A_395 = vector.shape_cast %parallel_loop3A_391 : vector<16xf32> to vector<16xf32>
      tpu.vector_store %arg8[%parallel_loop3A_392], %parallel_loop3A_395 {strides = array<i32>} : memref<16384xf32, #tpu.memory_space<vmem>>, vector<16xf32>,
      %parallel_loop3A_396 = arith.index_cast %parallel_loop3A_368 : i32 to index
      %parallel_loop3A_397 = tpu.vector_load %arg10[%parallel_loop3A_396] {strides = array<i32>} : memref<16384xi32, #tpu.memory_space<vmem>>, vector<16xi32>,
      %parallel_loop3A_398 = vector.shape_cast %parallel_loop3A_397 : vector<16xi32> to vector<16xi32>
      %parallel_loop3A_399 = vector.shape_cast %parallel_loop3A_387 : vector<16xi32> to vector<16xi32>
      tpu.vector_store %arg10[%parallel_loop3A_396], %parallel_loop3A_399 {strides = array<i32>} : memref<16384xi32, #tpu.memory_space<vmem>>, vector<16xi32>,
    } {sc.loop_unroll_factor = 8 : i64, sc.parallel_access}
    %add3A_197 = arith.constant 131072 : i32
    %add3A_198 = arith.addi %mul3A_2, %add3A_197 : i32
    %dma_start3A_199 = tpu.memref_slice %arg3[%add3A_198] : memref<8388608xf32, #tpu.memory_space<hbm>> -> memref<16384xf32, #tpu.memory_space<hbm>>
    %dma_start3A_200 = tpu.memref_slice %arg3[%add3A_198] : memref<8388608xf32, #tpu.memory_space<hbm>> -> memref<16384xf32, #tpu.memory_space<hbm>>
    tpu.enqueue_dma source(%arg8 : memref<16384xf32, #tpu.memory_space<vmem>>) target(%dma_start3A_200 : memref<16384xf32, #tpu.memory_space<hbm>>) target_semaphore(%arg15 : memref<!tpu.dma_semaphore, #tpu.memory_space<semaphore_mem>>)
    %dma_start3A_201 = tpu.memref_slice %arg4[%add3A_198] : memref<8388608xi32, #tpu.memory_space<hbm>> -> memref<16384xi32, #tpu.memory_space<hbm>>
    %dma_start3A_202 = tpu.memref_slice %arg4[%add3A_198] : memref<8388608xi32, #tpu.memory_space<hbm>> -> memref<16384xi32, #tpu.memory_space<hbm>>
    tpu.enqueue_dma source(%arg10 : memref<16384xi32, #tpu.memory_space<vmem>>) target(%dma_start3A_202 : memref<16384xi32, #tpu.memory_space<hbm>>) target_semaphore(%arg15 : memref<!tpu.dma_semaphore, #tpu.memory_space<semaphore_mem>>)
    %add3A_203 = arith.constant 180224 : i32
    %add3A_204 = arith.addi %mul3A_2, %add3A_203 : i32
    %dma_start3A_205 = tpu.memref_slice %arg2[%add3A_204] : memref<8388608xf32, #tpu.memory_space<hbm>> -> memref<16384xf32, #tpu.memory_space<hbm>>
    %dma_start3A_206 = tpu.memref_slice %arg2[%add3A_204] : memref<8388608xf32, #tpu.memory_space<hbm>> -> memref<16384xf32, #tpu.memory_space<hbm>>
    tpu.enqueue_dma source(%dma_start3A_206 : memref<16384xf32, #tpu.memory_space<hbm>>) target(%arg7 : memref<16384xf32, #tpu.memory_space<vmem>>) target_semaphore(%arg14 : memref<!tpu.dma_semaphore, #tpu.memory_space<semaphore_mem>>)
    %add3A_207 = arith.constant 147456 : i32
    %add3A_208 = arith.addi %mul3A_2, %add3A_207 : i32
    %dma_wait3A_209 = tpu.memref_slice %arg2[%add3A_208] : memref<8388608xf32, #tpu.memory_space<hbm>> -> memref<16384xf32, #tpu.memory_space<hbm>>
    %dma_wait3A_210 = tpu.memref_slice %arg2[%add3A_208] : memref<8388608xf32, #tpu.memory_space<hbm>> -> memref<16384xf32, #tpu.memory_space<hbm>>
    tpu.wait_dma2 semaphore(%arg12 : memref<!tpu.dma_semaphore, #tpu.memory_space<semaphore_mem>>) src(%dma_wait3A_210 : memref<16384xf32, #tpu.memory_space<hbm>>) dst(%arg5 : memref<16384xf32, #tpu.memory_space<vmem>>)
    %add3A_211 = arith.constant 114688 : i32
    %add3A_212 = arith.addi %mul3A_2, %add3A_211 : i32
    %dma_wait3A_213 = tpu.memref_slice %arg3[%add3A_212] : memref<8388608xf32, #tpu.memory_space<hbm>> -> memref<16384xf32, #tpu.memory_space<hbm>>
    %dma_wait3A_214 = tpu.memref_slice %arg3[%add3A_212] : memref<8388608xf32, #tpu.memory_space<hbm>> -> memref<16384xf32, #tpu.memory_space<hbm>>
    tpu.wait_dma2 semaphore(%arg16 : memref<!tpu.dma_semaphore, #tpu.memory_space<semaphore_mem>>) src(%arg9 : memref<16384xf32, #tpu.memory_space<vmem>>) dst(%dma_wait3A_214 : memref<16384xf32, #tpu.memory_space<hbm>>)
    %dma_wait3A_215 = tpu.memref_slice %arg4[%add3A_212] : memref<8388608xi32, #tpu.memory_space<hbm>> -> memref<16384xi32, #tpu.memory_space<hbm>>
    %dma_wait3A_216 = tpu.memref_slice %arg4[%add3A_212] : memref<8388608xi32, #tpu.memory_space<hbm>> -> memref<16384xi32, #tpu.memory_space<hbm>>
    tpu.wait_dma2 semaphore(%arg16 : memref<!tpu.dma_semaphore, #tpu.memory_space<semaphore_mem>>) src(%arg11 : memref<16384xi32, #tpu.memory_space<vmem>>) dst(%dma_wait3A_216 : memref<16384xi32, #tpu.memory_space<hbm>>)
    %parallel_loop3A_217 = arith.constant 0 : i32
    %parallel_loop3A_218 = arith.constant 16384 : i32
    %parallel_loop3A_219 = arith.constant 16 : i32
    scf.for %parallel_loop3A_368 = %parallel_loop3A_217 to %parallel_loop3A_218 step %parallel_loop3A_219  : i32 {
      %parallel_loop3A_369 = arith.index_cast %parallel_loop3A_368 : i32 to index
      %parallel_loop3A_370 = tpu.vector_load %arg5[%parallel_loop3A_369] {strides = array<i32>} : memref<16384xf32, #tpu.memory_space<vmem>>, vector<16xf32>,
      %parallel_loop3A_371 = vector.shape_cast %parallel_loop3A_370 : vector<16xf32> to vector<16xf32>
      %parallel_loop3A_372 = arith.constant 5.000000e-01 : f32
      %parallel_loop3A_373 = vector.broadcast %parallel_loop3A_372 : f32 to vector<16xf32>
      %parallel_loop3A_374 = arith.subf %parallel_loop3A_371, %parallel_loop3A_373 : vector<16xf32>
      %parallel_loop3A_375 = arith.constant 0x4B400000 : f32
      %parallel_loop3A_376 = vector.broadcast %parallel_loop3A_375 : f32 to vector<16xf32>
      %parallel_loop3A_377 = arith.addf %parallel_loop3A_374, %parallel_loop3A_376 : vector<16xf32>
      %parallel_loop3A_378 = tpu.bitcast %parallel_loop3A_377 : vector<16xf32> -> vector<16xi32>
      %parallel_loop3A_379 = arith.constant 1262485496 : i32
      %parallel_loop3A_380 = vector.broadcast %parallel_loop3A_379 : i32 to vector<16xi32>
      %parallel_loop3A_381 = arith.subi %parallel_loop3A_378, %parallel_loop3A_380 : vector<16xi32>
      %parallel_loop3A_382 = arith.constant 0 : i32
      %parallel_loop3A_383 = vector.broadcast %parallel_loop3A_382 : i32 to vector<16xi32>
      %parallel_loop3A_384 = arith.maxsi %parallel_loop3A_381, %parallel_loop3A_383 : vector<16xi32>
      %parallel_loop3A_385 = arith.constant 15 : i32
      %parallel_loop3A_386 = vector.broadcast %parallel_loop3A_385 : i32 to vector<16xi32>
      %parallel_loop3A_387 = arith.minsi %parallel_loop3A_384, %parallel_loop3A_386 : vector<16xi32>
      %parallel_loop3A_388 = arith.sitofp %parallel_loop3A_387 : vector<16xi32> to vector<16xf32>
      %parallel_loop3A_389 = arith.constant 7.500000e+00 : f32
      %parallel_loop3A_390 = vector.broadcast %parallel_loop3A_389 : f32 to vector<16xf32>
      %parallel_loop3A_391 = arith.subf %parallel_loop3A_388, %parallel_loop3A_390 : vector<16xf32>
      %parallel_loop3A_392 = arith.index_cast %parallel_loop3A_368 : i32 to index
      %parallel_loop3A_393 = tpu.vector_load %arg9[%parallel_loop3A_392] {strides = array<i32>} : memref<16384xf32, #tpu.memory_space<vmem>>, vector<16xf32>,
      %parallel_loop3A_394 = vector.shape_cast %parallel_loop3A_393 : vector<16xf32> to vector<16xf32>
      %parallel_loop3A_395 = vector.shape_cast %parallel_loop3A_391 : vector<16xf32> to vector<16xf32>
      tpu.vector_store %arg9[%parallel_loop3A_392], %parallel_loop3A_395 {strides = array<i32>} : memref<16384xf32, #tpu.memory_space<vmem>>, vector<16xf32>,
      %parallel_loop3A_396 = arith.index_cast %parallel_loop3A_368 : i32 to index
      %parallel_loop3A_397 = tpu.vector_load %arg11[%parallel_loop3A_396] {strides = array<i32>} : memref<16384xi32, #tpu.memory_space<vmem>>, vector<16xi32>,
      %parallel_loop3A_398 = vector.shape_cast %parallel_loop3A_397 : vector<16xi32> to vector<16xi32>
      %parallel_loop3A_399 = vector.shape_cast %parallel_loop3A_387 : vector<16xi32> to vector<16xi32>
      tpu.vector_store %arg11[%parallel_loop3A_396], %parallel_loop3A_399 {strides = array<i32>} : memref<16384xi32, #tpu.memory_space<vmem>>, vector<16xi32>,
    } {sc.loop_unroll_factor = 8 : i64, sc.parallel_access}
    %add3A_220 = arith.constant 147456 : i32
    %add3A_221 = arith.addi %mul3A_2, %add3A_220 : i32
    %dma_start3A_222 = tpu.memref_slice %arg3[%add3A_221] : memref<8388608xf32, #tpu.memory_space<hbm>> -> memref<16384xf32, #tpu.memory_space<hbm>>
    %dma_start3A_223 = tpu.memref_slice %arg3[%add3A_221] : memref<8388608xf32, #tpu.memory_space<hbm>> -> memref<16384xf32, #tpu.memory_space<hbm>>
    tpu.enqueue_dma source(%arg9 : memref<16384xf32, #tpu.memory_space<vmem>>) target(%dma_start3A_223 : memref<16384xf32, #tpu.memory_space<hbm>>) target_semaphore(%arg16 : memref<!tpu.dma_semaphore, #tpu.memory_space<semaphore_mem>>)
    %dma_start3A_224 = tpu.memref_slice %arg4[%add3A_221] : memref<8388608xi32, #tpu.memory_space<hbm>> -> memref<16384xi32, #tpu.memory_space<hbm>>
    %dma_start3A_225 = tpu.memref_slice %arg4[%add3A_221] : memref<8388608xi32, #tpu.memory_space<hbm>> -> memref<16384xi32, #tpu.memory_space<hbm>>
    tpu.enqueue_dma source(%arg11 : memref<16384xi32, #tpu.memory_space<vmem>>) target(%dma_start3A_225 : memref<16384xi32, #tpu.memory_space<hbm>>) target_semaphore(%arg16 : memref<!tpu.dma_semaphore, #tpu.memory_space<semaphore_mem>>)
    %add3A_226 = arith.constant 196608 : i32
    %add3A_227 = arith.addi %mul3A_2, %add3A_226 : i32
    %dma_start3A_228 = tpu.memref_slice %arg2[%add3A_227] : memref<8388608xf32, #tpu.memory_space<hbm>> -> memref<16384xf32, #tpu.memory_space<hbm>>
    %dma_start3A_229 = tpu.memref_slice %arg2[%add3A_227] : memref<8388608xf32, #tpu.memory_space<hbm>> -> memref<16384xf32, #tpu.memory_space<hbm>>
    tpu.enqueue_dma source(%dma_start3A_229 : memref<16384xf32, #tpu.memory_space<hbm>>) target(%arg5 : memref<16384xf32, #tpu.memory_space<vmem>>) target_semaphore(%arg12 : memref<!tpu.dma_semaphore, #tpu.memory_space<semaphore_mem>>)
    %add3A_230 = arith.constant 163840 : i32
    %add3A_231 = arith.addi %mul3A_2, %add3A_230 : i32
    %dma_wait3A_232 = tpu.memref_slice %arg2[%add3A_231] : memref<8388608xf32, #tpu.memory_space<hbm>> -> memref<16384xf32, #tpu.memory_space<hbm>>
    %dma_wait3A_233 = tpu.memref_slice %arg2[%add3A_231] : memref<8388608xf32, #tpu.memory_space<hbm>> -> memref<16384xf32, #tpu.memory_space<hbm>>
    tpu.wait_dma2 semaphore(%arg13 : memref<!tpu.dma_semaphore, #tpu.memory_space<semaphore_mem>>) src(%dma_wait3A_233 : memref<16384xf32, #tpu.memory_space<hbm>>) dst(%arg6 : memref<16384xf32, #tpu.memory_space<vmem>>)
    %add3A_234 = arith.constant 131072 : i32
    %add3A_235 = arith.addi %mul3A_2, %add3A_234 : i32
    %dma_wait3A_236 = tpu.memref_slice %arg3[%add3A_235] : memref<8388608xf32, #tpu.memory_space<hbm>> -> memref<16384xf32, #tpu.memory_space<hbm>>
    %dma_wait3A_237 = tpu.memref_slice %arg3[%add3A_235] : memref<8388608xf32, #tpu.memory_space<hbm>> -> memref<16384xf32, #tpu.memory_space<hbm>>
    tpu.wait_dma2 semaphore(%arg15 : memref<!tpu.dma_semaphore, #tpu.memory_space<semaphore_mem>>) src(%arg8 : memref<16384xf32, #tpu.memory_space<vmem>>) dst(%dma_wait3A_237 : memref<16384xf32, #tpu.memory_space<hbm>>)
    %dma_wait3A_238 = tpu.memref_slice %arg4[%add3A_235] : memref<8388608xi32, #tpu.memory_space<hbm>> -> memref<16384xi32, #tpu.memory_space<hbm>>
    %dma_wait3A_239 = tpu.memref_slice %arg4[%add3A_235] : memref<8388608xi32, #tpu.memory_space<hbm>> -> memref<16384xi32, #tpu.memory_space<hbm>>
    tpu.wait_dma2 semaphore(%arg15 : memref<!tpu.dma_semaphore, #tpu.memory_space<semaphore_mem>>) src(%arg10 : memref<16384xi32, #tpu.memory_space<vmem>>) dst(%dma_wait3A_239 : memref<16384xi32, #tpu.memory_space<hbm>>)
    %parallel_loop3A_240 = arith.constant 0 : i32
    %parallel_loop3A_241 = arith.constant 16384 : i32
    %parallel_loop3A_242 = arith.constant 16 : i32
    scf.for %parallel_loop3A_368 = %parallel_loop3A_240 to %parallel_loop3A_241 step %parallel_loop3A_242  : i32 {
      %parallel_loop3A_369 = arith.index_cast %parallel_loop3A_368 : i32 to index
      %parallel_loop3A_370 = tpu.vector_load %arg6[%parallel_loop3A_369] {strides = array<i32>} : memref<16384xf32, #tpu.memory_space<vmem>>, vector<16xf32>,
      %parallel_loop3A_371 = vector.shape_cast %parallel_loop3A_370 : vector<16xf32> to vector<16xf32>
      %parallel_loop3A_372 = arith.constant 5.000000e-01 : f32
      %parallel_loop3A_373 = vector.broadcast %parallel_loop3A_372 : f32 to vector<16xf32>
      %parallel_loop3A_374 = arith.subf %parallel_loop3A_371, %parallel_loop3A_373 : vector<16xf32>
      %parallel_loop3A_375 = arith.constant 0x4B400000 : f32
      %parallel_loop3A_376 = vector.broadcast %parallel_loop3A_375 : f32 to vector<16xf32>
      %parallel_loop3A_377 = arith.addf %parallel_loop3A_374, %parallel_loop3A_376 : vector<16xf32>
      %parallel_loop3A_378 = tpu.bitcast %parallel_loop3A_377 : vector<16xf32> -> vector<16xi32>
      %parallel_loop3A_379 = arith.constant 1262485496 : i32
      %parallel_loop3A_380 = vector.broadcast %parallel_loop3A_379 : i32 to vector<16xi32>
      %parallel_loop3A_381 = arith.subi %parallel_loop3A_378, %parallel_loop3A_380 : vector<16xi32>
      %parallel_loop3A_382 = arith.constant 0 : i32
      %parallel_loop3A_383 = vector.broadcast %parallel_loop3A_382 : i32 to vector<16xi32>
      %parallel_loop3A_384 = arith.maxsi %parallel_loop3A_381, %parallel_loop3A_383 : vector<16xi32>
      %parallel_loop3A_385 = arith.constant 15 : i32
      %parallel_loop3A_386 = vector.broadcast %parallel_loop3A_385 : i32 to vector<16xi32>
      %parallel_loop3A_387 = arith.minsi %parallel_loop3A_384, %parallel_loop3A_386 : vector<16xi32>
      %parallel_loop3A_388 = arith.sitofp %parallel_loop3A_387 : vector<16xi32> to vector<16xf32>
      %parallel_loop3A_389 = arith.constant 7.500000e+00 : f32
      %parallel_loop3A_390 = vector.broadcast %parallel_loop3A_389 : f32 to vector<16xf32>
      %parallel_loop3A_391 = arith.subf %parallel_loop3A_388, %parallel_loop3A_390 : vector<16xf32>
      %parallel_loop3A_392 = arith.index_cast %parallel_loop3A_368 : i32 to index
      %parallel_loop3A_393 = tpu.vector_load %arg8[%parallel_loop3A_392] {strides = array<i32>} : memref<16384xf32, #tpu.memory_space<vmem>>, vector<16xf32>,
      %parallel_loop3A_394 = vector.shape_cast %parallel_loop3A_393 : vector<16xf32> to vector<16xf32>
      %parallel_loop3A_395 = vector.shape_cast %parallel_loop3A_391 : vector<16xf32> to vector<16xf32>
      tpu.vector_store %arg8[%parallel_loop3A_392], %parallel_loop3A_395 {strides = array<i32>} : memref<16384xf32, #tpu.memory_space<vmem>>, vector<16xf32>,
      %parallel_loop3A_396 = arith.index_cast %parallel_loop3A_368 : i32 to index
      %parallel_loop3A_397 = tpu.vector_load %arg10[%parallel_loop3A_396] {strides = array<i32>} : memref<16384xi32, #tpu.memory_space<vmem>>, vector<16xi32>,
      %parallel_loop3A_398 = vector.shape_cast %parallel_loop3A_397 : vector<16xi32> to vector<16xi32>
      %parallel_loop3A_399 = vector.shape_cast %parallel_loop3A_387 : vector<16xi32> to vector<16xi32>
      tpu.vector_store %arg10[%parallel_loop3A_396], %parallel_loop3A_399 {strides = array<i32>} : memref<16384xi32, #tpu.memory_space<vmem>>, vector<16xi32>,
    } {sc.loop_unroll_factor = 8 : i64, sc.parallel_access}
    %add3A_243 = arith.constant 163840 : i32
    %add3A_244 = arith.addi %mul3A_2, %add3A_243 : i32
    %dma_start3A_245 = tpu.memref_slice %arg3[%add3A_244] : memref<8388608xf32, #tpu.memory_space<hbm>> -> memref<16384xf32, #tpu.memory_space<hbm>>
    %dma_start3A_246 = tpu.memref_slice %arg3[%add3A_244] : memref<8388608xf32, #tpu.memory_space<hbm>> -> memref<16384xf32, #tpu.memory_space<hbm>>
    tpu.enqueue_dma source(%arg8 : memref<16384xf32, #tpu.memory_space<vmem>>) target(%dma_start3A_246 : memref<16384xf32, #tpu.memory_space<hbm>>) target_semaphore(%arg15 : memref<!tpu.dma_semaphore, #tpu.memory_space<semaphore_mem>>)
    %dma_start3A_247 = tpu.memref_slice %arg4[%add3A_244] : memref<8388608xi32, #tpu.memory_space<hbm>> -> memref<16384xi32, #tpu.memory_space<hbm>>
    %dma_start3A_248 = tpu.memref_slice %arg4[%add3A_244] : memref<8388608xi32, #tpu.memory_space<hbm>> -> memref<16384xi32, #tpu.memory_space<hbm>>
    tpu.enqueue_dma source(%arg10 : memref<16384xi32, #tpu.memory_space<vmem>>) target(%dma_start3A_248 : memref<16384xi32, #tpu.memory_space<hbm>>) target_semaphore(%arg15 : memref<!tpu.dma_semaphore, #tpu.memory_space<semaphore_mem>>)
    %add3A_249 = arith.constant 212992 : i32
    %add3A_250 = arith.addi %mul3A_2, %add3A_249 : i32
    %dma_start3A_251 = tpu.memref_slice %arg2[%add3A_250] : memref<8388608xf32, #tpu.memory_space<hbm>> -> memref<16384xf32, #tpu.memory_space<hbm>>
    %dma_start3A_252 = tpu.memref_slice %arg2[%add3A_250] : memref<8388608xf32, #tpu.memory_space<hbm>> -> memref<16384xf32, #tpu.memory_space<hbm>>
    tpu.enqueue_dma source(%dma_start3A_252 : memref<16384xf32, #tpu.memory_space<hbm>>) target(%arg6 : memref<16384xf32, #tpu.memory_space<vmem>>) target_semaphore(%arg13 : memref<!tpu.dma_semaphore, #tpu.memory_space<semaphore_mem>>)
    %add3A_253 = arith.constant 180224 : i32
    %add3A_254 = arith.addi %mul3A_2, %add3A_253 : i32
    %dma_wait3A_255 = tpu.memref_slice %arg2[%add3A_254] : memref<8388608xf32, #tpu.memory_space<hbm>> -> memref<16384xf32, #tpu.memory_space<hbm>>
    %dma_wait3A_256 = tpu.memref_slice %arg2[%add3A_254] : memref<8388608xf32, #tpu.memory_space<hbm>> -> memref<16384xf32, #tpu.memory_space<hbm>>
    tpu.wait_dma2 semaphore(%arg14 : memref<!tpu.dma_semaphore, #tpu.memory_space<semaphore_mem>>) src(%dma_wait3A_256 : memref<16384xf32, #tpu.memory_space<hbm>>) dst(%arg7 : memref<16384xf32, #tpu.memory_space<vmem>>)
    %add3A_257 = arith.constant 147456 : i32
    %add3A_258 = arith.addi %mul3A_2, %add3A_257 : i32
    %dma_wait3A_259 = tpu.memref_slice %arg3[%add3A_258] : memref<8388608xf32, #tpu.memory_space<hbm>> -> memref<16384xf32, #tpu.memory_space<hbm>>
    %dma_wait3A_260 = tpu.memref_slice %arg3[%add3A_258] : memref<8388608xf32, #tpu.memory_space<hbm>> -> memref<16384xf32, #tpu.memory_space<hbm>>
    tpu.wait_dma2 semaphore(%arg16 : memref<!tpu.dma_semaphore, #tpu.memory_space<semaphore_mem>>) src(%arg9 : memref<16384xf32, #tpu.memory_space<vmem>>) dst(%dma_wait3A_260 : memref<16384xf32, #tpu.memory_space<hbm>>)
    %dma_wait3A_261 = tpu.memref_slice %arg4[%add3A_258] : memref<8388608xi32, #tpu.memory_space<hbm>> -> memref<16384xi32, #tpu.memory_space<hbm>>
    %dma_wait3A_262 = tpu.memref_slice %arg4[%add3A_258] : memref<8388608xi32, #tpu.memory_space<hbm>> -> memref<16384xi32, #tpu.memory_space<hbm>>
    tpu.wait_dma2 semaphore(%arg16 : memref<!tpu.dma_semaphore, #tpu.memory_space<semaphore_mem>>) src(%arg11 : memref<16384xi32, #tpu.memory_space<vmem>>) dst(%dma_wait3A_262 : memref<16384xi32, #tpu.memory_space<hbm>>)
    %parallel_loop3A_263 = arith.constant 0 : i32
    %parallel_loop3A_264 = arith.constant 16384 : i32
    %parallel_loop3A_265 = arith.constant 16 : i32
    scf.for %parallel_loop3A_368 = %parallel_loop3A_263 to %parallel_loop3A_264 step %parallel_loop3A_265  : i32 {
      %parallel_loop3A_369 = arith.index_cast %parallel_loop3A_368 : i32 to index
      %parallel_loop3A_370 = tpu.vector_load %arg7[%parallel_loop3A_369] {strides = array<i32>} : memref<16384xf32, #tpu.memory_space<vmem>>, vector<16xf32>,
      %parallel_loop3A_371 = vector.shape_cast %parallel_loop3A_370 : vector<16xf32> to vector<16xf32>
      %parallel_loop3A_372 = arith.constant 5.000000e-01 : f32
      %parallel_loop3A_373 = vector.broadcast %parallel_loop3A_372 : f32 to vector<16xf32>
      %parallel_loop3A_374 = arith.subf %parallel_loop3A_371, %parallel_loop3A_373 : vector<16xf32>
      %parallel_loop3A_375 = arith.constant 0x4B400000 : f32
      %parallel_loop3A_376 = vector.broadcast %parallel_loop3A_375 : f32 to vector<16xf32>
      %parallel_loop3A_377 = arith.addf %parallel_loop3A_374, %parallel_loop3A_376 : vector<16xf32>
      %parallel_loop3A_378 = tpu.bitcast %parallel_loop3A_377 : vector<16xf32> -> vector<16xi32>
      %parallel_loop3A_379 = arith.constant 1262485496 : i32
      %parallel_loop3A_380 = vector.broadcast %parallel_loop3A_379 : i32 to vector<16xi32>
      %parallel_loop3A_381 = arith.subi %parallel_loop3A_378, %parallel_loop3A_380 : vector<16xi32>
      %parallel_loop3A_382 = arith.constant 0 : i32
      %parallel_loop3A_383 = vector.broadcast %parallel_loop3A_382 : i32 to vector<16xi32>
      %parallel_loop3A_384 = arith.maxsi %parallel_loop3A_381, %parallel_loop3A_383 : vector<16xi32>
      %parallel_loop3A_385 = arith.constant 15 : i32
      %parallel_loop3A_386 = vector.broadcast %parallel_loop3A_385 : i32 to vector<16xi32>
      %parallel_loop3A_387 = arith.minsi %parallel_loop3A_384, %parallel_loop3A_386 : vector<16xi32>
      %parallel_loop3A_388 = arith.sitofp %parallel_loop3A_387 : vector<16xi32> to vector<16xf32>
      %parallel_loop3A_389 = arith.constant 7.500000e+00 : f32
      %parallel_loop3A_390 = vector.broadcast %parallel_loop3A_389 : f32 to vector<16xf32>
      %parallel_loop3A_391 = arith.subf %parallel_loop3A_388, %parallel_loop3A_390 : vector<16xf32>
      %parallel_loop3A_392 = arith.index_cast %parallel_loop3A_368 : i32 to index
      %parallel_loop3A_393 = tpu.vector_load %arg9[%parallel_loop3A_392] {strides = array<i32>} : memref<16384xf32, #tpu.memory_space<vmem>>, vector<16xf32>,
      %parallel_loop3A_394 = vector.shape_cast %parallel_loop3A_393 : vector<16xf32> to vector<16xf32>
      %parallel_loop3A_395 = vector.shape_cast %parallel_loop3A_391 : vector<16xf32> to vector<16xf32>
      tpu.vector_store %arg9[%parallel_loop3A_392], %parallel_loop3A_395 {strides = array<i32>} : memref<16384xf32, #tpu.memory_space<vmem>>, vector<16xf32>,
      %parallel_loop3A_396 = arith.index_cast %parallel_loop3A_368 : i32 to index
      %parallel_loop3A_397 = tpu.vector_load %arg11[%parallel_loop3A_396] {strides = array<i32>} : memref<16384xi32, #tpu.memory_space<vmem>>, vector<16xi32>,
      %parallel_loop3A_398 = vector.shape_cast %parallel_loop3A_397 : vector<16xi32> to vector<16xi32>
      %parallel_loop3A_399 = vector.shape_cast %parallel_loop3A_387 : vector<16xi32> to vector<16xi32>
      tpu.vector_store %arg11[%parallel_loop3A_396], %parallel_loop3A_399 {strides = array<i32>} : memref<16384xi32, #tpu.memory_space<vmem>>, vector<16xi32>,
    } {sc.loop_unroll_factor = 8 : i64, sc.parallel_access}
    %add3A_266 = arith.constant 180224 : i32
    %add3A_267 = arith.addi %mul3A_2, %add3A_266 : i32
    %dma_start3A_268 = tpu.memref_slice %arg3[%add3A_267] : memref<8388608xf32, #tpu.memory_space<hbm>> -> memref<16384xf32, #tpu.memory_space<hbm>>
    %dma_start3A_269 = tpu.memref_slice %arg3[%add3A_267] : memref<8388608xf32, #tpu.memory_space<hbm>> -> memref<16384xf32, #tpu.memory_space<hbm>>
    tpu.enqueue_dma source(%arg9 : memref<16384xf32, #tpu.memory_space<vmem>>) target(%dma_start3A_269 : memref<16384xf32, #tpu.memory_space<hbm>>) target_semaphore(%arg16 : memref<!tpu.dma_semaphore, #tpu.memory_space<semaphore_mem>>)
    %dma_start3A_270 = tpu.memref_slice %arg4[%add3A_267] : memref<8388608xi32, #tpu.memory_space<hbm>> -> memref<16384xi32, #tpu.memory_space<hbm>>
    %dma_start3A_271 = tpu.memref_slice %arg4[%add3A_267] : memref<8388608xi32, #tpu.memory_space<hbm>> -> memref<16384xi32, #tpu.memory_space<hbm>>
    tpu.enqueue_dma source(%arg11 : memref<16384xi32, #tpu.memory_space<vmem>>) target(%dma_start3A_271 : memref<16384xi32, #tpu.memory_space<hbm>>) target_semaphore(%arg16 : memref<!tpu.dma_semaphore, #tpu.memory_space<semaphore_mem>>)
    %add3A_272 = arith.constant 229376 : i32
    %add3A_273 = arith.addi %mul3A_2, %add3A_272 : i32
    %dma_start3A_274 = tpu.memref_slice %arg2[%add3A_273] : memref<8388608xf32, #tpu.memory_space<hbm>> -> memref<16384xf32, #tpu.memory_space<hbm>>
    %dma_start3A_275 = tpu.memref_slice %arg2[%add3A_273] : memref<8388608xf32, #tpu.memory_space<hbm>> -> memref<16384xf32, #tpu.memory_space<hbm>>
    tpu.enqueue_dma source(%dma_start3A_275 : memref<16384xf32, #tpu.memory_space<hbm>>) target(%arg7 : memref<16384xf32, #tpu.memory_space<vmem>>) target_semaphore(%arg14 : memref<!tpu.dma_semaphore, #tpu.memory_space<semaphore_mem>>)
    %add3A_276 = arith.constant 196608 : i32
    %add3A_277 = arith.addi %mul3A_2, %add3A_276 : i32
    %dma_wait3A_278 = tpu.memref_slice %arg2[%add3A_277] : memref<8388608xf32, #tpu.memory_space<hbm>> -> memref<16384xf32, #tpu.memory_space<hbm>>
    %dma_wait3A_279 = tpu.memref_slice %arg2[%add3A_277] : memref<8388608xf32, #tpu.memory_space<hbm>> -> memref<16384xf32, #tpu.memory_space<hbm>>
    tpu.wait_dma2 semaphore(%arg12 : memref<!tpu.dma_semaphore, #tpu.memory_space<semaphore_mem>>) src(%dma_wait3A_279 : memref<16384xf32, #tpu.memory_space<hbm>>) dst(%arg5 : memref<16384xf32, #tpu.memory_space<vmem>>)
    %add3A_280 = arith.constant 163840 : i32
    %add3A_281 = arith.addi %mul3A_2, %add3A_280 : i32
    %dma_wait3A_282 = tpu.memref_slice %arg3[%add3A_281] : memref<8388608xf32, #tpu.memory_space<hbm>> -> memref<16384xf32, #tpu.memory_space<hbm>>
    %dma_wait3A_283 = tpu.memref_slice %arg3[%add3A_281] : memref<8388608xf32, #tpu.memory_space<hbm>> -> memref<16384xf32, #tpu.memory_space<hbm>>
    tpu.wait_dma2 semaphore(%arg15 : memref<!tpu.dma_semaphore, #tpu.memory_space<semaphore_mem>>) src(%arg8 : memref<16384xf32, #tpu.memory_space<vmem>>) dst(%dma_wait3A_283 : memref<16384xf32, #tpu.memory_space<hbm>>)
    %dma_wait3A_284 = tpu.memref_slice %arg4[%add3A_281] : memref<8388608xi32, #tpu.memory_space<hbm>> -> memref<16384xi32, #tpu.memory_space<hbm>>
    %dma_wait3A_285 = tpu.memref_slice %arg4[%add3A_281] : memref<8388608xi32, #tpu.memory_space<hbm>> -> memref<16384xi32, #tpu.memory_space<hbm>>
    tpu.wait_dma2 semaphore(%arg15 : memref<!tpu.dma_semaphore, #tpu.memory_space<semaphore_mem>>) src(%arg10 : memref<16384xi32, #tpu.memory_space<vmem>>) dst(%dma_wait3A_285 : memref<16384xi32, #tpu.memory_space<hbm>>)
    %parallel_loop3A_286 = arith.constant 0 : i32
    %parallel_loop3A_287 = arith.constant 16384 : i32
    %parallel_loop3A_288 = arith.constant 16 : i32
    scf.for %parallel_loop3A_368 = %parallel_loop3A_286 to %parallel_loop3A_287 step %parallel_loop3A_288  : i32 {
      %parallel_loop3A_369 = arith.index_cast %parallel_loop3A_368 : i32 to index
      %parallel_loop3A_370 = tpu.vector_load %arg5[%parallel_loop3A_369] {strides = array<i32>} : memref<16384xf32, #tpu.memory_space<vmem>>, vector<16xf32>,
      %parallel_loop3A_371 = vector.shape_cast %parallel_loop3A_370 : vector<16xf32> to vector<16xf32>
      %parallel_loop3A_372 = arith.constant 5.000000e-01 : f32
      %parallel_loop3A_373 = vector.broadcast %parallel_loop3A_372 : f32 to vector<16xf32>
      %parallel_loop3A_374 = arith.subf %parallel_loop3A_371, %parallel_loop3A_373 : vector<16xf32>
      %parallel_loop3A_375 = arith.constant 0x4B400000 : f32
      %parallel_loop3A_376 = vector.broadcast %parallel_loop3A_375 : f32 to vector<16xf32>
      %parallel_loop3A_377 = arith.addf %parallel_loop3A_374, %parallel_loop3A_376 : vector<16xf32>
      %parallel_loop3A_378 = tpu.bitcast %parallel_loop3A_377 : vector<16xf32> -> vector<16xi32>
      %parallel_loop3A_379 = arith.constant 1262485496 : i32
      %parallel_loop3A_380 = vector.broadcast %parallel_loop3A_379 : i32 to vector<16xi32>
      %parallel_loop3A_381 = arith.subi %parallel_loop3A_378, %parallel_loop3A_380 : vector<16xi32>
      %parallel_loop3A_382 = arith.constant 0 : i32
      %parallel_loop3A_383 = vector.broadcast %parallel_loop3A_382 : i32 to vector<16xi32>
      %parallel_loop3A_384 = arith.maxsi %parallel_loop3A_381, %parallel_loop3A_383 : vector<16xi32>
      %parallel_loop3A_385 = arith.constant 15 : i32
      %parallel_loop3A_386 = vector.broadcast %parallel_loop3A_385 : i32 to vector<16xi32>
      %parallel_loop3A_387 = arith.minsi %parallel_loop3A_384, %parallel_loop3A_386 : vector<16xi32>
      %parallel_loop3A_388 = arith.sitofp %parallel_loop3A_387 : vector<16xi32> to vector<16xf32>
      %parallel_loop3A_389 = arith.constant 7.500000e+00 : f32
      %parallel_loop3A_390 = vector.broadcast %parallel_loop3A_389 : f32 to vector<16xf32>
      %parallel_loop3A_391 = arith.subf %parallel_loop3A_388, %parallel_loop3A_390 : vector<16xf32>
      %parallel_loop3A_392 = arith.index_cast %parallel_loop3A_368 : i32 to index
      %parallel_loop3A_393 = tpu.vector_load %arg8[%parallel_loop3A_392] {strides = array<i32>} : memref<16384xf32, #tpu.memory_space<vmem>>, vector<16xf32>,
      %parallel_loop3A_394 = vector.shape_cast %parallel_loop3A_393 : vector<16xf32> to vector<16xf32>
      %parallel_loop3A_395 = vector.shape_cast %parallel_loop3A_391 : vector<16xf32> to vector<16xf32>
      tpu.vector_store %arg8[%parallel_loop3A_392], %parallel_loop3A_395 {strides = array<i32>} : memref<16384xf32, #tpu.memory_space<vmem>>, vector<16xf32>,
      %parallel_loop3A_396 = arith.index_cast %parallel_loop3A_368 : i32 to index
      %parallel_loop3A_397 = tpu.vector_load %arg10[%parallel_loop3A_396] {strides = array<i32>} : memref<16384xi32, #tpu.memory_space<vmem>>, vector<16xi32>,
      %parallel_loop3A_398 = vector.shape_cast %parallel_loop3A_397 : vector<16xi32> to vector<16xi32>
      %parallel_loop3A_399 = vector.shape_cast %parallel_loop3A_387 : vector<16xi32> to vector<16xi32>
      tpu.vector_store %arg10[%parallel_loop3A_396], %parallel_loop3A_399 {strides = array<i32>} : memref<16384xi32, #tpu.memory_space<vmem>>, vector<16xi32>,
    } {sc.loop_unroll_factor = 8 : i64, sc.parallel_access}
    %add3A_289 = arith.constant 196608 : i32
    %add3A_290 = arith.addi %mul3A_2, %add3A_289 : i32
    %dma_start3A_291 = tpu.memref_slice %arg3[%add3A_290] : memref<8388608xf32, #tpu.memory_space<hbm>> -> memref<16384xf32, #tpu.memory_space<hbm>>
    %dma_start3A_292 = tpu.memref_slice %arg3[%add3A_290] : memref<8388608xf32, #tpu.memory_space<hbm>> -> memref<16384xf32, #tpu.memory_space<hbm>>
    tpu.enqueue_dma source(%arg8 : memref<16384xf32, #tpu.memory_space<vmem>>) target(%dma_start3A_292 : memref<16384xf32, #tpu.memory_space<hbm>>) target_semaphore(%arg15 : memref<!tpu.dma_semaphore, #tpu.memory_space<semaphore_mem>>)
    %dma_start3A_293 = tpu.memref_slice %arg4[%add3A_290] : memref<8388608xi32, #tpu.memory_space<hbm>> -> memref<16384xi32, #tpu.memory_space<hbm>>
    %dma_start3A_294 = tpu.memref_slice %arg4[%add3A_290] : memref<8388608xi32, #tpu.memory_space<hbm>> -> memref<16384xi32, #tpu.memory_space<hbm>>
    tpu.enqueue_dma source(%arg10 : memref<16384xi32, #tpu.memory_space<vmem>>) target(%dma_start3A_294 : memref<16384xi32, #tpu.memory_space<hbm>>) target_semaphore(%arg15 : memref<!tpu.dma_semaphore, #tpu.memory_space<semaphore_mem>>)
    %add3A_295 = arith.constant 245760 : i32
    %add3A_296 = arith.addi %mul3A_2, %add3A_295 : i32
    %dma_start3A_297 = tpu.memref_slice %arg2[%add3A_296] : memref<8388608xf32, #tpu.memory_space<hbm>> -> memref<16384xf32, #tpu.memory_space<hbm>>
    %dma_start3A_298 = tpu.memref_slice %arg2[%add3A_296] : memref<8388608xf32, #tpu.memory_space<hbm>> -> memref<16384xf32, #tpu.memory_space<hbm>>
    tpu.enqueue_dma source(%dma_start3A_298 : memref<16384xf32, #tpu.memory_space<hbm>>) target(%arg5 : memref<16384xf32, #tpu.memory_space<vmem>>) target_semaphore(%arg12 : memref<!tpu.dma_semaphore, #tpu.memory_space<semaphore_mem>>)
    %add3A_299 = arith.constant 212992 : i32
    %add3A_300 = arith.addi %mul3A_2, %add3A_299 : i32
    %dma_wait3A_301 = tpu.memref_slice %arg2[%add3A_300] : memref<8388608xf32, #tpu.memory_space<hbm>> -> memref<16384xf32, #tpu.memory_space<hbm>>
    %dma_wait3A_302 = tpu.memref_slice %arg2[%add3A_300] : memref<8388608xf32, #tpu.memory_space<hbm>> -> memref<16384xf32, #tpu.memory_space<hbm>>
    tpu.wait_dma2 semaphore(%arg13 : memref<!tpu.dma_semaphore, #tpu.memory_space<semaphore_mem>>) src(%dma_wait3A_302 : memref<16384xf32, #tpu.memory_space<hbm>>) dst(%arg6 : memref<16384xf32, #tpu.memory_space<vmem>>)
    %add3A_303 = arith.constant 180224 : i32
    %add3A_304 = arith.addi %mul3A_2, %add3A_303 : i32
    %dma_wait3A_305 = tpu.memref_slice %arg3[%add3A_304] : memref<8388608xf32, #tpu.memory_space<hbm>> -> memref<16384xf32, #tpu.memory_space<hbm>>
    %dma_wait3A_306 = tpu.memref_slice %arg3[%add3A_304] : memref<8388608xf32, #tpu.memory_space<hbm>> -> memref<16384xf32, #tpu.memory_space<hbm>>
    tpu.wait_dma2 semaphore(%arg16 : memref<!tpu.dma_semaphore, #tpu.memory_space<semaphore_mem>>) src(%arg9 : memref<16384xf32, #tpu.memory_space<vmem>>) dst(%dma_wait3A_306 : memref<16384xf32, #tpu.memory_space<hbm>>)
    %dma_wait3A_307 = tpu.memref_slice %arg4[%add3A_304] : memref<8388608xi32, #tpu.memory_space<hbm>> -> memref<16384xi32, #tpu.memory_space<hbm>>
    %dma_wait3A_308 = tpu.memref_slice %arg4[%add3A_304] : memref<8388608xi32, #tpu.memory_space<hbm>> -> memref<16384xi32, #tpu.memory_space<hbm>>
    tpu.wait_dma2 semaphore(%arg16 : memref<!tpu.dma_semaphore, #tpu.memory_space<semaphore_mem>>) src(%arg11 : memref<16384xi32, #tpu.memory_space<vmem>>) dst(%dma_wait3A_308 : memref<16384xi32, #tpu.memory_space<hbm>>)
    %parallel_loop3A_309 = arith.constant 0 : i32
    %parallel_loop3A_310 = arith.constant 16384 : i32
    %parallel_loop3A_311 = arith.constant 16 : i32
    scf.for %parallel_loop3A_368 = %parallel_loop3A_309 to %parallel_loop3A_310 step %parallel_loop3A_311  : i32 {
      %parallel_loop3A_369 = arith.index_cast %parallel_loop3A_368 : i32 to index
      %parallel_loop3A_370 = tpu.vector_load %arg6[%parallel_loop3A_369] {strides = array<i32>} : memref<16384xf32, #tpu.memory_space<vmem>>, vector<16xf32>,
      %parallel_loop3A_371 = vector.shape_cast %parallel_loop3A_370 : vector<16xf32> to vector<16xf32>
      %parallel_loop3A_372 = arith.constant 5.000000e-01 : f32
      %parallel_loop3A_373 = vector.broadcast %parallel_loop3A_372 : f32 to vector<16xf32>
      %parallel_loop3A_374 = arith.subf %parallel_loop3A_371, %parallel_loop3A_373 : vector<16xf32>
      %parallel_loop3A_375 = arith.constant 0x4B400000 : f32
      %parallel_loop3A_376 = vector.broadcast %parallel_loop3A_375 : f32 to vector<16xf32>
      %parallel_loop3A_377 = arith.addf %parallel_loop3A_374, %parallel_loop3A_376 : vector<16xf32>
      %parallel_loop3A_378 = tpu.bitcast %parallel_loop3A_377 : vector<16xf32> -> vector<16xi32>
      %parallel_loop3A_379 = arith.constant 1262485496 : i32
      %parallel_loop3A_380 = vector.broadcast %parallel_loop3A_379 : i32 to vector<16xi32>
      %parallel_loop3A_381 = arith.subi %parallel_loop3A_378, %parallel_loop3A_380 : vector<16xi32>
      %parallel_loop3A_382 = arith.constant 0 : i32
      %parallel_loop3A_383 = vector.broadcast %parallel_loop3A_382 : i32 to vector<16xi32>
      %parallel_loop3A_384 = arith.maxsi %parallel_loop3A_381, %parallel_loop3A_383 : vector<16xi32>
      %parallel_loop3A_385 = arith.constant 15 : i32
      %parallel_loop3A_386 = vector.broadcast %parallel_loop3A_385 : i32 to vector<16xi32>
      %parallel_loop3A_387 = arith.minsi %parallel_loop3A_384, %parallel_loop3A_386 : vector<16xi32>
      %parallel_loop3A_388 = arith.sitofp %parallel_loop3A_387 : vector<16xi32> to vector<16xf32>
      %parallel_loop3A_389 = arith.constant 7.500000e+00 : f32
      %parallel_loop3A_390 = vector.broadcast %parallel_loop3A_389 : f32 to vector<16xf32>
      %parallel_loop3A_391 = arith.subf %parallel_loop3A_388, %parallel_loop3A_390 : vector<16xf32>
      %parallel_loop3A_392 = arith.index_cast %parallel_loop3A_368 : i32 to index
      %parallel_loop3A_393 = tpu.vector_load %arg9[%parallel_loop3A_392] {strides = array<i32>} : memref<16384xf32, #tpu.memory_space<vmem>>, vector<16xf32>,
      %parallel_loop3A_394 = vector.shape_cast %parallel_loop3A_393 : vector<16xf32> to vector<16xf32>
      %parallel_loop3A_395 = vector.shape_cast %parallel_loop3A_391 : vector<16xf32> to vector<16xf32>
      tpu.vector_store %arg9[%parallel_loop3A_392], %parallel_loop3A_395 {strides = array<i32>} : memref<16384xf32, #tpu.memory_space<vmem>>, vector<16xf32>,
      %parallel_loop3A_396 = arith.index_cast %parallel_loop3A_368 : i32 to index
      %parallel_loop3A_397 = tpu.vector_load %arg11[%parallel_loop3A_396] {strides = array<i32>} : memref<16384xi32, #tpu.memory_space<vmem>>, vector<16xi32>,
      %parallel_loop3A_398 = vector.shape_cast %parallel_loop3A_397 : vector<16xi32> to vector<16xi32>
      %parallel_loop3A_399 = vector.shape_cast %parallel_loop3A_387 : vector<16xi32> to vector<16xi32>
      tpu.vector_store %arg11[%parallel_loop3A_396], %parallel_loop3A_399 {strides = array<i32>} : memref<16384xi32, #tpu.memory_space<vmem>>, vector<16xi32>,
    } {sc.loop_unroll_factor = 8 : i64, sc.parallel_access}
    %add3A_312 = arith.constant 212992 : i32
    %add3A_313 = arith.addi %mul3A_2, %add3A_312 : i32
    %dma_start3A_314 = tpu.memref_slice %arg3[%add3A_313] : memref<8388608xf32, #tpu.memory_space<hbm>> -> memref<16384xf32, #tpu.memory_space<hbm>>
    %dma_start3A_315 = tpu.memref_slice %arg3[%add3A_313] : memref<8388608xf32, #tpu.memory_space<hbm>> -> memref<16384xf32, #tpu.memory_space<hbm>>
    tpu.enqueue_dma source(%arg9 : memref<16384xf32, #tpu.memory_space<vmem>>) target(%dma_start3A_315 : memref<16384xf32, #tpu.memory_space<hbm>>) target_semaphore(%arg16 : memref<!tpu.dma_semaphore, #tpu.memory_space<semaphore_mem>>)
    %dma_start3A_316 = tpu.memref_slice %arg4[%add3A_313] : memref<8388608xi32, #tpu.memory_space<hbm>> -> memref<16384xi32, #tpu.memory_space<hbm>>
    %dma_start3A_317 = tpu.memref_slice %arg4[%add3A_313] : memref<8388608xi32, #tpu.memory_space<hbm>> -> memref<16384xi32, #tpu.memory_space<hbm>>
    tpu.enqueue_dma source(%arg11 : memref<16384xi32, #tpu.memory_space<vmem>>) target(%dma_start3A_317 : memref<16384xi32, #tpu.memory_space<hbm>>) target_semaphore(%arg16 : memref<!tpu.dma_semaphore, #tpu.memory_space<semaphore_mem>>)
    %add3A_318 = arith.constant 229376 : i32
    %add3A_319 = arith.addi %mul3A_2, %add3A_318 : i32
    %dma_wait3A_320 = tpu.memref_slice %arg2[%add3A_319] : memref<8388608xf32, #tpu.memory_space<hbm>> -> memref<16384xf32, #tpu.memory_space<hbm>>
    %dma_wait3A_321 = tpu.memref_slice %arg2[%add3A_319] : memref<8388608xf32, #tpu.memory_space<hbm>> -> memref<16384xf32, #tpu.memory_space<hbm>>
    tpu.wait_dma2 semaphore(%arg14 : memref<!tpu.dma_semaphore, #tpu.memory_space<semaphore_mem>>) src(%dma_wait3A_321 : memref<16384xf32, #tpu.memory_space<hbm>>) dst(%arg7 : memref<16384xf32, #tpu.memory_space<vmem>>)
    %add3A_322 = arith.constant 196608 : i32
    %add3A_323 = arith.addi %mul3A_2, %add3A_322 : i32
    %dma_wait3A_324 = tpu.memref_slice %arg3[%add3A_323] : memref<8388608xf32, #tpu.memory_space<hbm>> -> memref<16384xf32, #tpu.memory_space<hbm>>
    %dma_wait3A_325 = tpu.memref_slice %arg3[%add3A_323] : memref<8388608xf32, #tpu.memory_space<hbm>> -> memref<16384xf32, #tpu.memory_space<hbm>>
    tpu.wait_dma2 semaphore(%arg15 : memref<!tpu.dma_semaphore, #tpu.memory_space<semaphore_mem>>) src(%arg8 : memref<16384xf32, #tpu.memory_space<vmem>>) dst(%dma_wait3A_325 : memref<16384xf32, #tpu.memory_space<hbm>>)
    %dma_wait3A_326 = tpu.memref_slice %arg4[%add3A_323] : memref<8388608xi32, #tpu.memory_space<hbm>> -> memref<16384xi32, #tpu.memory_space<hbm>>
    %dma_wait3A_327 = tpu.memref_slice %arg4[%add3A_323] : memref<8388608xi32, #tpu.memory_space<hbm>> -> memref<16384xi32, #tpu.memory_space<hbm>>
    tpu.wait_dma2 semaphore(%arg15 : memref<!tpu.dma_semaphore, #tpu.memory_space<semaphore_mem>>) src(%arg10 : memref<16384xi32, #tpu.memory_space<vmem>>) dst(%dma_wait3A_327 : memref<16384xi32, #tpu.memory_space<hbm>>)
    %parallel_loop3A_328 = arith.constant 0 : i32
    %parallel_loop3A_329 = arith.constant 16384 : i32
    %parallel_loop3A_330 = arith.constant 16 : i32
    scf.for %parallel_loop3A_368 = %parallel_loop3A_328 to %parallel_loop3A_329 step %parallel_loop3A_330  : i32 {
      %parallel_loop3A_369 = arith.index_cast %parallel_loop3A_368 : i32 to index
      %parallel_loop3A_370 = tpu.vector_load %arg7[%parallel_loop3A_369] {strides = array<i32>} : memref<16384xf32, #tpu.memory_space<vmem>>, vector<16xf32>,
      %parallel_loop3A_371 = vector.shape_cast %parallel_loop3A_370 : vector<16xf32> to vector<16xf32>
      %parallel_loop3A_372 = arith.constant 5.000000e-01 : f32
      %parallel_loop3A_373 = vector.broadcast %parallel_loop3A_372 : f32 to vector<16xf32>
      %parallel_loop3A_374 = arith.subf %parallel_loop3A_371, %parallel_loop3A_373 : vector<16xf32>
      %parallel_loop3A_375 = arith.constant 0x4B400000 : f32
      %parallel_loop3A_376 = vector.broadcast %parallel_loop3A_375 : f32 to vector<16xf32>
      %parallel_loop3A_377 = arith.addf %parallel_loop3A_374, %parallel_loop3A_376 : vector<16xf32>
      %parallel_loop3A_378 = tpu.bitcast %parallel_loop3A_377 : vector<16xf32> -> vector<16xi32>
      %parallel_loop3A_379 = arith.constant 1262485496 : i32
      %parallel_loop3A_380 = vector.broadcast %parallel_loop3A_379 : i32 to vector<16xi32>
      %parallel_loop3A_381 = arith.subi %parallel_loop3A_378, %parallel_loop3A_380 : vector<16xi32>
      %parallel_loop3A_382 = arith.constant 0 : i32
      %parallel_loop3A_383 = vector.broadcast %parallel_loop3A_382 : i32 to vector<16xi32>
      %parallel_loop3A_384 = arith.maxsi %parallel_loop3A_381, %parallel_loop3A_383 : vector<16xi32>
      %parallel_loop3A_385 = arith.constant 15 : i32
      %parallel_loop3A_386 = vector.broadcast %parallel_loop3A_385 : i32 to vector<16xi32>
      %parallel_loop3A_387 = arith.minsi %parallel_loop3A_384, %parallel_loop3A_386 : vector<16xi32>
      %parallel_loop3A_388 = arith.sitofp %parallel_loop3A_387 : vector<16xi32> to vector<16xf32>
      %parallel_loop3A_389 = arith.constant 7.500000e+00 : f32
      %parallel_loop3A_390 = vector.broadcast %parallel_loop3A_389 : f32 to vector<16xf32>
      %parallel_loop3A_391 = arith.subf %parallel_loop3A_388, %parallel_loop3A_390 : vector<16xf32>
      %parallel_loop3A_392 = arith.index_cast %parallel_loop3A_368 : i32 to index
      %parallel_loop3A_393 = tpu.vector_load %arg8[%parallel_loop3A_392] {strides = array<i32>} : memref<16384xf32, #tpu.memory_space<vmem>>, vector<16xf32>,
      %parallel_loop3A_394 = vector.shape_cast %parallel_loop3A_393 : vector<16xf32> to vector<16xf32>
      %parallel_loop3A_395 = vector.shape_cast %parallel_loop3A_391 : vector<16xf32> to vector<16xf32>
      tpu.vector_store %arg8[%parallel_loop3A_392], %parallel_loop3A_395 {strides = array<i32>} : memref<16384xf32, #tpu.memory_space<vmem>>, vector<16xf32>,
      %parallel_loop3A_396 = arith.index_cast %parallel_loop3A_368 : i32 to index
      %parallel_loop3A_397 = tpu.vector_load %arg10[%parallel_loop3A_396] {strides = array<i32>} : memref<16384xi32, #tpu.memory_space<vmem>>, vector<16xi32>,
      %parallel_loop3A_398 = vector.shape_cast %parallel_loop3A_397 : vector<16xi32> to vector<16xi32>
      %parallel_loop3A_399 = vector.shape_cast %parallel_loop3A_387 : vector<16xi32> to vector<16xi32>
      tpu.vector_store %arg10[%parallel_loop3A_396], %parallel_loop3A_399 {strides = array<i32>} : memref<16384xi32, #tpu.memory_space<vmem>>, vector<16xi32>,
    } {sc.loop_unroll_factor = 8 : i64, sc.parallel_access}
    %add3A_331 = arith.constant 229376 : i32
    %add3A_332 = arith.addi %mul3A_2, %add3A_331 : i32
    %dma_start3A_333 = tpu.memref_slice %arg3[%add3A_332] : memref<8388608xf32, #tpu.memory_space<hbm>> -> memref<16384xf32, #tpu.memory_space<hbm>>
    %dma_start3A_334 = tpu.memref_slice %arg3[%add3A_332] : memref<8388608xf32, #tpu.memory_space<hbm>> -> memref<16384xf32, #tpu.memory_space<hbm>>
    tpu.enqueue_dma source(%arg8 : memref<16384xf32, #tpu.memory_space<vmem>>) target(%dma_start3A_334 : memref<16384xf32, #tpu.memory_space<hbm>>) target_semaphore(%arg15 : memref<!tpu.dma_semaphore, #tpu.memory_space<semaphore_mem>>)
    %dma_start3A_335 = tpu.memref_slice %arg4[%add3A_332] : memref<8388608xi32, #tpu.memory_space<hbm>> -> memref<16384xi32, #tpu.memory_space<hbm>>
    %dma_start3A_336 = tpu.memref_slice %arg4[%add3A_332] : memref<8388608xi32, #tpu.memory_space<hbm>> -> memref<16384xi32, #tpu.memory_space<hbm>>
    tpu.enqueue_dma source(%arg10 : memref<16384xi32, #tpu.memory_space<vmem>>) target(%dma_start3A_336 : memref<16384xi32, #tpu.memory_space<hbm>>) target_semaphore(%arg15 : memref<!tpu.dma_semaphore, #tpu.memory_space<semaphore_mem>>)
    %add3A_337 = arith.constant 245760 : i32
    %add3A_338 = arith.addi %mul3A_2, %add3A_337 : i32
    %dma_wait3A_339 = tpu.memref_slice %arg2[%add3A_338] : memref<8388608xf32, #tpu.memory_space<hbm>> -> memref<16384xf32, #tpu.memory_space<hbm>>
    %dma_wait3A_340 = tpu.memref_slice %arg2[%add3A_338] : memref<8388608xf32, #tpu.memory_space<hbm>> -> memref<16384xf32, #tpu.memory_space<hbm>>
    tpu.wait_dma2 semaphore(%arg12 : memref<!tpu.dma_semaphore, #tpu.memory_space<semaphore_mem>>) src(%dma_wait3A_340 : memref<16384xf32, #tpu.memory_space<hbm>>) dst(%arg5 : memref<16384xf32, #tpu.memory_space<vmem>>)
    %add3A_341 = arith.constant 212992 : i32
    %add3A_342 = arith.addi %mul3A_2, %add3A_341 : i32
    %dma_wait3A_343 = tpu.memref_slice %arg3[%add3A_342] : memref<8388608xf32, #tpu.memory_space<hbm>> -> memref<16384xf32, #tpu.memory_space<hbm>>
    %dma_wait3A_344 = tpu.memref_slice %arg3[%add3A_342] : memref<8388608xf32, #tpu.memory_space<hbm>> -> memref<16384xf32, #tpu.memory_space<hbm>>
    tpu.wait_dma2 semaphore(%arg16 : memref<!tpu.dma_semaphore, #tpu.memory_space<semaphore_mem>>) src(%arg9 : memref<16384xf32, #tpu.memory_space<vmem>>) dst(%dma_wait3A_344 : memref<16384xf32, #tpu.memory_space<hbm>>)
    %dma_wait3A_345 = tpu.memref_slice %arg4[%add3A_342] : memref<8388608xi32, #tpu.memory_space<hbm>> -> memref<16384xi32, #tpu.memory_space<hbm>>
    %dma_wait3A_346 = tpu.memref_slice %arg4[%add3A_342] : memref<8388608xi32, #tpu.memory_space<hbm>> -> memref<16384xi32, #tpu.memory_space<hbm>>
    tpu.wait_dma2 semaphore(%arg16 : memref<!tpu.dma_semaphore, #tpu.memory_space<semaphore_mem>>) src(%arg11 : memref<16384xi32, #tpu.memory_space<vmem>>) dst(%dma_wait3A_346 : memref<16384xi32, #tpu.memory_space<hbm>>)
    %parallel_loop3A_347 = arith.constant 0 : i32
    %parallel_loop3A_348 = arith.constant 16384 : i32
    %parallel_loop3A_349 = arith.constant 16 : i32
    scf.for %parallel_loop3A_368 = %parallel_loop3A_347 to %parallel_loop3A_348 step %parallel_loop3A_349  : i32 {
      %parallel_loop3A_369 = arith.index_cast %parallel_loop3A_368 : i32 to index
      %parallel_loop3A_370 = tpu.vector_load %arg5[%parallel_loop3A_369] {strides = array<i32>} : memref<16384xf32, #tpu.memory_space<vmem>>, vector<16xf32>,
      %parallel_loop3A_371 = vector.shape_cast %parallel_loop3A_370 : vector<16xf32> to vector<16xf32>
      %parallel_loop3A_372 = arith.constant 5.000000e-01 : f32
      %parallel_loop3A_373 = vector.broadcast %parallel_loop3A_372 : f32 to vector<16xf32>
      %parallel_loop3A_374 = arith.subf %parallel_loop3A_371, %parallel_loop3A_373 : vector<16xf32>
      %parallel_loop3A_375 = arith.constant 0x4B400000 : f32
      %parallel_loop3A_376 = vector.broadcast %parallel_loop3A_375 : f32 to vector<16xf32>
      %parallel_loop3A_377 = arith.addf %parallel_loop3A_374, %parallel_loop3A_376 : vector<16xf32>
      %parallel_loop3A_378 = tpu.bitcast %parallel_loop3A_377 : vector<16xf32> -> vector<16xi32>
      %parallel_loop3A_379 = arith.constant 1262485496 : i32
      %parallel_loop3A_380 = vector.broadcast %parallel_loop3A_379 : i32 to vector<16xi32>
      %parallel_loop3A_381 = arith.subi %parallel_loop3A_378, %parallel_loop3A_380 : vector<16xi32>
      %parallel_loop3A_382 = arith.constant 0 : i32
      %parallel_loop3A_383 = vector.broadcast %parallel_loop3A_382 : i32 to vector<16xi32>
      %parallel_loop3A_384 = arith.maxsi %parallel_loop3A_381, %parallel_loop3A_383 : vector<16xi32>
      %parallel_loop3A_385 = arith.constant 15 : i32
      %parallel_loop3A_386 = vector.broadcast %parallel_loop3A_385 : i32 to vector<16xi32>
      %parallel_loop3A_387 = arith.minsi %parallel_loop3A_384, %parallel_loop3A_386 : vector<16xi32>
      %parallel_loop3A_388 = arith.sitofp %parallel_loop3A_387 : vector<16xi32> to vector<16xf32>
      %parallel_loop3A_389 = arith.constant 7.500000e+00 : f32
      %parallel_loop3A_390 = vector.broadcast %parallel_loop3A_389 : f32 to vector<16xf32>
      %parallel_loop3A_391 = arith.subf %parallel_loop3A_388, %parallel_loop3A_390 : vector<16xf32>
      %parallel_loop3A_392 = arith.index_cast %parallel_loop3A_368 : i32 to index
      %parallel_loop3A_393 = tpu.vector_load %arg9[%parallel_loop3A_392] {strides = array<i32>} : memref<16384xf32, #tpu.memory_space<vmem>>, vector<16xf32>,
      %parallel_loop3A_394 = vector.shape_cast %parallel_loop3A_393 : vector<16xf32> to vector<16xf32>
      %parallel_loop3A_395 = vector.shape_cast %parallel_loop3A_391 : vector<16xf32> to vector<16xf32>
      tpu.vector_store %arg9[%parallel_loop3A_392], %parallel_loop3A_395 {strides = array<i32>} : memref<16384xf32, #tpu.memory_space<vmem>>, vector<16xf32>,
      %parallel_loop3A_396 = arith.index_cast %parallel_loop3A_368 : i32 to index
      %parallel_loop3A_397 = tpu.vector_load %arg11[%parallel_loop3A_396] {strides = array<i32>} : memref<16384xi32, #tpu.memory_space<vmem>>, vector<16xi32>,
      %parallel_loop3A_398 = vector.shape_cast %parallel_loop3A_397 : vector<16xi32> to vector<16xi32>
      %parallel_loop3A_399 = vector.shape_cast %parallel_loop3A_387 : vector<16xi32> to vector<16xi32>
      tpu.vector_store %arg11[%parallel_loop3A_396], %parallel_loop3A_399 {strides = array<i32>} : memref<16384xi32, #tpu.memory_space<vmem>>, vector<16xi32>,
    } {sc.loop_unroll_factor = 8 : i64, sc.parallel_access}
    %add3A_350 = arith.constant 245760 : i32
    %add3A_351 = arith.addi %mul3A_2, %add3A_350 : i32
    %dma_start3A_352 = tpu.memref_slice %arg3[%add3A_351] : memref<8388608xf32, #tpu.memory_space<hbm>> -> memref<16384xf32, #tpu.memory_space<hbm>>
    %dma_start3A_353 = tpu.memref_slice %arg3[%add3A_351] : memref<8388608xf32, #tpu.memory_space<hbm>> -> memref<16384xf32, #tpu.memory_space<hbm>>
    tpu.enqueue_dma source(%arg9 : memref<16384xf32, #tpu.memory_space<vmem>>) target(%dma_start3A_353 : memref<16384xf32, #tpu.memory_space<hbm>>) target_semaphore(%arg16 : memref<!tpu.dma_semaphore, #tpu.memory_space<semaphore_mem>>)
    %dma_start3A_354 = tpu.memref_slice %arg4[%add3A_351] : memref<8388608xi32, #tpu.memory_space<hbm>> -> memref<16384xi32, #tpu.memory_space<hbm>>
    %dma_start3A_355 = tpu.memref_slice %arg4[%add3A_351] : memref<8388608xi32, #tpu.memory_space<hbm>> -> memref<16384xi32, #tpu.memory_space<hbm>>
    tpu.enqueue_dma source(%arg11 : memref<16384xi32, #tpu.memory_space<vmem>>) target(%dma_start3A_355 : memref<16384xi32, #tpu.memory_space<hbm>>) target_semaphore(%arg16 : memref<!tpu.dma_semaphore, #tpu.memory_space<semaphore_mem>>)
    %add3A_356 = arith.constant 229376 : i32
    %add3A_357 = arith.addi %mul3A_2, %add3A_356 : i32
    %dma_wait3A_358 = tpu.memref_slice %arg3[%add3A_357] : memref<8388608xf32, #tpu.memory_space<hbm>> -> memref<16384xf32, #tpu.memory_space<hbm>>
    %dma_wait3A_359 = tpu.memref_slice %arg3[%add3A_357] : memref<8388608xf32, #tpu.memory_space<hbm>> -> memref<16384xf32, #tpu.memory_space<hbm>>
    tpu.wait_dma2 semaphore(%arg15 : memref<!tpu.dma_semaphore, #tpu.memory_space<semaphore_mem>>) src(%arg8 : memref<16384xf32, #tpu.memory_space<vmem>>) dst(%dma_wait3A_359 : memref<16384xf32, #tpu.memory_space<hbm>>)
    %dma_wait3A_360 = tpu.memref_slice %arg4[%add3A_357] : memref<8388608xi32, #tpu.memory_space<hbm>> -> memref<16384xi32, #tpu.memory_space<hbm>>
    %dma_wait3A_361 = tpu.memref_slice %arg4[%add3A_357] : memref<8388608xi32, #tpu.memory_space<hbm>> -> memref<16384xi32, #tpu.memory_space<hbm>>
    tpu.wait_dma2 semaphore(%arg15 : memref<!tpu.dma_semaphore, #tpu.memory_space<semaphore_mem>>) src(%arg10 : memref<16384xi32, #tpu.memory_space<vmem>>) dst(%dma_wait3A_361 : memref<16384xi32, #tpu.memory_space<hbm>>)
    %add3A_362 = arith.constant 245760 : i32
    %add3A_363 = arith.addi %mul3A_2, %add3A_362 : i32
    %dma_wait3A_364 = tpu.memref_slice %arg3[%add3A_363] : memref<8388608xf32, #tpu.memory_space<hbm>> -> memref<16384xf32, #tpu.memory_space<hbm>>
    %dma_wait3A_365 = tpu.memref_slice %arg3[%add3A_363] : memref<8388608xf32, #tpu.memory_space<hbm>> -> memref<16384xf32, #tpu.memory_space<hbm>>
    tpu.wait_dma2 semaphore(%arg16 : memref<!tpu.dma_semaphore, #tpu.memory_space<semaphore_mem>>) src(%arg9 : memref<16384xf32, #tpu.memory_space<vmem>>) dst(%dma_wait3A_365 : memref<16384xf32, #tpu.memory_space<hbm>>)
    %dma_wait3A_366 = tpu.memref_slice %arg4[%add3A_363] : memref<8388608xi32, #tpu.memory_space<hbm>> -> memref<16384xi32, #tpu.memory_space<hbm>>
    %dma_wait3A_367 = tpu.memref_slice %arg4[%add3A_363] : memref<8388608xi32, #tpu.memory_space<hbm>> -> memref<16384xi32, #tpu.memory_space<hbm>>
    tpu.wait_dma2 semaphore(%arg16 : memref<!tpu.dma_semaphore, #tpu.memory_space<semaphore_mem>>) src(%arg11 : memref<16384xi32, #tpu.memory_space<vmem>>) dst(%dma_wait3A_367 : memref<16384xi32, #tpu.memory_space<hbm>>)
    return
  }
}

</mosaic_0001>

<sc_bundles>
// kernel: _sc_quantize.3.cloned.1.call-start
scs
__scs_entry_jumppad:
0x0: {  	(pc) =	sbr.rel $0x88, $3  }
0x1: {  	(tag) =	ssettag $0x0;
	lr =	simm.s32 $0x1  }
0x2: {  	[smem:$0x3FA0] =	sst lr;
	_ =	strace $0xD0000000  }
0x3: {  	_ = 	snop  }
0x4: {  	_ = 	snop  }
0x5: {  	_ = 	snop  }
0x6: {  	_ = 	snop  }
0x7: {  	_ = 	snop  }
__scs_overlays_trampoline_lowered:
0x8: {  	[smem:$0x3FAF] =	sst s0  }
0x9: {  	[smem:$0x3FB0] =	sst s1  }
0xa: {  	[smem:$0x3FB1] =	sst s2  }
0xb: {  	[smem:$0x3FB2] =	sst s3  }
0xc: {  	[smem:$0x3FB3] =	sst s4  }
0xd: {  	[smem:$0x3FB4] =	sst s5  }
0xe: {  	[smem:$0x3FB5] =	sst s6  }
0xf: {  	[smem:$0x3FB6] =	sst s7  }
0x10: {  	[smem:$0x3FB7] =	sst s8  }
0x11: {  	[smem:$0x3FB8] =	sst s9;
	s0 =	simm.s32 @!p0 $0x0  }
0x12: {  	s1 =	sld [smem:$0x3F9E];
	s0 =	simm.s32 @p0 $0x1  }
0x13: {  	[smem:$0x3FB9] =	sst s0;
	s0 =	simm.s32 @!p1 $0x0  }
0x14: {  	s2 =	sld [smem:$0x3F9D];
	s0 =	simm.s32 @p1 $0x1  }
0x15: {  	[smem:$0x3FBA] =	sst s0;
	s0 =	simm.s32 @!p2 $0x0  }
0x16: {  	s3 =	sld [smem:$0x3FDB];
	s0 =	simm.s32 @p2 $0x1  }
0x17: {  	s4 =	simm.s32 $0x1BF5;
	[smem:$0x3FBC] =	sst s0  }
0x18: {  	s0 =	sld [smem:$0x3F9F];
	_ =	swait.ge [sflag:s4], $0x0  }
0x19: {  	s7 =	sld [smem:$0x3FA0]  }
0x1a: {  	s8 =	sadd.s32 $0xFFFFE003, lr  }
0x1b: {  	s9 =	sadd.s32 $0xFFFFFEF7, lr;
	s5 =	simm.s32 $0xFFFFFFFF;
	p2 =	slt.u32 s8, $0xFFFFF086  }
0x1c: {  	p1 =	slt.u32 s9, $0xF7A;
	s5 =	simm.s32 @!p2 $0x0  }
0x1d: {  	s5 =	simm.s32 @p1 $0x1;
	p0 =	seq.s32 s7, s2  }
0x1e: {  	s7 =	smul.u32 @!p0 $0xF7A, s2;
	p2 =	seq.s32 @!p0 s5, $0x0  }
0x1f: {  	s9 =	smul.u32 $0xF7A, s1;
	s8 =	simm.s32 @!p0 $0x1BF5;
	p2 =	por !p2, p0  }
0x20: {  	[sflag:s8] =	ssyncset.s32 @!p0 $0xFFFFF086;
	s6 =	sadd.s32 @!p0 s3, s7;
	s7 =	simm.s32 @!p0 $0x108  }
0x21: {  	s3 =	sadd.s32 s3, s9;
	s6 =	sadd.s32 @!p0 $0x88, s6;
	s7 =	simm.s32 @p2 $0x1082  }
0x22: {  	[simem:s7], [sflag:s8] =	dma.local @!p0 [hbm:s6], $0xF7A  }
0x23: {  	s9 =	sor.u32 $0xD0000000, s2;
	s6 =	simm.s32 $0x108;
	_ =	swait.ge @!p0 [sflag:s8], $0x0  }
0x24: {  	s3 =	sadd.s32 $0x88, s3;
	s6 =	simm.s32 @!p1 $0x1082;
	[sflag:s4] =	ssyncset.s32 $0xFFFFF086  }
0x25: {  	[simem:s6], [sflag:s4] =	dma.local [hbm:s3], $0xF7A  }
0x26: {  	[smem:$0x3FA0] =	sst s1;
	(tag) =	ssettag s2;
	_ =	strace s9  }
0x27: {  	s1 =	sld [smem:$0x3FB0]  }
0x28: {  	s2 =	sld [smem:$0x3FB1]  }
0x29: {  	s4 =	sld [smem:$0x3FB3]  }
0x2a: {  	p0 =	seq.s32 s5, $0x0;
	s5 =	sld [smem:$0x3FB4]  }
0x2b: {  	s6 =	sld [smem:$0x3FB5]  }
0x2c: {  	s7 =	sld [smem:$0x3FB6]  }
0x2d: {  	s3 =	simm.s32 $0x108;
	s8 =	sld [smem:$0x3FB7]  }
0x2e: {  	s3 =	simm.s32 @!p0 $0x1082;
	s9 =	sld [smem:$0x3FB8]  }
0x2f: {  	lr =	sadd.s32 s0, s3;
	s0 =	sld [smem:$0x3FAF]  }
0x30: {  	s3 =	sld [smem:$0x3FB2]  }
0x31: {  	[smem:$0x3FBB] =	sst s10  }
0x32: {  	s10 =	sld [smem:$0x3FB9];
	_ =	sdelay $0x3  }
0x33: {  	p0 =	seq.s32 s10, $0x1;
	s10 =	sld [smem:$0x3FBB];
	_ =	sdelay $0x3  }
0x34: {  	[smem:$0x3FBB] =	sst s10  }
0x35: {  	s10 =	sld [smem:$0x3FBA];
	_ =	sdelay $0x3  }
0x36: {  	p1 =	seq.s32 s10, $0x1;
	s10 =	sld [smem:$0x3FBB];
	_ =	sdelay $0x3  }
0x37: {  	[smem:$0x3FBB] =	sst s10  }
0x38: {  	s10 =	sld [smem:$0x3FBC]  }
0x39: {  	_ = 	snop;
	(pc) =	sbr.ind lr, $3  }
0x3a: {  	_ = 	snop  }
0x3b: {  	_ = 	snop  }
0x3c: {  	p2 =	seq.s32 s10, $0x1;
	s10 =	sld [smem:$0x3FBB]  }
0x3d: {  	_ =	shalt  }
0x3e: {  	_ =	shalt  }
0x3f: {  	_ =	shalt  }
0x40: {  	_ =	shalt  }
0x41: {  	_ =	shalt  }
0x42: {  	_ =	shalt  }
0x43: {  	_ =	shalt  }
0x44: {  	_ =	shalt  }
0x45: {  	_ =	shalt  }
0x46: {  	_ =	shalt  }
0x47: {  	_ =	shalt  }
0x48: {  	_ =	shalt  }
0x49: {  	_ =	shalt  }
0x4a: {  	_ =	shalt  }
0x4b: {  	_ =	shalt  }
0x4c: {  	_ =	shalt  }
0x4d: {  	_ =	shalt  }
0x4e: {  	_ =	shalt  }
0x4f: {  	_ =	shalt  }
0x50: {  	_ =	shalt  }
0x51: {  	_ =	shalt  }
0x52: {  	_ =	shalt  }
0x53: {  	_ =	shalt  }
0x54: {  	_ =	shalt  }
0x55: {  	_ =	shalt  }
0x56: {  	_ =	shalt  }
0x57: {  	_ =	shalt  }
0x58: {  	_ =	shalt  }
0x59: {  	_ =	shalt  }
0x5a: {  	_ =	shalt  }
0x5b: {  	_ =	shalt  }
0x5c: {  	_ =	shalt  }
0x5d: {  	_ =	shalt  }
0x5e: {  	_ =	shalt  }
0x5f: {  	_ =	shalt  }
0x60: {  	_ =	shalt  }
0x61: {  	_ =	shalt  }
0x62: {  	_ =	shalt  }
0x63: {  	_ =	shalt  }
0x64: {  	_ =	shalt  }
0x65: {  	_ =	shalt  }
0x66: {  	_ =	shalt  }
0x67: {  	_ =	shalt  }
0x68: {  	_ =	shalt  }
0x69: {  	_ =	shalt  }
0x6a: {  	_ =	shalt  }
0x6b: {  	_ =	shalt  }
0x6c: {  	_ =	shalt  }
0x6d: {  	_ =	shalt  }
0x6e: {  	_ =	shalt  }
0x6f: {  	_ =	shalt  }
0x70: {  	_ =	shalt  }
0x71: {  	_ =	shalt  }
0x72: {  	_ =	shalt  }
0x73: {  	_ =	shalt  }
0x74: {  	_ =	shalt  }
0x75: {  	_ =	shalt  }
0x76: {  	_ =	shalt  }
0x77: {  	_ =	shalt  }
0x78: {  	_ =	shalt  }
0x79: {  	_ =	shalt  }
0x7a: {  	_ =	shalt  }
0x7b: {  	_ =	shalt  }
0x7c: {  	_ =	shalt  }
0x7d: {  	_ =	shalt  }
0x7e: {  	_ =	shalt  }
0x7f: {  	_ =	shalt  }
0x80: {  	_ =	shalt  }
0x81: {  	_ =	shalt  }
0x82: {  	_ =	shalt  }
0x83: {  	_ =	shalt  }
0x84: {  	_ =	shalt  }
0x85: {  	_ =	shalt  }
0x86: {  	_ =	shalt  }
0x87: {  	_ =	shalt  }
.Lfunc_end0:
.L_simem_size_0:
called_computation_lowered:
.L_overlay_start_0:
0x88: {  	s2 =	sld [smem:$0x3FD9]  }
0x89: {  	s3 =	sld [smem:$0x3FFE];
	_ =	sdelay $0x1  }
0x8a: {  	s1 =	srdreg.scid  }
0x8b: {  	s0 =	sand.u32 $0x1, s1  }
0x8c: {  	s15 =	sshll.u32 s0, $0xA;
	s2 =	sadd.s32 s3, s2  }
0x8d: {  	s2 =	sadd.s32 s2, s15  }
0x8e: {  	[smem:$0x3FC7] =	sst s2  }
0x8f: {  	_ = 	snop  }
0x90: {  	s2 =	sld [smem:$0x3FD0];
	_ =	sdelay $0x2  }
0x91: {  	s4 =	simm.s32 $0xA;
	s5 =	simm.s32 $0x10;
	s16 =	sld [smem:$0x3FC9]  }
0x92: {  	[smem:s5], [sflag:s4] =	dma.local [hbm:s2], $0x1  }
0x93: {  	_ =	swait.eq [sflag:s4], $0x1  }
0x94: {  	[sflag:s4] =	ssyncset.done $0x0  }
0x95: {  	s17 =	sld [smem:$0x10];
	[sflag:s4] =	ssyncadd.s32 $0xFFFFFFFF  }
0x96: {  	s18 =	sld [smem:$0x11];
	(tm) =	ssettm $0x1  }
0x97: {  	s19 =	sld [smem:$0x3FFB];
	_ =	sdelay $0x3  }
0x98: {  	_ =	strace s19  }
0x99: {  	s5 =	sld [smem:$0x3FFC];
	_ =	sdelay $0x3  }
0x9a: {  	_ =	strace s5  }
0x9b: {  	s5 =	sld [smem:$0x3FFD];
	_ =	sdelay $0x3  }
0x9c: {  	_ =	strace s5  }
0x9d: {  	_ =	strace $0x8FFFFFFF  }
0x9e: {  	s20 =	sld [smem:$0x3FDB];
	_ =	sdelay $0x1  }
0x9f: {  	s6 =	simm.s32 $_scs_section_size  }
0xa0: {  	s7 =	simm.s32 $_size__tile_overlayer_lowered;
	s8 =	simm.s32 $_tile_overlayer_lowered  }
0xa1: {  	s23 =	simm.s32 $0x1BFF;
	s22 =	sshll.u32 s8, $0x1;
	s5 =	sadd.s32 s6, s20  }
0xa2: {  	s9 =	simm.s32 $0x0;
	s21 =	sshll.u32 s7, $0x1;
	s7 =	sadd.s32 s22, s5  }
0xa3: {  	[timem:s9], [sflag:s23] =	dma.local [hbm:s7], s21  }
0xa4: {  	_ =	swait.ge [sflag:s23], s21  }
0xa5: {  	s6 =	ssub.s32 $0x0, s21;
	[sflag:s23] =	ssyncset.done $0x0  }
0xa6: {  	[sflag:s23] =	ssyncadd.s32 s6;
	_ =	sdelay $0x1  }
0xa7: {  	s24 =	simm.s32 $0x1B8B  }
0xa8: {  	_ =	swait.ge [sflag:s24], $0x1  }
0xa9: {  	[sflag:s24] =	ssyncset.done $0x0  }
0xaa: {  	s25 =	simm.s32 $0x1B8E;
	[sflag:s24] =	ssyncadd.s32 $0xFFFFFFFF  }
0xab: {  	s26 =	simm.s32 $execute0_lowered;
	[smem:$0x3FD2] =	sst s25  }
0xac: {  	s6 =	sshll.u32 s26, $0x1;
	_ =	strace $0x80000046;
	[dreg:$0x1] =	wrdreg $0xFFFFFFFF  }
0xad: {  	s28 =	simm.s32 $_size_execute0_lowered;
	s5 =	sadd.s32 s5, s6;
	[dreg:$0x0] =	wrdreg $0x0  }
0xae: {  	s6 =	sshll.u32 s28, $0x1;
	[dreg:$0x2] =	wrdreg s5  }
0xaf: {  	[dreg:$0x3] =	wrdreg s6  }
0xb0: {  	[dreg:$0x4] =	wrdreg $0xC0  }
0xb1: {  	_ =	task [dreg:s9], $0x5FFFF  }
0xb2: {  	[dreg:$0x1] =	wrdreg $0xFFFFFFFF  }
0xb3: {  	[dreg:$0x0] =	wrdreg $0x60  }
0xb4: {  	[dreg:$0x2] =	wrdreg s16  }
0xb5: {  	[dreg:$0x3] =	wrdreg s17  }
0xb6: {  	[dreg:$0x4] =	wrdreg s18  }
0xb7: {  	[dreg:$0x5] =	wrdreg $0x9  }
0xb8: {  	_ =	task.clear_ibuf [dreg:s9], $0x6FFFF;
	_ =	strace $0x90000046  }
0xb9: {  	s29 =	simm.s32 $0x9;
	_ =	strace $0x80000048  }
0xba: {  	_ =	swait.ge [sflag:s29], $0x1  }
0xbb: {  	[sflag:s29] =	ssyncadd.s32 $0xFFFFFFFF  }
0xbc: {  	_ =	strace $0x90000048  }
0xbd: {  	_ =	sfence  }
0xbe: {  	s30 =	sld [smem:$0x0];
	_ =	sdelay $0x2  }
0xbf: {  	s31 =	sshll.u32 s1, $0xD;
	s1 =	sshrl.u32 s1, $0x2  }
0xc0: {  	s3 =	sand.u32 $0x4000, s31;
	s1 =	sadd.s32 s1, s30  }
0xc1: {  	s0 =	sor.u32 s3, s0;
	s1 =	sshll.u32 s1, $0x11  }
0xc2: {  	s0 =	sor.u32 s1, s0  }
0xc3: {  	s0 =	sadd.s32 $0x8F2B, s0  }
0xc4: {  	[sflag:s0] =	ssyncadd.remote.s32 $0x1  }
0xc5: {  	_ =	sfence.sel $0xFFFF  }
0xc6: {  	[dreg:$0x0] =	wrdreg $0xFFFFFFFF;
	(pc) =	sbr.abs _section_cstart, $3  }
0xc7: {  	[dreg:$0x1] =	wrdreg $0xFFFFFFFF  }
0xc8: {  	_ =	task.clear_ibuf [dreg:s9], $0x2FFFF;
	_ =	strace $0x9FFFFFFF  }
0xc9: {  	(tm) =	ssettm $0x7FFFFFFF  }
tec
execute0_lowered:
.L_overlay_start_1:
0x0: {  	(tag) =	ssettag $0x1  }
0x1: {  	s1 =	srdreg.scid  }
0x2: {  	s4 =	sand.u32 $0x1, s1  }
0x3: {  	s3 =	rddreg [dreg:$0x0];
	s7 =	stileid.u32;
	s5 =	ssub.s32 $0x2, s4  }
0x4: {  	s7 =	sshll.u32 s7, $0x10;
	s8 =	sshll.u32 s4, $0xF;
	s6 =	sshrl.u32 s5, $0x1  }
0x5: {  	s0 =	rddreg [dreg:$0x1];
	s4 =	ssub.s32 s5, s6;
	s5 =	sor.u32 s8, s7  }
0x6: {  	s2 =	rddreg [dreg:$0x2];
	s1 =	simm.s32 $0x0;
	s25 =	sor.u32 $0x800, s5  }
0x7: {  	[smem:$0x7FF] =	sst s1;
	s7 =	sor.u32 $0x1000, s5;
	s9 =	sadd.s32 s3, s25  }
0x8: {  	s8 =	sor.u32 $0x1800, s5;
	s26 =	sadd.s32 s3, s7;
	[dreg:$0x4] =	wrdreg s9  }
0x9: {  	s10 =	sadd.s32 s3, s8;
	[dreg:$0x5] =	wrdreg s26  }
0xa: {  	s11 =	sadd.s32 s0, s25;
	[dreg:$0x6] =	wrdreg s10  }
0xb: {  	s12 =	sor.u32 $0x2000, s5;
	s6 =	sadd.s32 s2, s25;
	[dreg:$0x7] =	wrdreg s11  }
0xc: {  	s13 =	sadd.s32 s3, s12;
	[dreg:$0x8] =	wrdreg s6  }
0xd: {  	s14 =	sadd.s32 s0, s7;
	[dreg:$0x9] =	wrdreg s13  }
0xe: {  	s15 =	sor.u32 $0x2800, s5;
	s7 =	sadd.s32 s2, s7;
	[dreg:$0xa] =	wrdreg s14  }
0xf: {  	s17 =	sor.u32 $0x3000, s5;
	s16 =	sadd.s32 s3, s15;
	[dreg:$0xb] =	wrdreg s7  }
0x10: {  	s18 =	sadd.s32 s3, s17;
	[dreg:$0xc] =	wrdreg s16  }
0x11: {  	s19 =	sadd.s32 s0, s12;
	[dreg:$0xf] =	wrdreg s18  }
0x12: {  	s21 =	sadd.s32 s0, s15;
	[dreg:$0x10] =	wrdreg s19  }
0x13: {  	s22 =	sadd.s32 s2, s15;
	[dreg:$0x12] =	wrdreg s21  }
0x14: {  	s20 =	sor.u32 $0x3800, s5;
	s23 =	sadd.s32 s0, s17;
	[dreg:$0x13] =	wrdreg s22  }
0x15: {  	s24 =	sadd.s32 s3, s20;
	[dreg:$0x14] =	wrdreg s23  }
0x16: {  	s10 =	sadd.s32 s0, s8;
	[dreg:$0x16] =	wrdreg s24  }
0x17: {  	s8 =	sadd.s32 s2, s8;
	[dreg:$0xd] =	wrdreg s10  }
0x18: {  	s6 =	sadd.s32 s2, s12;
	[dreg:$0xe] =	wrdreg s8  }
0x19: {  	s7 =	sadd.s32 s2, s17;
	[dreg:$0x11] =	wrdreg s6  }
0x1a: {  	s25 =	sor.u32 $0x4000, s5;
	s26 =	sadd.s32 s0, s20;
	[dreg:$0x15] =	wrdreg s7  }
0x1b: {  	s9 =	sadd.s32 s0, s25;
	[dreg:$0x17] =	wrdreg s26  }
0x1c: {  	s28 =	simm.s32 $0x10000;
	s23 =	sadd.s32 s3, s5;
	[dreg:$0x1a] =	wrdreg s9  }
0x1d: {  	s29 =	simm.s32 $0x18000;
	s24 =	sadd.s32 s0, s5;
	[smem:$0x7FC] =	sst s23  }
0x1e: {  	s30 =	simm.s32 $0x3;
	s6 =	sadd.s32 s2, s20;
	[smem:$0x7FD] =	sst s24  }
0x1f: {  	s31 =	simm.s32 $0x4;
	s8 =	sadd.s32 s3, s25;
	[dreg:$0x18] =	wrdreg s6  }
0x20: {  	s11 =	sor.u32 $0x4800, s5;
	s10 =	sadd.s32 s2, s25;
	[dreg:$0x19] =	wrdreg s8  }
0x21: {  	s13 =	sor.u32 $0x5000, s5;
	s12 =	sadd.s32 s3, s11;
	[dreg:$0x1b] =	wrdreg s10  }
0x22: {  	s16 =	sor.u32 $0x5800, s5;
	s14 =	sadd.s32 s0, s11;
	[dreg:$0x1c] =	wrdreg s12  }
0x23: {  	s15 =	sadd.s32 s3, s13;
	s17 =	sadd.s32 s0, s13;
	[dreg:$0x1d] =	wrdreg s14  }
0x24: {  	s7 =	sadd.s32 s2, s13;
	s18 =	sadd.s32 s3, s16;
	[dreg:$0x1f] =	wrdreg s15  }
0x25: {  	s19 =	sadd.s32 s0, s16;
	s20 =	sor.u32 $0x6000, s5;
	[smem:$0x7F4] =	sst s17  }
0x26: {  	s25 =	sor.u32 $0x6800, s5;
	s26 =	sor.u32 $0x7000, s5;
	[smem:$0x7F5] =	sst s7  }
0x27: {  	s23 =	simm.s32 $0x1;
	s24 =	simm.s32 $0xC000;
	[smem:$0x7F6] =	sst s18  }
0x28: {  	s6 =	sadd.s32 s2, s11;
	[smem:$0x7F7] =	sst s19;
	s21 =	sadd.s32 s3, s20  }
0x29: {  	s22 =	sadd.s32 s0, s20;
	s10 =	sadd.s32 s2, s5;
	s5 =	sor.u32 $0x7800, s5  }
0x2a: {  	s11 =	sadd.s32 s3, s25;
	s12 =	sadd.s32 s3, s26;
	s14 =	sadd.s32 s0, s25  }
0x2b: {  	s15 =	sadd.s32 s2, s25;
	s17 =	sadd.s32 s2, s26;
	[dreg:$0x1e] =	wrdreg s6  }
0x2c: {  	s25 =	simm.s32 $0x14000;
	s6 =	sadd.s32 s2, s16;
	[smem:$0x7F9] =	sst s21  }
0x2d: {  	[smem:$0x7FA] =	sst s22;
	s13 =	sadd.s32 s3, s5;
	s16 =	sadd.s32 s0, s26  }
0x2e: {  	s18 =	sadd.s32 s0, s5;
	s19 =	sadd.s32 s2, s5;
	s21 =	simm.s32 $0x4000  }
0x2f: {  	s22 =	simm.s32 $0x8000;
	[smem:$0x7F8] =	sst s6;
	s6 =	sadd.s32 s2, s20  }
0x30: {  	s26 =	simm.s32 $0x2;
	s0 =	simm.s32 $0x5;
	[smem:$0x7FB] =	sst s6  }
0x31: {  	s20 =	smax.u32 s4, $0x1;
	s2 =	simm.s32 $0x0;
	_ =	strace $0x80000047  }
.LBB2_1:
0x32: {  	s3 =	sld [smem:$0x7FC];
	_ =	sdelay $0x2  }
0x33: {  	[tilespmem:s1], [sflag:$0x1] =	stream.linear.gather [hbm4b:s3+s1], $0x4000, $0x38;
	[tilespmem:$0x1C000] =	vst v63  }
0x34: {  	s7 =	rddreg [dreg:$0x4]  }
0x35: {  	[tilespmem:s21], [sflag:$0x2] =	stream.linear.gather [hbm4b:s7+s1], $0x4000, $0x38;
	[tilespmem:$0x1C000] =	vst v63  }
0x36: {  	s8 =	rddreg [dreg:$0x5]  }
0x37: {  	[tilespmem:s22], [sflag:$0x3] =	stream.linear.gather [hbm4b:s8+s1], $0x4000, $0x38;
	[tilespmem:$0x1C000] =	vst v63  }
0x38: {  	_ =	swait.ge [sflag:s23], $0x4000  }
0x39: {  	[sflag:s23] =	ssyncset.done $0x0  }
0x3a: {  	s9 =	simm.s32 $0x40;
	[sflag:s23] =	ssyncadd.s32 $0xFFFFC000  }
0x3b: {  	v0 =	vld [tilespmem:s9+$0xFFFFFFC0]  }
0x3c: {  	v1 =	vld [tilespmem:s9+$0x20]  }
0x3d: {  	v2 =	vld [tilespmem:s9+$0x30]  }
0x3e: {  	v3 =	vld [tilespmem:s9+$0x0]  }
0x3f: {  	v4 =	vld [tilespmem:s9+$0x10]  }
0x40: {  	v5 =	vld [tilespmem:s9+$0xFFFFFFF0]  }
0x41: {  	v6 =	vld [tilespmem:s9+$0xFFFFFFE0]  }
0x42: {  	s5 =	simm.s32 $0xC0;
	v7 =	vld [tilespmem:s9+$0xFFFFFFD0]  }
0x43: {  	v10 =	vld [tilespmem:s5+$0xFFFFFFC0]  }
0x44: {  	v13 =	vld [tilespmem:s5+$0x20]  }
0x45: {  	v17 =	vld [tilespmem:s5+$0x10];
	v0 =	vadd.f32 $-5.000000000e-01, v0  }
0x46: {  	v1 =	vadd.f32 $-5.000000000e-01, v1;
	v2 =	vadd.f32 $-5.000000000e-01, v2  }
0x47: {  	v3 =	vadd.f32 $-5.000000000e-01, v3;
	v4 =	vadd.f32 $-5.000000000e-01, v4  }
0x48: {  	v5 =	vadd.f32 $-5.000000000e-01, v5;
	v6 =	vadd.f32 $-5.000000000e-01, v6  }
0x49: {  	v7 =	vadd.f32 $-5.000000000e-01, v7;
	v10 =	vadd.f32 $-5.000000000e-01, v10  }
0x4a: {  	v13 =	vadd.f32 $-5.000000000e-01, v13;
	v59 =	vadd.f32 $-5.000000000e-01, v17  }
0x4b: {  	v0 =	vadd.f32 $1.258291200e+07, v0;
	v1 =	vadd.f32 $1.258291200e+07, v1  }
0x4c: {  	v2 =	vadd.f32 $1.258291200e+07, v2;
	v4 =	vadd.f32 $1.258291200e+07, v4  }
0x4d: {  	v6 =	vadd.f32 $1.258291200e+07, v6;
	v5 =	vadd.f32 $1.258291200e+07, v5  }
0x4e: {  	v3 =	vadd.f32 $1.258291200e+07, v3;
	v7 =	vadd.f32 $1.258291200e+07, v7;
	v0 =	vadd.s32 $0xB4C00008, v0  }
0x4f: {  	v1 =	vadd.s32 $0xB4C00008, v1;
	v2 =	vadd.s32 $0xB4C00008, v2;
	v4 =	vadd.s32 $0xB4C00008, v4  }
0x50: {  	v6 =	vadd.s32 $0xB4C00008, v6;
	v5 =	vadd.s32 $0xB4C00008, v5;
	v7 =	vadd.s32 $0xB4C00008, v7  }
0x51: {  	vm0 =	vgt.s32 v0, $0x0;
	vm1 =	vgt.s32 v1, $0x0;
	vm5 =	vgt.s32 v2, $0x0  }
0x52: {  	vm6 =	vgt.s32 v4, $0x0;
	vm7 =	vgt.s32 v6, $0x0;
	v1 =	vnsel vm1, $0x0, v1  }
0x53: {  	vm8 =	vgt.s32 v5, $0x0;
	v2 =	vnsel vm5, $0x0, v2;
	v1 =	vmin.u32 v1, $0xF  }
0x54: {  	v6 =	vnsel vm7, $0x0, v6;
	v2 =	vmin.u32 v2, $0xF;
	v8 =	vcvt.s32.f32 v1  }
0x55: {  	v4 =	vnsel vm6, $0x0, v4;
	v6 =	vmin.u32 v6, $0xF;
	v9 =	vcvt.s32.f32 v2  }
0x56: {  	v4 =	vmin.u32 v4, $0xF;
	v15 =	vcvt.s32.f32 v6;
	v8 =	vadd.f32 $-7.500000000e+00, v8  }
0x57: {  	s4 =	simm.s32 $0xC040;
	vm9 =	vgt.s32 v7, $0x0;
	v12 =	vcvt.s32.f32 v4;
	v9 =	vadd.f32 $-7.500000000e+00, v9  }
0x58: {  	v11 =	vld [tilespmem:s5+$0x30];
	v0 =	vnsel vm0, $0x0, v0;
	v5 =	vnsel vm8, $0x0, v5;
	v15 =	vadd.f32 $-7.500000000e+00, v15;
	[tilespmem:s4+$0x20] =	vst v8  }
0x59: {  	v16 =	vld [tilespmem:s5+$0x0];
	v7 =	vnsel vm9, $0x0, v7;
	v5 =	vmin.u32 v5, $0xF;
	v12 =	vadd.f32 $-7.500000000e+00, v12;
	[tilespmem:s4+$0x30] =	vst v9  }
0x5a: {  	v18 =	vld [tilespmem:s5+$0xFFFFFFF0];
	v0 =	vmin.u32 v0, $0xF;
	v58 =	vmin.u32 v7, $0xF;
	v7 =	vcvt.s32.f32 v5;
	[tilespmem:s4+$0xFFFFFFE0] =	vst v15  }
0x5b: {  	s3 =	simm.s32 $0x14040;
	v13 =	vadd.f32 $1.258291200e+07, v13;
	v3 =	vadd.s32 $0xB4C00008, v3;
	v14 =	vcvt.s32.f32 v0;
	[tilespmem:s4+$0x10] =	vst v12  }
0x5c: {  	vm10 =	vgt.s32 v3, $0x0;
	v7 =	vadd.f32 $-7.500000000e+00, v7;
	[tilespmem:s3+$0x20] =	vst v1;
	v1 =	vadd.f32 $1.258291200e+07, v10  }
0x5d: {  	v3 =	vnsel vm10, $0x0, v3;
	v8 =	vadd.f32 $-7.500000000e+00, v14;
	[tilespmem:s3+$0x30] =	vst v2;
	v2 =	vadd.f32 $-5.000000000e-01, v11  }
0x5e: {  	v9 =	vadd.f32 $-5.000000000e-01, v16;
	v10 =	vld [tilespmem:s5+$0xFFFFFFE0];
	[tilespmem:s3+$0xFFFFFFE0] =	vst v6;
	v6 =	vcvt.s32.f32 v58;
	v1 =	vadd.s32 $0xB4C00008, v1  }
0x5f: {  	v11 =	vadd.f32 $-5.000000000e-01, v18;
	[tilespmem:s4+$0xFFFFFFC0] =	vst v8;
	v2 =	vadd.f32 $1.258291200e+07, v2;
	vm11 =	vgt.s32 v1, $0x0  }
0x60: {  	[tilespmem:s3+$0xFFFFFFC0] =	vst v0;
	v0 =	vadd.f32 $1.258291200e+07, v59;
	v6 =	vadd.f32 $-7.500000000e+00, v6;
	v60 =	vnsel vm11, $0x0, v1  }
0x61: {  	[tilespmem:s3+$0x10] =	vst v4;
	v1 =	vadd.s32 $0xB4C00008, v13;
	v4 =	vadd.s32 $0xB4C00008, v2;
	v2 =	vmin.u32 v3, $0xF  }
0x62: {  	v0 =	vadd.s32 $0xB4C00008, v0;
	[tilespmem:s4+$0xFFFFFFD0] =	vst v6;
	v6 =	vadd.f32 $1.258291200e+07, v11;
	vm12 =	vgt.s32 v1, $0x0  }
0x63: {  	v61 =	vld [tilespmem:s5+$0xFFFFFFD0];
	v10 =	vadd.f32 $-5.000000000e-01, v10;
	vm13 =	vgt.s32 v4, $0x0;
	v1 =	vnsel vm12, $0x0, v1  }
0x64: {  	[tilespmem:s4+$0xFFFFFFF0] =	vst v7;
	v8 =	vcvt.s32.f32 v2;
	vm14 =	vgt.s32 v0, $0x0;
	v3 =	vmin.u32 v1, $0xF  }
0x65: {  	[tilespmem:s3+$0xFFFFFFF0] =	vst v5;
	v1 =	vnsel vm13, $0x0, v4;
	v5 =	vadd.f32 $1.258291200e+07, v10;
	v4 =	vcvt.s32.f32 v3  }
0x66: {  	v7 =	vnsel vm14, $0x0, v0;
	v8 =	vadd.f32 $-7.500000000e+00, v8;
	v1 =	vmin.u32 v1, $0xF  }
0x67: {  	[tilespmem:s3+$0xFFFFFFD0] =	vst v58;
	v10 =	vcvt.s32.f32 v1;
	v63 =	vadd.s32 $0xB4C00008, v5;
	v62 =	vadd.f32 $-7.500000000e+00, v4  }
0x68: {  	s6 =	simm.s32 $0x80;
	s7 =	simm.s32 $0xC0C0;
	s8 =	simm.s32 $0x140C0;
	v0 =	vmin.u32 v60, $0xF;
	[tilespmem:s4+$0x0] =	vst v8;
	v8 =	vadd.f32 $-5.000000000e-01, v61;
	vm15 =	vgt.s32 v63, $0x0  }
0x69: {  	s9 =	simm.s32 $0x140;
	s5 =	simm.s32 $0xC0C0;
	s4 =	simm.s32 $0x140C0;
	v4 =	vadd.f32 $1.258291200e+07, v9;
	v5 =	vadd.f32 $-7.500000000e+00, v10;
	v9 =	vnsel vm15, $0x0, v63;
	[tilespmem:s7+$0x20] =	vst v62  }
.LBB2_2:
0x6a: {  	v10 =	vld [tilespmem:s9+$0xFFFFFFC0];
	s6 =	sadd.s32 $0x80, s6;
	v7 =	vmin.u32 v7, $0xF;
	s7 =	sadd.s32 $0x80, s7;
	s8 =	sadd.s32 $0x80, s8;
	[tilespmem:s3+$0x0] =	vst v2  }
0x6b: {  	v9 =	vmin.u32 v9, $0xF;
	s3 =	smov.u32 s4;
	v2 =	vld [tilespmem:s9+$0x30];
	p0 =	slt.u32 s6, $0x3F80;
	v8 =	vadd.f32 $1.258291200e+07, v8;
	v11 =	vcvt.s32.f32 v7;
	[tilespmem:s4+$0x20] =	vst v3;
	s4 =	smov.u32 s8  }
0x6c: {  	v12 =	vcvt.s32.f32 v0;
	v6 =	vadd.s32 $0xB4C00008, v6;
	v13 =	vcvt.s32.f32 v9;
	v3 =	vld [tilespmem:s9+$0x20];
	[tilespmem:s5+$0x30] =	vst v5  }
0x6d: {  	v4 =	vadd.s32 $0xB4C00008, v4;
	vm0 =	vgt.s32 v6, $0x0;
	v5 =	vld [tilespmem:s9+$0x0];
	v8 =	vadd.s32 $0xB4C00008, v8;
	[tilespmem:s3+$0x30] =	vst v1  }
0x6e: {  	v6 =	vnsel vm0, $0x0, v6;
	v13 =	vadd.f32 $-7.500000000e+00, v13;
	v1 =	vld [tilespmem:s9+$0x10];
	vm1 =	vgt.s32 v8, $0x0  }
0x6f: {  	v6 =	vmin.u32 v6, $0xF;
	v10 =	vadd.f32 $-5.000000000e-01, v10;
	v14 =	vld [tilespmem:s9+$0xFFFFFFF0];
	v8 =	vnsel vm1, $0x0, v8  }
0x70: {  	v12 =	vadd.f32 $-7.500000000e+00, v12;
	vm0 =	vgt.s32 v4, $0x0;
	v11 =	vadd.f32 $-7.500000000e+00, v11;
	v15 =	vld [tilespmem:s9+$0xFFFFFFD0];
	[tilespmem:s5+$0xFFFFFFE0] =	vst v13  }
0x71: {  	v8 =	vmin.u32 v8, $0xF;
	v10 =	vadd.f32 $1.258291200e+07, v10;
	v13 =	vld [tilespmem:s9+$0xFFFFFFE0];
	[tilespmem:s3+$0xFFFFFFE0] =	vst v9;
	v9 =	vcvt.s32.f32 v6  }
0x72: {  	v4 =	vnsel vm0, $0x0, v4;
	v3 =	vadd.f32 $-5.000000000e-01, v3;
	v16 =	vadd.f32 $-5.000000000e-01, v5;
	[tilespmem:s5+$0x10] =	vst v11  }
0x73: {  	v2 =	vadd.f32 $-5.000000000e-01, v2;
	v5 =	vadd.s32 $0xB4C00008, v10;
	v1 =	vadd.f32 $-5.000000000e-01, v1;
	[tilespmem:s3+$0x10] =	vst v7  }
0x74: {  	v3 =	vadd.f32 $1.258291200e+07, v3;
	vm0 =	vgt.s32 v5, $0x0;
	v10 =	vadd.f32 $-5.000000000e-01, v14;
	[tilespmem:s5+$0xFFFFFFC0] =	vst v12  }
0x75: {  	v2 =	vadd.f32 $1.258291200e+07, v2;
	v7 =	vadd.f32 $-7.500000000e+00, v9;
	[tilespmem:s3+$0xFFFFFFC0] =	vst v0;
	v0 =	vcvt.s32.f32 v8  }
0x76: {  	v9 =	vnsel vm0, $0x0, v5;
	v3 =	vadd.s32 $0xB4C00008, v3;
	v5 =	vadd.f32 $-5.000000000e-01, v13  }
0x77: {  	v11 =	vadd.s32 $0xB4C00008, v2;
	v2 =	vmin.u32 v4, $0xF;
	vm0 =	vgt.s32 v3, $0x0;
	[tilespmem:s5+$0xFFFFFFF0] =	vst v7  }
0x78: {  	v4 =	vcvt.s32.f32 v2;
	v3 =	vnsel vm0, $0x0, v3;
	vm0 =	vgt.s32 v11, $0x0;
	[tilespmem:s3+$0xFFFFFFF0] =	vst v6  }
0x79: {  	v6 =	vadd.f32 $1.258291200e+07, v1;
	v3 =	vmin.u32 v3, $0xF;
	v1 =	vnsel vm0, $0x0, v11  }
0x7a: {  	v0 =	vadd.f32 $-7.500000000e+00, v0;
	v7 =	vcvt.s32.f32 v3;
	v1 =	vmin.u32 v1, $0xF  }
.Ltmp0:
0x7b: {  	v5 =	vadd.f32 $1.258291200e+07, v5;
	v6 =	vadd.s32 $0xB4C00008, v6;
	v11 =	vcvt.s32.f32 v1;
	(pc) =	sbr.rel @p0 .LBB2_2-.Ltmp0, $4  }
0x7c: {  	vm0 =	vgt.s32 v6, $0x0;
	v12 =	vadd.f32 $-7.500000000e+00, v7;
	[tilespmem:s5+$0xFFFFFFD0] =	vst v0;
	v0 =	vadd.f32 $-7.500000000e+00, v4  }
0x7d: {  	v13 =	vadd.s32 $0xB4C00008, v5;
	v7 =	vnsel vm0, $0x0, v6;
	v5 =	vadd.f32 $-7.500000000e+00, v11;
	[tilespmem:s3+$0xFFFFFFD0] =	vst v8  }
0x7e: {  	vm0 =	vgt.s32 v13, $0x0;
	v6 =	vadd.f32 $1.258291200e+07, v10;
	v4 =	vadd.f32 $1.258291200e+07, v16;
	[tilespmem:s5+$0x0] =	vst v0;
	s5 =	smov.u32 s7  }
0x7f: {  	s9 =	sadd.s32 $0x80, s9;
	v8 =	vadd.f32 $-5.000000000e-01, v15;
	v0 =	vmin.u32 v9, $0xF;
	v9 =	vnsel vm0, $0x0, v13;
	[tilespmem:s7+$0x20] =	vst v12  }
0x80: {  	v9 =	vmin.u32 v9, $0xF;
	[tilespmem:s5+$0x30] =	vst v5;
	v5 =	vcvt.s32.f32 v0  }
0x81: {  	[tilespmem:s3+$0x0] =	vst v2;
	v7 =	vmin.u32 v7, $0xF;
	v2 =	vcvt.s32.f32 v9;
	v8 =	vadd.f32 $1.258291200e+07, v8  }
0x82: {  	[tilespmem:s4+$0x20] =	vst v3;
	v6 =	vadd.s32 $0xB4C00008, v6;
	v3 =	vcvt.s32.f32 v7;
	v5 =	vadd.f32 $-7.500000000e+00, v5  }
0x83: {  	vm0 =	vgt.s32 v6, $0x0;
	[tilespmem:s4+$0x30] =	vst v1;
	v2 =	vadd.f32 $-7.500000000e+00, v2;
	v1 =	vadd.s32 $0xB4C00008, v8  }
0x84: {  	v6 =	vnsel vm0, $0x0, v6;
	vm14 =	vgt.s32 v1, $0x0;
	[tilespmem:s5+$0xFFFFFFC0] =	vst v5  }
0x85: {  	[tilespmem:s5+$0xFFFFFFE0] =	vst v2;
	v2 =	vadd.f32 $-7.500000000e+00, v3;
	v3 =	vadd.s32 $0xB4C00008, v4;
	v4 =	vmin.u32 v6, $0xF  }
0x86: {  	v1 =	vnsel vm14, $0x0, v1;
	[tilespmem:s4+$0xFFFFFFC0] =	vst v0;
	v6 =	vcvt.s32.f32 v4  }
0x87: {  	[tilespmem:s4+$0xFFFFFFE0] =	vst v9;
	vm15 =	vgt.s32 v3, $0x0;
	v1 =	vmin.u32 v1, $0xF  }
0x88: {  	[tilespmem:s5+$0x10] =	vst v2;
	v2 =	vnsel vm15, $0x0, v3;
	v3 =	vcvt.s32.f32 v1;
	v5 =	vadd.f32 $-7.500000000e+00, v6  }
0x89: {  	[tilespmem:s4+$0x10] =	vst v7;
	v0 =	vmin.u32 v2, $0xF  }
0x8a: {  	v2 =	vcvt.s32.f32 v0;
	v3 =	vadd.f32 $-7.500000000e+00, v3;
	[tilespmem:s5+$0xFFFFFFF0] =	vst v5  }
0x8b: {  	[tilespmem:s4+$0xFFFFFFF0] =	vst v4  }
0x8c: {  	[tilespmem:s5+$0xFFFFFFD0] =	vst v3;
	v2 =	vadd.f32 $-7.500000000e+00, v2  }
0x8d: {  	[tilespmem:s4+$0xFFFFFFD0] =	vst v1  }
0x8e: {  	[tilespmem:s5+$0x0] =	vst v2  }
0x8f: {  	[tilespmem:s4+$0x0] =	vst v0  }
0x90: {  	s3 =	sld [smem:$0x7FD];
	_ =	sdelay $0x2  }
0x91: {  	[hbm4b:s3+s1] =	stream.linear.scatter [tilespmem:s24], [sflag:$0x4], $0x4000, $0x38;
	[tilespmem:$0x1C000] =	vst v63  }
0x92: {  	_ = 	snop  }
0x93: {  	[hbm4b:s10+s1] =	stream.linear.scatter [tilespmem:s25], [sflag:$0x4], $0x4000, $0x38;
	[tilespmem:$0x1C000] =	vst v63  }
0x94: {  	s6 =	rddreg [dreg:$0x6]  }
0x95: {  	[tilespmem:s1], [sflag:$0x1] =	stream.linear.gather [hbm4b:s6+s1], $0x4000, $0x38;
	[tilespmem:$0x1C000] =	vst v63  }
0x96: {  	_ =	swait.ge [sflag:s26], $0x4000  }
0x97: {  	[sflag:s26] =	ssyncset.done $0x0  }
0x98: {  	s7 =	simm.s32 $0x4040;
	[sflag:s26] =	ssyncadd.s32 $0xFFFFC000  }
0x99: {  	v0 =	vld [tilespmem:s7+$0xFFFFFFC0]  }
0x9a: {  	v1 =	vld [tilespmem:s7+$0x20]  }
0x9b: {  	v2 =	vld [tilespmem:s7+$0x30]  }
0x9c: {  	v3 =	vld [tilespmem:s7+$0x0]  }
0x9d: {  	v4 =	vld [tilespmem:s7+$0x10]  }
0x9e: {  	v5 =	vld [tilespmem:s7+$0xFFFFFFF0]  }
0x9f: {  	v6 =	vld [tilespmem:s7+$0xFFFFFFE0]  }
0xa0: {  	s8 =	simm.s32 $0x40C0;
	v7 =	vld [tilespmem:s7+$0xFFFFFFD0]  }
0xa1: {  	v10 =	vld [tilespmem:s8+$0xFFFFFFC0]  }
0xa2: {  	v13 =	vld [tilespmem:s8+$0x20]  }
0xa3: {  	v17 =	vld [tilespmem:s8+$0x10];
	v0 =	vadd.f32 $-5.000000000e-01, v0  }
0xa4: {  	v1 =	vadd.f32 $-5.000000000e-01, v1;
	v2 =	vadd.f32 $-5.000000000e-01, v2  }
0xa5: {  	v3 =	vadd.f32 $-5.000000000e-01, v3;
	v4 =	vadd.f32 $-5.000000000e-01, v4  }
0xa6: {  	v5 =	vadd.f32 $-5.000000000e-01, v5;
	v6 =	vadd.f32 $-5.000000000e-01, v6  }
0xa7: {  	v7 =	vadd.f32 $-5.000000000e-01, v7;
	v10 =	vadd.f32 $-5.000000000e-01, v10  }
0xa8: {  	v13 =	vadd.f32 $-5.000000000e-01, v13;
	v59 =	vadd.f32 $-5.000000000e-01, v17  }
0xa9: {  	v0 =	vadd.f32 $1.258291200e+07, v0;
	v1 =	vadd.f32 $1.258291200e+07, v1  }
0xaa: {  	v2 =	vadd.f32 $1.258291200e+07, v2;
	v4 =	vadd.f32 $1.258291200e+07, v4  }
0xab: {  	v6 =	vadd.f32 $1.258291200e+07, v6;
	v5 =	vadd.f32 $1.258291200e+07, v5  }
0xac: {  	v3 =	vadd.f32 $1.258291200e+07, v3;
	v7 =	vadd.f32 $1.258291200e+07, v7;
	v0 =	vadd.s32 $0xB4C00008, v0  }
0xad: {  	v1 =	vadd.s32 $0xB4C00008, v1;
	v2 =	vadd.s32 $0xB4C00008, v2;
	v4 =	vadd.s32 $0xB4C00008, v4  }
0xae: {  	v6 =	vadd.s32 $0xB4C00008, v6;
	v5 =	vadd.s32 $0xB4C00008, v5;
	v7 =	vadd.s32 $0xB4C00008, v7  }
0xaf: {  	vm4 =	vgt.s32 v0, $0x0;
	vm1 =	vgt.s32 v1, $0x0;
	vm5 =	vgt.s32 v2, $0x0  }
0xb0: {  	vm6 =	vgt.s32 v4, $0x0;
	vm7 =	vgt.s32 v6, $0x0;
	v1 =	vnsel vm1, $0x0, v1  }
0xb1: {  	vm8 =	vgt.s32 v5, $0x0;
	v2 =	vnsel vm5, $0x0, v2;
	v1 =	vmin.u32 v1, $0xF  }
0xb2: {  	v6 =	vnsel vm7, $0x0, v6;
	v2 =	vmin.u32 v2, $0xF;
	v8 =	vcvt.s32.f32 v1  }
0xb3: {  	v4 =	vnsel vm6, $0x0, v4;
	v6 =	vmin.u32 v6, $0xF;
	v9 =	vcvt.s32.f32 v2  }
0xb4: {  	v4 =	vmin.u32 v4, $0xF;
	v15 =	vcvt.s32.f32 v6;
	v8 =	vadd.f32 $-7.500000000e+00, v8  }
0xb5: {  	s9 =	simm.s32 $0x10040;
	vm9 =	vgt.s32 v7, $0x0;
	v12 =	vcvt.s32.f32 v4;
	v9 =	vadd.f32 $-7.500000000e+00, v9  }
0xb6: {  	v11 =	vld [tilespmem:s8+$0x30];
	v0 =	vnsel vm4, $0x0, v0;
	v5 =	vnsel vm8, $0x0, v5;
	v15 =	vadd.f32 $-7.500000000e+00, v15;
	[tilespmem:s9+$0x20] =	vst v8  }
0xb7: {  	v16 =	vld [tilespmem:s8+$0x0];
	v7 =	vnsel vm9, $0x0, v7;
	v5 =	vmin.u32 v5, $0xF;
	v12 =	vadd.f32 $-7.500000000e+00, v12;
	[tilespmem:s9+$0x30] =	vst v9  }
0xb8: {  	v18 =	vld [tilespmem:s8+$0xFFFFFFF0];
	v0 =	vmin.u32 v0, $0xF;
	v58 =	vmin.u32 v7, $0xF;
	v7 =	vcvt.s32.f32 v5;
	[tilespmem:s9+$0xFFFFFFE0] =	vst v15  }
0xb9: {  	s3 =	simm.s32 $0x18040;
	v13 =	vadd.f32 $1.258291200e+07, v13;
	v3 =	vadd.s32 $0xB4C00008, v3;
	v14 =	vcvt.s32.f32 v0;
	[tilespmem:s9+$0x10] =	vst v12  }
0xba: {  	vm10 =	vgt.s32 v3, $0x0;
	v7 =	vadd.f32 $-7.500000000e+00, v7;
	[tilespmem:s3+$0x20] =	vst v1;
	v1 =	vadd.f32 $1.258291200e+07, v10  }
0xbb: {  	v3 =	vnsel vm10, $0x0, v3;
	v8 =	vadd.f32 $-7.500000000e+00, v14;
	[tilespmem:s3+$0x30] =	vst v2;
	v2 =	vadd.f32 $-5.000000000e-01, v11  }
0xbc: {  	v9 =	vadd.f32 $-5.000000000e-01, v16;
	v10 =	vld [tilespmem:s8+$0xFFFFFFE0];
	[tilespmem:s3+$0xFFFFFFE0] =	vst v6;
	v6 =	vcvt.s32.f32 v58;
	v1 =	vadd.s32 $0xB4C00008, v1  }
0xbd: {  	v11 =	vadd.f32 $-5.000000000e-01, v18;
	[tilespmem:s9+$0xFFFFFFC0] =	vst v8;
	v2 =	vadd.f32 $1.258291200e+07, v2;
	vm11 =	vgt.s32 v1, $0x0  }
0xbe: {  	[tilespmem:s3+$0xFFFFFFC0] =	vst v0;
	v0 =	vadd.f32 $1.258291200e+07, v59;
	v6 =	vadd.f32 $-7.500000000e+00, v6;
	v60 =	vnsel vm11, $0x0, v1  }
0xbf: {  	[tilespmem:s3+$0x10] =	vst v4;
	v1 =	vadd.s32 $0xB4C00008, v13;
	v4 =	vadd.s32 $0xB4C00008, v2;
	v2 =	vmin.u32 v3, $0xF  }
0xc0: {  	v0 =	vadd.s32 $0xB4C00008, v0;
	[tilespmem:s9+$0xFFFFFFD0] =	vst v6;
	v6 =	vadd.f32 $1.258291200e+07, v11;
	vm12 =	vgt.s32 v1, $0x0  }
0xc1: {  	v61 =	vld [tilespmem:s8+$0xFFFFFFD0];
	v10 =	vadd.f32 $-5.000000000e-01, v10;
	vm13 =	vgt.s32 v4, $0x0;
	v1 =	vnsel vm12, $0x0, v1  }
0xc2: {  	[tilespmem:s9+$0xFFFFFFF0] =	vst v7;
	v8 =	vcvt.s32.f32 v2;
	vm14 =	vgt.s32 v0, $0x0;
	v3 =	vmin.u32 v1, $0xF  }
0xc3: {  	[tilespmem:s3+$0xFFFFFFF0] =	vst v5;
	v1 =	vnsel vm13, $0x0, v4;
	v5 =	vadd.f32 $1.258291200e+07, v10;
	v4 =	vcvt.s32.f32 v3  }
0xc4: {  	v7 =	vnsel vm14, $0x0, v0;
	v8 =	vadd.f32 $-7.500000000e+00, v8;
	v1 =	vmin.u32 v1, $0xF  }
0xc5: {  	[tilespmem:s3+$0xFFFFFFD0] =	vst v58;
	v10 =	vcvt.s32.f32 v1;
	v63 =	vadd.s32 $0xB4C00008, v5;
	v62 =	vadd.f32 $-7.500000000e+00, v4  }
0xc6: {  	s5 =	simm.s32 $0x100C0;
	s4 =	simm.s32 $0x180C0;
	s7 =	simm.s32 $0x100C0;
	v0 =	vmin.u32 v60, $0xF;
	[tilespmem:s9+$0x0] =	vst v8;
	v8 =	vadd.f32 $-5.000000000e-01, v61;
	vm15 =	vgt.s32 v63, $0x0  }
0xc7: {  	s6 =	simm.s32 $0x80;
	s8 =	simm.s32 $0x180C0;
	s9 =	simm.s32 $0x4140;
	v4 =	vadd.f32 $1.258291200e+07, v9;
	v5 =	vadd.f32 $-7.500000000e+00, v10;
	v9 =	vnsel vm15, $0x0, v63;
	[tilespmem:s7+$0x20] =	vst v62  }
.LBB2_4:
0xc8: {  	v10 =	vld [tilespmem:s9+$0xFFFFFFC0];
	s6 =	sadd.s32 $0x80, s6;
	v7 =	vmin.u32 v7, $0xF;
	s7 =	sadd.s32 $0x80, s7;
	s8 =	sadd.s32 $0x80, s8;
	[tilespmem:s3+$0x0] =	vst v2  }
0xc9: {  	v9 =	vmin.u32 v9, $0xF;
	s3 =	smov.u32 s4;
	v2 =	vld [tilespmem:s9+$0x30];
	p0 =	slt.u32 s6, $0x3F80;
	v8 =	vadd.f32 $1.258291200e+07, v8;
	v11 =	vcvt.s32.f32 v7;
	[tilespmem:s4+$0x20] =	vst v3;
	s4 =	smov.u32 s8  }
0xca: {  	v12 =	vcvt.s32.f32 v0;
	v6 =	vadd.s32 $0xB4C00008, v6;
	v13 =	vcvt.s32.f32 v9;
	v3 =	vld [tilespmem:s9+$0x20];
	[tilespmem:s5+$0x30] =	vst v5  }
0xcb: {  	v4 =	vadd.s32 $0xB4C00008, v4;
	vm0 =	vgt.s32 v6, $0x0;
	v5 =	vld [tilespmem:s9+$0x0];
	v8 =	vadd.s32 $0xB4C00008, v8;
	[tilespmem:s3+$0x30] =	vst v1  }
0xcc: {  	v6 =	vnsel vm0, $0x0, v6;
	v13 =	vadd.f32 $-7.500000000e+00, v13;
	v1 =	vld [tilespmem:s9+$0x10];
	vm1 =	vgt.s32 v8, $0x0  }
0xcd: {  	v6 =	vmin.u32 v6, $0xF;
	v10 =	vadd.f32 $-5.000000000e-01, v10;
	v14 =	vld [tilespmem:s9+$0xFFFFFFF0];
	v8 =	vnsel vm1, $0x0, v8  }
0xce: {  	v12 =	vadd.f32 $-7.500000000e+00, v12;
	vm0 =	vgt.s32 v4, $0x0;
	v11 =	vadd.f32 $-7.500000000e+00, v11;
	v15 =	vld [tilespmem:s9+$0xFFFFFFD0];
	[tilespmem:s5+$0xFFFFFFE0] =	vst v13  }
0xcf: {  	v8 =	vmin.u32 v8, $0xF;
	v10 =	vadd.f32 $1.258291200e+07, v10;
	v13 =	vld [tilespmem:s9+$0xFFFFFFE0];
	[tilespmem:s3+$0xFFFFFFE0] =	vst v9;
	v9 =	vcvt.s32.f32 v6  }
0xd0: {  	v4 =	vnsel vm0, $0x0, v4;
	v3 =	vadd.f32 $-5.000000000e-01, v3;
	v16 =	vadd.f32 $-5.000000000e-01, v5;
	[tilespmem:s5+$0x10] =	vst v11  }
0xd1: {  	v2 =	vadd.f32 $-5.000000000e-01, v2;
	v5 =	vadd.s32 $0xB4C00008, v10;
	v1 =	vadd.f32 $-5.000000000e-01, v1;
	[tilespmem:s3+$0x10] =	vst v7  }
0xd2: {  	v3 =	vadd.f32 $1.258291200e+07, v3;
	vm0 =	vgt.s32 v5, $0x0;
	v10 =	vadd.f32 $-5.000000000e-01, v14;
	[tilespmem:s5+$0xFFFFFFC0] =	vst v12  }
0xd3: {  	v2 =	vadd.f32 $1.258291200e+07, v2;
	v7 =	vadd.f32 $-7.500000000e+00, v9;
	[tilespmem:s3+$0xFFFFFFC0] =	vst v0;
	v0 =	vcvt.s32.f32 v8  }
0xd4: {  	v9 =	vnsel vm0, $0x0, v5;
	v3 =	vadd.s32 $0xB4C00008, v3;
	v5 =	vadd.f32 $-5.000000000e-01, v13  }
0xd5: {  	v11 =	vadd.s32 $0xB4C00008, v2;
	v2 =	vmin.u32 v4, $0xF;
	vm0 =	vgt.s32 v3, $0x0;
	[tilespmem:s5+$0xFFFFFFF0] =	vst v7  }
0xd6: {  	v4 =	vcvt.s32.f32 v2;
	v3 =	vnsel vm0, $0x0, v3;
	vm0 =	vgt.s32 v11, $0x0;
	[tilespmem:s3+$0xFFFFFFF0] =	vst v6  }
0xd7: {  	v6 =	vadd.f32 $1.258291200e+07, v1;
	v3 =	vmin.u32 v3, $0xF;
	v1 =	vnsel vm0, $0x0, v11  }
0xd8: {  	v0 =	vadd.f32 $-7.500000000e+00, v0;
	v7 =	vcvt.s32.f32 v3;
	v1 =	vmin.u32 v1, $0xF  }
.Ltmp1:
0xd9: {  	v5 =	vadd.f32 $1.258291200e+07, v5;
	v6 =	vadd.s32 $0xB4C00008, v6;
	v11 =	vcvt.s32.f32 v1;
	(pc) =	sbr.rel @p0 .LBB2_4-.Ltmp1, $4  }
0xda: {  	vm0 =	vgt.s32 v6, $0x0;
	v12 =	vadd.f32 $-7.500000000e+00, v7;
	[tilespmem:s5+$0xFFFFFFD0] =	vst v0;
	v0 =	vadd.f32 $-7.500000000e+00, v4  }
0xdb: {  	v13 =	vadd.s32 $0xB4C00008, v5;
	v7 =	vnsel vm0, $0x0, v6;
	v5 =	vadd.f32 $-7.500000000e+00, v11;
	[tilespmem:s3+$0xFFFFFFD0] =	vst v8  }
0xdc: {  	vm0 =	vgt.s32 v13, $0x0;
	v6 =	vadd.f32 $1.258291200e+07, v10;
	v4 =	vadd.f32 $1.258291200e+07, v16;
	[tilespmem:s5+$0x0] =	vst v0;
	s5 =	smov.u32 s7  }
0xdd: {  	s9 =	sadd.s32 $0x80, s9;
	v8 =	vadd.f32 $-5.000000000e-01, v15;
	v0 =	vmin.u32 v9, $0xF;
	v9 =	vnsel vm0, $0x0, v13;
	[tilespmem:s7+$0x20] =	vst v12  }
0xde: {  	v9 =	vmin.u32 v9, $0xF;
	[tilespmem:s5+$0x30] =	vst v5;
	v5 =	vcvt.s32.f32 v0  }
0xdf: {  	[tilespmem:s3+$0x0] =	vst v2;
	v7 =	vmin.u32 v7, $0xF;
	v2 =	vcvt.s32.f32 v9;
	v8 =	vadd.f32 $1.258291200e+07, v8  }
0xe0: {  	[tilespmem:s4+$0x20] =	vst v3;
	v6 =	vadd.s32 $0xB4C00008, v6;
	v3 =	vcvt.s32.f32 v7;
	v5 =	vadd.f32 $-7.500000000e+00, v5  }
0xe1: {  	vm0 =	vgt.s32 v6, $0x0;
	[tilespmem:s4+$0x30] =	vst v1;
	v2 =	vadd.f32 $-7.500000000e+00, v2;
	v1 =	vadd.s32 $0xB4C00008, v8  }
0xe2: {  	v6 =	vnsel vm0, $0x0, v6;
	vm14 =	vgt.s32 v1, $0x0;
	[tilespmem:s5+$0xFFFFFFC0] =	vst v5  }
0xe3: {  	[tilespmem:s5+$0xFFFFFFE0] =	vst v2;
	v2 =	vadd.f32 $-7.500000000e+00, v3;
	v3 =	vadd.s32 $0xB4C00008, v4;
	v4 =	vmin.u32 v6, $0xF  }
0xe4: {  	v1 =	vnsel vm14, $0x0, v1;
	[tilespmem:s4+$0xFFFFFFC0] =	vst v0;
	v6 =	vcvt.s32.f32 v4  }
0xe5: {  	[tilespmem:s4+$0xFFFFFFE0] =	vst v9;
	vm15 =	vgt.s32 v3, $0x0;
	v1 =	vmin.u32 v1, $0xF  }
0xe6: {  	[tilespmem:s5+$0x10] =	vst v2;
	v2 =	vnsel vm15, $0x0, v3;
	v3 =	vcvt.s32.f32 v1;
	v5 =	vadd.f32 $-7.500000000e+00, v6  }
0xe7: {  	[tilespmem:s4+$0x10] =	vst v7;
	v0 =	vmin.u32 v2, $0xF  }
0xe8: {  	v2 =	vcvt.s32.f32 v0;
	v3 =	vadd.f32 $-7.500000000e+00, v3;
	[tilespmem:s5+$0xFFFFFFF0] =	vst v5  }
0xe9: {  	[tilespmem:s4+$0xFFFFFFF0] =	vst v4  }
0xea: {  	[tilespmem:s5+$0xFFFFFFD0] =	vst v3;
	v2 =	vadd.f32 $-7.500000000e+00, v2  }
0xeb: {  	[tilespmem:s4+$0xFFFFFFD0] =	vst v1  }
0xec: {  	[tilespmem:s5+$0x0] =	vst v2  }
0xed: {  	[tilespmem:s4+$0x0] =	vst v0  }
0xee: {  	s3 =	rddreg [dreg:$0x7]  }
0xef: {  	[hbm4b:s3+s1] =	stream.linear.scatter [tilespmem:s28], [sflag:$0x5], $0x4000, $0x38;
	[tilespmem:$0x1C000] =	vst v63  }
0xf0: {  	s5 =	rddreg [dreg:$0x8]  }
0xf1: {  	[hbm4b:s5+s1] =	stream.linear.scatter [tilespmem:s29], [sflag:$0x5], $0x4000, $0x38;
	[tilespmem:$0x1C000] =	vst v63  }
0xf2: {  	s6 =	rddreg [dreg:$0x9]  }
0xf3: {  	[tilespmem:s21], [sflag:$0x2] =	stream.linear.gather [hbm4b:s6+s1], $0x4000, $0x38;
	[tilespmem:$0x1C000] =	vst v63  }
0xf4: {  	_ =	swait.ge [sflag:s30], $0x4000  }
0xf5: {  	[sflag:s30] =	ssyncset.done $0x0  }
0xf6: {  	[sflag:s30] =	ssyncadd.s32 $0xFFFFC000  }
0xf7: {  	_ =	swait.ge [sflag:s31], $0x4000  }
0xf8: {  	[sflag:s31] =	ssyncset.done $0x0  }
0xf9: {  	[sflag:s31] =	ssyncadd.s32 $0xFFFFC000  }
0xfa: {  	_ =	swait.ge [sflag:s31], $0x4000  }
0xfb: {  	[sflag:s31] =	ssyncset.done $0x0  }
0xfc: {  	s7 =	simm.s32 $0x8040;
	[sflag:s31] =	ssyncadd.s32 $0xFFFFC000  }
0xfd: {  	v0 =	vld [tilespmem:s7+$0xFFFFFFC0]  }
0xfe: {  	v1 =	vld [tilespmem:s7+$0x20]  }
0xff: {  	v2 =	vld [tilespmem:s7+$0x30]  }
0x100: {  	v3 =	vld [tilespmem:s7+$0x0]  }
0x101: {  	v4 =	vld [tilespmem:s7+$0x10]  }
0x102: {  	v5 =	vld [tilespmem:s7+$0xFFFFFFF0]  }
0x103: {  	v6 =	vld [tilespmem:s7+$0xFFFFFFE0]  }
0x104: {  	s8 =	simm.s32 $0x80C0;
	v7 =	vld [tilespmem:s7+$0xFFFFFFD0]  }
0x105: {  	v10 =	vld [tilespmem:s8+$0xFFFFFFC0]  }
0x106: {  	v13 =	vld [tilespmem:s8+$0x20]  }
0x107: {  	v17 =	vld [tilespmem:s8+$0x10];
	v0 =	vadd.f32 $-5.000000000e-01, v0  }
0x108: {  	v1 =	vadd.f32 $-5.000000000e-01, v1;
	v2 =	vadd.f32 $-5.000000000e-01, v2  }
0x109: {  	v3 =	vadd.f32 $-5.000000000e-01, v3;
	v4 =	vadd.f32 $-5.000000000e-01, v4  }
0x10a: {  	v5 =	vadd.f32 $-5.000000000e-01, v5;
	v6 =	vadd.f32 $-5.000000000e-01, v6  }
0x10b: {  	v7 =	vadd.f32 $-5.000000000e-01, v7;
	v10 =	vadd.f32 $-5.000000000e-01, v10  }
0x10c: {  	v13 =	vadd.f32 $-5.000000000e-01, v13;
	v59 =	vadd.f32 $-5.000000000e-01, v17  }
0x10d: {  	v0 =	vadd.f32 $1.258291200e+07, v0;
	v1 =	vadd.f32 $1.258291200e+07, v1  }
0x10e: {  	v2 =	vadd.f32 $1.258291200e+07, v2;
	v4 =	vadd.f32 $1.258291200e+07, v4  }
0x10f: {  	v6 =	vadd.f32 $1.258291200e+07, v6;
	v5 =	vadd.f32 $1.258291200e+07, v5  }
0x110: {  	v3 =	vadd.f32 $1.258291200e+07, v3;
	v7 =	vadd.f32 $1.258291200e+07, v7;
	v0 =	vadd.s32 $0xB4C00008, v0  }
0x111: {  	v1 =	vadd.s32 $0xB4C00008, v1;
	v2 =	vadd.s32 $0xB4C00008, v2;
	v4 =	vadd.s32 $0xB4C00008, v4  }
0x112: {  	v6 =	vadd.s32 $0xB4C00008, v6;
	v5 =	vadd.s32 $0xB4C00008, v5;
	v7 =	vadd.s32 $0xB4C00008, v7  }
0x113: {  	vm4 =	vgt.s32 v0, $0x0;
	vm1 =	vgt.s32 v1, $0x0;
	vm5 =	vgt.s32 v2, $0x0  }
0x114: {  	vm6 =	vgt.s32 v4, $0x0;
	vm7 =	vgt.s32 v6, $0x0;
	v1 =	vnsel vm1, $0x0, v1  }
0x115: {  	vm8 =	vgt.s32 v5, $0x0;
	v2 =	vnsel vm5, $0x0, v2;
	v1 =	vmin.u32 v1, $0xF  }
0x116: {  	v6 =	vnsel vm7, $0x0, v6;
	v2 =	vmin.u32 v2, $0xF;
	v8 =	vcvt.s32.f32 v1  }
0x117: {  	v4 =	vnsel vm6, $0x0, v4;
	v6 =	vmin.u32 v6, $0xF;
	v9 =	vcvt.s32.f32 v2  }
0x118: {  	v4 =	vmin.u32 v4, $0xF;
	v15 =	vcvt.s32.f32 v6;
	v8 =	vadd.f32 $-7.500000000e+00, v8  }
0x119: {  	s9 =	simm.s32 $0xC040;
	vm9 =	vgt.s32 v7, $0x0;
	v12 =	vcvt.s32.f32 v4;
	v9 =	vadd.f32 $-7.500000000e+00, v9  }
0x11a: {  	v11 =	vld [tilespmem:s8+$0x30];
	v0 =	vnsel vm4, $0x0, v0;
	v5 =	vnsel vm8, $0x0, v5;
	v15 =	vadd.f32 $-7.500000000e+00, v15;
	[tilespmem:s9+$0x20] =	vst v8  }
0x11b: {  	v16 =	vld [tilespmem:s8+$0x0];
	v7 =	vnsel vm9, $0x0, v7;
	v5 =	vmin.u32 v5, $0xF;
	v12 =	vadd.f32 $-7.500000000e+00, v12;
	[tilespmem:s9+$0x30] =	vst v9  }
0x11c: {  	v18 =	vld [tilespmem:s8+$0xFFFFFFF0];
	v0 =	vmin.u32 v0, $0xF;
	v58 =	vmin.u32 v7, $0xF;
	v7 =	vcvt.s32.f32 v5;
	[tilespmem:s9+$0xFFFFFFE0] =	vst v15  }
0x11d: {  	s3 =	simm.s32 $0x14040;
	v13 =	vadd.f32 $1.258291200e+07, v13;
	v3 =	vadd.s32 $0xB4C00008, v3;
	v14 =	vcvt.s32.f32 v0;
	[tilespmem:s9+$0x10] =	vst v12  }
0x11e: {  	vm10 =	vgt.s32 v3, $0x0;
	v7 =	vadd.f32 $-7.500000000e+00, v7;
	[tilespmem:s3+$0x20] =	vst v1;
	v1 =	vadd.f32 $1.258291200e+07, v10  }
0x11f: {  	v3 =	vnsel vm10, $0x0, v3;
	v8 =	vadd.f32 $-7.500000000e+00, v14;
	[tilespmem:s3+$0x30] =	vst v2;
	v2 =	vadd.f32 $-5.000000000e-01, v11  }
0x120: {  	v9 =	vadd.f32 $-5.000000000e-01, v16;
	v10 =	vld [tilespmem:s8+$0xFFFFFFE0];
	[tilespmem:s3+$0xFFFFFFE0] =	vst v6;
	v6 =	vcvt.s32.f32 v58;
	v1 =	vadd.s32 $0xB4C00008, v1  }
0x121: {  	v11 =	vadd.f32 $-5.000000000e-01, v18;
	[tilespmem:s9+$0xFFFFFFC0] =	vst v8;
	v2 =	vadd.f32 $1.258291200e+07, v2;
	vm11 =	vgt.s32 v1, $0x0  }
0x122: {  	[tilespmem:s3+$0xFFFFFFC0] =	vst v0;
	v0 =	vadd.f32 $1.258291200e+07, v59;
	v6 =	vadd.f32 $-7.500000000e+00, v6;
	v60 =	vnsel vm11, $0x0, v1  }
0x123: {  	[tilespmem:s3+$0x10] =	vst v4;
	v1 =	vadd.s32 $0xB4C00008, v13;
	v4 =	vadd.s32 $0xB4C00008, v2;
	v2 =	vmin.u32 v3, $0xF  }
0x124: {  	v0 =	vadd.s32 $0xB4C00008, v0;
	[tilespmem:s9+$0xFFFFFFD0] =	vst v6;
	v6 =	vadd.f32 $1.258291200e+07, v11;
	vm12 =	vgt.s32 v1, $0x0  }
0x125: {  	v61 =	vld [tilespmem:s8+$0xFFFFFFD0];
	v10 =	vadd.f32 $-5.000000000e-01, v10;
	vm13 =	vgt.s32 v4, $0x0;
	v1 =	vnsel vm12, $0x0, v1  }
0x126: {  	[tilespmem:s9+$0xFFFFFFF0] =	vst v7;
	v8 =	vcvt.s32.f32 v2;
	vm14 =	vgt.s32 v0, $0x0;
	v3 =	vmin.u32 v1, $0xF  }
0x127: {  	[tilespmem:s3+$0xFFFFFFF0] =	vst v5;
	v1 =	vnsel vm13, $0x0, v4;
	v5 =	vadd.f32 $1.258291200e+07, v10;
	v4 =	vcvt.s32.f32 v3  }
0x128: {  	v7 =	vnsel vm14, $0x0, v0;
	v8 =	vadd.f32 $-7.500000000e+00, v8;
	v1 =	vmin.u32 v1, $0xF  }
0x129: {  	[tilespmem:s3+$0xFFFFFFD0] =	vst v58;
	v10 =	vcvt.s32.f32 v1;
	v63 =	vadd.s32 $0xB4C00008, v5;
	v62 =	vadd.f32 $-7.500000000e+00, v4  }
0x12a: {  	s4 =	simm.s32 $0x140C0;
	s5 =	simm.s32 $0xC0C0;
	s7 =	simm.s32 $0xC0C0;
	v0 =	vmin.u32 v60, $0xF;
	[tilespmem:s9+$0x0] =	vst v8;
	v8 =	vadd.f32 $-5.000000000e-01, v61;
	vm15 =	vgt.s32 v63, $0x0  }
0x12b: {  	s6 =	simm.s32 $0x80;
	s8 =	simm.s32 $0x140C0;
	s9 =	simm.s32 $0x8140;
	v4 =	vadd.f32 $1.258291200e+07, v9;
	v5 =	vadd.f32 $-7.500000000e+00, v10;
	v9 =	vnsel vm15, $0x0, v63;
	[tilespmem:s7+$0x20] =	vst v62  }
.LBB2_6:
0x12c: {  	v10 =	vld [tilespmem:s9+$0xFFFFFFC0];
	s6 =	sadd.s32 $0x80, s6;
	v7 =	vmin.u32 v7, $0xF;
	s7 =	sadd.s32 $0x80, s7;
	s8 =	sadd.s32 $0x80, s8;
	[tilespmem:s3+$0x0] =	vst v2  }
0x12d: {  	v9 =	vmin.u32 v9, $0xF;
	s3 =	smov.u32 s4;
	v2 =	vld [tilespmem:s9+$0x30];
	p0 =	slt.u32 s6, $0x3F80;
	v8 =	vadd.f32 $1.258291200e+07, v8;
	v11 =	vcvt.s32.f32 v7;
	[tilespmem:s4+$0x20] =	vst v3;
	s4 =	smov.u32 s8  }
0x12e: {  	v12 =	vcvt.s32.f32 v0;
	v6 =	vadd.s32 $0xB4C00008, v6;
	v13 =	vcvt.s32.f32 v9;
	v3 =	vld [tilespmem:s9+$0x20];
	[tilespmem:s5+$0x30] =	vst v5  }
0x12f: {  	v4 =	vadd.s32 $0xB4C00008, v4;
	vm0 =	vgt.s32 v6, $0x0;
	v5 =	vld [tilespmem:s9+$0x0];
	v8 =	vadd.s32 $0xB4C00008, v8;
	[tilespmem:s3+$0x30] =	vst v1  }
0x130: {  	v6 =	vnsel vm0, $0x0, v6;
	v13 =	vadd.f32 $-7.500000000e+00, v13;
	v1 =	vld [tilespmem:s9+$0x10];
	vm1 =	vgt.s32 v8, $0x0  }
0x131: {  	v6 =	vmin.u32 v6, $0xF;
	v10 =	vadd.f32 $-5.000000000e-01, v10;
	v14 =	vld [tilespmem:s9+$0xFFFFFFF0];
	v8 =	vnsel vm1, $0x0, v8  }
0x132: {  	v12 =	vadd.f32 $-7.500000000e+00, v12;
	vm0 =	vgt.s32 v4, $0x0;
	v11 =	vadd.f32 $-7.500000000e+00, v11;
	v15 =	vld [tilespmem:s9+$0xFFFFFFD0];
	[tilespmem:s5+$0xFFFFFFE0] =	vst v13  }
0x133: {  	v8 =	vmin.u32 v8, $0xF;
	v10 =	vadd.f32 $1.258291200e+07, v10;
	v13 =	vld [tilespmem:s9+$0xFFFFFFE0];
	[tilespmem:s3+$0xFFFFFFE0] =	vst v9;
	v9 =	vcvt.s32.f32 v6  }
0x134: {  	v4 =	vnsel vm0, $0x0, v4;
	v3 =	vadd.f32 $-5.000000000e-01, v3;
	v16 =	vadd.f32 $-5.000000000e-01, v5;
	[tilespmem:s5+$0x10] =	vst v11  }
0x135: {  	v2 =	vadd.f32 $-5.000000000e-01, v2;
	v5 =	vadd.s32 $0xB4C00008, v10;
	v1 =	vadd.f32 $-5.000000000e-01, v1;
	[tilespmem:s3+$0x10] =	vst v7  }
0x136: {  	v3 =	vadd.f32 $1.258291200e+07, v3;
	vm0 =	vgt.s32 v5, $0x0;
	v10 =	vadd.f32 $-5.000000000e-01, v14;
	[tilespmem:s5+$0xFFFFFFC0] =	vst v12  }
0x137: {  	v2 =	vadd.f32 $1.258291200e+07, v2;
	v7 =	vadd.f32 $-7.500000000e+00, v9;
	[tilespmem:s3+$0xFFFFFFC0] =	vst v0;
	v0 =	vcvt.s32.f32 v8  }
0x138: {  	v9 =	vnsel vm0, $0x0, v5;
	v3 =	vadd.s32 $0xB4C00008, v3;
	v5 =	vadd.f32 $-5.000000000e-01, v13  }
0x139: {  	v11 =	vadd.s32 $0xB4C00008, v2;
	v2 =	vmin.u32 v4, $0xF;
	vm0 =	vgt.s32 v3, $0x0;
	[tilespmem:s5+$0xFFFFFFF0] =	vst v7  }
0x13a: {  	v4 =	vcvt.s32.f32 v2;
	v3 =	vnsel vm0, $0x0, v3;
	vm0 =	vgt.s32 v11, $0x0;
	[tilespmem:s3+$0xFFFFFFF0] =	vst v6  }
0x13b: {  	v6 =	vadd.f32 $1.258291200e+07, v1;
	v3 =	vmin.u32 v3, $0xF;
	v1 =	vnsel vm0, $0x0, v11  }
0x13c: {  	v0 =	vadd.f32 $-7.500000000e+00, v0;
	v7 =	vcvt.s32.f32 v3;
	v1 =	vmin.u32 v1, $0xF  }
.Ltmp2:
0x13d: {  	v5 =	vadd.f32 $1.258291200e+07, v5;
	v6 =	vadd.s32 $0xB4C00008, v6;
	v11 =	vcvt.s32.f32 v1;
	(pc) =	sbr.rel @p0 .LBB2_6-.Ltmp2, $4  }
0x13e: {  	vm0 =	vgt.s32 v6, $0x0;
	v12 =	vadd.f32 $-7.500000000e+00, v7;
	[tilespmem:s5+$0xFFFFFFD0] =	vst v0;
	v0 =	vadd.f32 $-7.500000000e+00, v4  }
0x13f: {  	v13 =	vadd.s32 $0xB4C00008, v5;
	v7 =	vnsel vm0, $0x0, v6;
	v5 =	vadd.f32 $-7.500000000e+00, v11;
	[tilespmem:s3+$0xFFFFFFD0] =	vst v8  }
0x140: {  	vm0 =	vgt.s32 v13, $0x0;
	v6 =	vadd.f32 $1.258291200e+07, v10;
	v4 =	vadd.f32 $1.258291200e+07, v16;
	[tilespmem:s5+$0x0] =	vst v0;
	s5 =	smov.u32 s7  }
0x141: {  	s9 =	sadd.s32 $0x80, s9;
	v8 =	vadd.f32 $-5.000000000e-01, v15;
	v0 =	vmin.u32 v9, $0xF;
	v9 =	vnsel vm0, $0x0, v13;
	[tilespmem:s7+$0x20] =	vst v12  }
0x142: {  	v9 =	vmin.u32 v9, $0xF;
	[tilespmem:s5+$0x30] =	vst v5;
	v5 =	vcvt.s32.f32 v0  }
0x143: {  	[tilespmem:s3+$0x0] =	vst v2;
	v7 =	vmin.u32 v7, $0xF;
	v2 =	vcvt.s32.f32 v9;
	v8 =	vadd.f32 $1.258291200e+07, v8  }
0x144: {  	[tilespmem:s4+$0x20] =	vst v3;
	v6 =	vadd.s32 $0xB4C00008, v6;
	v3 =	vcvt.s32.f32 v7;
	v5 =	vadd.f32 $-7.500000000e+00, v5  }
0x145: {  	vm0 =	vgt.s32 v6, $0x0;
	[tilespmem:s4+$0x30] =	vst v1;
	v2 =	vadd.f32 $-7.500000000e+00, v2;
	v1 =	vadd.s32 $0xB4C00008, v8  }
0x146: {  	v6 =	vnsel vm0, $0x0, v6;
	vm14 =	vgt.s32 v1, $0x0;
	[tilespmem:s5+$0xFFFFFFC0] =	vst v5  }
0x147: {  	[tilespmem:s5+$0xFFFFFFE0] =	vst v2;
	v2 =	vadd.f32 $-7.500000000e+00, v3;
	v3 =	vadd.s32 $0xB4C00008, v4;
	v4 =	vmin.u32 v6, $0xF  }
0x148: {  	v1 =	vnsel vm14, $0x0, v1;
	[tilespmem:s4+$0xFFFFFFC0] =	vst v0;
	v6 =	vcvt.s32.f32 v4  }
0x149: {  	[tilespmem:s4+$0xFFFFFFE0] =	vst v9;
	vm15 =	vgt.s32 v3, $0x0;
	v1 =	vmin.u32 v1, $0xF  }
0x14a: {  	[tilespmem:s5+$0x10] =	vst v2;
	v2 =	vnsel vm15, $0x0, v3;
	v3 =	vcvt.s32.f32 v1;
	v5 =	vadd.f32 $-7.500000000e+00, v6  }
0x14b: {  	[tilespmem:s4+$0x10] =	vst v7;
	v0 =	vmin.u32 v2, $0xF  }
0x14c: {  	v2 =	vcvt.s32.f32 v0;
	v3 =	vadd.f32 $-7.500000000e+00, v3;
	[tilespmem:s5+$0xFFFFFFF0] =	vst v5  }
0x14d: {  	[tilespmem:s4+$0xFFFFFFF0] =	vst v4  }
0x14e: {  	[tilespmem:s5+$0xFFFFFFD0] =	vst v3;
	v2 =	vadd.f32 $-7.500000000e+00, v2  }
0x14f: {  	[tilespmem:s4+$0xFFFFFFD0] =	vst v1  }
0x150: {  	[tilespmem:s5+$0x0] =	vst v2  }
0x151: {  	[tilespmem:s4+$0x0] =	vst v0  }
0x152: {  	s3 =	rddreg [dreg:$0xa]  }
0x153: {  	[hbm4b:s3+s1] =	stream.linear.scatter [tilespmem:s24], [sflag:$0x4], $0x4000, $0x38;
	[tilespmem:$0x1C000] =	vst v63  }
0x154: {  	s5 =	rddreg [dreg:$0xb]  }
0x155: {  	[hbm4b:s5+s1] =	stream.linear.scatter [tilespmem:s25], [sflag:$0x4], $0x4000, $0x38;
	[tilespmem:$0x1C000] =	vst v63  }
0x156: {  	s6 =	rddreg [dreg:$0xc]  }
0x157: {  	[tilespmem:s22], [sflag:$0x3] =	stream.linear.gather [hbm4b:s6+s1], $0x4000, $0x38;
	[tilespmem:$0x1C000] =	vst v63  }
0x158: {  	_ =	swait.ge [sflag:s23], $0x4000  }
0x159: {  	[sflag:s23] =	ssyncset.done $0x0  }
0x15a: {  	[sflag:s23] =	ssyncadd.s32 $0xFFFFC000  }
0x15b: {  	_ =	swait.ge [sflag:s0], $0x4000  }
0x15c: {  	[sflag:s0] =	ssyncset.done $0x0  }
0x15d: {  	[sflag:s0] =	ssyncadd.s32 $0xFFFFC000  }
0x15e: {  	_ =	swait.ge [sflag:s0], $0x4000  }
0x15f: {  	[sflag:s0] =	ssyncset.done $0x0  }
0x160: {  	s7 =	simm.s32 $0x40;
	[sflag:s0] =	ssyncadd.s32 $0xFFFFC000  }
0x161: {  	v0 =	vld [tilespmem:s7+$0xFFFFFFC0]  }
0x162: {  	v1 =	vld [tilespmem:s7+$0x20]  }
0x163: {  	v2 =	vld [tilespmem:s7+$0x30]  }
0x164: {  	v3 =	vld [tilespmem:s7+$0x0]  }
0x165: {  	v4 =	vld [tilespmem:s7+$0x10]  }
0x166: {  	v5 =	vld [tilespmem:s7+$0xFFFFFFF0]  }
0x167: {  	v6 =	vld [tilespmem:s7+$0xFFFFFFE0]  }
0x168: {  	s8 =	simm.s32 $0xC0;
	v7 =	vld [tilespmem:s7+$0xFFFFFFD0]  }
0x169: {  	v10 =	vld [tilespmem:s8+$0xFFFFFFC0]  }
0x16a: {  	v13 =	vld [tilespmem:s8+$0x20]  }
0x16b: {  	v17 =	vld [tilespmem:s8+$0x10];
	v0 =	vadd.f32 $-5.000000000e-01, v0  }
0x16c: {  	v1 =	vadd.f32 $-5.000000000e-01, v1;
	v2 =	vadd.f32 $-5.000000000e-01, v2  }
0x16d: {  	v3 =	vadd.f32 $-5.000000000e-01, v3;
	v4 =	vadd.f32 $-5.000000000e-01, v4  }
0x16e: {  	v5 =	vadd.f32 $-5.000000000e-01, v5;
	v6 =	vadd.f32 $-5.000000000e-01, v6  }
0x16f: {  	v7 =	vadd.f32 $-5.000000000e-01, v7;
	v10 =	vadd.f32 $-5.000000000e-01, v10  }
0x170: {  	v13 =	vadd.f32 $-5.000000000e-01, v13;
	v59 =	vadd.f32 $-5.000000000e-01, v17  }
0x171: {  	v0 =	vadd.f32 $1.258291200e+07, v0;
	v1 =	vadd.f32 $1.258291200e+07, v1  }
0x172: {  	v2 =	vadd.f32 $1.258291200e+07, v2;
	v4 =	vadd.f32 $1.258291200e+07, v4  }
0x173: {  	v6 =	vadd.f32 $1.258291200e+07, v6;
	v5 =	vadd.f32 $1.258291200e+07, v5  }
0x174: {  	v3 =	vadd.f32 $1.258291200e+07, v3;
	v7 =	vadd.f32 $1.258291200e+07, v7;
	v0 =	vadd.s32 $0xB4C00008, v0  }
0x175: {  	v1 =	vadd.s32 $0xB4C00008, v1;
	v2 =	vadd.s32 $0xB4C00008, v2;
	v4 =	vadd.s32 $0xB4C00008, v4  }
0x176: {  	v6 =	vadd.s32 $0xB4C00008, v6;
	v5 =	vadd.s32 $0xB4C00008, v5;
	v7 =	vadd.s32 $0xB4C00008, v7  }
0x177: {  	vm4 =	vgt.s32 v0, $0x0;
	vm1 =	vgt.s32 v1, $0x0;
	vm5 =	vgt.s32 v2, $0x0  }
0x178: {  	vm6 =	vgt.s32 v4, $0x0;
	vm7 =	vgt.s32 v6, $0x0;
	v1 =	vnsel vm1, $0x0, v1  }
0x179: {  	vm8 =	vgt.s32 v5, $0x0;
	v2 =	vnsel vm5, $0x0, v2;
	v1 =	vmin.u32 v1, $0xF  }
0x17a: {  	v6 =	vnsel vm7, $0x0, v6;
	v2 =	vmin.u32 v2, $0xF;
	v8 =	vcvt.s32.f32 v1  }
0x17b: {  	v4 =	vnsel vm6, $0x0, v4;
	v6 =	vmin.u32 v6, $0xF;
	v9 =	vcvt.s32.f32 v2  }
0x17c: {  	v4 =	vmin.u32 v4, $0xF;
	v15 =	vcvt.s32.f32 v6;
	v8 =	vadd.f32 $-7.500000000e+00, v8  }
0x17d: {  	s9 =	simm.s32 $0x10040;
	vm9 =	vgt.s32 v7, $0x0;
	v12 =	vcvt.s32.f32 v4;
	v9 =	vadd.f32 $-7.500000000e+00, v9  }
0x17e: {  	v11 =	vld [tilespmem:s8+$0x30];
	v0 =	vnsel vm4, $0x0, v0;
	v5 =	vnsel vm8, $0x0, v5;
	v15 =	vadd.f32 $-7.500000000e+00, v15;
	[tilespmem:s9+$0x20] =	vst v8  }
0x17f: {  	v16 =	vld [tilespmem:s8+$0x0];
	v7 =	vnsel vm9, $0x0, v7;
	v5 =	vmin.u32 v5, $0xF;
	v12 =	vadd.f32 $-7.500000000e+00, v12;
	[tilespmem:s9+$0x30] =	vst v9  }
0x180: {  	v18 =	vld [tilespmem:s8+$0xFFFFFFF0];
	v0 =	vmin.u32 v0, $0xF;
	v58 =	vmin.u32 v7, $0xF;
	v7 =	vcvt.s32.f32 v5;
	[tilespmem:s9+$0xFFFFFFE0] =	vst v15  }
0x181: {  	s3 =	simm.s32 $0x18040;
	v13 =	vadd.f32 $1.258291200e+07, v13;
	v3 =	vadd.s32 $0xB4C00008, v3;
	v14 =	vcvt.s32.f32 v0;
	[tilespmem:s9+$0x10] =	vst v12  }
0x182: {  	vm10 =	vgt.s32 v3, $0x0;
	v7 =	vadd.f32 $-7.500000000e+00, v7;
	[tilespmem:s3+$0x20] =	vst v1;
	v1 =	vadd.f32 $1.258291200e+07, v10  }
0x183: {  	v3 =	vnsel vm10, $0x0, v3;
	v8 =	vadd.f32 $-7.500000000e+00, v14;
	[tilespmem:s3+$0x30] =	vst v2;
	v2 =	vadd.f32 $-5.000000000e-01, v11  }
0x184: {  	v9 =	vadd.f32 $-5.000000000e-01, v16;
	v10 =	vld [tilespmem:s8+$0xFFFFFFE0];
	[tilespmem:s3+$0xFFFFFFE0] =	vst v6;
	v6 =	vcvt.s32.f32 v58;
	v1 =	vadd.s32 $0xB4C00008, v1  }
0x185: {  	v11 =	vadd.f32 $-5.000000000e-01, v18;
	[tilespmem:s9+$0xFFFFFFC0] =	vst v8;
	v2 =	vadd.f32 $1.258291200e+07, v2;
	vm11 =	vgt.s32 v1, $0x0  }
0x186: {  	[tilespmem:s3+$0xFFFFFFC0] =	vst v0;
	v0 =	vadd.f32 $1.258291200e+07, v59;
	v6 =	vadd.f32 $-7.500000000e+00, v6;
	v60 =	vnsel vm11, $0x0, v1  }
0x187: {  	[tilespmem:s3+$0x10] =	vst v4;
	v1 =	vadd.s32 $0xB4C00008, v13;
	v4 =	vadd.s32 $0xB4C00008, v2;
	v2 =	vmin.u32 v3, $0xF  }
0x188: {  	v0 =	vadd.s32 $0xB4C00008, v0;
	[tilespmem:s9+$0xFFFFFFD0] =	vst v6;
	v6 =	vadd.f32 $1.258291200e+07, v11;
	vm12 =	vgt.s32 v1, $0x0  }
0x189: {  	v61 =	vld [tilespmem:s8+$0xFFFFFFD0];
	v10 =	vadd.f32 $-5.000000000e-01, v10;
	vm13 =	vgt.s32 v4, $0x0;
	v1 =	vnsel vm12, $0x0, v1  }
0x18a: {  	[tilespmem:s9+$0xFFFFFFF0] =	vst v7;
	v8 =	vcvt.s32.f32 v2;
	vm14 =	vgt.s32 v0, $0x0;
	v3 =	vmin.u32 v1, $0xF  }
0x18b: {  	[tilespmem:s3+$0xFFFFFFF0] =	vst v5;
	v1 =	vnsel vm13, $0x0, v4;
	v5 =	vadd.f32 $1.258291200e+07, v10;
	v4 =	vcvt.s32.f32 v3  }
0x18c: {  	v7 =	vnsel vm14, $0x0, v0;
	v8 =	vadd.f32 $-7.500000000e+00, v8;
	v1 =	vmin.u32 v1, $0xF  }
0x18d: {  	[tilespmem:s3+$0xFFFFFFD0] =	vst v58;
	v10 =	vcvt.s32.f32 v1;
	v63 =	vadd.s32 $0xB4C00008, v5;
	v62 =	vadd.f32 $-7.500000000e+00, v4  }
0x18e: {  	s4 =	simm.s32 $0x180C0;
	s5 =	simm.s32 $0x100C0;
	s7 =	simm.s32 $0x100C0;
	v0 =	vmin.u32 v60, $0xF;
	[tilespmem:s9+$0x0] =	vst v8;
	v8 =	vadd.f32 $-5.000000000e-01, v61;
	vm15 =	vgt.s32 v63, $0x0  }
0x18f: {  	s6 =	simm.s32 $0x80;
	s8 =	simm.s32 $0x180C0;
	s9 =	simm.s32 $0x140;
	v4 =	vadd.f32 $1.258291200e+07, v9;
	v5 =	vadd.f32 $-7.500000000e+00, v10;
	v9 =	vnsel vm15, $0x0, v63;
	[tilespmem:s7+$0x20] =	vst v62  }
.LBB2_8:
0x190: {  	v10 =	vld [tilespmem:s9+$0xFFFFFFC0];
	s6 =	sadd.s32 $0x80, s6;
	v7 =	vmin.u32 v7, $0xF;
	s7 =	sadd.s32 $0x80, s7;
	s8 =	sadd.s32 $0x80, s8;
	[tilespmem:s3+$0x0] =	vst v2  }
0x191: {  	v9 =	vmin.u32 v9, $0xF;
	s3 =	smov.u32 s4;
	v2 =	vld [tilespmem:s9+$0x30];
	p0 =	slt.u32 s6, $0x3F80;
	v8 =	vadd.f32 $1.258291200e+07, v8;
	v11 =	vcvt.s32.f32 v7;
	[tilespmem:s4+$0x20] =	vst v3;
	s4 =	smov.u32 s8  }
0x192: {  	v12 =	vcvt.s32.f32 v0;
	v6 =	vadd.s32 $0xB4C00008, v6;
	v13 =	vcvt.s32.f32 v9;
	v3 =	vld [tilespmem:s9+$0x20];
	[tilespmem:s5+$0x30] =	vst v5  }
0x193: {  	v4 =	vadd.s32 $0xB4C00008, v4;
	vm0 =	vgt.s32 v6, $0x0;
	v5 =	vld [tilespmem:s9+$0x0];
	v8 =	vadd.s32 $0xB4C00008, v8;
	[tilespmem:s3+$0x30] =	vst v1  }
0x194: {  	v6 =	vnsel vm0, $0x0, v6;
	v13 =	vadd.f32 $-7.500000000e+00, v13;
	v1 =	vld [tilespmem:s9+$0x10];
	vm1 =	vgt.s32 v8, $0x0  }
0x195: {  	v6 =	vmin.u32 v6, $0xF;
	v10 =	vadd.f32 $-5.000000000e-01, v10;
	v14 =	vld [tilespmem:s9+$0xFFFFFFF0];
	v8 =	vnsel vm1, $0x0, v8  }
0x196: {  	v12 =	vadd.f32 $-7.500000000e+00, v12;
	vm0 =	vgt.s32 v4, $0x0;
	v11 =	vadd.f32 $-7.500000000e+00, v11;
	v15 =	vld [tilespmem:s9+$0xFFFFFFD0];
	[tilespmem:s5+$0xFFFFFFE0] =	vst v13  }
0x197: {  	v8 =	vmin.u32 v8, $0xF;
	v10 =	vadd.f32 $1.258291200e+07, v10;
	v13 =	vld [tilespmem:s9+$0xFFFFFFE0];
	[tilespmem:s3+$0xFFFFFFE0] =	vst v9;
	v9 =	vcvt.s32.f32 v6  }
0x198: {  	v4 =	vnsel vm0, $0x0, v4;
	v3 =	vadd.f32 $-5.000000000e-01, v3;
	v16 =	vadd.f32 $-5.000000000e-01, v5;
	[tilespmem:s5+$0x10] =	vst v11  }
0x199: {  	v2 =	vadd.f32 $-5.000000000e-01, v2;
	v5 =	vadd.s32 $0xB4C00008, v10;
	v1 =	vadd.f32 $-5.000000000e-01, v1;
	[tilespmem:s3+$0x10] =	vst v7  }
0x19a: {  	v3 =	vadd.f32 $1.258291200e+07, v3;
	vm0 =	vgt.s32 v5, $0x0;
	v10 =	vadd.f32 $-5.000000000e-01, v14;
	[tilespmem:s5+$0xFFFFFFC0] =	vst v12  }
0x19b: {  	v2 =	vadd.f32 $1.258291200e+07, v2;
	v7 =	vadd.f32 $-7.500000000e+00, v9;
	[tilespmem:s3+$0xFFFFFFC0] =	vst v0;
	v0 =	vcvt.s32.f32 v8  }
0x19c: {  	v9 =	vnsel vm0, $0x0, v5;
	v3 =	vadd.s32 $0xB4C00008, v3;
	v5 =	vadd.f32 $-5.000000000e-01, v13  }
0x19d: {  	v11 =	vadd.s32 $0xB4C00008, v2;
	v2 =	vmin.u32 v4, $0xF;
	vm0 =	vgt.s32 v3, $0x0;
	[tilespmem:s5+$0xFFFFFFF0] =	vst v7  }
0x19e: {  	v4 =	vcvt.s32.f32 v2;
	v3 =	vnsel vm0, $0x0, v3;
	vm0 =	vgt.s32 v11, $0x0;
	[tilespmem:s3+$0xFFFFFFF0] =	vst v6  }
0x19f: {  	v6 =	vadd.f32 $1.258291200e+07, v1;
	v3 =	vmin.u32 v3, $0xF;
	v1 =	vnsel vm0, $0x0, v11  }
0x1a0: {  	v0 =	vadd.f32 $-7.500000000e+00, v0;
	v7 =	vcvt.s32.f32 v3;
	v1 =	vmin.u32 v1, $0xF  }
.Ltmp3:
0x1a1: {  	v5 =	vadd.f32 $1.258291200e+07, v5;
	v6 =	vadd.s32 $0xB4C00008, v6;
	v11 =	vcvt.s32.f32 v1;
	(pc) =	sbr.rel @p0 .LBB2_8-.Ltmp3, $4  }
0x1a2: {  	vm0 =	vgt.s32 v6, $0x0;
	v12 =	vadd.f32 $-7.500000000e+00, v7;
	[tilespmem:s5+$0xFFFFFFD0] =	vst v0;
	v0 =	vadd.f32 $-7.500000000e+00, v4  }
0x1a3: {  	v13 =	vadd.s32 $0xB4C00008, v5;
	v7 =	vnsel vm0, $0x0, v6;
	v5 =	vadd.f32 $-7.500000000e+00, v11;
	[tilespmem:s3+$0xFFFFFFD0] =	vst v8  }
0x1a4: {  	vm0 =	vgt.s32 v13, $0x0;
	v6 =	vadd.f32 $1.258291200e+07, v10;
	v4 =	vadd.f32 $1.258291200e+07, v16;
	[tilespmem:s5+$0x0] =	vst v0;
	s5 =	smov.u32 s7  }
0x1a5: {  	s9 =	sadd.s32 $0x80, s9;
	v8 =	vadd.f32 $-5.000000000e-01, v15;
	v0 =	vmin.u32 v9, $0xF;
	v9 =	vnsel vm0, $0x0, v13;
	[tilespmem:s7+$0x20] =	vst v12  }
0x1a6: {  	v9 =	vmin.u32 v9, $0xF;
	[tilespmem:s5+$0x30] =	vst v5;
	v5 =	vcvt.s32.f32 v0  }
0x1a7: {  	[tilespmem:s3+$0x0] =	vst v2;
	v7 =	vmin.u32 v7, $0xF;
	v2 =	vcvt.s32.f32 v9;
	v8 =	vadd.f32 $1.258291200e+07, v8  }
0x1a8: {  	[tilespmem:s4+$0x20] =	vst v3;
	v6 =	vadd.s32 $0xB4C00008, v6;
	v3 =	vcvt.s32.f32 v7;
	v5 =	vadd.f32 $-7.500000000e+00, v5  }
0x1a9: {  	vm0 =	vgt.s32 v6, $0x0;
	[tilespmem:s4+$0x30] =	vst v1;
	v2 =	vadd.f32 $-7.500000000e+00, v2;
	v1 =	vadd.s32 $0xB4C00008, v8  }
0x1aa: {  	v6 =	vnsel vm0, $0x0, v6;
	vm14 =	vgt.s32 v1, $0x0;
	[tilespmem:s5+$0xFFFFFFC0] =	vst v5  }
0x1ab: {  	[tilespmem:s5+$0xFFFFFFE0] =	vst v2;
	v2 =	vadd.f32 $-7.500000000e+00, v3;
	v3 =	vadd.s32 $0xB4C00008, v4;
	v4 =	vmin.u32 v6, $0xF  }
0x1ac: {  	v1 =	vnsel vm14, $0x0, v1;
	[tilespmem:s4+$0xFFFFFFC0] =	vst v0;
	v6 =	vcvt.s32.f32 v4  }
0x1ad: {  	[tilespmem:s4+$0xFFFFFFE0] =	vst v9;
	vm15 =	vgt.s32 v3, $0x0;
	v1 =	vmin.u32 v1, $0xF  }
0x1ae: {  	[tilespmem:s5+$0x10] =	vst v2;
	v2 =	vnsel vm15, $0x0, v3;
	v3 =	vcvt.s32.f32 v1;
	v5 =	vadd.f32 $-7.500000000e+00, v6  }
0x1af: {  	[tilespmem:s4+$0x10] =	vst v7;
	v0 =	vmin.u32 v2, $0xF  }
0x1b0: {  	v2 =	vcvt.s32.f32 v0;
	v3 =	vadd.f32 $-7.500000000e+00, v3;
	[tilespmem:s5+$0xFFFFFFF0] =	vst v5  }
0x1b1: {  	[tilespmem:s4+$0xFFFFFFF0] =	vst v4  }
0x1b2: {  	[tilespmem:s5+$0xFFFFFFD0] =	vst v3;
	v2 =	vadd.f32 $-7.500000000e+00, v2  }
0x1b3: {  	[tilespmem:s4+$0xFFFFFFD0] =	vst v1  }
0x1b4: {  	[tilespmem:s5+$0x0] =	vst v2  }
0x1b5: {  	[tilespmem:s4+$0x0] =	vst v0  }
0x1b6: {  	s3 =	rddreg [dreg:$0xd]  }
0x1b7: {  	[hbm4b:s3+s1] =	stream.linear.scatter [tilespmem:s28], [sflag:$0x5], $0x4000, $0x38;
	[tilespmem:$0x1C000] =	vst v63  }
0x1b8: {  	s5 =	rddreg [dreg:$0xe]  }
0x1b9: {  	[hbm4b:s5+s1] =	stream.linear.scatter [tilespmem:s29], [sflag:$0x5], $0x4000, $0x38;
	[tilespmem:$0x1C000] =	vst v63  }
0x1ba: {  	s6 =	rddreg [dreg:$0xf]  }
0x1bb: {  	[tilespmem:s1], [sflag:$0x1] =	stream.linear.gather [hbm4b:s6+s1], $0x4000, $0x38;
	[tilespmem:$0x1C000] =	vst v63  }
0x1bc: {  	_ =	swait.ge [sflag:s26], $0x4000  }
0x1bd: {  	[sflag:s26] =	ssyncset.done $0x0  }
0x1be: {  	[sflag:s26] =	ssyncadd.s32 $0xFFFFC000  }
0x1bf: {  	_ =	swait.ge [sflag:s31], $0x4000  }
0x1c0: {  	[sflag:s31] =	ssyncset.done $0x0  }
0x1c1: {  	[sflag:s31] =	ssyncadd.s32 $0xFFFFC000  }
0x1c2: {  	_ =	swait.ge [sflag:s31], $0x4000  }
0x1c3: {  	[sflag:s31] =	ssyncset.done $0x0  }
0x1c4: {  	s7 =	simm.s32 $0x4040;
	[sflag:s31] =	ssyncadd.s32 $0xFFFFC000  }
0x1c5: {  	v0 =	vld [tilespmem:s7+$0xFFFFFFC0]  }
0x1c6: {  	v1 =	vld [tilespmem:s7+$0x20]  }
0x1c7: {  	v2 =	vld [tilespmem:s7+$0x30]  }
0x1c8: {  	v3 =	vld [tilespmem:s7+$0x0]  }
0x1c9: {  	v4 =	vld [tilespmem:s7+$0x10]  }
0x1ca: {  	v5 =	vld [tilespmem:s7+$0xFFFFFFF0]  }
0x1cb: {  	v6 =	vld [tilespmem:s7+$0xFFFFFFE0]  }
0x1cc: {  	s8 =	simm.s32 $0x40C0;
	v7 =	vld [tilespmem:s7+$0xFFFFFFD0]  }
0x1cd: {  	v10 =	vld [tilespmem:s8+$0xFFFFFFC0]  }
0x1ce: {  	v13 =	vld [tilespmem:s8+$0x20]  }
0x1cf: {  	v17 =	vld [tilespmem:s8+$0x10];
	v0 =	vadd.f32 $-5.000000000e-01, v0  }
0x1d0: {  	v1 =	vadd.f32 $-5.000000000e-01, v1;
	v2 =	vadd.f32 $-5.000000000e-01, v2  }
0x1d1: {  	v3 =	vadd.f32 $-5.000000000e-01, v3;
	v4 =	vadd.f32 $-5.000000000e-01, v4  }
0x1d2: {  	v5 =	vadd.f32 $-5.000000000e-01, v5;
	v6 =	vadd.f32 $-5.000000000e-01, v6  }
0x1d3: {  	v7 =	vadd.f32 $-5.000000000e-01, v7;
	v10 =	vadd.f32 $-5.000000000e-01, v10  }
0x1d4: {  	v13 =	vadd.f32 $-5.000000000e-01, v13;
	v59 =	vadd.f32 $-5.000000000e-01, v17  }
0x1d5: {  	v0 =	vadd.f32 $1.258291200e+07, v0;
	v1 =	vadd.f32 $1.258291200e+07, v1  }
0x1d6: {  	v2 =	vadd.f32 $1.258291200e+07, v2;
	v4 =	vadd.f32 $1.258291200e+07, v4  }
0x1d7: {  	v6 =	vadd.f32 $1.258291200e+07, v6;
	v5 =	vadd.f32 $1.258291200e+07, v5  }
0x1d8: {  	v3 =	vadd.f32 $1.258291200e+07, v3;
	v7 =	vadd.f32 $1.258291200e+07, v7;
	v0 =	vadd.s32 $0xB4C00008, v0  }
0x1d9: {  	v1 =	vadd.s32 $0xB4C00008, v1;
	v2 =	vadd.s32 $0xB4C00008, v2;
	v4 =	vadd.s32 $0xB4C00008, v4  }
0x1da: {  	v6 =	vadd.s32 $0xB4C00008, v6;
	v5 =	vadd.s32 $0xB4C00008, v5;
	v7 =	vadd.s32 $0xB4C00008, v7  }
0x1db: {  	vm4 =	vgt.s32 v0, $0x0;
	vm1 =	vgt.s32 v1, $0x0;
	vm5 =	vgt.s32 v2, $0x0  }
0x1dc: {  	vm6 =	vgt.s32 v4, $0x0;
	vm7 =	vgt.s32 v6, $0x0;
	v1 =	vnsel vm1, $0x0, v1  }
0x1dd: {  	vm8 =	vgt.s32 v5, $0x0;
	v2 =	vnsel vm5, $0x0, v2;
	v1 =	vmin.u32 v1, $0xF  }
0x1de: {  	v6 =	vnsel vm7, $0x0, v6;
	v2 =	vmin.u32 v2, $0xF;
	v8 =	vcvt.s32.f32 v1  }
0x1df: {  	v4 =	vnsel vm6, $0x0, v4;
	v6 =	vmin.u32 v6, $0xF;
	v9 =	vcvt.s32.f32 v2  }
0x1e0: {  	v4 =	vmin.u32 v4, $0xF;
	v15 =	vcvt.s32.f32 v6;
	v8 =	vadd.f32 $-7.500000000e+00, v8  }
0x1e1: {  	s9 =	simm.s32 $0xC040;
	vm9 =	vgt.s32 v7, $0x0;
	v12 =	vcvt.s32.f32 v4;
	v9 =	vadd.f32 $-7.500000000e+00, v9  }
0x1e2: {  	v11 =	vld [tilespmem:s8+$0x30];
	v0 =	vnsel vm4, $0x0, v0;
	v5 =	vnsel vm8, $0x0, v5;
	v15 =	vadd.f32 $-7.500000000e+00, v15;
	[tilespmem:s9+$0x20] =	vst v8  }
0x1e3: {  	v16 =	vld [tilespmem:s8+$0x0];
	v7 =	vnsel vm9, $0x0, v7;
	v5 =	vmin.u32 v5, $0xF;
	v12 =	vadd.f32 $-7.500000000e+00, v12;
	[tilespmem:s9+$0x30] =	vst v9  }
0x1e4: {  	v18 =	vld [tilespmem:s8+$0xFFFFFFF0];
	v0 =	vmin.u32 v0, $0xF;
	v58 =	vmin.u32 v7, $0xF;
	v7 =	vcvt.s32.f32 v5;
	[tilespmem:s9+$0xFFFFFFE0] =	vst v15  }
0x1e5: {  	s3 =	simm.s32 $0x14040;
	v13 =	vadd.f32 $1.258291200e+07, v13;
	v3 =	vadd.s32 $0xB4C00008, v3;
	v14 =	vcvt.s32.f32 v0;
	[tilespmem:s9+$0x10] =	vst v12  }
0x1e6: {  	vm10 =	vgt.s32 v3, $0x0;
	v7 =	vadd.f32 $-7.500000000e+00, v7;
	[tilespmem:s3+$0x20] =	vst v1;
	v1 =	vadd.f32 $1.258291200e+07, v10  }
0x1e7: {  	v3 =	vnsel vm10, $0x0, v3;
	v8 =	vadd.f32 $-7.500000000e+00, v14;
	[tilespmem:s3+$0x30] =	vst v2;
	v2 =	vadd.f32 $-5.000000000e-01, v11  }
0x1e8: {  	v9 =	vadd.f32 $-5.000000000e-01, v16;
	v10 =	vld [tilespmem:s8+$0xFFFFFFE0];
	[tilespmem:s3+$0xFFFFFFE0] =	vst v6;
	v6 =	vcvt.s32.f32 v58;
	v1 =	vadd.s32 $0xB4C00008, v1  }
0x1e9: {  	v11 =	vadd.f32 $-5.000000000e-01, v18;
	[tilespmem:s9+$0xFFFFFFC0] =	vst v8;
	v2 =	vadd.f32 $1.258291200e+07, v2;
	vm11 =	vgt.s32 v1, $0x0  }
0x1ea: {  	[tilespmem:s3+$0xFFFFFFC0] =	vst v0;
	v0 =	vadd.f32 $1.258291200e+07, v59;
	v6 =	vadd.f32 $-7.500000000e+00, v6;
	v60 =	vnsel vm11, $0x0, v1  }
0x1eb: {  	[tilespmem:s3+$0x10] =	vst v4;
	v1 =	vadd.s32 $0xB4C00008, v13;
	v4 =	vadd.s32 $0xB4C00008, v2;
	v2 =	vmin.u32 v3, $0xF  }
0x1ec: {  	v0 =	vadd.s32 $0xB4C00008, v0;
	[tilespmem:s9+$0xFFFFFFD0] =	vst v6;
	v6 =	vadd.f32 $1.258291200e+07, v11;
	vm12 =	vgt.s32 v1, $0x0  }
0x1ed: {  	v61 =	vld [tilespmem:s8+$0xFFFFFFD0];
	v10 =	vadd.f32 $-5.000000000e-01, v10;
	vm13 =	vgt.s32 v4, $0x0;
	v1 =	vnsel vm12, $0x0, v1  }
0x1ee: {  	[tilespmem:s9+$0xFFFFFFF0] =	vst v7;
	v8 =	vcvt.s32.f32 v2;
	vm14 =	vgt.s32 v0, $0x0;
	v3 =	vmin.u32 v1, $0xF  }
0x1ef: {  	[tilespmem:s3+$0xFFFFFFF0] =	vst v5;
	v1 =	vnsel vm13, $0x0, v4;
	v5 =	vadd.f32 $1.258291200e+07, v10;
	v4 =	vcvt.s32.f32 v3  }
0x1f0: {  	v7 =	vnsel vm14, $0x0, v0;
	v8 =	vadd.f32 $-7.500000000e+00, v8;
	v1 =	vmin.u32 v1, $0xF  }
0x1f1: {  	[tilespmem:s3+$0xFFFFFFD0] =	vst v58;
	v10 =	vcvt.s32.f32 v1;
	v63 =	vadd.s32 $0xB4C00008, v5;
	v62 =	vadd.f32 $-7.500000000e+00, v4  }
0x1f2: {  	s4 =	simm.s32 $0x140C0;
	s5 =	simm.s32 $0xC0C0;
	s7 =	simm.s32 $0xC0C0;
	v0 =	vmin.u32 v60, $0xF;
	[tilespmem:s9+$0x0] =	vst v8;
	v8 =	vadd.f32 $-5.000000000e-01, v61;
	vm15 =	vgt.s32 v63, $0x0  }
0x1f3: {  	s6 =	simm.s32 $0x80;
	s8 =	simm.s32 $0x140C0;
	s9 =	simm.s32 $0x4140;
	v4 =	vadd.f32 $1.258291200e+07, v9;
	v5 =	vadd.f32 $-7.500000000e+00, v10;
	v9 =	vnsel vm15, $0x0, v63;
	[tilespmem:s7+$0x20] =	vst v62  }
.LBB2_10:
0x1f4: {  	v10 =	vld [tilespmem:s9+$0xFFFFFFC0];
	s6 =	sadd.s32 $0x80, s6;
	v7 =	vmin.u32 v7, $0xF;
	s7 =	sadd.s32 $0x80, s7;
	s8 =	sadd.s32 $0x80, s8;
	[tilespmem:s3+$0x0] =	vst v2  }
0x1f5: {  	v9 =	vmin.u32 v9, $0xF;
	s3 =	smov.u32 s4;
	v2 =	vld [tilespmem:s9+$0x30];
	p0 =	slt.u32 s6, $0x3F80;
	v8 =	vadd.f32 $1.258291200e+07, v8;
	v11 =	vcvt.s32.f32 v7;
	[tilespmem:s4+$0x20] =	vst v3;
	s4 =	smov.u32 s8  }
0x1f6: {  	v12 =	vcvt.s32.f32 v0;
	v6 =	vadd.s32 $0xB4C00008, v6;
	v13 =	vcvt.s32.f32 v9;
	v3 =	vld [tilespmem:s9+$0x20];
	[tilespmem:s5+$0x30] =	vst v5  }
0x1f7: {  	v4 =	vadd.s32 $0xB4C00008, v4;
	vm0 =	vgt.s32 v6, $0x0;
	v5 =	vld [tilespmem:s9+$0x0];
	v8 =	vadd.s32 $0xB4C00008, v8;
	[tilespmem:s3+$0x30] =	vst v1  }
0x1f8: {  	v6 =	vnsel vm0, $0x0, v6;
	v13 =	vadd.f32 $-7.500000000e+00, v13;
	v1 =	vld [tilespmem:s9+$0x10];
	vm1 =	vgt.s32 v8, $0x0  }
0x1f9: {  	v6 =	vmin.u32 v6, $0xF;
	v10 =	vadd.f32 $-5.000000000e-01, v10;
	v14 =	vld [tilespmem:s9+$0xFFFFFFF0];
	v8 =	vnsel vm1, $0x0, v8  }
0x1fa: {  	v12 =	vadd.f32 $-7.500000000e+00, v12;
	vm0 =	vgt.s32 v4, $0x0;
	v11 =	vadd.f32 $-7.500000000e+00, v11;
	v15 =	vld [tilespmem:s9+$0xFFFFFFD0];
	[tilespmem:s5+$0xFFFFFFE0] =	vst v13  }
0x1fb: {  	v8 =	vmin.u32 v8, $0xF;
	v10 =	vadd.f32 $1.258291200e+07, v10;
	v13 =	vld [tilespmem:s9+$0xFFFFFFE0];
	[tilespmem:s3+$0xFFFFFFE0] =	vst v9;
	v9 =	vcvt.s32.f32 v6  }
0x1fc: {  	v4 =	vnsel vm0, $0x0, v4;
	v3 =	vadd.f32 $-5.000000000e-01, v3;
	v16 =	vadd.f32 $-5.000000000e-01, v5;
	[tilespmem:s5+$0x10] =	vst v11  }
0x1fd: {  	v2 =	vadd.f32 $-5.000000000e-01, v2;
	v5 =	vadd.s32 $0xB4C00008, v10;
	v1 =	vadd.f32 $-5.000000000e-01, v1;
	[tilespmem:s3+$0x10] =	vst v7  }
0x1fe: {  	v3 =	vadd.f32 $1.258291200e+07, v3;
	vm0 =	vgt.s32 v5, $0x0;
	v10 =	vadd.f32 $-5.000000000e-01, v14;
	[tilespmem:s5+$0xFFFFFFC0] =	vst v12  }
0x1ff: {  	v2 =	vadd.f32 $1.258291200e+07, v2;
	v7 =	vadd.f32 $-7.500000000e+00, v9;
	[tilespmem:s3+$0xFFFFFFC0] =	vst v0;
	v0 =	vcvt.s32.f32 v8  }
0x200: {  	v9 =	vnsel vm0, $0x0, v5;
	v3 =	vadd.s32 $0xB4C00008, v3;
	v5 =	vadd.f32 $-5.000000000e-01, v13  }
0x201: {  	v11 =	vadd.s32 $0xB4C00008, v2;
	v2 =	vmin.u32 v4, $0xF;
	vm0 =	vgt.s32 v3, $0x0;
	[tilespmem:s5+$0xFFFFFFF0] =	vst v7  }
0x202: {  	v4 =	vcvt.s32.f32 v2;
	v3 =	vnsel vm0, $0x0, v3;
	vm0 =	vgt.s32 v11, $0x0;
	[tilespmem:s3+$0xFFFFFFF0] =	vst v6  }
0x203: {  	v6 =	vadd.f32 $1.258291200e+07, v1;
	v3 =	vmin.u32 v3, $0xF;
	v1 =	vnsel vm0, $0x0, v11  }
0x204: {  	v0 =	vadd.f32 $-7.500000000e+00, v0;
	v7 =	vcvt.s32.f32 v3;
	v1 =	vmin.u32 v1, $0xF  }
.Ltmp4:
0x205: {  	v5 =	vadd.f32 $1.258291200e+07, v5;
	v6 =	vadd.s32 $0xB4C00008, v6;
	v11 =	vcvt.s32.f32 v1;
	(pc) =	sbr.rel @p0 .LBB2_10-.Ltmp4, $4  }
0x206: {  	vm0 =	vgt.s32 v6, $0x0;
	v12 =	vadd.f32 $-7.500000000e+00, v7;
	[tilespmem:s5+$0xFFFFFFD0] =	vst v0;
	v0 =	vadd.f32 $-7.500000000e+00, v4  }
0x207: {  	v13 =	vadd.s32 $0xB4C00008, v5;
	v7 =	vnsel vm0, $0x0, v6;
	v5 =	vadd.f32 $-7.500000000e+00, v11;
	[tilespmem:s3+$0xFFFFFFD0] =	vst v8  }
0x208: {  	vm0 =	vgt.s32 v13, $0x0;
	v6 =	vadd.f32 $1.258291200e+07, v10;
	v4 =	vadd.f32 $1.258291200e+07, v16;
	[tilespmem:s5+$0x0] =	vst v0;
	s5 =	smov.u32 s7  }
0x209: {  	s9 =	sadd.s32 $0x80, s9;
	v8 =	vadd.f32 $-5.000000000e-01, v15;
	v0 =	vmin.u32 v9, $0xF;
	v9 =	vnsel vm0, $0x0, v13;
	[tilespmem:s7+$0x20] =	vst v12  }
0x20a: {  	v9 =	vmin.u32 v9, $0xF;
	[tilespmem:s5+$0x30] =	vst v5;
	v5 =	vcvt.s32.f32 v0  }
0x20b: {  	[tilespmem:s3+$0x0] =	vst v2;
	v7 =	vmin.u32 v7, $0xF;
	v2 =	vcvt.s32.f32 v9;
	v8 =	vadd.f32 $1.258291200e+07, v8  }
0x20c: {  	[tilespmem:s4+$0x20] =	vst v3;
	v6 =	vadd.s32 $0xB4C00008, v6;
	v3 =	vcvt.s32.f32 v7;
	v5 =	vadd.f32 $-7.500000000e+00, v5  }
0x20d: {  	vm0 =	vgt.s32 v6, $0x0;
	[tilespmem:s4+$0x30] =	vst v1;
	v2 =	vadd.f32 $-7.500000000e+00, v2;
	v1 =	vadd.s32 $0xB4C00008, v8  }
0x20e: {  	v6 =	vnsel vm0, $0x0, v6;
	vm14 =	vgt.s32 v1, $0x0;
	[tilespmem:s5+$0xFFFFFFC0] =	vst v5  }
0x20f: {  	[tilespmem:s5+$0xFFFFFFE0] =	vst v2;
	v2 =	vadd.f32 $-7.500000000e+00, v3;
	v3 =	vadd.s32 $0xB4C00008, v4;
	v4 =	vmin.u32 v6, $0xF  }
0x210: {  	v1 =	vnsel vm14, $0x0, v1;
	[tilespmem:s4+$0xFFFFFFC0] =	vst v0;
	v6 =	vcvt.s32.f32 v4  }
0x211: {  	[tilespmem:s4+$0xFFFFFFE0] =	vst v9;
	vm15 =	vgt.s32 v3, $0x0;
	v1 =	vmin.u32 v1, $0xF  }
0x212: {  	[tilespmem:s5+$0x10] =	vst v2;
	v2 =	vnsel vm15, $0x0, v3;
	v3 =	vcvt.s32.f32 v1;
	v5 =	vadd.f32 $-7.500000000e+00, v6  }
0x213: {  	[tilespmem:s4+$0x10] =	vst v7;
	v0 =	vmin.u32 v2, $0xF  }
0x214: {  	v2 =	vcvt.s32.f32 v0;
	v3 =	vadd.f32 $-7.500000000e+00, v3;
	[tilespmem:s5+$0xFFFFFFF0] =	vst v5  }
0x215: {  	[tilespmem:s4+$0xFFFFFFF0] =	vst v4  }
0x216: {  	[tilespmem:s5+$0xFFFFFFD0] =	vst v3;
	v2 =	vadd.f32 $-7.500000000e+00, v2  }
0x217: {  	[tilespmem:s4+$0xFFFFFFD0] =	vst v1  }
0x218: {  	[tilespmem:s5+$0x0] =	vst v2  }
0x219: {  	[tilespmem:s4+$0x0] =	vst v0  }
0x21a: {  	s3 =	rddreg [dreg:$0x10]  }
0x21b: {  	[hbm4b:s3+s1] =	stream.linear.scatter [tilespmem:s24], [sflag:$0x4], $0x4000, $0x38;
	[tilespmem:$0x1C000] =	vst v63  }
0x21c: {  	s5 =	rddreg [dreg:$0x11]  }
0x21d: {  	[hbm4b:s5+s1] =	stream.linear.scatter [tilespmem:s25], [sflag:$0x4], $0x4000, $0x38;
	[tilespmem:$0x1C000] =	vst v63  }
0x21e: {  	s6 =	rddreg [dreg:$0x16]  }
0x21f: {  	[tilespmem:s21], [sflag:$0x2] =	stream.linear.gather [hbm4b:s6+s1], $0x4000, $0x38;
	[tilespmem:$0x1C000] =	vst v63  }
0x220: {  	_ =	swait.ge [sflag:s30], $0x4000  }
0x221: {  	[sflag:s30] =	ssyncset.done $0x0  }
0x222: {  	[sflag:s30] =	ssyncadd.s32 $0xFFFFC000  }
0x223: {  	_ =	swait.ge [sflag:s0], $0x4000  }
0x224: {  	[sflag:s0] =	ssyncset.done $0x0  }
0x225: {  	[sflag:s0] =	ssyncadd.s32 $0xFFFFC000  }
0x226: {  	_ =	swait.ge [sflag:s0], $0x4000  }
0x227: {  	[sflag:s0] =	ssyncset.done $0x0  }
0x228: {  	s7 =	simm.s32 $0x8040;
	[sflag:s0] =	ssyncadd.s32 $0xFFFFC000  }
0x229: {  	v0 =	vld [tilespmem:s7+$0xFFFFFFC0]  }
0x22a: {  	v1 =	vld [tilespmem:s7+$0x20]  }
0x22b: {  	v2 =	vld [tilespmem:s7+$0x30]  }
0x22c: {  	v3 =	vld [tilespmem:s7+$0x0]  }
0x22d: {  	v4 =	vld [tilespmem:s7+$0x10]  }
0x22e: {  	v5 =	vld [tilespmem:s7+$0xFFFFFFF0]  }
0x22f: {  	v6 =	vld [tilespmem:s7+$0xFFFFFFE0]  }
0x230: {  	s8 =	simm.s32 $0x80C0;
	v7 =	vld [tilespmem:s7+$0xFFFFFFD0]  }
0x231: {  	v10 =	vld [tilespmem:s8+$0xFFFFFFC0]  }
0x232: {  	v13 =	vld [tilespmem:s8+$0x20]  }
0x233: {  	v17 =	vld [tilespmem:s8+$0x10];
	v0 =	vadd.f32 $-5.000000000e-01, v0  }
0x234: {  	v1 =	vadd.f32 $-5.000000000e-01, v1;
	v2 =	vadd.f32 $-5.000000000e-01, v2  }
0x235: {  	v3 =	vadd.f32 $-5.000000000e-01, v3;
	v4 =	vadd.f32 $-5.000000000e-01, v4  }
0x236: {  	v5 =	vadd.f32 $-5.000000000e-01, v5;
	v6 =	vadd.f32 $-5.000000000e-01, v6  }
0x237: {  	v7 =	vadd.f32 $-5.000000000e-01, v7;
	v10 =	vadd.f32 $-5.000000000e-01, v10  }
0x238: {  	v13 =	vadd.f32 $-5.000000000e-01, v13;
	v59 =	vadd.f32 $-5.000000000e-01, v17  }
0x239: {  	v0 =	vadd.f32 $1.258291200e+07, v0;
	v1 =	vadd.f32 $1.258291200e+07, v1  }
0x23a: {  	v2 =	vadd.f32 $1.258291200e+07, v2;
	v4 =	vadd.f32 $1.258291200e+07, v4  }
0x23b: {  	v6 =	vadd.f32 $1.258291200e+07, v6;
	v5 =	vadd.f32 $1.258291200e+07, v5  }
0x23c: {  	v3 =	vadd.f32 $1.258291200e+07, v3;
	v7 =	vadd.f32 $1.258291200e+07, v7;
	v0 =	vadd.s32 $0xB4C00008, v0  }
0x23d: {  	v1 =	vadd.s32 $0xB4C00008, v1;
	v2 =	vadd.s32 $0xB4C00008, v2;
	v4 =	vadd.s32 $0xB4C00008, v4  }
0x23e: {  	v6 =	vadd.s32 $0xB4C00008, v6;
	v5 =	vadd.s32 $0xB4C00008, v5;
	v7 =	vadd.s32 $0xB4C00008, v7  }
0x23f: {  	vm4 =	vgt.s32 v0, $0x0;
	vm1 =	vgt.s32 v1, $0x0;
	vm5 =	vgt.s32 v2, $0x0  }
0x240: {  	vm6 =	vgt.s32 v4, $0x0;
	vm7 =	vgt.s32 v6, $0x0;
	v1 =	vnsel vm1, $0x0, v1  }
0x241: {  	vm8 =	vgt.s32 v5, $0x0;
	v2 =	vnsel vm5, $0x0, v2;
	v1 =	vmin.u32 v1, $0xF  }
0x242: {  	v6 =	vnsel vm7, $0x0, v6;
	v2 =	vmin.u32 v2, $0xF;
	v8 =	vcvt.s32.f32 v1  }
0x243: {  	v4 =	vnsel vm6, $0x0, v4;
	v6 =	vmin.u32 v6, $0xF;
	v9 =	vcvt.s32.f32 v2  }
0x244: {  	v4 =	vmin.u32 v4, $0xF;
	v15 =	vcvt.s32.f32 v6;
	v8 =	vadd.f32 $-7.500000000e+00, v8  }
0x245: {  	s9 =	simm.s32 $0x10040;
	vm9 =	vgt.s32 v7, $0x0;
	v12 =	vcvt.s32.f32 v4;
	v9 =	vadd.f32 $-7.500000000e+00, v9  }
0x246: {  	v11 =	vld [tilespmem:s8+$0x30];
	v0 =	vnsel vm4, $0x0, v0;
	v5 =	vnsel vm8, $0x0, v5;
	v15 =	vadd.f32 $-7.500000000e+00, v15;
	[tilespmem:s9+$0x20] =	vst v8  }
0x247: {  	v16 =	vld [tilespmem:s8+$0x0];
	v7 =	vnsel vm9, $0x0, v7;
	v5 =	vmin.u32 v5, $0xF;
	v12 =	vadd.f32 $-7.500000000e+00, v12;
	[tilespmem:s9+$0x30] =	vst v9  }
0x248: {  	v18 =	vld [tilespmem:s8+$0xFFFFFFF0];
	v0 =	vmin.u32 v0, $0xF;
	v58 =	vmin.u32 v7, $0xF;
	v7 =	vcvt.s32.f32 v5;
	[tilespmem:s9+$0xFFFFFFE0] =	vst v15  }
0x249: {  	s3 =	simm.s32 $0x18040;
	v13 =	vadd.f32 $1.258291200e+07, v13;
	v3 =	vadd.s32 $0xB4C00008, v3;
	v14 =	vcvt.s32.f32 v0;
	[tilespmem:s9+$0x10] =	vst v12  }
0x24a: {  	vm10 =	vgt.s32 v3, $0x0;
	v7 =	vadd.f32 $-7.500000000e+00, v7;
	[tilespmem:s3+$0x20] =	vst v1;
	v1 =	vadd.f32 $1.258291200e+07, v10  }
0x24b: {  	v3 =	vnsel vm10, $0x0, v3;
	v8 =	vadd.f32 $-7.500000000e+00, v14;
	[tilespmem:s3+$0x30] =	vst v2;
	v2 =	vadd.f32 $-5.000000000e-01, v11  }
0x24c: {  	v9 =	vadd.f32 $-5.000000000e-01, v16;
	v10 =	vld [tilespmem:s8+$0xFFFFFFE0];
	[tilespmem:s3+$0xFFFFFFE0] =	vst v6;
	v6 =	vcvt.s32.f32 v58;
	v1 =	vadd.s32 $0xB4C00008, v1  }
0x24d: {  	v11 =	vadd.f32 $-5.000000000e-01, v18;
	[tilespmem:s9+$0xFFFFFFC0] =	vst v8;
	v2 =	vadd.f32 $1.258291200e+07, v2;
	vm11 =	vgt.s32 v1, $0x0  }
0x24e: {  	[tilespmem:s3+$0xFFFFFFC0] =	vst v0;
	v0 =	vadd.f32 $1.258291200e+07, v59;
	v6 =	vadd.f32 $-7.500000000e+00, v6;
	v60 =	vnsel vm11, $0x0, v1  }
0x24f: {  	[tilespmem:s3+$0x10] =	vst v4;
	v1 =	vadd.s32 $0xB4C00008, v13;
	v4 =	vadd.s32 $0xB4C00008, v2;
	v2 =	vmin.u32 v3, $0xF  }
0x250: {  	v0 =	vadd.s32 $0xB4C00008, v0;
	[tilespmem:s9+$0xFFFFFFD0] =	vst v6;
	v6 =	vadd.f32 $1.258291200e+07, v11;
	vm12 =	vgt.s32 v1, $0x0  }
0x251: {  	v61 =	vld [tilespmem:s8+$0xFFFFFFD0];
	v10 =	vadd.f32 $-5.000000000e-01, v10;
	vm13 =	vgt.s32 v4, $0x0;
	v1 =	vnsel vm12, $0x0, v1  }
0x252: {  	[tilespmem:s9+$0xFFFFFFF0] =	vst v7;
	v8 =	vcvt.s32.f32 v2;
	vm14 =	vgt.s32 v0, $0x0;
	v3 =	vmin.u32 v1, $0xF  }
0x253: {  	[tilespmem:s3+$0xFFFFFFF0] =	vst v5;
	v1 =	vnsel vm13, $0x0, v4;
	v5 =	vadd.f32 $1.258291200e+07, v10;
	v4 =	vcvt.s32.f32 v3  }
0x254: {  	v7 =	vnsel vm14, $0x0, v0;
	v8 =	vadd.f32 $-7.500000000e+00, v8;
	v1 =	vmin.u32 v1, $0xF  }
0x255: {  	[tilespmem:s3+$0xFFFFFFD0] =	vst v58;
	v10 =	vcvt.s32.f32 v1;
	v63 =	vadd.s32 $0xB4C00008, v5;
	v62 =	vadd.f32 $-7.500000000e+00, v4  }
0x256: {  	s4 =	simm.s32 $0x180C0;
	s5 =	simm.s32 $0x100C0;
	s7 =	simm.s32 $0x100C0;
	v0 =	vmin.u32 v60, $0xF;
	[tilespmem:s9+$0x0] =	vst v8;
	v8 =	vadd.f32 $-5.000000000e-01, v61;
	vm15 =	vgt.s32 v63, $0x0  }
0x257: {  	s6 =	simm.s32 $0x80;
	s8 =	simm.s32 $0x180C0;
	s9 =	simm.s32 $0x8140;
	v4 =	vadd.f32 $1.258291200e+07, v9;
	v5 =	vadd.f32 $-7.500000000e+00, v10;
	v9 =	vnsel vm15, $0x0, v63;
	[tilespmem:s7+$0x20] =	vst v62  }
.LBB2_12:
0x258: {  	v10 =	vld [tilespmem:s9+$0xFFFFFFC0];
	s6 =	sadd.s32 $0x80, s6;
	v7 =	vmin.u32 v7, $0xF;
	s7 =	sadd.s32 $0x80, s7;
	s8 =	sadd.s32 $0x80, s8;
	[tilespmem:s3+$0x0] =	vst v2  }
0x259: {  	v9 =	vmin.u32 v9, $0xF;
	s3 =	smov.u32 s4;
	v2 =	vld [tilespmem:s9+$0x30];
	p0 =	slt.u32 s6, $0x3F80;
	v8 =	vadd.f32 $1.258291200e+07, v8;
	v11 =	vcvt.s32.f32 v7;
	[tilespmem:s4+$0x20] =	vst v3;
	s4 =	smov.u32 s8  }
0x25a: {  	v12 =	vcvt.s32.f32 v0;
	v6 =	vadd.s32 $0xB4C00008, v6;
	v13 =	vcvt.s32.f32 v9;
	v3 =	vld [tilespmem:s9+$0x20];
	[tilespmem:s5+$0x30] =	vst v5  }
0x25b: {  	v4 =	vadd.s32 $0xB4C00008, v4;
	vm0 =	vgt.s32 v6, $0x0;
	v5 =	vld [tilespmem:s9+$0x0];
	v8 =	vadd.s32 $0xB4C00008, v8;
	[tilespmem:s3+$0x30] =	vst v1  }
0x25c: {  	v6 =	vnsel vm0, $0x0, v6;
	v13 =	vadd.f32 $-7.500000000e+00, v13;
	v1 =	vld [tilespmem:s9+$0x10];
	vm1 =	vgt.s32 v8, $0x0  }
0x25d: {  	v6 =	vmin.u32 v6, $0xF;
	v10 =	vadd.f32 $-5.000000000e-01, v10;
	v14 =	vld [tilespmem:s9+$0xFFFFFFF0];
	v8 =	vnsel vm1, $0x0, v8  }
0x25e: {  	v12 =	vadd.f32 $-7.500000000e+00, v12;
	vm0 =	vgt.s32 v4, $0x0;
	v11 =	vadd.f32 $-7.500000000e+00, v11;
	v15 =	vld [tilespmem:s9+$0xFFFFFFD0];
	[tilespmem:s5+$0xFFFFFFE0] =	vst v13  }
0x25f: {  	v8 =	vmin.u32 v8, $0xF;
	v10 =	vadd.f32 $1.258291200e+07, v10;
	v13 =	vld [tilespmem:s9+$0xFFFFFFE0];
	[tilespmem:s3+$0xFFFFFFE0] =	vst v9;
	v9 =	vcvt.s32.f32 v6  }
0x260: {  	v4 =	vnsel vm0, $0x0, v4;
	v3 =	vadd.f32 $-5.000000000e-01, v3;
	v16 =	vadd.f32 $-5.000000000e-01, v5;
	[tilespmem:s5+$0x10] =	vst v11  }
0x261: {  	v2 =	vadd.f32 $-5.000000000e-01, v2;
	v5 =	vadd.s32 $0xB4C00008, v10;
	v1 =	vadd.f32 $-5.000000000e-01, v1;
	[tilespmem:s3+$0x10] =	vst v7  }
0x262: {  	v3 =	vadd.f32 $1.258291200e+07, v3;
	vm0 =	vgt.s32 v5, $0x0;
	v10 =	vadd.f32 $-5.000000000e-01, v14;
	[tilespmem:s5+$0xFFFFFFC0] =	vst v12  }
0x263: {  	v2 =	vadd.f32 $1.258291200e+07, v2;
	v7 =	vadd.f32 $-7.500000000e+00, v9;
	[tilespmem:s3+$0xFFFFFFC0] =	vst v0;
	v0 =	vcvt.s32.f32 v8  }
0x264: {  	v9 =	vnsel vm0, $0x0, v5;
	v3 =	vadd.s32 $0xB4C00008, v3;
	v5 =	vadd.f32 $-5.000000000e-01, v13  }
0x265: {  	v11 =	vadd.s32 $0xB4C00008, v2;
	v2 =	vmin.u32 v4, $0xF;
	vm0 =	vgt.s32 v3, $0x0;
	[tilespmem:s5+$0xFFFFFFF0] =	vst v7  }
0x266: {  	v4 =	vcvt.s32.f32 v2;
	v3 =	vnsel vm0, $0x0, v3;
	vm0 =	vgt.s32 v11, $0x0;
	[tilespmem:s3+$0xFFFFFFF0] =	vst v6  }
0x267: {  	v6 =	vadd.f32 $1.258291200e+07, v1;
	v3 =	vmin.u32 v3, $0xF;
	v1 =	vnsel vm0, $0x0, v11  }
0x268: {  	v0 =	vadd.f32 $-7.500000000e+00, v0;
	v7 =	vcvt.s32.f32 v3;
	v1 =	vmin.u32 v1, $0xF  }
.Ltmp5:
0x269: {  	v5 =	vadd.f32 $1.258291200e+07, v5;
	v6 =	vadd.s32 $0xB4C00008, v6;
	v11 =	vcvt.s32.f32 v1;
	(pc) =	sbr.rel @p0 .LBB2_12-.Ltmp5, $4  }
0x26a: {  	vm0 =	vgt.s32 v6, $0x0;
	v12 =	vadd.f32 $-7.500000000e+00, v7;
	[tilespmem:s5+$0xFFFFFFD0] =	vst v0;
	v0 =	vadd.f32 $-7.500000000e+00, v4  }
0x26b: {  	v13 =	vadd.s32 $0xB4C00008, v5;
	v7 =	vnsel vm0, $0x0, v6;
	v5 =	vadd.f32 $-7.500000000e+00, v11;
	[tilespmem:s3+$0xFFFFFFD0] =	vst v8  }
0x26c: {  	vm0 =	vgt.s32 v13, $0x0;
	v6 =	vadd.f32 $1.258291200e+07, v10;
	v4 =	vadd.f32 $1.258291200e+07, v16;
	[tilespmem:s5+$0x0] =	vst v0;
	s5 =	smov.u32 s7  }
0x26d: {  	s9 =	sadd.s32 $0x80, s9;
	v8 =	vadd.f32 $-5.000000000e-01, v15;
	v0 =	vmin.u32 v9, $0xF;
	v9 =	vnsel vm0, $0x0, v13;
	[tilespmem:s7+$0x20] =	vst v12  }
0x26e: {  	v9 =	vmin.u32 v9, $0xF;
	[tilespmem:s5+$0x30] =	vst v5;
	v5 =	vcvt.s32.f32 v0  }
0x26f: {  	[tilespmem:s3+$0x0] =	vst v2;
	v7 =	vmin.u32 v7, $0xF;
	v2 =	vcvt.s32.f32 v9;
	v8 =	vadd.f32 $1.258291200e+07, v8  }
0x270: {  	[tilespmem:s4+$0x20] =	vst v3;
	v6 =	vadd.s32 $0xB4C00008, v6;
	v3 =	vcvt.s32.f32 v7;
	v5 =	vadd.f32 $-7.500000000e+00, v5  }
0x271: {  	vm0 =	vgt.s32 v6, $0x0;
	[tilespmem:s4+$0x30] =	vst v1;
	v2 =	vadd.f32 $-7.500000000e+00, v2;
	v1 =	vadd.s32 $0xB4C00008, v8  }
0x272: {  	v6 =	vnsel vm0, $0x0, v6;
	vm14 =	vgt.s32 v1, $0x0;
	[tilespmem:s5+$0xFFFFFFC0] =	vst v5  }
0x273: {  	[tilespmem:s5+$0xFFFFFFE0] =	vst v2;
	v2 =	vadd.f32 $-7.500000000e+00, v3;
	v3 =	vadd.s32 $0xB4C00008, v4;
	v4 =	vmin.u32 v6, $0xF  }
0x274: {  	v1 =	vnsel vm14, $0x0, v1;
	[tilespmem:s4+$0xFFFFFFC0] =	vst v0;
	v6 =	vcvt.s32.f32 v4  }
0x275: {  	[tilespmem:s4+$0xFFFFFFE0] =	vst v9;
	vm15 =	vgt.s32 v3, $0x0;
	v1 =	vmin.u32 v1, $0xF  }
0x276: {  	[tilespmem:s5+$0x10] =	vst v2;
	v2 =	vnsel vm15, $0x0, v3;
	v3 =	vcvt.s32.f32 v1;
	v5 =	vadd.f32 $-7.500000000e+00, v6  }
0x277: {  	[tilespmem:s4+$0x10] =	vst v7;
	v0 =	vmin.u32 v2, $0xF  }
0x278: {  	v2 =	vcvt.s32.f32 v0;
	v3 =	vadd.f32 $-7.500000000e+00, v3;
	[tilespmem:s5+$0xFFFFFFF0] =	vst v5  }
0x279: {  	[tilespmem:s4+$0xFFFFFFF0] =	vst v4  }
0x27a: {  	[tilespmem:s5+$0xFFFFFFD0] =	vst v3;
	v2 =	vadd.f32 $-7.500000000e+00, v2  }
0x27b: {  	[tilespmem:s4+$0xFFFFFFD0] =	vst v1  }
0x27c: {  	[tilespmem:s5+$0x0] =	vst v2  }
0x27d: {  	[tilespmem:s4+$0x0] =	vst v0  }
0x27e: {  	s3 =	rddreg [dreg:$0x12]  }
0x27f: {  	[hbm4b:s3+s1] =	stream.linear.scatter [tilespmem:s28], [sflag:$0x5], $0x4000, $0x38;
	[tilespmem:$0x1C000] =	vst v63  }
0x280: {  	s5 =	rddreg [dreg:$0x13]  }
0x281: {  	[hbm4b:s5+s1] =	stream.linear.scatter [tilespmem:s29], [sflag:$0x5], $0x4000, $0x38;
	[tilespmem:$0x1C000] =	vst v63  }
0x282: {  	s6 =	rddreg [dreg:$0x19]  }
0x283: {  	[tilespmem:s22], [sflag:$0x3] =	stream.linear.gather [hbm4b:s6+s1], $0x4000, $0x38;
	[tilespmem:$0x1C000] =	vst v63  }
0x284: {  	_ =	swait.ge [sflag:s23], $0x4000  }
0x285: {  	[sflag:s23] =	ssyncset.done $0x0  }
0x286: {  	[sflag:s23] =	ssyncadd.s32 $0xFFFFC000  }
0x287: {  	_ =	swait.ge [sflag:s31], $0x4000  }
0x288: {  	[sflag:s31] =	ssyncset.done $0x0  }
0x289: {  	[sflag:s31] =	ssyncadd.s32 $0xFFFFC000  }
0x28a: {  	_ =	swait.ge [sflag:s31], $0x4000  }
0x28b: {  	[sflag:s31] =	ssyncset.done $0x0  }
0x28c: {  	s7 =	simm.s32 $0x40;
	[sflag:s31] =	ssyncadd.s32 $0xFFFFC000  }
0x28d: {  	v0 =	vld [tilespmem:s7+$0xFFFFFFC0]  }
0x28e: {  	v1 =	vld [tilespmem:s7+$0x20]  }
0x28f: {  	v2 =	vld [tilespmem:s7+$0x30]  }
0x290: {  	v3 =	vld [tilespmem:s7+$0x0]  }
0x291: {  	v4 =	vld [tilespmem:s7+$0x10]  }
0x292: {  	v5 =	vld [tilespmem:s7+$0xFFFFFFF0]  }
0x293: {  	v6 =	vld [tilespmem:s7+$0xFFFFFFE0]  }
0x294: {  	s8 =	simm.s32 $0xC0;
	v7 =	vld [tilespmem:s7+$0xFFFFFFD0]  }
0x295: {  	v10 =	vld [tilespmem:s8+$0xFFFFFFC0]  }
0x296: {  	v13 =	vld [tilespmem:s8+$0x20]  }
0x297: {  	v17 =	vld [tilespmem:s8+$0x10];
	v0 =	vadd.f32 $-5.000000000e-01, v0  }
0x298: {  	v1 =	vadd.f32 $-5.000000000e-01, v1;
	v2 =	vadd.f32 $-5.000000000e-01, v2  }
0x299: {  	v3 =	vadd.f32 $-5.000000000e-01, v3;
	v4 =	vadd.f32 $-5.000000000e-01, v4  }
0x29a: {  	v5 =	vadd.f32 $-5.000000000e-01, v5;
	v6 =	vadd.f32 $-5.000000000e-01, v6  }
0x29b: {  	v7 =	vadd.f32 $-5.000000000e-01, v7;
	v10 =	vadd.f32 $-5.000000000e-01, v10  }
0x29c: {  	v13 =	vadd.f32 $-5.000000000e-01, v13;
	v59 =	vadd.f32 $-5.000000000e-01, v17  }
0x29d: {  	v0 =	vadd.f32 $1.258291200e+07, v0;
	v1 =	vadd.f32 $1.258291200e+07, v1  }
0x29e: {  	v2 =	vadd.f32 $1.258291200e+07, v2;
	v4 =	vadd.f32 $1.258291200e+07, v4  }
0x29f: {  	v6 =	vadd.f32 $1.258291200e+07, v6;
	v5 =	vadd.f32 $1.258291200e+07, v5  }
0x2a0: {  	v3 =	vadd.f32 $1.258291200e+07, v3;
	v7 =	vadd.f32 $1.258291200e+07, v7;
	v0 =	vadd.s32 $0xB4C00008, v0  }
0x2a1: {  	v1 =	vadd.s32 $0xB4C00008, v1;
	v2 =	vadd.s32 $0xB4C00008, v2;
	v4 =	vadd.s32 $0xB4C00008, v4  }
0x2a2: {  	v6 =	vadd.s32 $0xB4C00008, v6;
	v5 =	vadd.s32 $0xB4C00008, v5;
	v7 =	vadd.s32 $0xB4C00008, v7  }
0x2a3: {  	vm4 =	vgt.s32 v0, $0x0;
	vm1 =	vgt.s32 v1, $0x0;
	vm5 =	vgt.s32 v2, $0x0  }
0x2a4: {  	vm6 =	vgt.s32 v4, $0x0;
	vm7 =	vgt.s32 v6, $0x0;
	v1 =	vnsel vm1, $0x0, v1  }
0x2a5: {  	vm8 =	vgt.s32 v5, $0x0;
	v2 =	vnsel vm5, $0x0, v2;
	v1 =	vmin.u32 v1, $0xF  }
0x2a6: {  	v6 =	vnsel vm7, $0x0, v6;
	v2 =	vmin.u32 v2, $0xF;
	v8 =	vcvt.s32.f32 v1  }
0x2a7: {  	v4 =	vnsel vm6, $0x0, v4;
	v6 =	vmin.u32 v6, $0xF;
	v9 =	vcvt.s32.f32 v2  }
0x2a8: {  	v4 =	vmin.u32 v4, $0xF;
	v15 =	vcvt.s32.f32 v6;
	v8 =	vadd.f32 $-7.500000000e+00, v8  }
0x2a9: {  	s9 =	simm.s32 $0xC040;
	vm9 =	vgt.s32 v7, $0x0;
	v12 =	vcvt.s32.f32 v4;
	v9 =	vadd.f32 $-7.500000000e+00, v9  }
0x2aa: {  	v11 =	vld [tilespmem:s8+$0x30];
	v0 =	vnsel vm4, $0x0, v0;
	v5 =	vnsel vm8, $0x0, v5;
	v15 =	vadd.f32 $-7.500000000e+00, v15;
	[tilespmem:s9+$0x20] =	vst v8  }
0x2ab: {  	v16 =	vld [tilespmem:s8+$0x0];
	v7 =	vnsel vm9, $0x0, v7;
	v5 =	vmin.u32 v5, $0xF;
	v12 =	vadd.f32 $-7.500000000e+00, v12;
	[tilespmem:s9+$0x30] =	vst v9  }
0x2ac: {  	v18 =	vld [tilespmem:s8+$0xFFFFFFF0];
	v0 =	vmin.u32 v0, $0xF;
	v58 =	vmin.u32 v7, $0xF;
	v7 =	vcvt.s32.f32 v5;
	[tilespmem:s9+$0xFFFFFFE0] =	vst v15  }
0x2ad: {  	s3 =	simm.s32 $0x14040;
	v13 =	vadd.f32 $1.258291200e+07, v13;
	v3 =	vadd.s32 $0xB4C00008, v3;
	v14 =	vcvt.s32.f32 v0;
	[tilespmem:s9+$0x10] =	vst v12  }
0x2ae: {  	vm10 =	vgt.s32 v3, $0x0;
	v7 =	vadd.f32 $-7.500000000e+00, v7;
	[tilespmem:s3+$0x20] =	vst v1;
	v1 =	vadd.f32 $1.258291200e+07, v10  }
0x2af: {  	v3 =	vnsel vm10, $0x0, v3;
	v8 =	vadd.f32 $-7.500000000e+00, v14;
	[tilespmem:s3+$0x30] =	vst v2;
	v2 =	vadd.f32 $-5.000000000e-01, v11  }
0x2b0: {  	v9 =	vadd.f32 $-5.000000000e-01, v16;
	v10 =	vld [tilespmem:s8+$0xFFFFFFE0];
	[tilespmem:s3+$0xFFFFFFE0] =	vst v6;
	v6 =	vcvt.s32.f32 v58;
	v1 =	vadd.s32 $0xB4C00008, v1  }
0x2b1: {  	v11 =	vadd.f32 $-5.000000000e-01, v18;
	[tilespmem:s9+$0xFFFFFFC0] =	vst v8;
	v2 =	vadd.f32 $1.258291200e+07, v2;
	vm11 =	vgt.s32 v1, $0x0  }
0x2b2: {  	[tilespmem:s3+$0xFFFFFFC0] =	vst v0;
	v0 =	vadd.f32 $1.258291200e+07, v59;
	v6 =	vadd.f32 $-7.500000000e+00, v6;
	v60 =	vnsel vm11, $0x0, v1  }
0x2b3: {  	[tilespmem:s3+$0x10] =	vst v4;
	v1 =	vadd.s32 $0xB4C00008, v13;
	v4 =	vadd.s32 $0xB4C00008, v2;
	v2 =	vmin.u32 v3, $0xF  }
0x2b4: {  	v0 =	vadd.s32 $0xB4C00008, v0;
	[tilespmem:s9+$0xFFFFFFD0] =	vst v6;
	v6 =	vadd.f32 $1.258291200e+07, v11;
	vm12 =	vgt.s32 v1, $0x0  }
0x2b5: {  	v61 =	vld [tilespmem:s8+$0xFFFFFFD0];
	v10 =	vadd.f32 $-5.000000000e-01, v10;
	vm13 =	vgt.s32 v4, $0x0;
	v1 =	vnsel vm12, $0x0, v1  }
0x2b6: {  	[tilespmem:s9+$0xFFFFFFF0] =	vst v7;
	v8 =	vcvt.s32.f32 v2;
	vm14 =	vgt.s32 v0, $0x0;
	v3 =	vmin.u32 v1, $0xF  }
0x2b7: {  	[tilespmem:s3+$0xFFFFFFF0] =	vst v5;
	v1 =	vnsel vm13, $0x0, v4;
	v5 =	vadd.f32 $1.258291200e+07, v10;
	v4 =	vcvt.s32.f32 v3  }
0x2b8: {  	v7 =	vnsel vm14, $0x0, v0;
	v8 =	vadd.f32 $-7.500000000e+00, v8;
	v1 =	vmin.u32 v1, $0xF  }
0x2b9: {  	[tilespmem:s3+$0xFFFFFFD0] =	vst v58;
	v10 =	vcvt.s32.f32 v1;
	v63 =	vadd.s32 $0xB4C00008, v5;
	v62 =	vadd.f32 $-7.500000000e+00, v4  }
0x2ba: {  	s4 =	simm.s32 $0x140C0;
	s5 =	simm.s32 $0xC0C0;
	s7 =	simm.s32 $0xC0C0;
	v0 =	vmin.u32 v60, $0xF;
	[tilespmem:s9+$0x0] =	vst v8;
	v8 =	vadd.f32 $-5.000000000e-01, v61;
	vm15 =	vgt.s32 v63, $0x0  }
0x2bb: {  	s6 =	simm.s32 $0x80;
	s8 =	simm.s32 $0x140C0;
	s9 =	simm.s32 $0x140;
	v4 =	vadd.f32 $1.258291200e+07, v9;
	v5 =	vadd.f32 $-7.500000000e+00, v10;
	v9 =	vnsel vm15, $0x0, v63;
	[tilespmem:s7+$0x20] =	vst v62  }
.LBB2_14:
0x2bc: {  	v10 =	vld [tilespmem:s9+$0xFFFFFFC0];
	s6 =	sadd.s32 $0x80, s6;
	v7 =	vmin.u32 v7, $0xF;
	s7 =	sadd.s32 $0x80, s7;
	s8 =	sadd.s32 $0x80, s8;
	[tilespmem:s3+$0x0] =	vst v2  }
0x2bd: {  	v9 =	vmin.u32 v9, $0xF;
	s3 =	smov.u32 s4;
	v2 =	vld [tilespmem:s9+$0x30];
	p0 =	slt.u32 s6, $0x3F80;
	v8 =	vadd.f32 $1.258291200e+07, v8;
	v11 =	vcvt.s32.f32 v7;
	[tilespmem:s4+$0x20] =	vst v3;
	s4 =	smov.u32 s8  }
0x2be: {  	v12 =	vcvt.s32.f32 v0;
	v6 =	vadd.s32 $0xB4C00008, v6;
	v13 =	vcvt.s32.f32 v9;
	v3 =	vld [tilespmem:s9+$0x20];
	[tilespmem:s5+$0x30] =	vst v5  }
0x2bf: {  	v4 =	vadd.s32 $0xB4C00008, v4;
	vm0 =	vgt.s32 v6, $0x0;
	v5 =	vld [tilespmem:s9+$0x0];
	v8 =	vadd.s32 $0xB4C00008, v8;
	[tilespmem:s3+$0x30] =	vst v1  }
0x2c0: {  	v6 =	vnsel vm0, $0x0, v6;
	v13 =	vadd.f32 $-7.500000000e+00, v13;
	v1 =	vld [tilespmem:s9+$0x10];
	vm1 =	vgt.s32 v8, $0x0  }
0x2c1: {  	v6 =	vmin.u32 v6, $0xF;
	v10 =	vadd.f32 $-5.000000000e-01, v10;
	v14 =	vld [tilespmem:s9+$0xFFFFFFF0];
	v8 =	vnsel vm1, $0x0, v8  }
0x2c2: {  	v12 =	vadd.f32 $-7.500000000e+00, v12;
	vm0 =	vgt.s32 v4, $0x0;
	v11 =	vadd.f32 $-7.500000000e+00, v11;
	v15 =	vld [tilespmem:s9+$0xFFFFFFD0];
	[tilespmem:s5+$0xFFFFFFE0] =	vst v13  }
0x2c3: {  	v8 =	vmin.u32 v8, $0xF;
	v10 =	vadd.f32 $1.258291200e+07, v10;
	v13 =	vld [tilespmem:s9+$0xFFFFFFE0];
	[tilespmem:s3+$0xFFFFFFE0] =	vst v9;
	v9 =	vcvt.s32.f32 v6  }
0x2c4: {  	v4 =	vnsel vm0, $0x0, v4;
	v3 =	vadd.f32 $-5.000000000e-01, v3;
	v16 =	vadd.f32 $-5.000000000e-01, v5;
	[tilespmem:s5+$0x10] =	vst v11  }
0x2c5: {  	v2 =	vadd.f32 $-5.000000000e-01, v2;
	v5 =	vadd.s32 $0xB4C00008, v10;
	v1 =	vadd.f32 $-5.000000000e-01, v1;
	[tilespmem:s3+$0x10] =	vst v7  }
0x2c6: {  	v3 =	vadd.f32 $1.258291200e+07, v3;
	vm0 =	vgt.s32 v5, $0x0;
	v10 =	vadd.f32 $-5.000000000e-01, v14;
	[tilespmem:s5+$0xFFFFFFC0] =	vst v12  }
0x2c7: {  	v2 =	vadd.f32 $1.258291200e+07, v2;
	v7 =	vadd.f32 $-7.500000000e+00, v9;
	[tilespmem:s3+$0xFFFFFFC0] =	vst v0;
	v0 =	vcvt.s32.f32 v8  }
0x2c8: {  	v9 =	vnsel vm0, $0x0, v5;
	v3 =	vadd.s32 $0xB4C00008, v3;
	v5 =	vadd.f32 $-5.000000000e-01, v13  }
0x2c9: {  	v11 =	vadd.s32 $0xB4C00008, v2;
	v2 =	vmin.u32 v4, $0xF;
	vm0 =	vgt.s32 v3, $0x0;
	[tilespmem:s5+$0xFFFFFFF0] =	vst v7  }
0x2ca: {  	v4 =	vcvt.s32.f32 v2;
	v3 =	vnsel vm0, $0x0, v3;
	vm0 =	vgt.s32 v11, $0x0;
	[tilespmem:s3+$0xFFFFFFF0] =	vst v6  }
0x2cb: {  	v6 =	vadd.f32 $1.258291200e+07, v1;
	v3 =	vmin.u32 v3, $0xF;
	v1 =	vnsel vm0, $0x0, v11  }
0x2cc: {  	v0 =	vadd.f32 $-7.500000000e+00, v0;
	v7 =	vcvt.s32.f32 v3;
	v1 =	vmin.u32 v1, $0xF  }
.Ltmp6:
0x2cd: {  	v5 =	vadd.f32 $1.258291200e+07, v5;
	v6 =	vadd.s32 $0xB4C00008, v6;
	v11 =	vcvt.s32.f32 v1;
	(pc) =	sbr.rel @p0 .LBB2_14-.Ltmp6, $4  }
0x2ce: {  	vm0 =	vgt.s32 v6, $0x0;
	v12 =	vadd.f32 $-7.500000000e+00, v7;
	[tilespmem:s5+$0xFFFFFFD0] =	vst v0;
	v0 =	vadd.f32 $-7.500000000e+00, v4  }
0x2cf: {  	v13 =	vadd.s32 $0xB4C00008, v5;
	v7 =	vnsel vm0, $0x0, v6;
	v5 =	vadd.f32 $-7.500000000e+00, v11;
	[tilespmem:s3+$0xFFFFFFD0] =	vst v8  }
0x2d0: {  	vm0 =	vgt.s32 v13, $0x0;
	v6 =	vadd.f32 $1.258291200e+07, v10;
	v4 =	vadd.f32 $1.258291200e+07, v16;
	[tilespmem:s5+$0x0] =	vst v0;
	s5 =	smov.u32 s7  }
0x2d1: {  	s9 =	sadd.s32 $0x80, s9;
	v8 =	vadd.f32 $-5.000000000e-01, v15;
	v0 =	vmin.u32 v9, $0xF;
	v9 =	vnsel vm0, $0x0, v13;
	[tilespmem:s7+$0x20] =	vst v12  }
0x2d2: {  	v9 =	vmin.u32 v9, $0xF;
	[tilespmem:s5+$0x30] =	vst v5;
	v5 =	vcvt.s32.f32 v0  }
0x2d3: {  	[tilespmem:s3+$0x0] =	vst v2;
	v7 =	vmin.u32 v7, $0xF;
	v2 =	vcvt.s32.f32 v9;
	v8 =	vadd.f32 $1.258291200e+07, v8  }
0x2d4: {  	[tilespmem:s4+$0x20] =	vst v3;
	v6 =	vadd.s32 $0xB4C00008, v6;
	v3 =	vcvt.s32.f32 v7;
	v5 =	vadd.f32 $-7.500000000e+00, v5  }
0x2d5: {  	vm0 =	vgt.s32 v6, $0x0;
	[tilespmem:s4+$0x30] =	vst v1;
	v2 =	vadd.f32 $-7.500000000e+00, v2;
	v1 =	vadd.s32 $0xB4C00008, v8  }
0x2d6: {  	v6 =	vnsel vm0, $0x0, v6;
	vm14 =	vgt.s32 v1, $0x0;
	[tilespmem:s5+$0xFFFFFFC0] =	vst v5  }
0x2d7: {  	[tilespmem:s5+$0xFFFFFFE0] =	vst v2;
	v2 =	vadd.f32 $-7.500000000e+00, v3;
	v3 =	vadd.s32 $0xB4C00008, v4;
	v4 =	vmin.u32 v6, $0xF  }
0x2d8: {  	v1 =	vnsel vm14, $0x0, v1;
	[tilespmem:s4+$0xFFFFFFC0] =	vst v0;
	v6 =	vcvt.s32.f32 v4  }
0x2d9: {  	[tilespmem:s4+$0xFFFFFFE0] =	vst v9;
	vm15 =	vgt.s32 v3, $0x0;
	v1 =	vmin.u32 v1, $0xF  }
0x2da: {  	[tilespmem:s5+$0x10] =	vst v2;
	v2 =	vnsel vm15, $0x0, v3;
	v3 =	vcvt.s32.f32 v1;
	v5 =	vadd.f32 $-7.500000000e+00, v6  }
0x2db: {  	[tilespmem:s4+$0x10] =	vst v7;
	v0 =	vmin.u32 v2, $0xF  }
0x2dc: {  	v2 =	vcvt.s32.f32 v0;
	v3 =	vadd.f32 $-7.500000000e+00, v3;
	[tilespmem:s5+$0xFFFFFFF0] =	vst v5  }
0x2dd: {  	[tilespmem:s4+$0xFFFFFFF0] =	vst v4  }
0x2de: {  	[tilespmem:s5+$0xFFFFFFD0] =	vst v3;
	v2 =	vadd.f32 $-7.500000000e+00, v2  }
0x2df: {  	[tilespmem:s4+$0xFFFFFFD0] =	vst v1  }
0x2e0: {  	[tilespmem:s5+$0x0] =	vst v2  }
0x2e1: {  	[tilespmem:s4+$0x0] =	vst v0  }
0x2e2: {  	s3 =	rddreg [dreg:$0x14]  }
0x2e3: {  	[hbm4b:s3+s1] =	stream.linear.scatter [tilespmem:s24], [sflag:$0x4], $0x4000, $0x38;
	[tilespmem:$0x1C000] =	vst v63  }
0x2e4: {  	s5 =	rddreg [dreg:$0x15]  }
0x2e5: {  	[hbm4b:s5+s1] =	stream.linear.scatter [tilespmem:s25], [sflag:$0x4], $0x4000, $0x38;
	[tilespmem:$0x1C000] =	vst v63  }
0x2e6: {  	s6 =	rddreg [dreg:$0x1c]  }
0x2e7: {  	[tilespmem:s1], [sflag:$0x1] =	stream.linear.gather [hbm4b:s6+s1], $0x4000, $0x38;
	[tilespmem:$0x1C000] =	vst v63  }
0x2e8: {  	_ =	swait.ge [sflag:s26], $0x4000  }
0x2e9: {  	[sflag:s26] =	ssyncset.done $0x0  }
0x2ea: {  	[sflag:s26] =	ssyncadd.s32 $0xFFFFC000  }
0x2eb: {  	_ =	swait.ge [sflag:s0], $0x4000  }
0x2ec: {  	[sflag:s0] =	ssyncset.done $0x0  }
0x2ed: {  	[sflag:s0] =	ssyncadd.s32 $0xFFFFC000  }
0x2ee: {  	_ =	swait.ge [sflag:s0], $0x4000  }
0x2ef: {  	[sflag:s0] =	ssyncset.done $0x0  }
0x2f0: {  	s7 =	simm.s32 $0x4040;
	[sflag:s0] =	ssyncadd.s32 $0xFFFFC000  }
0x2f1: {  	v0 =	vld [tilespmem:s7+$0xFFFFFFC0]  }
0x2f2: {  	v1 =	vld [tilespmem:s7+$0x20]  }
0x2f3: {  	v2 =	vld [tilespmem:s7+$0x30]  }
0x2f4: {  	v3 =	vld [tilespmem:s7+$0x0]  }
0x2f5: {  	v4 =	vld [tilespmem:s7+$0x10]  }
0x2f6: {  	v5 =	vld [tilespmem:s7+$0xFFFFFFF0]  }
0x2f7: {  	v6 =	vld [tilespmem:s7+$0xFFFFFFE0]  }
0x2f8: {  	s8 =	simm.s32 $0x40C0;
	v7 =	vld [tilespmem:s7+$0xFFFFFFD0]  }
0x2f9: {  	v10 =	vld [tilespmem:s8+$0xFFFFFFC0]  }
0x2fa: {  	v13 =	vld [tilespmem:s8+$0x20]  }
0x2fb: {  	v17 =	vld [tilespmem:s8+$0x10];
	v0 =	vadd.f32 $-5.000000000e-01, v0  }
0x2fc: {  	v1 =	vadd.f32 $-5.000000000e-01, v1;
	v2 =	vadd.f32 $-5.000000000e-01, v2  }
0x2fd: {  	v3 =	vadd.f32 $-5.000000000e-01, v3;
	v4 =	vadd.f32 $-5.000000000e-01, v4  }
0x2fe: {  	v5 =	vadd.f32 $-5.000000000e-01, v5;
	v6 =	vadd.f32 $-5.000000000e-01, v6  }
0x2ff: {  	v7 =	vadd.f32 $-5.000000000e-01, v7;
	v10 =	vadd.f32 $-5.000000000e-01, v10  }
0x300: {  	v13 =	vadd.f32 $-5.000000000e-01, v13;
	v59 =	vadd.f32 $-5.000000000e-01, v17  }
0x301: {  	v0 =	vadd.f32 $1.258291200e+07, v0;
	v1 =	vadd.f32 $1.258291200e+07, v1  }
0x302: {  	v2 =	vadd.f32 $1.258291200e+07, v2;
	v4 =	vadd.f32 $1.258291200e+07, v4  }
0x303: {  	v6 =	vadd.f32 $1.258291200e+07, v6;
	v5 =	vadd.f32 $1.258291200e+07, v5  }
0x304: {  	v3 =	vadd.f32 $1.258291200e+07, v3;
	v7 =	vadd.f32 $1.258291200e+07, v7;
	v0 =	vadd.s32 $0xB4C00008, v0  }
0x305: {  	v1 =	vadd.s32 $0xB4C00008, v1;
	v2 =	vadd.s32 $0xB4C00008, v2;
	v4 =	vadd.s32 $0xB4C00008, v4  }
0x306: {  	v6 =	vadd.s32 $0xB4C00008, v6;
	v5 =	vadd.s32 $0xB4C00008, v5;
	v7 =	vadd.s32 $0xB4C00008, v7  }
0x307: {  	vm4 =	vgt.s32 v0, $0x0;
	vm1 =	vgt.s32 v1, $0x0;
	vm5 =	vgt.s32 v2, $0x0  }
0x308: {  	vm6 =	vgt.s32 v4, $0x0;
	vm7 =	vgt.s32 v6, $0x0;
	v1 =	vnsel vm1, $0x0, v1  }
0x309: {  	vm8 =	vgt.s32 v5, $0x0;
	v2 =	vnsel vm5, $0x0, v2;
	v1 =	vmin.u32 v1, $0xF  }
0x30a: {  	v6 =	vnsel vm7, $0x0, v6;
	v2 =	vmin.u32 v2, $0xF;
	v8 =	vcvt.s32.f32 v1  }
0x30b: {  	v4 =	vnsel vm6, $0x0, v4;
	v6 =	vmin.u32 v6, $0xF;
	v9 =	vcvt.s32.f32 v2  }
0x30c: {  	v4 =	vmin.u32 v4, $0xF;
	v15 =	vcvt.s32.f32 v6;
	v8 =	vadd.f32 $-7.500000000e+00, v8  }
0x30d: {  	s9 =	simm.s32 $0x10040;
	vm9 =	vgt.s32 v7, $0x0;
	v12 =	vcvt.s32.f32 v4;
	v9 =	vadd.f32 $-7.500000000e+00, v9  }
0x30e: {  	v11 =	vld [tilespmem:s8+$0x30];
	v0 =	vnsel vm4, $0x0, v0;
	v5 =	vnsel vm8, $0x0, v5;
	v15 =	vadd.f32 $-7.500000000e+00, v15;
	[tilespmem:s9+$0x20] =	vst v8  }
0x30f: {  	v16 =	vld [tilespmem:s8+$0x0];
	v7 =	vnsel vm9, $0x0, v7;
	v5 =	vmin.u32 v5, $0xF;
	v12 =	vadd.f32 $-7.500000000e+00, v12;
	[tilespmem:s9+$0x30] =	vst v9  }
0x310: {  	v18 =	vld [tilespmem:s8+$0xFFFFFFF0];
	v0 =	vmin.u32 v0, $0xF;
	v58 =	vmin.u32 v7, $0xF;
	v7 =	vcvt.s32.f32 v5;
	[tilespmem:s9+$0xFFFFFFE0] =	vst v15  }
0x311: {  	s3 =	simm.s32 $0x18040;
	v13 =	vadd.f32 $1.258291200e+07, v13;
	v3 =	vadd.s32 $0xB4C00008, v3;
	v14 =	vcvt.s32.f32 v0;
	[tilespmem:s9+$0x10] =	vst v12  }
0x312: {  	vm10 =	vgt.s32 v3, $0x0;
	v7 =	vadd.f32 $-7.500000000e+00, v7;
	[tilespmem:s3+$0x20] =	vst v1;
	v1 =	vadd.f32 $1.258291200e+07, v10  }
0x313: {  	v3 =	vnsel vm10, $0x0, v3;
	v8 =	vadd.f32 $-7.500000000e+00, v14;
	[tilespmem:s3+$0x30] =	vst v2;
	v2 =	vadd.f32 $-5.000000000e-01, v11  }
0x314: {  	v9 =	vadd.f32 $-5.000000000e-01, v16;
	v10 =	vld [tilespmem:s8+$0xFFFFFFE0];
	[tilespmem:s3+$0xFFFFFFE0] =	vst v6;
	v6 =	vcvt.s32.f32 v58;
	v1 =	vadd.s32 $0xB4C00008, v1  }
0x315: {  	v11 =	vadd.f32 $-5.000000000e-01, v18;
	[tilespmem:s9+$0xFFFFFFC0] =	vst v8;
	v2 =	vadd.f32 $1.258291200e+07, v2;
	vm11 =	vgt.s32 v1, $0x0  }
0x316: {  	[tilespmem:s3+$0xFFFFFFC0] =	vst v0;
	v0 =	vadd.f32 $1.258291200e+07, v59;
	v6 =	vadd.f32 $-7.500000000e+00, v6;
	v60 =	vnsel vm11, $0x0, v1  }
0x317: {  	[tilespmem:s3+$0x10] =	vst v4;
	v1 =	vadd.s32 $0xB4C00008, v13;
	v4 =	vadd.s32 $0xB4C00008, v2;
	v2 =	vmin.u32 v3, $0xF  }
0x318: {  	v0 =	vadd.s32 $0xB4C00008, v0;
	[tilespmem:s9+$0xFFFFFFD0] =	vst v6;
	v6 =	vadd.f32 $1.258291200e+07, v11;
	vm12 =	vgt.s32 v1, $0x0  }
0x319: {  	v61 =	vld [tilespmem:s8+$0xFFFFFFD0];
	v10 =	vadd.f32 $-5.000000000e-01, v10;
	vm13 =	vgt.s32 v4, $0x0;
	v1 =	vnsel vm12, $0x0, v1  }
0x31a: {  	[tilespmem:s9+$0xFFFFFFF0] =	vst v7;
	v8 =	vcvt.s32.f32 v2;
	vm14 =	vgt.s32 v0, $0x0;
	v3 =	vmin.u32 v1, $0xF  }
0x31b: {  	[tilespmem:s3+$0xFFFFFFF0] =	vst v5;
	v1 =	vnsel vm13, $0x0, v4;
	v5 =	vadd.f32 $1.258291200e+07, v10;
	v4 =	vcvt.s32.f32 v3  }
0x31c: {  	v7 =	vnsel vm14, $0x0, v0;
	v8 =	vadd.f32 $-7.500000000e+00, v8;
	v1 =	vmin.u32 v1, $0xF  }
0x31d: {  	[tilespmem:s3+$0xFFFFFFD0] =	vst v58;
	v10 =	vcvt.s32.f32 v1;
	v63 =	vadd.s32 $0xB4C00008, v5;
	v62 =	vadd.f32 $-7.500000000e+00, v4  }
0x31e: {  	s4 =	simm.s32 $0x180C0;
	s5 =	simm.s32 $0x100C0;
	s7 =	simm.s32 $0x100C0;
	v0 =	vmin.u32 v60, $0xF;
	[tilespmem:s9+$0x0] =	vst v8;
	v8 =	vadd.f32 $-5.000000000e-01, v61;
	vm15 =	vgt.s32 v63, $0x0  }
0x31f: {  	s6 =	simm.s32 $0x80;
	s8 =	simm.s32 $0x180C0;
	s9 =	simm.s32 $0x4140;
	v4 =	vadd.f32 $1.258291200e+07, v9;
	v5 =	vadd.f32 $-7.500000000e+00, v10;
	v9 =	vnsel vm15, $0x0, v63;
	[tilespmem:s7+$0x20] =	vst v62  }
.LBB2_16:
0x320: {  	v10 =	vld [tilespmem:s9+$0xFFFFFFC0];
	s6 =	sadd.s32 $0x80, s6;
	v7 =	vmin.u32 v7, $0xF;
	s7 =	sadd.s32 $0x80, s7;
	s8 =	sadd.s32 $0x80, s8;
	[tilespmem:s3+$0x0] =	vst v2  }
0x321: {  	v9 =	vmin.u32 v9, $0xF;
	s3 =	smov.u32 s4;
	v2 =	vld [tilespmem:s9+$0x30];
	p0 =	slt.u32 s6, $0x3F80;
	v8 =	vadd.f32 $1.258291200e+07, v8;
	v11 =	vcvt.s32.f32 v7;
	[tilespmem:s4+$0x20] =	vst v3;
	s4 =	smov.u32 s8  }
0x322: {  	v12 =	vcvt.s32.f32 v0;
	v6 =	vadd.s32 $0xB4C00008, v6;
	v13 =	vcvt.s32.f32 v9;
	v3 =	vld [tilespmem:s9+$0x20];
	[tilespmem:s5+$0x30] =	vst v5  }
0x323: {  	v4 =	vadd.s32 $0xB4C00008, v4;
	vm0 =	vgt.s32 v6, $0x0;
	v5 =	vld [tilespmem:s9+$0x0];
	v8 =	vadd.s32 $0xB4C00008, v8;
	[tilespmem:s3+$0x30] =	vst v1  }
0x324: {  	v6 =	vnsel vm0, $0x0, v6;
	v13 =	vadd.f32 $-7.500000000e+00, v13;
	v1 =	vld [tilespmem:s9+$0x10];
	vm1 =	vgt.s32 v8, $0x0  }
0x325: {  	v6 =	vmin.u32 v6, $0xF;
	v10 =	vadd.f32 $-5.000000000e-01, v10;
	v14 =	vld [tilespmem:s9+$0xFFFFFFF0];
	v8 =	vnsel vm1, $0x0, v8  }
0x326: {  	v12 =	vadd.f32 $-7.500000000e+00, v12;
	vm0 =	vgt.s32 v4, $0x0;
	v11 =	vadd.f32 $-7.500000000e+00, v11;
	v15 =	vld [tilespmem:s9+$0xFFFFFFD0];
	[tilespmem:s5+$0xFFFFFFE0] =	vst v13  }
0x327: {  	v8 =	vmin.u32 v8, $0xF;
	v10 =	vadd.f32 $1.258291200e+07, v10;
	v13 =	vld [tilespmem:s9+$0xFFFFFFE0];
	[tilespmem:s3+$0xFFFFFFE0] =	vst v9;
	v9 =	vcvt.s32.f32 v6  }
0x328: {  	v4 =	vnsel vm0, $0x0, v4;
	v3 =	vadd.f32 $-5.000000000e-01, v3;
	v16 =	vadd.f32 $-5.000000000e-01, v5;
	[tilespmem:s5+$0x10] =	vst v11  }
0x329: {  	v2 =	vadd.f32 $-5.000000000e-01, v2;
	v5 =	vadd.s32 $0xB4C00008, v10;
	v1 =	vadd.f32 $-5.000000000e-01, v1;
	[tilespmem:s3+$0x10] =	vst v7  }
0x32a: {  	v3 =	vadd.f32 $1.258291200e+07, v3;
	vm0 =	vgt.s32 v5, $0x0;
	v10 =	vadd.f32 $-5.000000000e-01, v14;
	[tilespmem:s5+$0xFFFFFFC0] =	vst v12  }
0x32b: {  	v2 =	vadd.f32 $1.258291200e+07, v2;
	v7 =	vadd.f32 $-7.500000000e+00, v9;
	[tilespmem:s3+$0xFFFFFFC0] =	vst v0;
	v0 =	vcvt.s32.f32 v8  }
0x32c: {  	v9 =	vnsel vm0, $0x0, v5;
	v3 =	vadd.s32 $0xB4C00008, v3;
	v5 =	vadd.f32 $-5.000000000e-01, v13  }
0x32d: {  	v11 =	vadd.s32 $0xB4C00008, v2;
	v2 =	vmin.u32 v4, $0xF;
	vm0 =	vgt.s32 v3, $0x0;
	[tilespmem:s5+$0xFFFFFFF0] =	vst v7  }
0x32e: {  	v4 =	vcvt.s32.f32 v2;
	v3 =	vnsel vm0, $0x0, v3;
	vm0 =	vgt.s32 v11, $0x0;
	[tilespmem:s3+$0xFFFFFFF0] =	vst v6  }
0x32f: {  	v6 =	vadd.f32 $1.258291200e+07, v1;
	v3 =	vmin.u32 v3, $0xF;
	v1 =	vnsel vm0, $0x0, v11  }
0x330: {  	v0 =	vadd.f32 $-7.500000000e+00, v0;
	v7 =	vcvt.s32.f32 v3;
	v1 =	vmin.u32 v1, $0xF  }
.Ltmp7:
0x331: {  	v5 =	vadd.f32 $1.258291200e+07, v5;
	v6 =	vadd.s32 $0xB4C00008, v6;
	v11 =	vcvt.s32.f32 v1;
	(pc) =	sbr.rel @p0 .LBB2_16-.Ltmp7, $4  }
0x332: {  	vm0 =	vgt.s32 v6, $0x0;
	v12 =	vadd.f32 $-7.500000000e+00, v7;
	[tilespmem:s5+$0xFFFFFFD0] =	vst v0;
	v0 =	vadd.f32 $-7.500000000e+00, v4  }
0x333: {  	v13 =	vadd.s32 $0xB4C00008, v5;
	v7 =	vnsel vm0, $0x0, v6;
	v5 =	vadd.f32 $-7.500000000e+00, v11;
	[tilespmem:s3+$0xFFFFFFD0] =	vst v8  }
0x334: {  	vm0 =	vgt.s32 v13, $0x0;
	v6 =	vadd.f32 $1.258291200e+07, v10;
	v4 =	vadd.f32 $1.258291200e+07, v16;
	[tilespmem:s5+$0x0] =	vst v0;
	s5 =	smov.u32 s7  }
0x335: {  	s9 =	sadd.s32 $0x80, s9;
	v8 =	vadd.f32 $-5.000000000e-01, v15;
	v0 =	vmin.u32 v9, $0xF;
	v9 =	vnsel vm0, $0x0, v13;
	[tilespmem:s7+$0x20] =	vst v12  }
0x336: {  	v9 =	vmin.u32 v9, $0xF;
	[tilespmem:s5+$0x30] =	vst v5;
	v5 =	vcvt.s32.f32 v0  }
0x337: {  	[tilespmem:s3+$0x0] =	vst v2;
	v7 =	vmin.u32 v7, $0xF;
	v2 =	vcvt.s32.f32 v9;
	v8 =	vadd.f32 $1.258291200e+07, v8  }
0x338: {  	[tilespmem:s4+$0x20] =	vst v3;
	v6 =	vadd.s32 $0xB4C00008, v6;
	v3 =	vcvt.s32.f32 v7;
	v5 =	vadd.f32 $-7.500000000e+00, v5  }
0x339: {  	vm0 =	vgt.s32 v6, $0x0;
	[tilespmem:s4+$0x30] =	vst v1;
	v2 =	vadd.f32 $-7.500000000e+00, v2;
	v1 =	vadd.s32 $0xB4C00008, v8  }
0x33a: {  	v6 =	vnsel vm0, $0x0, v6;
	vm14 =	vgt.s32 v1, $0x0;
	[tilespmem:s5+$0xFFFFFFC0] =	vst v5  }
0x33b: {  	[tilespmem:s5+$0xFFFFFFE0] =	vst v2;
	v2 =	vadd.f32 $-7.500000000e+00, v3;
	v3 =	vadd.s32 $0xB4C00008, v4;
	v4 =	vmin.u32 v6, $0xF  }
0x33c: {  	v1 =	vnsel vm14, $0x0, v1;
	[tilespmem:s4+$0xFFFFFFC0] =	vst v0;
	v6 =	vcvt.s32.f32 v4  }
0x33d: {  	[tilespmem:s4+$0xFFFFFFE0] =	vst v9;
	vm15 =	vgt.s32 v3, $0x0;
	v1 =	vmin.u32 v1, $0xF  }
0x33e: {  	[tilespmem:s5+$0x10] =	vst v2;
	v2 =	vnsel vm15, $0x0, v3;
	v3 =	vcvt.s32.f32 v1;
	v5 =	vadd.f32 $-7.500000000e+00, v6  }
0x33f: {  	[tilespmem:s4+$0x10] =	vst v7;
	v0 =	vmin.u32 v2, $0xF  }
0x340: {  	v2 =	vcvt.s32.f32 v0;
	v3 =	vadd.f32 $-7.500000000e+00, v3;
	[tilespmem:s5+$0xFFFFFFF0] =	vst v5  }
0x341: {  	[tilespmem:s4+$0xFFFFFFF0] =	vst v4  }
0x342: {  	[tilespmem:s5+$0xFFFFFFD0] =	vst v3;
	v2 =	vadd.f32 $-7.500000000e+00, v2  }
0x343: {  	[tilespmem:s4+$0xFFFFFFD0] =	vst v1  }
0x344: {  	[tilespmem:s5+$0x0] =	vst v2  }
0x345: {  	[tilespmem:s4+$0x0] =	vst v0  }
0x346: {  	s3 =	rddreg [dreg:$0x17]  }
0x347: {  	[hbm4b:s3+s1] =	stream.linear.scatter [tilespmem:s28], [sflag:$0x5], $0x4000, $0x38;
	[tilespmem:$0x1C000] =	vst v63  }
0x348: {  	s5 =	rddreg [dreg:$0x18]  }
0x349: {  	[hbm4b:s5+s1] =	stream.linear.scatter [tilespmem:s29], [sflag:$0x5], $0x4000, $0x38;
	[tilespmem:$0x1C000] =	vst v63  }
0x34a: {  	s6 =	rddreg [dreg:$0x1f]  }
0x34b: {  	[tilespmem:s21], [sflag:$0x2] =	stream.linear.gather [hbm4b:s6+s1], $0x4000, $0x38;
	[tilespmem:$0x1C000] =	vst v63  }
0x34c: {  	_ =	swait.ge [sflag:s30], $0x4000  }
0x34d: {  	[sflag:s30] =	ssyncset.done $0x0  }
0x34e: {  	[sflag:s30] =	ssyncadd.s32 $0xFFFFC000  }
0x34f: {  	_ =	swait.ge [sflag:s31], $0x4000  }
0x350: {  	[sflag:s31] =	ssyncset.done $0x0  }
0x351: {  	[sflag:s31] =	ssyncadd.s32 $0xFFFFC000  }
0x352: {  	_ =	swait.ge [sflag:s31], $0x4000  }
0x353: {  	[sflag:s31] =	ssyncset.done $0x0  }
0x354: {  	s7 =	simm.s32 $0x8040;
	[sflag:s31] =	ssyncadd.s32 $0xFFFFC000  }
0x355: {  	v0 =	vld [tilespmem:s7+$0xFFFFFFC0]  }
0x356: {  	v1 =	vld [tilespmem:s7+$0x20]  }
0x357: {  	v2 =	vld [tilespmem:s7+$0x30]  }
0x358: {  	v3 =	vld [tilespmem:s7+$0x0]  }
0x359: {  	v4 =	vld [tilespmem:s7+$0x10]  }
0x35a: {  	v5 =	vld [tilespmem:s7+$0xFFFFFFF0]  }
0x35b: {  	v6 =	vld [tilespmem:s7+$0xFFFFFFE0]  }
0x35c: {  	s8 =	simm.s32 $0x80C0;
	v7 =	vld [tilespmem:s7+$0xFFFFFFD0]  }
0x35d: {  	v10 =	vld [tilespmem:s8+$0xFFFFFFC0]  }
0x35e: {  	v13 =	vld [tilespmem:s8+$0x20]  }
0x35f: {  	v17 =	vld [tilespmem:s8+$0x10];
	v0 =	vadd.f32 $-5.000000000e-01, v0  }
0x360: {  	v1 =	vadd.f32 $-5.000000000e-01, v1;
	v2 =	vadd.f32 $-5.000000000e-01, v2  }
0x361: {  	v3 =	vadd.f32 $-5.000000000e-01, v3;
	v4 =	vadd.f32 $-5.000000000e-01, v4  }
0x362: {  	v5 =	vadd.f32 $-5.000000000e-01, v5;
	v6 =	vadd.f32 $-5.000000000e-01, v6  }
0x363: {  	v7 =	vadd.f32 $-5.000000000e-01, v7;
	v10 =	vadd.f32 $-5.000000000e-01, v10  }
0x364: {  	v13 =	vadd.f32 $-5.000000000e-01, v13;
	v59 =	vadd.f32 $-5.000000000e-01, v17  }
0x365: {  	v0 =	vadd.f32 $1.258291200e+07, v0;
	v1 =	vadd.f32 $1.258291200e+07, v1  }
0x366: {  	v2 =	vadd.f32 $1.258291200e+07, v2;
	v4 =	vadd.f32 $1.258291200e+07, v4  }
0x367: {  	v6 =	vadd.f32 $1.258291200e+07, v6;
	v5 =	vadd.f32 $1.258291200e+07, v5  }
0x368: {  	v3 =	vadd.f32 $1.258291200e+07, v3;
	v7 =	vadd.f32 $1.258291200e+07, v7;
	v0 =	vadd.s32 $0xB4C00008, v0  }
0x369: {  	v1 =	vadd.s32 $0xB4C00008, v1;
	v2 =	vadd.s32 $0xB4C00008, v2;
	v4 =	vadd.s32 $0xB4C00008, v4  }
0x36a: {  	v6 =	vadd.s32 $0xB4C00008, v6;
	v5 =	vadd.s32 $0xB4C00008, v5;
	v7 =	vadd.s32 $0xB4C00008, v7  }
0x36b: {  	vm4 =	vgt.s32 v0, $0x0;
	vm1 =	vgt.s32 v1, $0x0;
	vm5 =	vgt.s32 v2, $0x0  }
0x36c: {  	vm6 =	vgt.s32 v4, $0x0;
	vm7 =	vgt.s32 v6, $0x0;
	v1 =	vnsel vm1, $0x0, v1  }
0x36d: {  	vm8 =	vgt.s32 v5, $0x0;
	v2 =	vnsel vm5, $0x0, v2;
	v1 =	vmin.u32 v1, $0xF  }
0x36e: {  	v6 =	vnsel vm7, $0x0, v6;
	v2 =	vmin.u32 v2, $0xF;
	v8 =	vcvt.s32.f32 v1  }
0x36f: {  	v4 =	vnsel vm6, $0x0, v4;
	v6 =	vmin.u32 v6, $0xF;
	v9 =	vcvt.s32.f32 v2  }
0x370: {  	v4 =	vmin.u32 v4, $0xF;
	v15 =	vcvt.s32.f32 v6;
	v8 =	vadd.f32 $-7.500000000e+00, v8  }
0x371: {  	s9 =	simm.s32 $0xC040;
	vm9 =	vgt.s32 v7, $0x0;
	v12 =	vcvt.s32.f32 v4;
	v9 =	vadd.f32 $-7.500000000e+00, v9  }
0x372: {  	v11 =	vld [tilespmem:s8+$0x30];
	v0 =	vnsel vm4, $0x0, v0;
	v5 =	vnsel vm8, $0x0, v5;
	v15 =	vadd.f32 $-7.500000000e+00, v15;
	[tilespmem:s9+$0x20] =	vst v8  }
0x373: {  	v16 =	vld [tilespmem:s8+$0x0];
	v7 =	vnsel vm9, $0x0, v7;
	v5 =	vmin.u32 v5, $0xF;
	v12 =	vadd.f32 $-7.500000000e+00, v12;
	[tilespmem:s9+$0x30] =	vst v9  }
0x374: {  	v18 =	vld [tilespmem:s8+$0xFFFFFFF0];
	v0 =	vmin.u32 v0, $0xF;
	v58 =	vmin.u32 v7, $0xF;
	v7 =	vcvt.s32.f32 v5;
	[tilespmem:s9+$0xFFFFFFE0] =	vst v15  }
0x375: {  	s3 =	simm.s32 $0x14040;
	v13 =	vadd.f32 $1.258291200e+07, v13;
	v3 =	vadd.s32 $0xB4C00008, v3;
	v14 =	vcvt.s32.f32 v0;
	[tilespmem:s9+$0x10] =	vst v12  }
0x376: {  	vm10 =	vgt.s32 v3, $0x0;
	v7 =	vadd.f32 $-7.500000000e+00, v7;
	[tilespmem:s3+$0x20] =	vst v1;
	v1 =	vadd.f32 $1.258291200e+07, v10  }
0x377: {  	v3 =	vnsel vm10, $0x0, v3;
	v8 =	vadd.f32 $-7.500000000e+00, v14;
	[tilespmem:s3+$0x30] =	vst v2;
	v2 =	vadd.f32 $-5.000000000e-01, v11  }
0x378: {  	v9 =	vadd.f32 $-5.000000000e-01, v16;
	v10 =	vld [tilespmem:s8+$0xFFFFFFE0];
	[tilespmem:s3+$0xFFFFFFE0] =	vst v6;
	v6 =	vcvt.s32.f32 v58;
	v1 =	vadd.s32 $0xB4C00008, v1  }
0x379: {  	v11 =	vadd.f32 $-5.000000000e-01, v18;
	[tilespmem:s9+$0xFFFFFFC0] =	vst v8;
	v2 =	vadd.f32 $1.258291200e+07, v2;
	vm11 =	vgt.s32 v1, $0x0  }
0x37a: {  	[tilespmem:s3+$0xFFFFFFC0] =	vst v0;
	v0 =	vadd.f32 $1.258291200e+07, v59;
	v6 =	vadd.f32 $-7.500000000e+00, v6;
	v60 =	vnsel vm11, $0x0, v1  }
0x37b: {  	[tilespmem:s3+$0x10] =	vst v4;
	v1 =	vadd.s32 $0xB4C00008, v13;
	v4 =	vadd.s32 $0xB4C00008, v2;
	v2 =	vmin.u32 v3, $0xF  }
0x37c: {  	v0 =	vadd.s32 $0xB4C00008, v0;
	[tilespmem:s9+$0xFFFFFFD0] =	vst v6;
	v6 =	vadd.f32 $1.258291200e+07, v11;
	vm12 =	vgt.s32 v1, $0x0  }
0x37d: {  	v61 =	vld [tilespmem:s8+$0xFFFFFFD0];
	v10 =	vadd.f32 $-5.000000000e-01, v10;
	vm13 =	vgt.s32 v4, $0x0;
	v1 =	vnsel vm12, $0x0, v1  }
0x37e: {  	[tilespmem:s9+$0xFFFFFFF0] =	vst v7;
	v8 =	vcvt.s32.f32 v2;
	vm14 =	vgt.s32 v0, $0x0;
	v3 =	vmin.u32 v1, $0xF  }
0x37f: {  	[tilespmem:s3+$0xFFFFFFF0] =	vst v5;
	v1 =	vnsel vm13, $0x0, v4;
	v5 =	vadd.f32 $1.258291200e+07, v10;
	v4 =	vcvt.s32.f32 v3  }
0x380: {  	v7 =	vnsel vm14, $0x0, v0;
	v8 =	vadd.f32 $-7.500000000e+00, v8;
	v1 =	vmin.u32 v1, $0xF  }
0x381: {  	[tilespmem:s3+$0xFFFFFFD0] =	vst v58;
	v10 =	vcvt.s32.f32 v1;
	v63 =	vadd.s32 $0xB4C00008, v5;
	v62 =	vadd.f32 $-7.500000000e+00, v4  }
0x382: {  	s4 =	simm.s32 $0x140C0;
	s5 =	simm.s32 $0xC0C0;
	s7 =	simm.s32 $0xC0C0;
	v0 =	vmin.u32 v60, $0xF;
	[tilespmem:s9+$0x0] =	vst v8;
	v8 =	vadd.f32 $-5.000000000e-01, v61;
	vm15 =	vgt.s32 v63, $0x0  }
0x383: {  	s6 =	simm.s32 $0x80;
	s8 =	simm.s32 $0x140C0;
	s9 =	simm.s32 $0x8140;
	v4 =	vadd.f32 $1.258291200e+07, v9;
	v5 =	vadd.f32 $-7.500000000e+00, v10;
	v9 =	vnsel vm15, $0x0, v63;
	[tilespmem:s7+$0x20] =	vst v62  }
.LBB2_18:
0x384: {  	v10 =	vld [tilespmem:s9+$0xFFFFFFC0];
	s6 =	sadd.s32 $0x80, s6;
	v7 =	vmin.u32 v7, $0xF;
	s7 =	sadd.s32 $0x80, s7;
	s8 =	sadd.s32 $0x80, s8;
	[tilespmem:s3+$0x0] =	vst v2  }
0x385: {  	v9 =	vmin.u32 v9, $0xF;
	s3 =	smov.u32 s4;
	v2 =	vld [tilespmem:s9+$0x30];
	p0 =	slt.u32 s6, $0x3F80;
	v8 =	vadd.f32 $1.258291200e+07, v8;
	v11 =	vcvt.s32.f32 v7;
	[tilespmem:s4+$0x20] =	vst v3;
	s4 =	smov.u32 s8  }
0x386: {  	v12 =	vcvt.s32.f32 v0;
	v6 =	vadd.s32 $0xB4C00008, v6;
	v13 =	vcvt.s32.f32 v9;
	v3 =	vld [tilespmem:s9+$0x20];
	[tilespmem:s5+$0x30] =	vst v5  }
0x387: {  	v4 =	vadd.s32 $0xB4C00008, v4;
	vm0 =	vgt.s32 v6, $0x0;
	v5 =	vld [tilespmem:s9+$0x0];
	v8 =	vadd.s32 $0xB4C00008, v8;
	[tilespmem:s3+$0x30] =	vst v1  }
0x388: {  	v6 =	vnsel vm0, $0x0, v6;
	v13 =	vadd.f32 $-7.500000000e+00, v13;
	v1 =	vld [tilespmem:s9+$0x10];
	vm1 =	vgt.s32 v8, $0x0  }
0x389: {  	v6 =	vmin.u32 v6, $0xF;
	v10 =	vadd.f32 $-5.000000000e-01, v10;
	v14 =	vld [tilespmem:s9+$0xFFFFFFF0];
	v8 =	vnsel vm1, $0x0, v8  }
0x38a: {  	v12 =	vadd.f32 $-7.500000000e+00, v12;
	vm0 =	vgt.s32 v4, $0x0;
	v11 =	vadd.f32 $-7.500000000e+00, v11;
	v15 =	vld [tilespmem:s9+$0xFFFFFFD0];
	[tilespmem:s5+$0xFFFFFFE0] =	vst v13  }
0x38b: {  	v8 =	vmin.u32 v8, $0xF;
	v10 =	vadd.f32 $1.258291200e+07, v10;
	v13 =	vld [tilespmem:s9+$0xFFFFFFE0];
	[tilespmem:s3+$0xFFFFFFE0] =	vst v9;
	v9 =	vcvt.s32.f32 v6  }
0x38c: {  	v4 =	vnsel vm0, $0x0, v4;
	v3 =	vadd.f32 $-5.000000000e-01, v3;
	v16 =	vadd.f32 $-5.000000000e-01, v5;
	[tilespmem:s5+$0x10] =	vst v11  }
0x38d: {  	v2 =	vadd.f32 $-5.000000000e-01, v2;
	v5 =	vadd.s32 $0xB4C00008, v10;
	v1 =	vadd.f32 $-5.000000000e-01, v1;
	[tilespmem:s3+$0x10] =	vst v7  }
0x38e: {  	v3 =	vadd.f32 $1.258291200e+07, v3;
	vm0 =	vgt.s32 v5, $0x0;
	v10 =	vadd.f32 $-5.000000000e-01, v14;
	[tilespmem:s5+$0xFFFFFFC0] =	vst v12  }
0x38f: {  	v2 =	vadd.f32 $1.258291200e+07, v2;
	v7 =	vadd.f32 $-7.500000000e+00, v9;
	[tilespmem:s3+$0xFFFFFFC0] =	vst v0;
	v0 =	vcvt.s32.f32 v8  }
0x390: {  	v9 =	vnsel vm0, $0x0, v5;
	v3 =	vadd.s32 $0xB4C00008, v3;
	v5 =	vadd.f32 $-5.000000000e-01, v13  }
0x391: {  	v11 =	vadd.s32 $0xB4C00008, v2;
	v2 =	vmin.u32 v4, $0xF;
	vm0 =	vgt.s32 v3, $0x0;
	[tilespmem:s5+$0xFFFFFFF0] =	vst v7  }
0x392: {  	v4 =	vcvt.s32.f32 v2;
	v3 =	vnsel vm0, $0x0, v3;
	vm0 =	vgt.s32 v11, $0x0;
	[tilespmem:s3+$0xFFFFFFF0] =	vst v6  }
0x393: {  	v6 =	vadd.f32 $1.258291200e+07, v1;
	v3 =	vmin.u32 v3, $0xF;
	v1 =	vnsel vm0, $0x0, v11  }
0x394: {  	v0 =	vadd.f32 $-7.500000000e+00, v0;
	v7 =	vcvt.s32.f32 v3;
	v1 =	vmin.u32 v1, $0xF  }
.Ltmp8:
0x395: {  	v5 =	vadd.f32 $1.258291200e+07, v5;
	v6 =	vadd.s32 $0xB4C00008, v6;
	v11 =	vcvt.s32.f32 v1;
	(pc) =	sbr.rel @p0 .LBB2_18-.Ltmp8, $4  }
0x396: {  	vm0 =	vgt.s32 v6, $0x0;
	v12 =	vadd.f32 $-7.500000000e+00, v7;
	[tilespmem:s5+$0xFFFFFFD0] =	vst v0;
	v0 =	vadd.f32 $-7.500000000e+00, v4  }
0x397: {  	v13 =	vadd.s32 $0xB4C00008, v5;
	v7 =	vnsel vm0, $0x0, v6;
	v5 =	vadd.f32 $-7.500000000e+00, v11;
	[tilespmem:s3+$0xFFFFFFD0] =	vst v8  }
0x398: {  	vm0 =	vgt.s32 v13, $0x0;
	v6 =	vadd.f32 $1.258291200e+07, v10;
	v4 =	vadd.f32 $1.258291200e+07, v16;
	[tilespmem:s5+$0x0] =	vst v0;
	s5 =	smov.u32 s7  }
0x399: {  	s9 =	sadd.s32 $0x80, s9;
	v8 =	vadd.f32 $-5.000000000e-01, v15;
	v0 =	vmin.u32 v9, $0xF;
	v9 =	vnsel vm0, $0x0, v13;
	[tilespmem:s7+$0x20] =	vst v12  }
0x39a: {  	v9 =	vmin.u32 v9, $0xF;
	[tilespmem:s5+$0x30] =	vst v5;
	v5 =	vcvt.s32.f32 v0  }
0x39b: {  	[tilespmem:s3+$0x0] =	vst v2;
	v7 =	vmin.u32 v7, $0xF;
	v2 =	vcvt.s32.f32 v9;
	v8 =	vadd.f32 $1.258291200e+07, v8  }
0x39c: {  	[tilespmem:s4+$0x20] =	vst v3;
	v6 =	vadd.s32 $0xB4C00008, v6;
	v3 =	vcvt.s32.f32 v7;
	v5 =	vadd.f32 $-7.500000000e+00, v5  }
0x39d: {  	vm0 =	vgt.s32 v6, $0x0;
	[tilespmem:s4+$0x30] =	vst v1;
	v2 =	vadd.f32 $-7.500000000e+00, v2;
	v1 =	vadd.s32 $0xB4C00008, v8  }
0x39e: {  	v6 =	vnsel vm0, $0x0, v6;
	vm14 =	vgt.s32 v1, $0x0;
	[tilespmem:s5+$0xFFFFFFC0] =	vst v5  }
0x39f: {  	[tilespmem:s5+$0xFFFFFFE0] =	vst v2;
	v2 =	vadd.f32 $-7.500000000e+00, v3;
	v3 =	vadd.s32 $0xB4C00008, v4;
	v4 =	vmin.u32 v6, $0xF  }
0x3a0: {  	v1 =	vnsel vm14, $0x0, v1;
	[tilespmem:s4+$0xFFFFFFC0] =	vst v0;
	v6 =	vcvt.s32.f32 v4  }
0x3a1: {  	[tilespmem:s4+$0xFFFFFFE0] =	vst v9;
	vm15 =	vgt.s32 v3, $0x0;
	v1 =	vmin.u32 v1, $0xF  }
0x3a2: {  	[tilespmem:s5+$0x10] =	vst v2;
	v2 =	vnsel vm15, $0x0, v3;
	v3 =	vcvt.s32.f32 v1;
	v5 =	vadd.f32 $-7.500000000e+00, v6  }
0x3a3: {  	[tilespmem:s4+$0x10] =	vst v7;
	v0 =	vmin.u32 v2, $0xF  }
0x3a4: {  	v2 =	vcvt.s32.f32 v0;
	v3 =	vadd.f32 $-7.500000000e+00, v3;
	[tilespmem:s5+$0xFFFFFFF0] =	vst v5  }
0x3a5: {  	[tilespmem:s4+$0xFFFFFFF0] =	vst v4  }
0x3a6: {  	[tilespmem:s5+$0xFFFFFFD0] =	vst v3;
	v2 =	vadd.f32 $-7.500000000e+00, v2  }
0x3a7: {  	[tilespmem:s4+$0xFFFFFFD0] =	vst v1  }
0x3a8: {  	[tilespmem:s5+$0x0] =	vst v2  }
0x3a9: {  	[tilespmem:s4+$0x0] =	vst v0  }
0x3aa: {  	s3 =	rddreg [dreg:$0x1a]  }
0x3ab: {  	s5 =	rddreg [dreg:$0x1b]  }
0x3ac: {  	[hbm4b:s3+s1] =	stream.linear.scatter [tilespmem:s24], [sflag:$0x4], $0x4000, $0x38;
	[tilespmem:$0x1C000] =	vst v63  }
0x3ad: {  	s6 =	sld [smem:$0x7F6]  }
0x3ae: {  	[hbm4b:s5+s1] =	stream.linear.scatter [tilespmem:s25], [sflag:$0x4], $0x4000, $0x38;
	[tilespmem:$0x1C000] =	vst v63  }
0x3af: {  	_ = 	snop  }
0x3b0: {  	[tilespmem:s22], [sflag:$0x3] =	stream.linear.gather [hbm4b:s6+s1], $0x4000, $0x38;
	[tilespmem:$0x1C000] =	vst v63  }
0x3b1: {  	_ =	swait.ge [sflag:s23], $0x4000  }
0x3b2: {  	[sflag:s23] =	ssyncset.done $0x0  }
0x3b3: {  	[sflag:s23] =	ssyncadd.s32 $0xFFFFC000  }
0x3b4: {  	_ =	swait.ge [sflag:s0], $0x4000  }
0x3b5: {  	[sflag:s0] =	ssyncset.done $0x0  }
0x3b6: {  	[sflag:s0] =	ssyncadd.s32 $0xFFFFC000  }
0x3b7: {  	_ =	swait.ge [sflag:s0], $0x4000  }
0x3b8: {  	[sflag:s0] =	ssyncset.done $0x0  }
0x3b9: {  	s7 =	simm.s32 $0x40;
	[sflag:s0] =	ssyncadd.s32 $0xFFFFC000  }
0x3ba: {  	v0 =	vld [tilespmem:s7+$0xFFFFFFC0]  }
0x3bb: {  	v1 =	vld [tilespmem:s7+$0x20]  }
0x3bc: {  	v2 =	vld [tilespmem:s7+$0x30]  }
0x3bd: {  	v3 =	vld [tilespmem:s7+$0x0]  }
0x3be: {  	v4 =	vld [tilespmem:s7+$0x10]  }
0x3bf: {  	v5 =	vld [tilespmem:s7+$0xFFFFFFF0]  }
0x3c0: {  	v6 =	vld [tilespmem:s7+$0xFFFFFFE0]  }
0x3c1: {  	s8 =	simm.s32 $0xC0;
	v7 =	vld [tilespmem:s7+$0xFFFFFFD0]  }
0x3c2: {  	v10 =	vld [tilespmem:s8+$0xFFFFFFC0]  }
0x3c3: {  	v13 =	vld [tilespmem:s8+$0x20]  }
0x3c4: {  	v17 =	vld [tilespmem:s8+$0x10];
	v0 =	vadd.f32 $-5.000000000e-01, v0  }
0x3c5: {  	v1 =	vadd.f32 $-5.000000000e-01, v1;
	v2 =	vadd.f32 $-5.000000000e-01, v2  }
0x3c6: {  	v3 =	vadd.f32 $-5.000000000e-01, v3;
	v4 =	vadd.f32 $-5.000000000e-01, v4  }
0x3c7: {  	v5 =	vadd.f32 $-5.000000000e-01, v5;
	v6 =	vadd.f32 $-5.000000000e-01, v6  }
0x3c8: {  	v7 =	vadd.f32 $-5.000000000e-01, v7;
	v10 =	vadd.f32 $-5.000000000e-01, v10  }
0x3c9: {  	v13 =	vadd.f32 $-5.000000000e-01, v13;
	v59 =	vadd.f32 $-5.000000000e-01, v17  }
0x3ca: {  	v0 =	vadd.f32 $1.258291200e+07, v0;
	v1 =	vadd.f32 $1.258291200e+07, v1  }
0x3cb: {  	v2 =	vadd.f32 $1.258291200e+07, v2;
	v4 =	vadd.f32 $1.258291200e+07, v4  }
0x3cc: {  	v6 =	vadd.f32 $1.258291200e+07, v6;
	v5 =	vadd.f32 $1.258291200e+07, v5  }
0x3cd: {  	v3 =	vadd.f32 $1.258291200e+07, v3;
	v7 =	vadd.f32 $1.258291200e+07, v7;
	v0 =	vadd.s32 $0xB4C00008, v0  }
0x3ce: {  	v1 =	vadd.s32 $0xB4C00008, v1;
	v2 =	vadd.s32 $0xB4C00008, v2;
	v4 =	vadd.s32 $0xB4C00008, v4  }
0x3cf: {  	v6 =	vadd.s32 $0xB4C00008, v6;
	v5 =	vadd.s32 $0xB4C00008, v5;
	v7 =	vadd.s32 $0xB4C00008, v7  }
0x3d0: {  	vm4 =	vgt.s32 v0, $0x0;
	vm1 =	vgt.s32 v1, $0x0;
	vm5 =	vgt.s32 v2, $0x0  }
0x3d1: {  	vm6 =	vgt.s32 v4, $0x0;
	vm7 =	vgt.s32 v6, $0x0;
	v1 =	vnsel vm1, $0x0, v1  }
0x3d2: {  	vm8 =	vgt.s32 v5, $0x0;
	v2 =	vnsel vm5, $0x0, v2;
	v1 =	vmin.u32 v1, $0xF  }
0x3d3: {  	v6 =	vnsel vm7, $0x0, v6;
	v2 =	vmin.u32 v2, $0xF;
	v8 =	vcvt.s32.f32 v1  }
0x3d4: {  	v4 =	vnsel vm6, $0x0, v4;
	v6 =	vmin.u32 v6, $0xF;
	v9 =	vcvt.s32.f32 v2  }
0x3d5: {  	v4 =	vmin.u32 v4, $0xF;
	v15 =	vcvt.s32.f32 v6;
	v8 =	vadd.f32 $-7.500000000e+00, v8  }
0x3d6: {  	s9 =	simm.s32 $0x10040;
	vm9 =	vgt.s32 v7, $0x0;
	v12 =	vcvt.s32.f32 v4;
	v9 =	vadd.f32 $-7.500000000e+00, v9  }
0x3d7: {  	v11 =	vld [tilespmem:s8+$0x30];
	v0 =	vnsel vm4, $0x0, v0;
	v5 =	vnsel vm8, $0x0, v5;
	v15 =	vadd.f32 $-7.500000000e+00, v15;
	[tilespmem:s9+$0x20] =	vst v8  }
0x3d8: {  	v16 =	vld [tilespmem:s8+$0x0];
	v7 =	vnsel vm9, $0x0, v7;
	v5 =	vmin.u32 v5, $0xF;
	v12 =	vadd.f32 $-7.500000000e+00, v12;
	[tilespmem:s9+$0x30] =	vst v9  }
0x3d9: {  	v18 =	vld [tilespmem:s8+$0xFFFFFFF0];
	v0 =	vmin.u32 v0, $0xF;
	v58 =	vmin.u32 v7, $0xF;
	v7 =	vcvt.s32.f32 v5;
	[tilespmem:s9+$0xFFFFFFE0] =	vst v15  }
0x3da: {  	s3 =	simm.s32 $0x18040;
	v13 =	vadd.f32 $1.258291200e+07, v13;
	v3 =	vadd.s32 $0xB4C00008, v3;
	v14 =	vcvt.s32.f32 v0;
	[tilespmem:s9+$0x10] =	vst v12  }
0x3db: {  	vm10 =	vgt.s32 v3, $0x0;
	v7 =	vadd.f32 $-7.500000000e+00, v7;
	[tilespmem:s3+$0x20] =	vst v1;
	v1 =	vadd.f32 $1.258291200e+07, v10  }
0x3dc: {  	v3 =	vnsel vm10, $0x0, v3;
	v8 =	vadd.f32 $-7.500000000e+00, v14;
	[tilespmem:s3+$0x30] =	vst v2;
	v2 =	vadd.f32 $-5.000000000e-01, v11  }
0x3dd: {  	v9 =	vadd.f32 $-5.000000000e-01, v16;
	v10 =	vld [tilespmem:s8+$0xFFFFFFE0];
	[tilespmem:s3+$0xFFFFFFE0] =	vst v6;
	v6 =	vcvt.s32.f32 v58;
	v1 =	vadd.s32 $0xB4C00008, v1  }
0x3de: {  	v11 =	vadd.f32 $-5.000000000e-01, v18;
	[tilespmem:s9+$0xFFFFFFC0] =	vst v8;
	v2 =	vadd.f32 $1.258291200e+07, v2;
	vm11 =	vgt.s32 v1, $0x0  }
0x3df: {  	[tilespmem:s3+$0xFFFFFFC0] =	vst v0;
	v0 =	vadd.f32 $1.258291200e+07, v59;
	v6 =	vadd.f32 $-7.500000000e+00, v6;
	v60 =	vnsel vm11, $0x0, v1  }
0x3e0: {  	[tilespmem:s3+$0x10] =	vst v4;
	v1 =	vadd.s32 $0xB4C00008, v13;
	v4 =	vadd.s32 $0xB4C00008, v2;
	v2 =	vmin.u32 v3, $0xF  }
0x3e1: {  	v0 =	vadd.s32 $0xB4C00008, v0;
	[tilespmem:s9+$0xFFFFFFD0] =	vst v6;
	v6 =	vadd.f32 $1.258291200e+07, v11;
	vm12 =	vgt.s32 v1, $0x0  }
0x3e2: {  	v61 =	vld [tilespmem:s8+$0xFFFFFFD0];
	v10 =	vadd.f32 $-5.000000000e-01, v10;
	vm13 =	vgt.s32 v4, $0x0;
	v1 =	vnsel vm12, $0x0, v1  }
0x3e3: {  	[tilespmem:s9+$0xFFFFFFF0] =	vst v7;
	v8 =	vcvt.s32.f32 v2;
	vm14 =	vgt.s32 v0, $0x0;
	v3 =	vmin.u32 v1, $0xF  }
0x3e4: {  	[tilespmem:s3+$0xFFFFFFF0] =	vst v5;
	v1 =	vnsel vm13, $0x0, v4;
	v5 =	vadd.f32 $1.258291200e+07, v10;
	v4 =	vcvt.s32.f32 v3  }
0x3e5: {  	v7 =	vnsel vm14, $0x0, v0;
	v8 =	vadd.f32 $-7.500000000e+00, v8;
	v1 =	vmin.u32 v1, $0xF  }
0x3e6: {  	[tilespmem:s3+$0xFFFFFFD0] =	vst v58;
	v10 =	vcvt.s32.f32 v1;
	v63 =	vadd.s32 $0xB4C00008, v5;
	v62 =	vadd.f32 $-7.500000000e+00, v4  }
0x3e7: {  	s4 =	simm.s32 $0x180C0;
	s5 =	simm.s32 $0x100C0;
	s7 =	simm.s32 $0x100C0;
	v0 =	vmin.u32 v60, $0xF;
	[tilespmem:s9+$0x0] =	vst v8;
	v8 =	vadd.f32 $-5.000000000e-01, v61;
	vm15 =	vgt.s32 v63, $0x0  }
0x3e8: {  	s6 =	simm.s32 $0x80;
	s8 =	simm.s32 $0x180C0;
	s9 =	simm.s32 $0x140;
	v4 =	vadd.f32 $1.258291200e+07, v9;
	v5 =	vadd.f32 $-7.500000000e+00, v10;
	v9 =	vnsel vm15, $0x0, v63;
	[tilespmem:s7+$0x20] =	vst v62  }
.LBB2_20:
0x3e9: {  	v10 =	vld [tilespmem:s9+$0xFFFFFFC0];
	s6 =	sadd.s32 $0x80, s6;
	v7 =	vmin.u32 v7, $0xF;
	s7 =	sadd.s32 $0x80, s7;
	s8 =	sadd.s32 $0x80, s8;
	[tilespmem:s3+$0x0] =	vst v2  }
0x3ea: {  	v9 =	vmin.u32 v9, $0xF;
	s3 =	smov.u32 s4;
	v2 =	vld [tilespmem:s9+$0x30];
	p0 =	slt.u32 s6, $0x3F80;
	v8 =	vadd.f32 $1.258291200e+07, v8;
	v11 =	vcvt.s32.f32 v7;
	[tilespmem:s4+$0x20] =	vst v3;
	s4 =	smov.u32 s8  }
0x3eb: {  	v12 =	vcvt.s32.f32 v0;
	v6 =	vadd.s32 $0xB4C00008, v6;
	v13 =	vcvt.s32.f32 v9;
	v3 =	vld [tilespmem:s9+$0x20];
	[tilespmem:s5+$0x30] =	vst v5  }
0x3ec: {  	v4 =	vadd.s32 $0xB4C00008, v4;
	vm0 =	vgt.s32 v6, $0x0;
	v5 =	vld [tilespmem:s9+$0x0];
	v8 =	vadd.s32 $0xB4C00008, v8;
	[tilespmem:s3+$0x30] =	vst v1  }
0x3ed: {  	v6 =	vnsel vm0, $0x0, v6;
	v13 =	vadd.f32 $-7.500000000e+00, v13;
	v1 =	vld [tilespmem:s9+$0x10];
	vm1 =	vgt.s32 v8, $0x0  }
0x3ee: {  	v6 =	vmin.u32 v6, $0xF;
	v10 =	vadd.f32 $-5.000000000e-01, v10;
	v14 =	vld [tilespmem:s9+$0xFFFFFFF0];
	v8 =	vnsel vm1, $0x0, v8  }
0x3ef: {  	v12 =	vadd.f32 $-7.500000000e+00, v12;
	vm0 =	vgt.s32 v4, $0x0;
	v11 =	vadd.f32 $-7.500000000e+00, v11;
	v15 =	vld [tilespmem:s9+$0xFFFFFFD0];
	[tilespmem:s5+$0xFFFFFFE0] =	vst v13  }
0x3f0: {  	v8 =	vmin.u32 v8, $0xF;
	v10 =	vadd.f32 $1.258291200e+07, v10;
	v13 =	vld [tilespmem:s9+$0xFFFFFFE0];
	[tilespmem:s3+$0xFFFFFFE0] =	vst v9;
	v9 =	vcvt.s32.f32 v6  }
0x3f1: {  	v4 =	vnsel vm0, $0x0, v4;
	v3 =	vadd.f32 $-5.000000000e-01, v3;
	v16 =	vadd.f32 $-5.000000000e-01, v5;
	[tilespmem:s5+$0x10] =	vst v11  }
0x3f2: {  	v2 =	vadd.f32 $-5.000000000e-01, v2;
	v5 =	vadd.s32 $0xB4C00008, v10;
	v1 =	vadd.f32 $-5.000000000e-01, v1;
	[tilespmem:s3+$0x10] =	vst v7  }
0x3f3: {  	v3 =	vadd.f32 $1.258291200e+07, v3;
	vm0 =	vgt.s32 v5, $0x0;
	v10 =	vadd.f32 $-5.000000000e-01, v14;
	[tilespmem:s5+$0xFFFFFFC0] =	vst v12  }
0x3f4: {  	v2 =	vadd.f32 $1.258291200e+07, v2;
	v7 =	vadd.f32 $-7.500000000e+00, v9;
	[tilespmem:s3+$0xFFFFFFC0] =	vst v0;
	v0 =	vcvt.s32.f32 v8  }
0x3f5: {  	v9 =	vnsel vm0, $0x0, v5;
	v3 =	vadd.s32 $0xB4C00008, v3;
	v5 =	vadd.f32 $-5.000000000e-01, v13  }
0x3f6: {  	v11 =	vadd.s32 $0xB4C00008, v2;
	v2 =	vmin.u32 v4, $0xF;
	vm0 =	vgt.s32 v3, $0x0;
	[tilespmem:s5+$0xFFFFFFF0] =	vst v7  }
0x3f7: {  	v4 =	vcvt.s32.f32 v2;
	v3 =	vnsel vm0, $0x0, v3;
	vm0 =	vgt.s32 v11, $0x0;
	[tilespmem:s3+$0xFFFFFFF0] =	vst v6  }
0x3f8: {  	v6 =	vadd.f32 $1.258291200e+07, v1;
	v3 =	vmin.u32 v3, $0xF;
	v1 =	vnsel vm0, $0x0, v11  }
0x3f9: {  	v0 =	vadd.f32 $-7.500000000e+00, v0;
	v7 =	vcvt.s32.f32 v3;
	v1 =	vmin.u32 v1, $0xF  }
.Ltmp9:
0x3fa: {  	v5 =	vadd.f32 $1.258291200e+07, v5;
	v6 =	vadd.s32 $0xB4C00008, v6;
	v11 =	vcvt.s32.f32 v1;
	(pc) =	sbr.rel @p0 .LBB2_20-.Ltmp9, $4  }
0x3fb: {  	vm0 =	vgt.s32 v6, $0x0;
	v12 =	vadd.f32 $-7.500000000e+00, v7;
	[tilespmem:s5+$0xFFFFFFD0] =	vst v0;
	v0 =	vadd.f32 $-7.500000000e+00, v4  }
0x3fc: {  	v13 =	vadd.s32 $0xB4C00008, v5;
	v7 =	vnsel vm0, $0x0, v6;
	v5 =	vadd.f32 $-7.500000000e+00, v11;
	[tilespmem:s3+$0xFFFFFFD0] =	vst v8  }
0x3fd: {  	vm0 =	vgt.s32 v13, $0x0;
	v6 =	vadd.f32 $1.258291200e+07, v10;
	v4 =	vadd.f32 $1.258291200e+07, v16;
	[tilespmem:s5+$0x0] =	vst v0;
	s5 =	smov.u32 s7  }
0x3fe: {  	s9 =	sadd.s32 $0x80, s9;
	v8 =	vadd.f32 $-5.000000000e-01, v15;
	v0 =	vmin.u32 v9, $0xF;
	v9 =	vnsel vm0, $0x0, v13;
	[tilespmem:s7+$0x20] =	vst v12  }
0x3ff: {  	v9 =	vmin.u32 v9, $0xF;
	[tilespmem:s5+$0x30] =	vst v5;
	v5 =	vcvt.s32.f32 v0  }
0x400: {  	[tilespmem:s3+$0x0] =	vst v2;
	v7 =	vmin.u32 v7, $0xF;
	v2 =	vcvt.s32.f32 v9;
	v8 =	vadd.f32 $1.258291200e+07, v8  }
0x401: {  	[tilespmem:s4+$0x20] =	vst v3;
	v6 =	vadd.s32 $0xB4C00008, v6;
	v3 =	vcvt.s32.f32 v7;
	v5 =	vadd.f32 $-7.500000000e+00, v5  }
0x402: {  	vm0 =	vgt.s32 v6, $0x0;
	[tilespmem:s4+$0x30] =	vst v1;
	v2 =	vadd.f32 $-7.500000000e+00, v2;
	v1 =	vadd.s32 $0xB4C00008, v8  }
0x403: {  	v6 =	vnsel vm0, $0x0, v6;
	vm14 =	vgt.s32 v1, $0x0;
	[tilespmem:s5+$0xFFFFFFC0] =	vst v5  }
0x404: {  	[tilespmem:s5+$0xFFFFFFE0] =	vst v2;
	v2 =	vadd.f32 $-7.500000000e+00, v3;
	v3 =	vadd.s32 $0xB4C00008, v4;
	v4 =	vmin.u32 v6, $0xF  }
0x405: {  	v1 =	vnsel vm14, $0x0, v1;
	[tilespmem:s4+$0xFFFFFFC0] =	vst v0;
	v6 =	vcvt.s32.f32 v4  }
0x406: {  	[tilespmem:s4+$0xFFFFFFE0] =	vst v9;
	vm15 =	vgt.s32 v3, $0x0;
	v1 =	vmin.u32 v1, $0xF  }
0x407: {  	[tilespmem:s5+$0x10] =	vst v2;
	v2 =	vnsel vm15, $0x0, v3;
	v3 =	vcvt.s32.f32 v1;
	v5 =	vadd.f32 $-7.500000000e+00, v6  }
0x408: {  	[tilespmem:s4+$0x10] =	vst v7;
	v0 =	vmin.u32 v2, $0xF  }
0x409: {  	v2 =	vcvt.s32.f32 v0;
	v3 =	vadd.f32 $-7.500000000e+00, v3;
	[tilespmem:s5+$0xFFFFFFF0] =	vst v5  }
0x40a: {  	[tilespmem:s4+$0xFFFFFFF0] =	vst v4  }
0x40b: {  	[tilespmem:s5+$0xFFFFFFD0] =	vst v3;
	v2 =	vadd.f32 $-7.500000000e+00, v2  }
0x40c: {  	[tilespmem:s4+$0xFFFFFFD0] =	vst v1  }
0x40d: {  	[tilespmem:s5+$0x0] =	vst v2  }
0x40e: {  	[tilespmem:s4+$0x0] =	vst v0  }
0x40f: {  	s3 =	rddreg [dreg:$0x1d]  }
0x410: {  	s5 =	rddreg [dreg:$0x1e]  }
0x411: {  	[hbm4b:s3+s1] =	stream.linear.scatter [tilespmem:s28], [sflag:$0x5], $0x4000, $0x38;
	[tilespmem:$0x1C000] =	vst v63  }
0x412: {  	s6 =	sld [smem:$0x7F9]  }
0x413: {  	[hbm4b:s5+s1] =	stream.linear.scatter [tilespmem:s29], [sflag:$0x5], $0x4000, $0x38;
	[tilespmem:$0x1C000] =	vst v63  }
0x414: {  	_ = 	snop  }
0x415: {  	[tilespmem:s1], [sflag:$0x1] =	stream.linear.gather [hbm4b:s6+s1], $0x4000, $0x38;
	[tilespmem:$0x1C000] =	vst v63  }
0x416: {  	_ =	swait.ge [sflag:s26], $0x4000  }
0x417: {  	[sflag:s26] =	ssyncset.done $0x0  }
0x418: {  	[sflag:s26] =	ssyncadd.s32 $0xFFFFC000  }
0x419: {  	_ =	swait.ge [sflag:s31], $0x4000  }
0x41a: {  	[sflag:s31] =	ssyncset.done $0x0  }
0x41b: {  	[sflag:s31] =	ssyncadd.s32 $0xFFFFC000  }
0x41c: {  	_ =	swait.ge [sflag:s31], $0x4000  }
0x41d: {  	[sflag:s31] =	ssyncset.done $0x0  }
0x41e: {  	s7 =	simm.s32 $0x4040;
	[sflag:s31] =	ssyncadd.s32 $0xFFFFC000  }
0x41f: {  	v0 =	vld [tilespmem:s7+$0xFFFFFFC0]  }
0x420: {  	v1 =	vld [tilespmem:s7+$0x20]  }
0x421: {  	v2 =	vld [tilespmem:s7+$0x30]  }
0x422: {  	v3 =	vld [tilespmem:s7+$0x0]  }
0x423: {  	v4 =	vld [tilespmem:s7+$0x10]  }
0x424: {  	v5 =	vld [tilespmem:s7+$0xFFFFFFF0]  }
0x425: {  	v6 =	vld [tilespmem:s7+$0xFFFFFFE0]  }
0x426: {  	s8 =	simm.s32 $0x40C0;
	v7 =	vld [tilespmem:s7+$0xFFFFFFD0]  }
0x427: {  	v10 =	vld [tilespmem:s8+$0xFFFFFFC0]  }
0x428: {  	v13 =	vld [tilespmem:s8+$0x20]  }
0x429: {  	v17 =	vld [tilespmem:s8+$0x10];
	v0 =	vadd.f32 $-5.000000000e-01, v0  }
0x42a: {  	v1 =	vadd.f32 $-5.000000000e-01, v1;
	v2 =	vadd.f32 $-5.000000000e-01, v2  }
0x42b: {  	v3 =	vadd.f32 $-5.000000000e-01, v3;
	v4 =	vadd.f32 $-5.000000000e-01, v4  }
0x42c: {  	v5 =	vadd.f32 $-5.000000000e-01, v5;
	v6 =	vadd.f32 $-5.000000000e-01, v6  }
0x42d: {  	v7 =	vadd.f32 $-5.000000000e-01, v7;
	v10 =	vadd.f32 $-5.000000000e-01, v10  }
0x42e: {  	v13 =	vadd.f32 $-5.000000000e-01, v13;
	v59 =	vadd.f32 $-5.000000000e-01, v17  }
0x42f: {  	v0 =	vadd.f32 $1.258291200e+07, v0;
	v1 =	vadd.f32 $1.258291200e+07, v1  }
0x430: {  	v2 =	vadd.f32 $1.258291200e+07, v2;
	v4 =	vadd.f32 $1.258291200e+07, v4  }
0x431: {  	v6 =	vadd.f32 $1.258291200e+07, v6;
	v5 =	vadd.f32 $1.258291200e+07, v5  }
0x432: {  	v3 =	vadd.f32 $1.258291200e+07, v3;
	v7 =	vadd.f32 $1.258291200e+07, v7;
	v0 =	vadd.s32 $0xB4C00008, v0  }
0x433: {  	v1 =	vadd.s32 $0xB4C00008, v1;
	v2 =	vadd.s32 $0xB4C00008, v2;
	v4 =	vadd.s32 $0xB4C00008, v4  }
0x434: {  	v6 =	vadd.s32 $0xB4C00008, v6;
	v5 =	vadd.s32 $0xB4C00008, v5;
	v7 =	vadd.s32 $0xB4C00008, v7  }
0x435: {  	vm4 =	vgt.s32 v0, $0x0;
	vm1 =	vgt.s32 v1, $0x0;
	vm5 =	vgt.s32 v2, $0x0  }
0x436: {  	vm6 =	vgt.s32 v4, $0x0;
	vm7 =	vgt.s32 v6, $0x0;
	v1 =	vnsel vm1, $0x0, v1  }
0x437: {  	vm8 =	vgt.s32 v5, $0x0;
	v2 =	vnsel vm5, $0x0, v2;
	v1 =	vmin.u32 v1, $0xF  }
0x438: {  	v6 =	vnsel vm7, $0x0, v6;
	v2 =	vmin.u32 v2, $0xF;
	v8 =	vcvt.s32.f32 v1  }
0x439: {  	v4 =	vnsel vm6, $0x0, v4;
	v6 =	vmin.u32 v6, $0xF;
	v9 =	vcvt.s32.f32 v2  }
0x43a: {  	v4 =	vmin.u32 v4, $0xF;
	v15 =	vcvt.s32.f32 v6;
	v8 =	vadd.f32 $-7.500000000e+00, v8  }
0x43b: {  	s9 =	simm.s32 $0xC040;
	vm9 =	vgt.s32 v7, $0x0;
	v12 =	vcvt.s32.f32 v4;
	v9 =	vadd.f32 $-7.500000000e+00, v9  }
0x43c: {  	v11 =	vld [tilespmem:s8+$0x30];
	v0 =	vnsel vm4, $0x0, v0;
	v5 =	vnsel vm8, $0x0, v5;
	v15 =	vadd.f32 $-7.500000000e+00, v15;
	[tilespmem:s9+$0x20] =	vst v8  }
0x43d: {  	v16 =	vld [tilespmem:s8+$0x0];
	v7 =	vnsel vm9, $0x0, v7;
	v5 =	vmin.u32 v5, $0xF;
	v12 =	vadd.f32 $-7.500000000e+00, v12;
	[tilespmem:s9+$0x30] =	vst v9  }
0x43e: {  	v18 =	vld [tilespmem:s8+$0xFFFFFFF0];
	v0 =	vmin.u32 v0, $0xF;
	v58 =	vmin.u32 v7, $0xF;
	v7 =	vcvt.s32.f32 v5;
	[tilespmem:s9+$0xFFFFFFE0] =	vst v15  }
0x43f: {  	s3 =	simm.s32 $0x14040;
	v13 =	vadd.f32 $1.258291200e+07, v13;
	v3 =	vadd.s32 $0xB4C00008, v3;
	v14 =	vcvt.s32.f32 v0;
	[tilespmem:s9+$0x10] =	vst v12  }
0x440: {  	vm10 =	vgt.s32 v3, $0x0;
	v7 =	vadd.f32 $-7.500000000e+00, v7;
	[tilespmem:s3+$0x20] =	vst v1;
	v1 =	vadd.f32 $1.258291200e+07, v10  }
0x441: {  	v3 =	vnsel vm10, $0x0, v3;
	v8 =	vadd.f32 $-7.500000000e+00, v14;
	[tilespmem:s3+$0x30] =	vst v2;
	v2 =	vadd.f32 $-5.000000000e-01, v11  }
0x442: {  	v9 =	vadd.f32 $-5.000000000e-01, v16;
	v10 =	vld [tilespmem:s8+$0xFFFFFFE0];
	[tilespmem:s3+$0xFFFFFFE0] =	vst v6;
	v6 =	vcvt.s32.f32 v58;
	v1 =	vadd.s32 $0xB4C00008, v1  }
0x443: {  	v11 =	vadd.f32 $-5.000000000e-01, v18;
	[tilespmem:s9+$0xFFFFFFC0] =	vst v8;
	v2 =	vadd.f32 $1.258291200e+07, v2;
	vm11 =	vgt.s32 v1, $0x0  }
0x444: {  	[tilespmem:s3+$0xFFFFFFC0] =	vst v0;
	v0 =	vadd.f32 $1.258291200e+07, v59;
	v6 =	vadd.f32 $-7.500000000e+00, v6;
	v60 =	vnsel vm11, $0x0, v1  }
0x445: {  	[tilespmem:s3+$0x10] =	vst v4;
	v1 =	vadd.s32 $0xB4C00008, v13;
	v4 =	vadd.s32 $0xB4C00008, v2;
	v2 =	vmin.u32 v3, $0xF  }
0x446: {  	v0 =	vadd.s32 $0xB4C00008, v0;
	[tilespmem:s9+$0xFFFFFFD0] =	vst v6;
	v6 =	vadd.f32 $1.258291200e+07, v11;
	vm12 =	vgt.s32 v1, $0x0  }
0x447: {  	v61 =	vld [tilespmem:s8+$0xFFFFFFD0];
	v10 =	vadd.f32 $-5.000000000e-01, v10;
	vm13 =	vgt.s32 v4, $0x0;
	v1 =	vnsel vm12, $0x0, v1  }
0x448: {  	[tilespmem:s9+$0xFFFFFFF0] =	vst v7;
	v8 =	vcvt.s32.f32 v2;
	vm14 =	vgt.s32 v0, $0x0;
	v3 =	vmin.u32 v1, $0xF  }
0x449: {  	[tilespmem:s3+$0xFFFFFFF0] =	vst v5;
	v1 =	vnsel vm13, $0x0, v4;
	v5 =	vadd.f32 $1.258291200e+07, v10;
	v4 =	vcvt.s32.f32 v3  }
0x44a: {  	v7 =	vnsel vm14, $0x0, v0;
	v8 =	vadd.f32 $-7.500000000e+00, v8;
	v1 =	vmin.u32 v1, $0xF  }
0x44b: {  	[tilespmem:s3+$0xFFFFFFD0] =	vst v58;
	v10 =	vcvt.s32.f32 v1;
	v63 =	vadd.s32 $0xB4C00008, v5;
	v62 =	vadd.f32 $-7.500000000e+00, v4  }
0x44c: {  	s4 =	simm.s32 $0x140C0;
	s5 =	simm.s32 $0xC0C0;
	s7 =	simm.s32 $0xC0C0;
	v0 =	vmin.u32 v60, $0xF;
	[tilespmem:s9+$0x0] =	vst v8;
	v8 =	vadd.f32 $-5.000000000e-01, v61;
	vm15 =	vgt.s32 v63, $0x0  }
0x44d: {  	s6 =	simm.s32 $0x80;
	s8 =	simm.s32 $0x140C0;
	s9 =	simm.s32 $0x4140;
	v4 =	vadd.f32 $1.258291200e+07, v9;
	v5 =	vadd.f32 $-7.500000000e+00, v10;
	v9 =	vnsel vm15, $0x0, v63;
	[tilespmem:s7+$0x20] =	vst v62  }
.LBB2_22:
0x44e: {  	v10 =	vld [tilespmem:s9+$0xFFFFFFC0];
	s6 =	sadd.s32 $0x80, s6;
	v7 =	vmin.u32 v7, $0xF;
	s7 =	sadd.s32 $0x80, s7;
	s8 =	sadd.s32 $0x80, s8;
	[tilespmem:s3+$0x0] =	vst v2  }
0x44f: {  	v9 =	vmin.u32 v9, $0xF;
	s3 =	smov.u32 s4;
	v2 =	vld [tilespmem:s9+$0x30];
	p0 =	slt.u32 s6, $0x3F80;
	v8 =	vadd.f32 $1.258291200e+07, v8;
	v11 =	vcvt.s32.f32 v7;
	[tilespmem:s4+$0x20] =	vst v3;
	s4 =	smov.u32 s8  }
0x450: {  	v12 =	vcvt.s32.f32 v0;
	v6 =	vadd.s32 $0xB4C00008, v6;
	v13 =	vcvt.s32.f32 v9;
	v3 =	vld [tilespmem:s9+$0x20];
	[tilespmem:s5+$0x30] =	vst v5  }
0x451: {  	v4 =	vadd.s32 $0xB4C00008, v4;
	vm0 =	vgt.s32 v6, $0x0;
	v5 =	vld [tilespmem:s9+$0x0];
	v8 =	vadd.s32 $0xB4C00008, v8;
	[tilespmem:s3+$0x30] =	vst v1  }
0x452: {  	v6 =	vnsel vm0, $0x0, v6;
	v13 =	vadd.f32 $-7.500000000e+00, v13;
	v1 =	vld [tilespmem:s9+$0x10];
	vm1 =	vgt.s32 v8, $0x0  }
0x453: {  	v6 =	vmin.u32 v6, $0xF;
	v10 =	vadd.f32 $-5.000000000e-01, v10;
	v14 =	vld [tilespmem:s9+$0xFFFFFFF0];
	v8 =	vnsel vm1, $0x0, v8  }
0x454: {  	v12 =	vadd.f32 $-7.500000000e+00, v12;
	vm0 =	vgt.s32 v4, $0x0;
	v11 =	vadd.f32 $-7.500000000e+00, v11;
	v15 =	vld [tilespmem:s9+$0xFFFFFFD0];
	[tilespmem:s5+$0xFFFFFFE0] =	vst v13  }
0x455: {  	v8 =	vmin.u32 v8, $0xF;
	v10 =	vadd.f32 $1.258291200e+07, v10;
	v13 =	vld [tilespmem:s9+$0xFFFFFFE0];
	[tilespmem:s3+$0xFFFFFFE0] =	vst v9;
	v9 =	vcvt.s32.f32 v6  }
0x456: {  	v4 =	vnsel vm0, $0x0, v4;
	v3 =	vadd.f32 $-5.000000000e-01, v3;
	v16 =	vadd.f32 $-5.000000000e-01, v5;
	[tilespmem:s5+$0x10] =	vst v11  }
0x457: {  	v2 =	vadd.f32 $-5.000000000e-01, v2;
	v5 =	vadd.s32 $0xB4C00008, v10;
	v1 =	vadd.f32 $-5.000000000e-01, v1;
	[tilespmem:s3+$0x10] =	vst v7  }
0x458: {  	v3 =	vadd.f32 $1.258291200e+07, v3;
	vm0 =	vgt.s32 v5, $0x0;
	v10 =	vadd.f32 $-5.000000000e-01, v14;
	[tilespmem:s5+$0xFFFFFFC0] =	vst v12  }
0x459: {  	v2 =	vadd.f32 $1.258291200e+07, v2;
	v7 =	vadd.f32 $-7.500000000e+00, v9;
	[tilespmem:s3+$0xFFFFFFC0] =	vst v0;
	v0 =	vcvt.s32.f32 v8  }
0x45a: {  	v9 =	vnsel vm0, $0x0, v5;
	v3 =	vadd.s32 $0xB4C00008, v3;
	v5 =	vadd.f32 $-5.000000000e-01, v13  }
0x45b: {  	v11 =	vadd.s32 $0xB4C00008, v2;
	v2 =	vmin.u32 v4, $0xF;
	vm0 =	vgt.s32 v3, $0x0;
	[tilespmem:s5+$0xFFFFFFF0] =	vst v7  }
0x45c: {  	v4 =	vcvt.s32.f32 v2;
	v3 =	vnsel vm0, $0x0, v3;
	vm0 =	vgt.s32 v11, $0x0;
	[tilespmem:s3+$0xFFFFFFF0] =	vst v6  }
0x45d: {  	v6 =	vadd.f32 $1.258291200e+07, v1;
	v3 =	vmin.u32 v3, $0xF;
	v1 =	vnsel vm0, $0x0, v11  }
0x45e: {  	v0 =	vadd.f32 $-7.500000000e+00, v0;
	v7 =	vcvt.s32.f32 v3;
	v1 =	vmin.u32 v1, $0xF  }
.Ltmp10:
0x45f: {  	v5 =	vadd.f32 $1.258291200e+07, v5;
	v6 =	vadd.s32 $0xB4C00008, v6;
	v11 =	vcvt.s32.f32 v1;
	(pc) =	sbr.rel @p0 .LBB2_22-.Ltmp10, $4  }
0x460: {  	vm0 =	vgt.s32 v6, $0x0;
	v12 =	vadd.f32 $-7.500000000e+00, v7;
	[tilespmem:s5+$0xFFFFFFD0] =	vst v0;
	v0 =	vadd.f32 $-7.500000000e+00, v4  }
0x461: {  	v13 =	vadd.s32 $0xB4C00008, v5;
	v7 =	vnsel vm0, $0x0, v6;
	v5 =	vadd.f32 $-7.500000000e+00, v11;
	[tilespmem:s3+$0xFFFFFFD0] =	vst v8  }
0x462: {  	vm0 =	vgt.s32 v13, $0x0;
	v6 =	vadd.f32 $1.258291200e+07, v10;
	v4 =	vadd.f32 $1.258291200e+07, v16;
	[tilespmem:s5+$0x0] =	vst v0;
	s5 =	smov.u32 s7  }
0x463: {  	s9 =	sadd.s32 $0x80, s9;
	v8 =	vadd.f32 $-5.000000000e-01, v15;
	v0 =	vmin.u32 v9, $0xF;
	v9 =	vnsel vm0, $0x0, v13;
	[tilespmem:s7+$0x20] =	vst v12  }
0x464: {  	v9 =	vmin.u32 v9, $0xF;
	[tilespmem:s5+$0x30] =	vst v5;
	v5 =	vcvt.s32.f32 v0  }
0x465: {  	[tilespmem:s3+$0x0] =	vst v2;
	v7 =	vmin.u32 v7, $0xF;
	v2 =	vcvt.s32.f32 v9;
	v8 =	vadd.f32 $1.258291200e+07, v8  }
0x466: {  	[tilespmem:s4+$0x20] =	vst v3;
	v6 =	vadd.s32 $0xB4C00008, v6;
	v3 =	vcvt.s32.f32 v7;
	v5 =	vadd.f32 $-7.500000000e+00, v5  }
0x467: {  	vm0 =	vgt.s32 v6, $0x0;
	[tilespmem:s4+$0x30] =	vst v1;
	v2 =	vadd.f32 $-7.500000000e+00, v2;
	v1 =	vadd.s32 $0xB4C00008, v8  }
0x468: {  	v6 =	vnsel vm0, $0x0, v6;
	vm14 =	vgt.s32 v1, $0x0;
	[tilespmem:s5+$0xFFFFFFC0] =	vst v5  }
0x469: {  	[tilespmem:s5+$0xFFFFFFE0] =	vst v2;
	v2 =	vadd.f32 $-7.500000000e+00, v3;
	v3 =	vadd.s32 $0xB4C00008, v4;
	v4 =	vmin.u32 v6, $0xF  }
0x46a: {  	v1 =	vnsel vm14, $0x0, v1;
	[tilespmem:s4+$0xFFFFFFC0] =	vst v0;
	v6 =	vcvt.s32.f32 v4  }
0x46b: {  	[tilespmem:s4+$0xFFFFFFE0] =	vst v9;
	vm15 =	vgt.s32 v3, $0x0;
	v1 =	vmin.u32 v1, $0xF  }
0x46c: {  	[tilespmem:s5+$0x10] =	vst v2;
	v2 =	vnsel vm15, $0x0, v3;
	v3 =	vcvt.s32.f32 v1;
	v5 =	vadd.f32 $-7.500000000e+00, v6  }
0x46d: {  	[tilespmem:s4+$0x10] =	vst v7;
	v0 =	vmin.u32 v2, $0xF  }
0x46e: {  	v2 =	vcvt.s32.f32 v0;
	v3 =	vadd.f32 $-7.500000000e+00, v3;
	[tilespmem:s5+$0xFFFFFFF0] =	vst v5  }
0x46f: {  	[tilespmem:s4+$0xFFFFFFF0] =	vst v4  }
0x470: {  	[tilespmem:s5+$0xFFFFFFD0] =	vst v3;
	v2 =	vadd.f32 $-7.500000000e+00, v2  }
0x471: {  	[tilespmem:s4+$0xFFFFFFD0] =	vst v1  }
0x472: {  	[tilespmem:s5+$0x0] =	vst v2  }
0x473: {  	[tilespmem:s4+$0x0] =	vst v0  }
0x474: {  	s3 =	sld [smem:$0x7F4];
	_ =	sdelay $0x1  }
0x475: {  	s6 =	sld [smem:$0x7F5]  }
0x476: {  	[hbm4b:s3+s1] =	stream.linear.scatter [tilespmem:s24], [sflag:$0x4], $0x4000, $0x38;
	[tilespmem:$0x1C000] =	vst v63  }
0x477: {  	_ = 	snop  }
0x478: {  	[hbm4b:s6+s1] =	stream.linear.scatter [tilespmem:s25], [sflag:$0x4], $0x4000, $0x38;
	[tilespmem:$0x1C000] =	vst v63  }
0x479: {  	_ = 	snop  }
0x47a: {  	[tilespmem:s21], [sflag:$0x2] =	stream.linear.gather [hbm4b:s11+s1], $0x4000, $0x38;
	[tilespmem:$0x1C000] =	vst v63  }
0x47b: {  	_ =	swait.ge [sflag:s30], $0x4000  }
0x47c: {  	[sflag:s30] =	ssyncset.done $0x0  }
0x47d: {  	[sflag:s30] =	ssyncadd.s32 $0xFFFFC000  }
0x47e: {  	_ =	swait.ge [sflag:s0], $0x4000  }
0x47f: {  	[sflag:s0] =	ssyncset.done $0x0  }
0x480: {  	[sflag:s0] =	ssyncadd.s32 $0xFFFFC000  }
0x481: {  	_ =	swait.ge [sflag:s0], $0x4000  }
0x482: {  	[sflag:s0] =	ssyncset.done $0x0  }
0x483: {  	s7 =	simm.s32 $0x8040;
	[sflag:s0] =	ssyncadd.s32 $0xFFFFC000  }
0x484: {  	v0 =	vld [tilespmem:s7+$0xFFFFFFC0]  }
0x485: {  	v1 =	vld [tilespmem:s7+$0x20]  }
0x486: {  	v2 =	vld [tilespmem:s7+$0x30]  }
0x487: {  	v3 =	vld [tilespmem:s7+$0x0]  }
0x488: {  	v4 =	vld [tilespmem:s7+$0x10]  }
0x489: {  	v5 =	vld [tilespmem:s7+$0xFFFFFFF0]  }
0x48a: {  	v6 =	vld [tilespmem:s7+$0xFFFFFFE0]  }
0x48b: {  	s8 =	simm.s32 $0x80C0;
	v7 =	vld [tilespmem:s7+$0xFFFFFFD0]  }
0x48c: {  	v10 =	vld [tilespmem:s8+$0xFFFFFFC0]  }
0x48d: {  	v13 =	vld [tilespmem:s8+$0x20]  }
0x48e: {  	v17 =	vld [tilespmem:s8+$0x10];
	v0 =	vadd.f32 $-5.000000000e-01, v0  }
0x48f: {  	v1 =	vadd.f32 $-5.000000000e-01, v1;
	v2 =	vadd.f32 $-5.000000000e-01, v2  }
0x490: {  	v3 =	vadd.f32 $-5.000000000e-01, v3;
	v4 =	vadd.f32 $-5.000000000e-01, v4  }
0x491: {  	v5 =	vadd.f32 $-5.000000000e-01, v5;
	v6 =	vadd.f32 $-5.000000000e-01, v6  }
0x492: {  	v7 =	vadd.f32 $-5.000000000e-01, v7;
	v10 =	vadd.f32 $-5.000000000e-01, v10  }
0x493: {  	v13 =	vadd.f32 $-5.000000000e-01, v13;
	v59 =	vadd.f32 $-5.000000000e-01, v17  }
0x494: {  	v0 =	vadd.f32 $1.258291200e+07, v0;
	v1 =	vadd.f32 $1.258291200e+07, v1  }
0x495: {  	v2 =	vadd.f32 $1.258291200e+07, v2;
	v4 =	vadd.f32 $1.258291200e+07, v4  }
0x496: {  	v6 =	vadd.f32 $1.258291200e+07, v6;
	v5 =	vadd.f32 $1.258291200e+07, v5  }
0x497: {  	v3 =	vadd.f32 $1.258291200e+07, v3;
	v7 =	vadd.f32 $1.258291200e+07, v7;
	v0 =	vadd.s32 $0xB4C00008, v0  }
0x498: {  	v1 =	vadd.s32 $0xB4C00008, v1;
	v2 =	vadd.s32 $0xB4C00008, v2;
	v4 =	vadd.s32 $0xB4C00008, v4  }
0x499: {  	v6 =	vadd.s32 $0xB4C00008, v6;
	v5 =	vadd.s32 $0xB4C00008, v5;
	v7 =	vadd.s32 $0xB4C00008, v7  }
0x49a: {  	vm4 =	vgt.s32 v0, $0x0;
	vm1 =	vgt.s32 v1, $0x0;
	vm5 =	vgt.s32 v2, $0x0  }
0x49b: {  	vm6 =	vgt.s32 v4, $0x0;
	vm7 =	vgt.s32 v6, $0x0;
	v1 =	vnsel vm1, $0x0, v1  }
0x49c: {  	vm8 =	vgt.s32 v5, $0x0;
	v2 =	vnsel vm5, $0x0, v2;
	v1 =	vmin.u32 v1, $0xF  }
0x49d: {  	v6 =	vnsel vm7, $0x0, v6;
	v2 =	vmin.u32 v2, $0xF;
	v8 =	vcvt.s32.f32 v1  }
0x49e: {  	v4 =	vnsel vm6, $0x0, v4;
	v6 =	vmin.u32 v6, $0xF;
	v9 =	vcvt.s32.f32 v2  }
0x49f: {  	v4 =	vmin.u32 v4, $0xF;
	v15 =	vcvt.s32.f32 v6;
	v8 =	vadd.f32 $-7.500000000e+00, v8  }
0x4a0: {  	s9 =	simm.s32 $0x10040;
	vm9 =	vgt.s32 v7, $0x0;
	v12 =	vcvt.s32.f32 v4;
	v9 =	vadd.f32 $-7.500000000e+00, v9  }
0x4a1: {  	v11 =	vld [tilespmem:s8+$0x30];
	v0 =	vnsel vm4, $0x0, v0;
	v5 =	vnsel vm8, $0x0, v5;
	v15 =	vadd.f32 $-7.500000000e+00, v15;
	[tilespmem:s9+$0x20] =	vst v8  }
0x4a2: {  	v16 =	vld [tilespmem:s8+$0x0];
	v7 =	vnsel vm9, $0x0, v7;
	v5 =	vmin.u32 v5, $0xF;
	v12 =	vadd.f32 $-7.500000000e+00, v12;
	[tilespmem:s9+$0x30] =	vst v9  }
0x4a3: {  	v18 =	vld [tilespmem:s8+$0xFFFFFFF0];
	v0 =	vmin.u32 v0, $0xF;
	v58 =	vmin.u32 v7, $0xF;
	v7 =	vcvt.s32.f32 v5;
	[tilespmem:s9+$0xFFFFFFE0] =	vst v15  }
0x4a4: {  	s3 =	simm.s32 $0x18040;
	v13 =	vadd.f32 $1.258291200e+07, v13;
	v3 =	vadd.s32 $0xB4C00008, v3;
	v14 =	vcvt.s32.f32 v0;
	[tilespmem:s9+$0x10] =	vst v12  }
0x4a5: {  	vm10 =	vgt.s32 v3, $0x0;
	v7 =	vadd.f32 $-7.500000000e+00, v7;
	[tilespmem:s3+$0x20] =	vst v1;
	v1 =	vadd.f32 $1.258291200e+07, v10  }
0x4a6: {  	v3 =	vnsel vm10, $0x0, v3;
	v8 =	vadd.f32 $-7.500000000e+00, v14;
	[tilespmem:s3+$0x30] =	vst v2;
	v2 =	vadd.f32 $-5.000000000e-01, v11  }
0x4a7: {  	v9 =	vadd.f32 $-5.000000000e-01, v16;
	v10 =	vld [tilespmem:s8+$0xFFFFFFE0];
	[tilespmem:s3+$0xFFFFFFE0] =	vst v6;
	v6 =	vcvt.s32.f32 v58;
	v1 =	vadd.s32 $0xB4C00008, v1  }
0x4a8: {  	v11 =	vadd.f32 $-5.000000000e-01, v18;
	[tilespmem:s9+$0xFFFFFFC0] =	vst v8;
	v2 =	vadd.f32 $1.258291200e+07, v2;
	vm11 =	vgt.s32 v1, $0x0  }
0x4a9: {  	[tilespmem:s3+$0xFFFFFFC0] =	vst v0;
	v0 =	vadd.f32 $1.258291200e+07, v59;
	v6 =	vadd.f32 $-7.500000000e+00, v6;
	v60 =	vnsel vm11, $0x0, v1  }
0x4aa: {  	[tilespmem:s3+$0x10] =	vst v4;
	v1 =	vadd.s32 $0xB4C00008, v13;
	v4 =	vadd.s32 $0xB4C00008, v2;
	v2 =	vmin.u32 v3, $0xF  }
0x4ab: {  	v0 =	vadd.s32 $0xB4C00008, v0;
	[tilespmem:s9+$0xFFFFFFD0] =	vst v6;
	v6 =	vadd.f32 $1.258291200e+07, v11;
	vm12 =	vgt.s32 v1, $0x0  }
0x4ac: {  	v61 =	vld [tilespmem:s8+$0xFFFFFFD0];
	v10 =	vadd.f32 $-5.000000000e-01, v10;
	vm13 =	vgt.s32 v4, $0x0;
	v1 =	vnsel vm12, $0x0, v1  }
0x4ad: {  	[tilespmem:s9+$0xFFFFFFF0] =	vst v7;
	v8 =	vcvt.s32.f32 v2;
	vm14 =	vgt.s32 v0, $0x0;
	v3 =	vmin.u32 v1, $0xF  }
0x4ae: {  	[tilespmem:s3+$0xFFFFFFF0] =	vst v5;
	v1 =	vnsel vm13, $0x0, v4;
	v5 =	vadd.f32 $1.258291200e+07, v10;
	v4 =	vcvt.s32.f32 v3  }
0x4af: {  	v7 =	vnsel vm14, $0x0, v0;
	v8 =	vadd.f32 $-7.500000000e+00, v8;
	v1 =	vmin.u32 v1, $0xF  }
0x4b0: {  	[tilespmem:s3+$0xFFFFFFD0] =	vst v58;
	v10 =	vcvt.s32.f32 v1;
	v63 =	vadd.s32 $0xB4C00008, v5;
	v62 =	vadd.f32 $-7.500000000e+00, v4  }
0x4b1: {  	s5 =	simm.s32 $0x100C0;
	s4 =	simm.s32 $0x180C0;
	s7 =	simm.s32 $0x100C0;
	v0 =	vmin.u32 v60, $0xF;
	[tilespmem:s9+$0x0] =	vst v8;
	v8 =	vadd.f32 $-5.000000000e-01, v61;
	vm15 =	vgt.s32 v63, $0x0  }
0x4b2: {  	s6 =	simm.s32 $0x80;
	s8 =	simm.s32 $0x180C0;
	s9 =	simm.s32 $0x8140;
	v4 =	vadd.f32 $1.258291200e+07, v9;
	v5 =	vadd.f32 $-7.500000000e+00, v10;
	v9 =	vnsel vm15, $0x0, v63;
	[tilespmem:s7+$0x20] =	vst v62  }
.LBB2_24:
0x4b3: {  	v10 =	vld [tilespmem:s9+$0xFFFFFFC0];
	s6 =	sadd.s32 $0x80, s6;
	v7 =	vmin.u32 v7, $0xF;
	s7 =	sadd.s32 $0x80, s7;
	s8 =	sadd.s32 $0x80, s8;
	[tilespmem:s3+$0x0] =	vst v2  }
0x4b4: {  	v9 =	vmin.u32 v9, $0xF;
	s3 =	smov.u32 s4;
	v2 =	vld [tilespmem:s9+$0x30];
	p0 =	slt.u32 s6, $0x3F80;
	v8 =	vadd.f32 $1.258291200e+07, v8;
	v11 =	vcvt.s32.f32 v7;
	[tilespmem:s4+$0x20] =	vst v3;
	s4 =	smov.u32 s8  }
0x4b5: {  	v12 =	vcvt.s32.f32 v0;
	v6 =	vadd.s32 $0xB4C00008, v6;
	v13 =	vcvt.s32.f32 v9;
	v3 =	vld [tilespmem:s9+$0x20];
	[tilespmem:s5+$0x30] =	vst v5  }
0x4b6: {  	v4 =	vadd.s32 $0xB4C00008, v4;
	vm0 =	vgt.s32 v6, $0x0;
	v5 =	vld [tilespmem:s9+$0x0];
	v8 =	vadd.s32 $0xB4C00008, v8;
	[tilespmem:s3+$0x30] =	vst v1  }
0x4b7: {  	v6 =	vnsel vm0, $0x0, v6;
	v13 =	vadd.f32 $-7.500000000e+00, v13;
	v1 =	vld [tilespmem:s9+$0x10];
	vm1 =	vgt.s32 v8, $0x0  }
0x4b8: {  	v6 =	vmin.u32 v6, $0xF;
	v10 =	vadd.f32 $-5.000000000e-01, v10;
	v14 =	vld [tilespmem:s9+$0xFFFFFFF0];
	v8 =	vnsel vm1, $0x0, v8  }
0x4b9: {  	v12 =	vadd.f32 $-7.500000000e+00, v12;
	vm0 =	vgt.s32 v4, $0x0;
	v11 =	vadd.f32 $-7.500000000e+00, v11;
	v15 =	vld [tilespmem:s9+$0xFFFFFFD0];
	[tilespmem:s5+$0xFFFFFFE0] =	vst v13  }
0x4ba: {  	v8 =	vmin.u32 v8, $0xF;
	v10 =	vadd.f32 $1.258291200e+07, v10;
	v13 =	vld [tilespmem:s9+$0xFFFFFFE0];
	[tilespmem:s3+$0xFFFFFFE0] =	vst v9;
	v9 =	vcvt.s32.f32 v6  }
0x4bb: {  	v4 =	vnsel vm0, $0x0, v4;
	v3 =	vadd.f32 $-5.000000000e-01, v3;
	v16 =	vadd.f32 $-5.000000000e-01, v5;
	[tilespmem:s5+$0x10] =	vst v11  }
0x4bc: {  	v2 =	vadd.f32 $-5.000000000e-01, v2;
	v5 =	vadd.s32 $0xB4C00008, v10;
	v1 =	vadd.f32 $-5.000000000e-01, v1;
	[tilespmem:s3+$0x10] =	vst v7  }
0x4bd: {  	v3 =	vadd.f32 $1.258291200e+07, v3;
	vm0 =	vgt.s32 v5, $0x0;
	v10 =	vadd.f32 $-5.000000000e-01, v14;
	[tilespmem:s5+$0xFFFFFFC0] =	vst v12  }
0x4be: {  	v2 =	vadd.f32 $1.258291200e+07, v2;
	v7 =	vadd.f32 $-7.500000000e+00, v9;
	[tilespmem:s3+$0xFFFFFFC0] =	vst v0;
	v0 =	vcvt.s32.f32 v8  }
0x4bf: {  	v9 =	vnsel vm0, $0x0, v5;
	v3 =	vadd.s32 $0xB4C00008, v3;
	v5 =	vadd.f32 $-5.000000000e-01, v13  }
0x4c0: {  	v11 =	vadd.s32 $0xB4C00008, v2;
	v2 =	vmin.u32 v4, $0xF;
	vm0 =	vgt.s32 v3, $0x0;
	[tilespmem:s5+$0xFFFFFFF0] =	vst v7  }
0x4c1: {  	v4 =	vcvt.s32.f32 v2;
	v3 =	vnsel vm0, $0x0, v3;
	vm0 =	vgt.s32 v11, $0x0;
	[tilespmem:s3+$0xFFFFFFF0] =	vst v6  }
0x4c2: {  	v6 =	vadd.f32 $1.258291200e+07, v1;
	v3 =	vmin.u32 v3, $0xF;
	v1 =	vnsel vm0, $0x0, v11  }
0x4c3: {  	v0 =	vadd.f32 $-7.500000000e+00, v0;
	v7 =	vcvt.s32.f32 v3;
	v1 =	vmin.u32 v1, $0xF  }
.Ltmp11:
0x4c4: {  	v5 =	vadd.f32 $1.258291200e+07, v5;
	v6 =	vadd.s32 $0xB4C00008, v6;
	v11 =	vcvt.s32.f32 v1;
	(pc) =	sbr.rel @p0 .LBB2_24-.Ltmp11, $4  }
0x4c5: {  	vm0 =	vgt.s32 v6, $0x0;
	v12 =	vadd.f32 $-7.500000000e+00, v7;
	[tilespmem:s5+$0xFFFFFFD0] =	vst v0;
	v0 =	vadd.f32 $-7.500000000e+00, v4  }
0x4c6: {  	v13 =	vadd.s32 $0xB4C00008, v5;
	v7 =	vnsel vm0, $0x0, v6;
	v5 =	vadd.f32 $-7.500000000e+00, v11;
	[tilespmem:s3+$0xFFFFFFD0] =	vst v8  }
0x4c7: {  	vm0 =	vgt.s32 v13, $0x0;
	v6 =	vadd.f32 $1.258291200e+07, v10;
	v4 =	vadd.f32 $1.258291200e+07, v16;
	[tilespmem:s5+$0x0] =	vst v0;
	s5 =	smov.u32 s7  }
0x4c8: {  	s9 =	sadd.s32 $0x80, s9;
	v8 =	vadd.f32 $-5.000000000e-01, v15;
	v0 =	vmin.u32 v9, $0xF;
	v9 =	vnsel vm0, $0x0, v13;
	[tilespmem:s7+$0x20] =	vst v12  }
0x4c9: {  	v9 =	vmin.u32 v9, $0xF;
	[tilespmem:s5+$0x30] =	vst v5;
	v5 =	vcvt.s32.f32 v0  }
0x4ca: {  	[tilespmem:s3+$0x0] =	vst v2;
	v7 =	vmin.u32 v7, $0xF;
	v2 =	vcvt.s32.f32 v9;
	v8 =	vadd.f32 $1.258291200e+07, v8  }
0x4cb: {  	[tilespmem:s4+$0x20] =	vst v3;
	v6 =	vadd.s32 $0xB4C00008, v6;
	v3 =	vcvt.s32.f32 v7;
	v5 =	vadd.f32 $-7.500000000e+00, v5  }
0x4cc: {  	vm0 =	vgt.s32 v6, $0x0;
	[tilespmem:s4+$0x30] =	vst v1;
	v2 =	vadd.f32 $-7.500000000e+00, v2;
	v1 =	vadd.s32 $0xB4C00008, v8  }
0x4cd: {  	v6 =	vnsel vm0, $0x0, v6;
	vm14 =	vgt.s32 v1, $0x0;
	[tilespmem:s5+$0xFFFFFFC0] =	vst v5  }
0x4ce: {  	[tilespmem:s5+$0xFFFFFFE0] =	vst v2;
	v2 =	vadd.f32 $-7.500000000e+00, v3;
	v3 =	vadd.s32 $0xB4C00008, v4;
	v4 =	vmin.u32 v6, $0xF  }
0x4cf: {  	v1 =	vnsel vm14, $0x0, v1;
	[tilespmem:s4+$0xFFFFFFC0] =	vst v0;
	v6 =	vcvt.s32.f32 v4  }
0x4d0: {  	[tilespmem:s4+$0xFFFFFFE0] =	vst v9;
	vm15 =	vgt.s32 v3, $0x0;
	v1 =	vmin.u32 v1, $0xF  }
0x4d1: {  	[tilespmem:s5+$0x10] =	vst v2;
	v2 =	vnsel vm15, $0x0, v3;
	v3 =	vcvt.s32.f32 v1;
	v5 =	vadd.f32 $-7.500000000e+00, v6  }
0x4d2: {  	[tilespmem:s4+$0x10] =	vst v7;
	v0 =	vmin.u32 v2, $0xF  }
0x4d3: {  	v2 =	vcvt.s32.f32 v0;
	v3 =	vadd.f32 $-7.500000000e+00, v3;
	[tilespmem:s5+$0xFFFFFFF0] =	vst v5  }
0x4d4: {  	[tilespmem:s4+$0xFFFFFFF0] =	vst v4  }
0x4d5: {  	[tilespmem:s5+$0xFFFFFFD0] =	vst v3;
	v2 =	vadd.f32 $-7.500000000e+00, v2  }
0x4d6: {  	[tilespmem:s4+$0xFFFFFFD0] =	vst v1  }
0x4d7: {  	[tilespmem:s5+$0x0] =	vst v2  }
0x4d8: {  	[tilespmem:s4+$0x0] =	vst v0  }
0x4d9: {  	s3 =	sld [smem:$0x7F7];
	_ =	sdelay $0x1  }
0x4da: {  	s6 =	sld [smem:$0x7F8]  }
0x4db: {  	[hbm4b:s3+s1] =	stream.linear.scatter [tilespmem:s28], [sflag:$0x5], $0x4000, $0x38;
	[tilespmem:$0x1C000] =	vst v63  }
0x4dc: {  	_ = 	snop  }
0x4dd: {  	[hbm4b:s6+s1] =	stream.linear.scatter [tilespmem:s29], [sflag:$0x5], $0x4000, $0x38;
	[tilespmem:$0x1C000] =	vst v63  }
0x4de: {  	_ = 	snop  }
0x4df: {  	[tilespmem:s22], [sflag:$0x3] =	stream.linear.gather [hbm4b:s12+s1], $0x4000, $0x38;
	[tilespmem:$0x1C000] =	vst v63  }
0x4e0: {  	_ =	swait.ge [sflag:s23], $0x4000  }
0x4e1: {  	[sflag:s23] =	ssyncset.done $0x0  }
0x4e2: {  	[sflag:s23] =	ssyncadd.s32 $0xFFFFC000  }
0x4e3: {  	_ =	swait.ge [sflag:s31], $0x4000  }
0x4e4: {  	[sflag:s31] =	ssyncset.done $0x0  }
0x4e5: {  	[sflag:s31] =	ssyncadd.s32 $0xFFFFC000  }
0x4e6: {  	_ =	swait.ge [sflag:s31], $0x4000  }
0x4e7: {  	[sflag:s31] =	ssyncset.done $0x0  }
0x4e8: {  	s7 =	simm.s32 $0x40;
	[sflag:s31] =	ssyncadd.s32 $0xFFFFC000  }
0x4e9: {  	v0 =	vld [tilespmem:s7+$0xFFFFFFC0]  }
0x4ea: {  	v1 =	vld [tilespmem:s7+$0x20]  }
0x4eb: {  	v2 =	vld [tilespmem:s7+$0x30]  }
0x4ec: {  	v3 =	vld [tilespmem:s7+$0x0]  }
0x4ed: {  	v4 =	vld [tilespmem:s7+$0x10]  }
0x4ee: {  	v5 =	vld [tilespmem:s7+$0xFFFFFFF0]  }
0x4ef: {  	v6 =	vld [tilespmem:s7+$0xFFFFFFE0]  }
0x4f0: {  	s8 =	simm.s32 $0xC0;
	v7 =	vld [tilespmem:s7+$0xFFFFFFD0]  }
0x4f1: {  	v10 =	vld [tilespmem:s8+$0xFFFFFFC0]  }
0x4f2: {  	v13 =	vld [tilespmem:s8+$0x20]  }
0x4f3: {  	v17 =	vld [tilespmem:s8+$0x10];
	v0 =	vadd.f32 $-5.000000000e-01, v0  }
0x4f4: {  	v1 =	vadd.f32 $-5.000000000e-01, v1;
	v2 =	vadd.f32 $-5.000000000e-01, v2  }
0x4f5: {  	v3 =	vadd.f32 $-5.000000000e-01, v3;
	v4 =	vadd.f32 $-5.000000000e-01, v4  }
0x4f6: {  	v5 =	vadd.f32 $-5.000000000e-01, v5;
	v6 =	vadd.f32 $-5.000000000e-01, v6  }
0x4f7: {  	v7 =	vadd.f32 $-5.000000000e-01, v7;
	v10 =	vadd.f32 $-5.000000000e-01, v10  }
0x4f8: {  	v13 =	vadd.f32 $-5.000000000e-01, v13;
	v59 =	vadd.f32 $-5.000000000e-01, v17  }
0x4f9: {  	v0 =	vadd.f32 $1.258291200e+07, v0;
	v1 =	vadd.f32 $1.258291200e+07, v1  }
0x4fa: {  	v2 =	vadd.f32 $1.258291200e+07, v2;
	v4 =	vadd.f32 $1.258291200e+07, v4  }
0x4fb: {  	v6 =	vadd.f32 $1.258291200e+07, v6;
	v5 =	vadd.f32 $1.258291200e+07, v5  }
0x4fc: {  	v3 =	vadd.f32 $1.258291200e+07, v3;
	v7 =	vadd.f32 $1.258291200e+07, v7;
	v0 =	vadd.s32 $0xB4C00008, v0  }
0x4fd: {  	v1 =	vadd.s32 $0xB4C00008, v1;
	v2 =	vadd.s32 $0xB4C00008, v2;
	v4 =	vadd.s32 $0xB4C00008, v4  }
0x4fe: {  	v6 =	vadd.s32 $0xB4C00008, v6;
	v5 =	vadd.s32 $0xB4C00008, v5;
	v7 =	vadd.s32 $0xB4C00008, v7  }
0x4ff: {  	vm4 =	vgt.s32 v0, $0x0;
	vm1 =	vgt.s32 v1, $0x0;
	vm5 =	vgt.s32 v2, $0x0  }
0x500: {  	vm6 =	vgt.s32 v4, $0x0;
	vm7 =	vgt.s32 v6, $0x0;
	v1 =	vnsel vm1, $0x0, v1  }
0x501: {  	vm8 =	vgt.s32 v5, $0x0;
	v2 =	vnsel vm5, $0x0, v2;
	v1 =	vmin.u32 v1, $0xF  }
0x502: {  	v6 =	vnsel vm7, $0x0, v6;
	v2 =	vmin.u32 v2, $0xF;
	v8 =	vcvt.s32.f32 v1  }
0x503: {  	v4 =	vnsel vm6, $0x0, v4;
	v6 =	vmin.u32 v6, $0xF;
	v9 =	vcvt.s32.f32 v2  }
0x504: {  	v4 =	vmin.u32 v4, $0xF;
	v15 =	vcvt.s32.f32 v6;
	v8 =	vadd.f32 $-7.500000000e+00, v8  }
0x505: {  	s9 =	simm.s32 $0xC040;
	vm9 =	vgt.s32 v7, $0x0;
	v12 =	vcvt.s32.f32 v4;
	v9 =	vadd.f32 $-7.500000000e+00, v9  }
0x506: {  	v11 =	vld [tilespmem:s8+$0x30];
	v0 =	vnsel vm4, $0x0, v0;
	v5 =	vnsel vm8, $0x0, v5;
	v15 =	vadd.f32 $-7.500000000e+00, v15;
	[tilespmem:s9+$0x20] =	vst v8  }
0x507: {  	v16 =	vld [tilespmem:s8+$0x0];
	v7 =	vnsel vm9, $0x0, v7;
	v5 =	vmin.u32 v5, $0xF;
	v12 =	vadd.f32 $-7.500000000e+00, v12;
	[tilespmem:s9+$0x30] =	vst v9  }
0x508: {  	v18 =	vld [tilespmem:s8+$0xFFFFFFF0];
	v0 =	vmin.u32 v0, $0xF;
	v58 =	vmin.u32 v7, $0xF;
	v7 =	vcvt.s32.f32 v5;
	[tilespmem:s9+$0xFFFFFFE0] =	vst v15  }
0x509: {  	s3 =	simm.s32 $0x14040;
	v13 =	vadd.f32 $1.258291200e+07, v13;
	v3 =	vadd.s32 $0xB4C00008, v3;
	v14 =	vcvt.s32.f32 v0;
	[tilespmem:s9+$0x10] =	vst v12  }
0x50a: {  	vm10 =	vgt.s32 v3, $0x0;
	v7 =	vadd.f32 $-7.500000000e+00, v7;
	[tilespmem:s3+$0x20] =	vst v1;
	v1 =	vadd.f32 $1.258291200e+07, v10  }
0x50b: {  	v3 =	vnsel vm10, $0x0, v3;
	v8 =	vadd.f32 $-7.500000000e+00, v14;
	[tilespmem:s3+$0x30] =	vst v2;
	v2 =	vadd.f32 $-5.000000000e-01, v11  }
0x50c: {  	v9 =	vadd.f32 $-5.000000000e-01, v16;
	v10 =	vld [tilespmem:s8+$0xFFFFFFE0];
	[tilespmem:s3+$0xFFFFFFE0] =	vst v6;
	v6 =	vcvt.s32.f32 v58;
	v1 =	vadd.s32 $0xB4C00008, v1  }
0x50d: {  	v11 =	vadd.f32 $-5.000000000e-01, v18;
	[tilespmem:s9+$0xFFFFFFC0] =	vst v8;
	v2 =	vadd.f32 $1.258291200e+07, v2;
	vm11 =	vgt.s32 v1, $0x0  }
0x50e: {  	[tilespmem:s3+$0xFFFFFFC0] =	vst v0;
	v0 =	vadd.f32 $1.258291200e+07, v59;
	v6 =	vadd.f32 $-7.500000000e+00, v6;
	v60 =	vnsel vm11, $0x0, v1  }
0x50f: {  	[tilespmem:s3+$0x10] =	vst v4;
	v1 =	vadd.s32 $0xB4C00008, v13;
	v4 =	vadd.s32 $0xB4C00008, v2;
	v2 =	vmin.u32 v3, $0xF  }
0x510: {  	v0 =	vadd.s32 $0xB4C00008, v0;
	[tilespmem:s9+$0xFFFFFFD0] =	vst v6;
	v6 =	vadd.f32 $1.258291200e+07, v11;
	vm12 =	vgt.s32 v1, $0x0  }
0x511: {  	v61 =	vld [tilespmem:s8+$0xFFFFFFD0];
	v10 =	vadd.f32 $-5.000000000e-01, v10;
	vm13 =	vgt.s32 v4, $0x0;
	v1 =	vnsel vm12, $0x0, v1  }
0x512: {  	[tilespmem:s9+$0xFFFFFFF0] =	vst v7;
	v8 =	vcvt.s32.f32 v2;
	vm14 =	vgt.s32 v0, $0x0;
	v3 =	vmin.u32 v1, $0xF  }
0x513: {  	[tilespmem:s3+$0xFFFFFFF0] =	vst v5;
	v1 =	vnsel vm13, $0x0, v4;
	v5 =	vadd.f32 $1.258291200e+07, v10;
	v4 =	vcvt.s32.f32 v3  }
0x514: {  	v7 =	vnsel vm14, $0x0, v0;
	v8 =	vadd.f32 $-7.500000000e+00, v8;
	v1 =	vmin.u32 v1, $0xF  }
0x515: {  	[tilespmem:s3+$0xFFFFFFD0] =	vst v58;
	v10 =	vcvt.s32.f32 v1;
	v63 =	vadd.s32 $0xB4C00008, v5;
	v62 =	vadd.f32 $-7.500000000e+00, v4  }
0x516: {  	s5 =	simm.s32 $0xC0C0;
	s4 =	simm.s32 $0x140C0;
	s7 =	simm.s32 $0xC0C0;
	v0 =	vmin.u32 v60, $0xF;
	[tilespmem:s9+$0x0] =	vst v8;
	v8 =	vadd.f32 $-5.000000000e-01, v61;
	vm15 =	vgt.s32 v63, $0x0  }
0x517: {  	s6 =	simm.s32 $0x80;
	s8 =	simm.s32 $0x140C0;
	s9 =	simm.s32 $0x140;
	v4 =	vadd.f32 $1.258291200e+07, v9;
	v5 =	vadd.f32 $-7.500000000e+00, v10;
	v9 =	vnsel vm15, $0x0, v63;
	[tilespmem:s7+$0x20] =	vst v62  }
.LBB2_26:
0x518: {  	v10 =	vld [tilespmem:s9+$0xFFFFFFC0];
	s6 =	sadd.s32 $0x80, s6;
	v7 =	vmin.u32 v7, $0xF;
	s7 =	sadd.s32 $0x80, s7;
	s8 =	sadd.s32 $0x80, s8;
	[tilespmem:s3+$0x0] =	vst v2  }
0x519: {  	v9 =	vmin.u32 v9, $0xF;
	s3 =	smov.u32 s4;
	v2 =	vld [tilespmem:s9+$0x30];
	p0 =	slt.u32 s6, $0x3F80;
	v8 =	vadd.f32 $1.258291200e+07, v8;
	v11 =	vcvt.s32.f32 v7;
	[tilespmem:s4+$0x20] =	vst v3;
	s4 =	smov.u32 s8  }
0x51a: {  	v12 =	vcvt.s32.f32 v0;
	v6 =	vadd.s32 $0xB4C00008, v6;
	v13 =	vcvt.s32.f32 v9;
	v3 =	vld [tilespmem:s9+$0x20];
	[tilespmem:s5+$0x30] =	vst v5  }
0x51b: {  	v4 =	vadd.s32 $0xB4C00008, v4;
	vm0 =	vgt.s32 v6, $0x0;
	v5 =	vld [tilespmem:s9+$0x0];
	v8 =	vadd.s32 $0xB4C00008, v8;
	[tilespmem:s3+$0x30] =	vst v1  }
0x51c: {  	v6 =	vnsel vm0, $0x0, v6;
	v13 =	vadd.f32 $-7.500000000e+00, v13;
	v1 =	vld [tilespmem:s9+$0x10];
	vm1 =	vgt.s32 v8, $0x0  }
0x51d: {  	v6 =	vmin.u32 v6, $0xF;
	v10 =	vadd.f32 $-5.000000000e-01, v10;
	v14 =	vld [tilespmem:s9+$0xFFFFFFF0];
	v8 =	vnsel vm1, $0x0, v8  }
0x51e: {  	v12 =	vadd.f32 $-7.500000000e+00, v12;
	vm0 =	vgt.s32 v4, $0x0;
	v11 =	vadd.f32 $-7.500000000e+00, v11;
	v15 =	vld [tilespmem:s9+$0xFFFFFFD0];
	[tilespmem:s5+$0xFFFFFFE0] =	vst v13  }
0x51f: {  	v8 =	vmin.u32 v8, $0xF;
	v10 =	vadd.f32 $1.258291200e+07, v10;
	v13 =	vld [tilespmem:s9+$0xFFFFFFE0];
	[tilespmem:s3+$0xFFFFFFE0] =	vst v9;
	v9 =	vcvt.s32.f32 v6  }
0x520: {  	v4 =	vnsel vm0, $0x0, v4;
	v3 =	vadd.f32 $-5.000000000e-01, v3;
	v16 =	vadd.f32 $-5.000000000e-01, v5;
	[tilespmem:s5+$0x10] =	vst v11  }
0x521: {  	v2 =	vadd.f32 $-5.000000000e-01, v2;
	v5 =	vadd.s32 $0xB4C00008, v10;
	v1 =	vadd.f32 $-5.000000000e-01, v1;
	[tilespmem:s3+$0x10] =	vst v7  }
0x522: {  	v3 =	vadd.f32 $1.258291200e+07, v3;
	vm0 =	vgt.s32 v5, $0x0;
	v10 =	vadd.f32 $-5.000000000e-01, v14;
	[tilespmem:s5+$0xFFFFFFC0] =	vst v12  }
0x523: {  	v2 =	vadd.f32 $1.258291200e+07, v2;
	v7 =	vadd.f32 $-7.500000000e+00, v9;
	[tilespmem:s3+$0xFFFFFFC0] =	vst v0;
	v0 =	vcvt.s32.f32 v8  }
0x524: {  	v9 =	vnsel vm0, $0x0, v5;
	v3 =	vadd.s32 $0xB4C00008, v3;
	v5 =	vadd.f32 $-5.000000000e-01, v13  }
0x525: {  	v11 =	vadd.s32 $0xB4C00008, v2;
	v2 =	vmin.u32 v4, $0xF;
	vm0 =	vgt.s32 v3, $0x0;
	[tilespmem:s5+$0xFFFFFFF0] =	vst v7  }
0x526: {  	v4 =	vcvt.s32.f32 v2;
	v3 =	vnsel vm0, $0x0, v3;
	vm0 =	vgt.s32 v11, $0x0;
	[tilespmem:s3+$0xFFFFFFF0] =	vst v6  }
0x527: {  	v6 =	vadd.f32 $1.258291200e+07, v1;
	v3 =	vmin.u32 v3, $0xF;
	v1 =	vnsel vm0, $0x0, v11  }
0x528: {  	v0 =	vadd.f32 $-7.500000000e+00, v0;
	v7 =	vcvt.s32.f32 v3;
	v1 =	vmin.u32 v1, $0xF  }
.Ltmp12:
0x529: {  	v5 =	vadd.f32 $1.258291200e+07, v5;
	v6 =	vadd.s32 $0xB4C00008, v6;
	v11 =	vcvt.s32.f32 v1;
	(pc) =	sbr.rel @p0 .LBB2_26-.Ltmp12, $4  }
0x52a: {  	vm0 =	vgt.s32 v6, $0x0;
	v12 =	vadd.f32 $-7.500000000e+00, v7;
	[tilespmem:s5+$0xFFFFFFD0] =	vst v0;
	v0 =	vadd.f32 $-7.500000000e+00, v4  }
0x52b: {  	v13 =	vadd.s32 $0xB4C00008, v5;
	v7 =	vnsel vm0, $0x0, v6;
	v5 =	vadd.f32 $-7.500000000e+00, v11;
	[tilespmem:s3+$0xFFFFFFD0] =	vst v8  }
0x52c: {  	vm0 =	vgt.s32 v13, $0x0;
	v6 =	vadd.f32 $1.258291200e+07, v10;
	v4 =	vadd.f32 $1.258291200e+07, v16;
	[tilespmem:s5+$0x0] =	vst v0;
	s5 =	smov.u32 s7  }
0x52d: {  	s9 =	sadd.s32 $0x80, s9;
	v8 =	vadd.f32 $-5.000000000e-01, v15;
	v0 =	vmin.u32 v9, $0xF;
	v9 =	vnsel vm0, $0x0, v13;
	[tilespmem:s7+$0x20] =	vst v12  }
0x52e: {  	v9 =	vmin.u32 v9, $0xF;
	[tilespmem:s5+$0x30] =	vst v5;
	v5 =	vcvt.s32.f32 v0  }
0x52f: {  	[tilespmem:s3+$0x0] =	vst v2;
	v7 =	vmin.u32 v7, $0xF;
	v2 =	vcvt.s32.f32 v9;
	v8 =	vadd.f32 $1.258291200e+07, v8  }
0x530: {  	[tilespmem:s4+$0x20] =	vst v3;
	v6 =	vadd.s32 $0xB4C00008, v6;
	v3 =	vcvt.s32.f32 v7;
	v5 =	vadd.f32 $-7.500000000e+00, v5  }
0x531: {  	vm0 =	vgt.s32 v6, $0x0;
	[tilespmem:s4+$0x30] =	vst v1;
	v2 =	vadd.f32 $-7.500000000e+00, v2;
	v1 =	vadd.s32 $0xB4C00008, v8  }
0x532: {  	v6 =	vnsel vm0, $0x0, v6;
	vm14 =	vgt.s32 v1, $0x0;
	[tilespmem:s5+$0xFFFFFFC0] =	vst v5  }
0x533: {  	[tilespmem:s5+$0xFFFFFFE0] =	vst v2;
	v2 =	vadd.f32 $-7.500000000e+00, v3;
	v3 =	vadd.s32 $0xB4C00008, v4;
	v4 =	vmin.u32 v6, $0xF  }
0x534: {  	v1 =	vnsel vm14, $0x0, v1;
	[tilespmem:s4+$0xFFFFFFC0] =	vst v0;
	v6 =	vcvt.s32.f32 v4  }
0x535: {  	[tilespmem:s4+$0xFFFFFFE0] =	vst v9;
	vm15 =	vgt.s32 v3, $0x0;
	v1 =	vmin.u32 v1, $0xF  }
0x536: {  	[tilespmem:s5+$0x10] =	vst v2;
	v2 =	vnsel vm15, $0x0, v3;
	v3 =	vcvt.s32.f32 v1;
	v5 =	vadd.f32 $-7.500000000e+00, v6  }
0x537: {  	[tilespmem:s4+$0x10] =	vst v7;
	v0 =	vmin.u32 v2, $0xF  }
0x538: {  	v2 =	vcvt.s32.f32 v0;
	v3 =	vadd.f32 $-7.500000000e+00, v3;
	[tilespmem:s5+$0xFFFFFFF0] =	vst v5  }
0x539: {  	[tilespmem:s4+$0xFFFFFFF0] =	vst v4  }
0x53a: {  	[tilespmem:s5+$0xFFFFFFD0] =	vst v3;
	v2 =	vadd.f32 $-7.500000000e+00, v2  }
0x53b: {  	[tilespmem:s4+$0xFFFFFFD0] =	vst v1  }
0x53c: {  	[tilespmem:s5+$0x0] =	vst v2  }
0x53d: {  	[tilespmem:s4+$0x0] =	vst v0  }
0x53e: {  	s3 =	sld [smem:$0x7FA];
	_ =	sdelay $0x1  }
0x53f: {  	s6 =	sld [smem:$0x7FB]  }
0x540: {  	[hbm4b:s3+s1] =	stream.linear.scatter [tilespmem:s24], [sflag:$0x4], $0x4000, $0x38;
	[tilespmem:$0x1C000] =	vst v63  }
0x541: {  	_ = 	snop  }
0x542: {  	[hbm4b:s6+s1] =	stream.linear.scatter [tilespmem:s25], [sflag:$0x4], $0x4000, $0x38;
	[tilespmem:$0x1C000] =	vst v63  }
0x543: {  	_ = 	snop  }
0x544: {  	[tilespmem:s1], [sflag:$0x1] =	stream.linear.gather [hbm4b:s13+s1], $0x4000, $0x38;
	[tilespmem:$0x1C000] =	vst v63  }
0x545: {  	_ =	swait.ge [sflag:s26], $0x4000  }
0x546: {  	[sflag:s26] =	ssyncset.done $0x0  }
0x547: {  	[sflag:s26] =	ssyncadd.s32 $0xFFFFC000  }
0x548: {  	_ =	swait.ge [sflag:s0], $0x4000  }
0x549: {  	[sflag:s0] =	ssyncset.done $0x0  }
0x54a: {  	[sflag:s0] =	ssyncadd.s32 $0xFFFFC000  }
0x54b: {  	_ =	swait.ge [sflag:s0], $0x4000  }
0x54c: {  	[sflag:s0] =	ssyncset.done $0x0  }
0x54d: {  	s7 =	simm.s32 $0x4040;
	[sflag:s0] =	ssyncadd.s32 $0xFFFFC000  }
0x54e: {  	v0 =	vld [tilespmem:s7+$0xFFFFFFC0]  }
0x54f: {  	v1 =	vld [tilespmem:s7+$0x20]  }
0x550: {  	v2 =	vld [tilespmem:s7+$0x30]  }
0x551: {  	v3 =	vld [tilespmem:s7+$0x0]  }
0x552: {  	v4 =	vld [tilespmem:s7+$0x10]  }
0x553: {  	v5 =	vld [tilespmem:s7+$0xFFFFFFF0]  }
0x554: {  	v6 =	vld [tilespmem:s7+$0xFFFFFFE0]  }
0x555: {  	s8 =	simm.s32 $0x40C0;
	v7 =	vld [tilespmem:s7+$0xFFFFFFD0]  }
0x556: {  	v10 =	vld [tilespmem:s8+$0xFFFFFFC0]  }
0x557: {  	v13 =	vld [tilespmem:s8+$0x20]  }
0x558: {  	v17 =	vld [tilespmem:s8+$0x10];
	v0 =	vadd.f32 $-5.000000000e-01, v0  }
0x559: {  	v1 =	vadd.f32 $-5.000000000e-01, v1;
	v2 =	vadd.f32 $-5.000000000e-01, v2  }
0x55a: {  	v3 =	vadd.f32 $-5.000000000e-01, v3;
	v4 =	vadd.f32 $-5.000000000e-01, v4  }
0x55b: {  	v5 =	vadd.f32 $-5.000000000e-01, v5;
	v6 =	vadd.f32 $-5.000000000e-01, v6  }
0x55c: {  	v7 =	vadd.f32 $-5.000000000e-01, v7;
	v10 =	vadd.f32 $-5.000000000e-01, v10  }
0x55d: {  	v13 =	vadd.f32 $-5.000000000e-01, v13;
	v59 =	vadd.f32 $-5.000000000e-01, v17  }
0x55e: {  	v0 =	vadd.f32 $1.258291200e+07, v0;
	v1 =	vadd.f32 $1.258291200e+07, v1  }
0x55f: {  	v2 =	vadd.f32 $1.258291200e+07, v2;
	v4 =	vadd.f32 $1.258291200e+07, v4  }
0x560: {  	v6 =	vadd.f32 $1.258291200e+07, v6;
	v5 =	vadd.f32 $1.258291200e+07, v5  }
0x561: {  	v3 =	vadd.f32 $1.258291200e+07, v3;
	v7 =	vadd.f32 $1.258291200e+07, v7;
	v0 =	vadd.s32 $0xB4C00008, v0  }
0x562: {  	v1 =	vadd.s32 $0xB4C00008, v1;
	v2 =	vadd.s32 $0xB4C00008, v2;
	v4 =	vadd.s32 $0xB4C00008, v4  }
0x563: {  	v6 =	vadd.s32 $0xB4C00008, v6;
	v5 =	vadd.s32 $0xB4C00008, v5;
	v7 =	vadd.s32 $0xB4C00008, v7  }
0x564: {  	vm4 =	vgt.s32 v0, $0x0;
	vm1 =	vgt.s32 v1, $0x0;
	vm5 =	vgt.s32 v2, $0x0  }
0x565: {  	vm6 =	vgt.s32 v4, $0x0;
	vm7 =	vgt.s32 v6, $0x0;
	v1 =	vnsel vm1, $0x0, v1  }
0x566: {  	vm8 =	vgt.s32 v5, $0x0;
	v2 =	vnsel vm5, $0x0, v2;
	v1 =	vmin.u32 v1, $0xF  }
0x567: {  	v6 =	vnsel vm7, $0x0, v6;
	v2 =	vmin.u32 v2, $0xF;
	v8 =	vcvt.s32.f32 v1  }
0x568: {  	v4 =	vnsel vm6, $0x0, v4;
	v6 =	vmin.u32 v6, $0xF;
	v9 =	vcvt.s32.f32 v2  }
0x569: {  	v4 =	vmin.u32 v4, $0xF;
	v15 =	vcvt.s32.f32 v6;
	v8 =	vadd.f32 $-7.500000000e+00, v8  }
0x56a: {  	s9 =	simm.s32 $0x10040;
	vm9 =	vgt.s32 v7, $0x0;
	v12 =	vcvt.s32.f32 v4;
	v9 =	vadd.f32 $-7.500000000e+00, v9  }
0x56b: {  	v11 =	vld [tilespmem:s8+$0x30];
	v0 =	vnsel vm4, $0x0, v0;
	v5 =	vnsel vm8, $0x0, v5;
	v15 =	vadd.f32 $-7.500000000e+00, v15;
	[tilespmem:s9+$0x20] =	vst v8  }
0x56c: {  	v16 =	vld [tilespmem:s8+$0x0];
	v7 =	vnsel vm9, $0x0, v7;
	v5 =	vmin.u32 v5, $0xF;
	v12 =	vadd.f32 $-7.500000000e+00, v12;
	[tilespmem:s9+$0x30] =	vst v9  }
0x56d: {  	v18 =	vld [tilespmem:s8+$0xFFFFFFF0];
	v0 =	vmin.u32 v0, $0xF;
	v58 =	vmin.u32 v7, $0xF;
	v7 =	vcvt.s32.f32 v5;
	[tilespmem:s9+$0xFFFFFFE0] =	vst v15  }
0x56e: {  	s3 =	simm.s32 $0x18040;
	v13 =	vadd.f32 $1.258291200e+07, v13;
	v3 =	vadd.s32 $0xB4C00008, v3;
	v14 =	vcvt.s32.f32 v0;
	[tilespmem:s9+$0x10] =	vst v12  }
0x56f: {  	vm10 =	vgt.s32 v3, $0x0;
	v7 =	vadd.f32 $-7.500000000e+00, v7;
	[tilespmem:s3+$0x20] =	vst v1;
	v1 =	vadd.f32 $1.258291200e+07, v10  }
0x570: {  	v3 =	vnsel vm10, $0x0, v3;
	v8 =	vadd.f32 $-7.500000000e+00, v14;
	[tilespmem:s3+$0x30] =	vst v2;
	v2 =	vadd.f32 $-5.000000000e-01, v11  }
0x571: {  	v9 =	vadd.f32 $-5.000000000e-01, v16;
	v10 =	vld [tilespmem:s8+$0xFFFFFFE0];
	[tilespmem:s3+$0xFFFFFFE0] =	vst v6;
	v6 =	vcvt.s32.f32 v58;
	v1 =	vadd.s32 $0xB4C00008, v1  }
0x572: {  	v11 =	vadd.f32 $-5.000000000e-01, v18;
	[tilespmem:s9+$0xFFFFFFC0] =	vst v8;
	v2 =	vadd.f32 $1.258291200e+07, v2;
	vm11 =	vgt.s32 v1, $0x0  }
0x573: {  	[tilespmem:s3+$0xFFFFFFC0] =	vst v0;
	v0 =	vadd.f32 $1.258291200e+07, v59;
	v6 =	vadd.f32 $-7.500000000e+00, v6;
	v60 =	vnsel vm11, $0x0, v1  }
0x574: {  	[tilespmem:s3+$0x10] =	vst v4;
	v1 =	vadd.s32 $0xB4C00008, v13;
	v4 =	vadd.s32 $0xB4C00008, v2;
	v2 =	vmin.u32 v3, $0xF  }
0x575: {  	v0 =	vadd.s32 $0xB4C00008, v0;
	[tilespmem:s9+$0xFFFFFFD0] =	vst v6;
	v6 =	vadd.f32 $1.258291200e+07, v11;
	vm12 =	vgt.s32 v1, $0x0  }
0x576: {  	v61 =	vld [tilespmem:s8+$0xFFFFFFD0];
	v10 =	vadd.f32 $-5.000000000e-01, v10;
	vm13 =	vgt.s32 v4, $0x0;
	v1 =	vnsel vm12, $0x0, v1  }
0x577: {  	[tilespmem:s9+$0xFFFFFFF0] =	vst v7;
	v8 =	vcvt.s32.f32 v2;
	vm14 =	vgt.s32 v0, $0x0;
	v3 =	vmin.u32 v1, $0xF  }
0x578: {  	[tilespmem:s3+$0xFFFFFFF0] =	vst v5;
	v1 =	vnsel vm13, $0x0, v4;
	v5 =	vadd.f32 $1.258291200e+07, v10;
	v4 =	vcvt.s32.f32 v3  }
0x579: {  	v7 =	vnsel vm14, $0x0, v0;
	v8 =	vadd.f32 $-7.500000000e+00, v8;
	v1 =	vmin.u32 v1, $0xF  }
0x57a: {  	[tilespmem:s3+$0xFFFFFFD0] =	vst v58;
	v10 =	vcvt.s32.f32 v1;
	v63 =	vadd.s32 $0xB4C00008, v5;
	v62 =	vadd.f32 $-7.500000000e+00, v4  }
0x57b: {  	s5 =	simm.s32 $0x100C0;
	s4 =	simm.s32 $0x180C0;
	s7 =	simm.s32 $0x100C0;
	v0 =	vmin.u32 v60, $0xF;
	[tilespmem:s9+$0x0] =	vst v8;
	v8 =	vadd.f32 $-5.000000000e-01, v61;
	vm15 =	vgt.s32 v63, $0x0  }
0x57c: {  	s6 =	simm.s32 $0x80;
	s8 =	simm.s32 $0x180C0;
	s9 =	simm.s32 $0x4140;
	v4 =	vadd.f32 $1.258291200e+07, v9;
	v5 =	vadd.f32 $-7.500000000e+00, v10;
	v9 =	vnsel vm15, $0x0, v63;
	[tilespmem:s7+$0x20] =	vst v62  }
.LBB2_28:
0x57d: {  	v10 =	vld [tilespmem:s9+$0xFFFFFFC0];
	s6 =	sadd.s32 $0x80, s6;
	v7 =	vmin.u32 v7, $0xF;
	s7 =	sadd.s32 $0x80, s7;
	s8 =	sadd.s32 $0x80, s8;
	[tilespmem:s3+$0x0] =	vst v2  }
0x57e: {  	v9 =	vmin.u32 v9, $0xF;
	s3 =	smov.u32 s4;
	v2 =	vld [tilespmem:s9+$0x30];
	p0 =	slt.u32 s6, $0x3F80;
	v8 =	vadd.f32 $1.258291200e+07, v8;
	v11 =	vcvt.s32.f32 v7;
	[tilespmem:s4+$0x20] =	vst v3;
	s4 =	smov.u32 s8  }
0x57f: {  	v12 =	vcvt.s32.f32 v0;
	v6 =	vadd.s32 $0xB4C00008, v6;
	v13 =	vcvt.s32.f32 v9;
	v3 =	vld [tilespmem:s9+$0x20];
	[tilespmem:s5+$0x30] =	vst v5  }
0x580: {  	v4 =	vadd.s32 $0xB4C00008, v4;
	vm0 =	vgt.s32 v6, $0x0;
	v5 =	vld [tilespmem:s9+$0x0];
	v8 =	vadd.s32 $0xB4C00008, v8;
	[tilespmem:s3+$0x30] =	vst v1  }
0x581: {  	v6 =	vnsel vm0, $0x0, v6;
	v13 =	vadd.f32 $-7.500000000e+00, v13;
	v1 =	vld [tilespmem:s9+$0x10];
	vm1 =	vgt.s32 v8, $0x0  }
0x582: {  	v6 =	vmin.u32 v6, $0xF;
	v10 =	vadd.f32 $-5.000000000e-01, v10;
	v14 =	vld [tilespmem:s9+$0xFFFFFFF0];
	v8 =	vnsel vm1, $0x0, v8  }
0x583: {  	v12 =	vadd.f32 $-7.500000000e+00, v12;
	vm0 =	vgt.s32 v4, $0x0;
	v11 =	vadd.f32 $-7.500000000e+00, v11;
	v15 =	vld [tilespmem:s9+$0xFFFFFFD0];
	[tilespmem:s5+$0xFFFFFFE0] =	vst v13  }
0x584: {  	v8 =	vmin.u32 v8, $0xF;
	v10 =	vadd.f32 $1.258291200e+07, v10;
	v13 =	vld [tilespmem:s9+$0xFFFFFFE0];
	[tilespmem:s3+$0xFFFFFFE0] =	vst v9;
	v9 =	vcvt.s32.f32 v6  }
0x585: {  	v4 =	vnsel vm0, $0x0, v4;
	v3 =	vadd.f32 $-5.000000000e-01, v3;
	v16 =	vadd.f32 $-5.000000000e-01, v5;
	[tilespmem:s5+$0x10] =	vst v11  }
0x586: {  	v2 =	vadd.f32 $-5.000000000e-01, v2;
	v5 =	vadd.s32 $0xB4C00008, v10;
	v1 =	vadd.f32 $-5.000000000e-01, v1;
	[tilespmem:s3+$0x10] =	vst v7  }
0x587: {  	v3 =	vadd.f32 $1.258291200e+07, v3;
	vm0 =	vgt.s32 v5, $0x0;
	v10 =	vadd.f32 $-5.000000000e-01, v14;
	[tilespmem:s5+$0xFFFFFFC0] =	vst v12  }
0x588: {  	v2 =	vadd.f32 $1.258291200e+07, v2;
	v7 =	vadd.f32 $-7.500000000e+00, v9;
	[tilespmem:s3+$0xFFFFFFC0] =	vst v0;
	v0 =	vcvt.s32.f32 v8  }
0x589: {  	v9 =	vnsel vm0, $0x0, v5;
	v3 =	vadd.s32 $0xB4C00008, v3;
	v5 =	vadd.f32 $-5.000000000e-01, v13  }
0x58a: {  	v11 =	vadd.s32 $0xB4C00008, v2;
	v2 =	vmin.u32 v4, $0xF;
	vm0 =	vgt.s32 v3, $0x0;
	[tilespmem:s5+$0xFFFFFFF0] =	vst v7  }
0x58b: {  	v4 =	vcvt.s32.f32 v2;
	v3 =	vnsel vm0, $0x0, v3;
	vm0 =	vgt.s32 v11, $0x0;
	[tilespmem:s3+$0xFFFFFFF0] =	vst v6  }
0x58c: {  	v6 =	vadd.f32 $1.258291200e+07, v1;
	v3 =	vmin.u32 v3, $0xF;
	v1 =	vnsel vm0, $0x0, v11  }
0x58d: {  	v0 =	vadd.f32 $-7.500000000e+00, v0;
	v7 =	vcvt.s32.f32 v3;
	v1 =	vmin.u32 v1, $0xF  }
.Ltmp13:
0x58e: {  	v5 =	vadd.f32 $1.258291200e+07, v5;
	v6 =	vadd.s32 $0xB4C00008, v6;
	v11 =	vcvt.s32.f32 v1;
	(pc) =	sbr.rel @p0 .LBB2_28-.Ltmp13, $4  }
0x58f: {  	vm0 =	vgt.s32 v6, $0x0;
	v12 =	vadd.f32 $-7.500000000e+00, v7;
	[tilespmem:s5+$0xFFFFFFD0] =	vst v0;
	v0 =	vadd.f32 $-7.500000000e+00, v4  }
0x590: {  	v13 =	vadd.s32 $0xB4C00008, v5;
	v7 =	vnsel vm0, $0x0, v6;
	v5 =	vadd.f32 $-7.500000000e+00, v11;
	[tilespmem:s3+$0xFFFFFFD0] =	vst v8  }
0x591: {  	vm0 =	vgt.s32 v13, $0x0;
	v6 =	vadd.f32 $1.258291200e+07, v10;
	v4 =	vadd.f32 $1.258291200e+07, v16;
	[tilespmem:s5+$0x0] =	vst v0;
	s5 =	smov.u32 s7  }
0x592: {  	s9 =	sadd.s32 $0x80, s9;
	v8 =	vadd.f32 $-5.000000000e-01, v15;
	v0 =	vmin.u32 v9, $0xF;
	v9 =	vnsel vm0, $0x0, v13;
	[tilespmem:s7+$0x20] =	vst v12  }
0x593: {  	v9 =	vmin.u32 v9, $0xF;
	[tilespmem:s5+$0x30] =	vst v5;
	v5 =	vcvt.s32.f32 v0  }
0x594: {  	[tilespmem:s3+$0x0] =	vst v2;
	v7 =	vmin.u32 v7, $0xF;
	v2 =	vcvt.s32.f32 v9;
	v8 =	vadd.f32 $1.258291200e+07, v8  }
0x595: {  	[tilespmem:s4+$0x20] =	vst v3;
	v6 =	vadd.s32 $0xB4C00008, v6;
	v3 =	vcvt.s32.f32 v7;
	v5 =	vadd.f32 $-7.500000000e+00, v5  }
0x596: {  	vm0 =	vgt.s32 v6, $0x0;
	[tilespmem:s4+$0x30] =	vst v1;
	v2 =	vadd.f32 $-7.500000000e+00, v2;
	v1 =	vadd.s32 $0xB4C00008, v8  }
0x597: {  	v6 =	vnsel vm0, $0x0, v6;
	vm14 =	vgt.s32 v1, $0x0;
	[tilespmem:s5+$0xFFFFFFC0] =	vst v5  }
0x598: {  	[tilespmem:s5+$0xFFFFFFE0] =	vst v2;
	v2 =	vadd.f32 $-7.500000000e+00, v3;
	v3 =	vadd.s32 $0xB4C00008, v4;
	v4 =	vmin.u32 v6, $0xF  }
0x599: {  	v1 =	vnsel vm14, $0x0, v1;
	[tilespmem:s4+$0xFFFFFFC0] =	vst v0;
	v6 =	vcvt.s32.f32 v4  }
0x59a: {  	[tilespmem:s4+$0xFFFFFFE0] =	vst v9;
	vm15 =	vgt.s32 v3, $0x0;
	v1 =	vmin.u32 v1, $0xF  }
0x59b: {  	[tilespmem:s5+$0x10] =	vst v2;
	v2 =	vnsel vm15, $0x0, v3;
	v3 =	vcvt.s32.f32 v1;
	v5 =	vadd.f32 $-7.500000000e+00, v6  }
0x59c: {  	[tilespmem:s4+$0x10] =	vst v7;
	v0 =	vmin.u32 v2, $0xF  }
0x59d: {  	v2 =	vcvt.s32.f32 v0;
	v3 =	vadd.f32 $-7.500000000e+00, v3;
	[tilespmem:s5+$0xFFFFFFF0] =	vst v5  }
0x59e: {  	[tilespmem:s4+$0xFFFFFFF0] =	vst v4  }
0x59f: {  	[tilespmem:s5+$0xFFFFFFD0] =	vst v3;
	v2 =	vadd.f32 $-7.500000000e+00, v2  }
0x5a0: {  	[tilespmem:s4+$0xFFFFFFD0] =	vst v1  }
0x5a1: {  	[tilespmem:s5+$0x0] =	vst v2  }
0x5a2: {  	[tilespmem:s4+$0x0] =	vst v0  }
0x5a3: {  	[hbm4b:s14+s1] =	stream.linear.scatter [tilespmem:s28], [sflag:$0x5], $0x4000, $0x38;
	[tilespmem:$0x1C000] =	vst v63  }
0x5a4: {  	_ = 	snop  }
0x5a5: {  	[hbm4b:s15+s1] =	stream.linear.scatter [tilespmem:s29], [sflag:$0x5], $0x4000, $0x38;
	[tilespmem:$0x1C000] =	vst v63  }
0x5a6: {  	_ =	swait.ge [sflag:s30], $0x4000  }
0x5a7: {  	[sflag:s30] =	ssyncset.done $0x0  }
0x5a8: {  	[sflag:s30] =	ssyncadd.s32 $0xFFFFC000  }
0x5a9: {  	_ =	swait.ge [sflag:s31], $0x4000  }
0x5aa: {  	[sflag:s31] =	ssyncset.done $0x0  }
0x5ab: {  	[sflag:s31] =	ssyncadd.s32 $0xFFFFC000  }
0x5ac: {  	_ =	swait.ge [sflag:s31], $0x4000  }
0x5ad: {  	[sflag:s31] =	ssyncset.done $0x0  }
0x5ae: {  	s7 =	simm.s32 $0x8040;
	[sflag:s31] =	ssyncadd.s32 $0xFFFFC000  }
0x5af: {  	v0 =	vld [tilespmem:s7+$0xFFFFFFC0]  }
0x5b0: {  	v1 =	vld [tilespmem:s7+$0x20]  }
0x5b1: {  	v2 =	vld [tilespmem:s7+$0x30]  }
0x5b2: {  	v3 =	vld [tilespmem:s7+$0x0]  }
0x5b3: {  	v4 =	vld [tilespmem:s7+$0x10]  }
0x5b4: {  	v5 =	vld [tilespmem:s7+$0xFFFFFFF0]  }
0x5b5: {  	v6 =	vld [tilespmem:s7+$0xFFFFFFE0]  }
0x5b6: {  	s8 =	simm.s32 $0x80C0;
	v7 =	vld [tilespmem:s7+$0xFFFFFFD0]  }
0x5b7: {  	v10 =	vld [tilespmem:s8+$0xFFFFFFC0]  }
0x5b8: {  	v13 =	vld [tilespmem:s8+$0x20]  }
0x5b9: {  	v17 =	vld [tilespmem:s8+$0x10];
	v0 =	vadd.f32 $-5.000000000e-01, v0  }
0x5ba: {  	v1 =	vadd.f32 $-5.000000000e-01, v1;
	v2 =	vadd.f32 $-5.000000000e-01, v2  }
0x5bb: {  	v3 =	vadd.f32 $-5.000000000e-01, v3;
	v4 =	vadd.f32 $-5.000000000e-01, v4  }
0x5bc: {  	v5 =	vadd.f32 $-5.000000000e-01, v5;
	v6 =	vadd.f32 $-5.000000000e-01, v6  }
0x5bd: {  	v7 =	vadd.f32 $-5.000000000e-01, v7;
	v10 =	vadd.f32 $-5.000000000e-01, v10  }
0x5be: {  	v13 =	vadd.f32 $-5.000000000e-01, v13;
	v59 =	vadd.f32 $-5.000000000e-01, v17  }
0x5bf: {  	v0 =	vadd.f32 $1.258291200e+07, v0;
	v1 =	vadd.f32 $1.258291200e+07, v1  }
0x5c0: {  	v2 =	vadd.f32 $1.258291200e+07, v2;
	v4 =	vadd.f32 $1.258291200e+07, v4  }
0x5c1: {  	v6 =	vadd.f32 $1.258291200e+07, v6;
	v5 =	vadd.f32 $1.258291200e+07, v5  }
0x5c2: {  	v3 =	vadd.f32 $1.258291200e+07, v3;
	v7 =	vadd.f32 $1.258291200e+07, v7;
	v0 =	vadd.s32 $0xB4C00008, v0  }
0x5c3: {  	v1 =	vadd.s32 $0xB4C00008, v1;
	v2 =	vadd.s32 $0xB4C00008, v2;
	v4 =	vadd.s32 $0xB4C00008, v4  }
0x5c4: {  	v6 =	vadd.s32 $0xB4C00008, v6;
	v5 =	vadd.s32 $0xB4C00008, v5;
	v7 =	vadd.s32 $0xB4C00008, v7  }
0x5c5: {  	vm4 =	vgt.s32 v0, $0x0;
	vm1 =	vgt.s32 v1, $0x0;
	vm5 =	vgt.s32 v2, $0x0  }
0x5c6: {  	vm6 =	vgt.s32 v4, $0x0;
	vm7 =	vgt.s32 v6, $0x0;
	v1 =	vnsel vm1, $0x0, v1  }
0x5c7: {  	vm8 =	vgt.s32 v5, $0x0;
	v2 =	vnsel vm5, $0x0, v2;
	v1 =	vmin.u32 v1, $0xF  }
0x5c8: {  	v6 =	vnsel vm7, $0x0, v6;
	v2 =	vmin.u32 v2, $0xF;
	v8 =	vcvt.s32.f32 v1  }
0x5c9: {  	v4 =	vnsel vm6, $0x0, v4;
	v6 =	vmin.u32 v6, $0xF;
	v9 =	vcvt.s32.f32 v2  }
0x5ca: {  	v4 =	vmin.u32 v4, $0xF;
	v15 =	vcvt.s32.f32 v6;
	v8 =	vadd.f32 $-7.500000000e+00, v8  }
0x5cb: {  	s9 =	simm.s32 $0xC040;
	vm9 =	vgt.s32 v7, $0x0;
	v12 =	vcvt.s32.f32 v4;
	v9 =	vadd.f32 $-7.500000000e+00, v9  }
0x5cc: {  	v11 =	vld [tilespmem:s8+$0x30];
	v0 =	vnsel vm4, $0x0, v0;
	v5 =	vnsel vm8, $0x0, v5;
	v15 =	vadd.f32 $-7.500000000e+00, v15;
	[tilespmem:s9+$0x20] =	vst v8  }
0x5cd: {  	v16 =	vld [tilespmem:s8+$0x0];
	v7 =	vnsel vm9, $0x0, v7;
	v5 =	vmin.u32 v5, $0xF;
	v12 =	vadd.f32 $-7.500000000e+00, v12;
	[tilespmem:s9+$0x30] =	vst v9  }
0x5ce: {  	v18 =	vld [tilespmem:s8+$0xFFFFFFF0];
	v0 =	vmin.u32 v0, $0xF;
	v58 =	vmin.u32 v7, $0xF;
	v7 =	vcvt.s32.f32 v5;
	[tilespmem:s9+$0xFFFFFFE0] =	vst v15  }
0x5cf: {  	s3 =	simm.s32 $0x14040;
	v13 =	vadd.f32 $1.258291200e+07, v13;
	v3 =	vadd.s32 $0xB4C00008, v3;
	v14 =	vcvt.s32.f32 v0;
	[tilespmem:s9+$0x10] =	vst v12  }
0x5d0: {  	vm10 =	vgt.s32 v3, $0x0;
	v7 =	vadd.f32 $-7.500000000e+00, v7;
	[tilespmem:s3+$0x20] =	vst v1;
	v1 =	vadd.f32 $1.258291200e+07, v10  }
0x5d1: {  	v3 =	vnsel vm10, $0x0, v3;
	v8 =	vadd.f32 $-7.500000000e+00, v14;
	[tilespmem:s3+$0x30] =	vst v2;
	v2 =	vadd.f32 $-5.000000000e-01, v11  }
0x5d2: {  	v9 =	vadd.f32 $-5.000000000e-01, v16;
	v10 =	vld [tilespmem:s8+$0xFFFFFFE0];
	[tilespmem:s3+$0xFFFFFFE0] =	vst v6;
	v6 =	vcvt.s32.f32 v58;
	v1 =	vadd.s32 $0xB4C00008, v1  }
0x5d3: {  	v11 =	vadd.f32 $-5.000000000e-01, v18;
	[tilespmem:s9+$0xFFFFFFC0] =	vst v8;
	v2 =	vadd.f32 $1.258291200e+07, v2;
	vm11 =	vgt.s32 v1, $0x0  }
0x5d4: {  	[tilespmem:s3+$0xFFFFFFC0] =	vst v0;
	v0 =	vadd.f32 $1.258291200e+07, v59;
	v6 =	vadd.f32 $-7.500000000e+00, v6;
	v60 =	vnsel vm11, $0x0, v1  }
0x5d5: {  	[tilespmem:s3+$0x10] =	vst v4;
	v1 =	vadd.s32 $0xB4C00008, v13;
	v4 =	vadd.s32 $0xB4C00008, v2;
	v2 =	vmin.u32 v3, $0xF  }
0x5d6: {  	v0 =	vadd.s32 $0xB4C00008, v0;
	[tilespmem:s9+$0xFFFFFFD0] =	vst v6;
	v6 =	vadd.f32 $1.258291200e+07, v11;
	vm12 =	vgt.s32 v1, $0x0  }
0x5d7: {  	v61 =	vld [tilespmem:s8+$0xFFFFFFD0];
	v10 =	vadd.f32 $-5.000000000e-01, v10;
	vm13 =	vgt.s32 v4, $0x0;
	v1 =	vnsel vm12, $0x0, v1  }
0x5d8: {  	[tilespmem:s9+$0xFFFFFFF0] =	vst v7;
	v8 =	vcvt.s32.f32 v2;
	vm14 =	vgt.s32 v0, $0x0;
	v3 =	vmin.u32 v1, $0xF  }
0x5d9: {  	[tilespmem:s3+$0xFFFFFFF0] =	vst v5;
	v1 =	vnsel vm13, $0x0, v4;
	v5 =	vadd.f32 $1.258291200e+07, v10;
	v4 =	vcvt.s32.f32 v3  }
0x5da: {  	v7 =	vnsel vm14, $0x0, v0;
	v8 =	vadd.f32 $-7.500000000e+00, v8;
	v1 =	vmin.u32 v1, $0xF  }
0x5db: {  	[tilespmem:s3+$0xFFFFFFD0] =	vst v58;
	v10 =	vcvt.s32.f32 v1;
	v63 =	vadd.s32 $0xB4C00008, v5;
	v62 =	vadd.f32 $-7.500000000e+00, v4  }
0x5dc: {  	s6 =	simm.s32 $0x80;
	s5 =	simm.s32 $0xC0C0;
	s7 =	simm.s32 $0xC0C0;
	v0 =	vmin.u32 v60, $0xF;
	[tilespmem:s9+$0x0] =	vst v8;
	v8 =	vadd.f32 $-5.000000000e-01, v61;
	vm15 =	vgt.s32 v63, $0x0  }
0x5dd: {  	s4 =	simm.s32 $0x140C0;
	s8 =	simm.s32 $0x140C0;
	s9 =	simm.s32 $0x8140;
	v4 =	vadd.f32 $1.258291200e+07, v9;
	v5 =	vadd.f32 $-7.500000000e+00, v10;
	v9 =	vnsel vm15, $0x0, v63;
	[tilespmem:s7+$0x20] =	vst v62  }
.LBB2_30:
0x5de: {  	v10 =	vld [tilespmem:s9+$0xFFFFFFC0];
	s6 =	sadd.s32 $0x80, s6;
	v7 =	vmin.u32 v7, $0xF;
	s7 =	sadd.s32 $0x80, s7;
	s8 =	sadd.s32 $0x80, s8;
	[tilespmem:s3+$0x0] =	vst v2  }
0x5df: {  	v9 =	vmin.u32 v9, $0xF;
	s3 =	smov.u32 s4;
	v2 =	vld [tilespmem:s9+$0x30];
	p0 =	slt.u32 s6, $0x3F80;
	v8 =	vadd.f32 $1.258291200e+07, v8;
	v11 =	vcvt.s32.f32 v7;
	[tilespmem:s4+$0x20] =	vst v3;
	s4 =	smov.u32 s8  }
0x5e0: {  	v12 =	vcvt.s32.f32 v0;
	v6 =	vadd.s32 $0xB4C00008, v6;
	v13 =	vcvt.s32.f32 v9;
	v3 =	vld [tilespmem:s9+$0x20];
	[tilespmem:s5+$0x30] =	vst v5  }
0x5e1: {  	v4 =	vadd.s32 $0xB4C00008, v4;
	vm0 =	vgt.s32 v6, $0x0;
	v5 =	vld [tilespmem:s9+$0x0];
	v8 =	vadd.s32 $0xB4C00008, v8;
	[tilespmem:s3+$0x30] =	vst v1  }
0x5e2: {  	v6 =	vnsel vm0, $0x0, v6;
	v13 =	vadd.f32 $-7.500000000e+00, v13;
	v1 =	vld [tilespmem:s9+$0x10];
	vm1 =	vgt.s32 v8, $0x0  }
0x5e3: {  	v6 =	vmin.u32 v6, $0xF;
	v10 =	vadd.f32 $-5.000000000e-01, v10;
	v14 =	vld [tilespmem:s9+$0xFFFFFFF0];
	v8 =	vnsel vm1, $0x0, v8  }
0x5e4: {  	v12 =	vadd.f32 $-7.500000000e+00, v12;
	vm0 =	vgt.s32 v4, $0x0;
	v11 =	vadd.f32 $-7.500000000e+00, v11;
	v15 =	vld [tilespmem:s9+$0xFFFFFFD0];
	[tilespmem:s5+$0xFFFFFFE0] =	vst v13  }
0x5e5: {  	v8 =	vmin.u32 v8, $0xF;
	v10 =	vadd.f32 $1.258291200e+07, v10;
	v13 =	vld [tilespmem:s9+$0xFFFFFFE0];
	[tilespmem:s3+$0xFFFFFFE0] =	vst v9;
	v9 =	vcvt.s32.f32 v6  }
0x5e6: {  	v4 =	vnsel vm0, $0x0, v4;
	v3 =	vadd.f32 $-5.000000000e-01, v3;
	v16 =	vadd.f32 $-5.000000000e-01, v5;
	[tilespmem:s5+$0x10] =	vst v11  }
0x5e7: {  	v2 =	vadd.f32 $-5.000000000e-01, v2;
	v5 =	vadd.s32 $0xB4C00008, v10;
	v1 =	vadd.f32 $-5.000000000e-01, v1;
	[tilespmem:s3+$0x10] =	vst v7  }
0x5e8: {  	v3 =	vadd.f32 $1.258291200e+07, v3;
	vm0 =	vgt.s32 v5, $0x0;
	v10 =	vadd.f32 $-5.000000000e-01, v14;
	[tilespmem:s5+$0xFFFFFFC0] =	vst v12  }
0x5e9: {  	v2 =	vadd.f32 $1.258291200e+07, v2;
	v7 =	vadd.f32 $-7.500000000e+00, v9;
	[tilespmem:s3+$0xFFFFFFC0] =	vst v0;
	v0 =	vcvt.s32.f32 v8  }
0x5ea: {  	v9 =	vnsel vm0, $0x0, v5;
	v3 =	vadd.s32 $0xB4C00008, v3;
	v5 =	vadd.f32 $-5.000000000e-01, v13  }
0x5eb: {  	v11 =	vadd.s32 $0xB4C00008, v2;
	v2 =	vmin.u32 v4, $0xF;
	vm0 =	vgt.s32 v3, $0x0;
	[tilespmem:s5+$0xFFFFFFF0] =	vst v7  }
0x5ec: {  	v4 =	vcvt.s32.f32 v2;
	v3 =	vnsel vm0, $0x0, v3;
	vm0 =	vgt.s32 v11, $0x0;
	[tilespmem:s3+$0xFFFFFFF0] =	vst v6  }
0x5ed: {  	v6 =	vadd.f32 $1.258291200e+07, v1;
	v3 =	vmin.u32 v3, $0xF;
	v1 =	vnsel vm0, $0x0, v11  }
0x5ee: {  	v0 =	vadd.f32 $-7.500000000e+00, v0;
	v7 =	vcvt.s32.f32 v3;
	v1 =	vmin.u32 v1, $0xF  }
.Ltmp14:
0x5ef: {  	v5 =	vadd.f32 $1.258291200e+07, v5;
	v6 =	vadd.s32 $0xB4C00008, v6;
	v11 =	vcvt.s32.f32 v1;
	(pc) =	sbr.rel @p0 .LBB2_30-.Ltmp14, $4  }
0x5f0: {  	vm0 =	vgt.s32 v6, $0x0;
	v12 =	vadd.f32 $-7.500000000e+00, v7;
	[tilespmem:s5+$0xFFFFFFD0] =	vst v0;
	v0 =	vadd.f32 $-7.500000000e+00, v4  }
0x5f1: {  	v13 =	vadd.s32 $0xB4C00008, v5;
	v7 =	vnsel vm0, $0x0, v6;
	v5 =	vadd.f32 $-7.500000000e+00, v11;
	[tilespmem:s3+$0xFFFFFFD0] =	vst v8  }
0x5f2: {  	vm0 =	vgt.s32 v13, $0x0;
	v6 =	vadd.f32 $1.258291200e+07, v10;
	v4 =	vadd.f32 $1.258291200e+07, v16;
	[tilespmem:s5+$0x0] =	vst v0;
	s5 =	smov.u32 s7  }
0x5f3: {  	s9 =	sadd.s32 $0x80, s9;
	v8 =	vadd.f32 $-5.000000000e-01, v15;
	v0 =	vmin.u32 v9, $0xF;
	v9 =	vnsel vm0, $0x0, v13;
	[tilespmem:s7+$0x20] =	vst v12  }
0x5f4: {  	v9 =	vmin.u32 v9, $0xF;
	[tilespmem:s5+$0x30] =	vst v5;
	v5 =	vcvt.s32.f32 v0  }
0x5f5: {  	[tilespmem:s3+$0x0] =	vst v2;
	v7 =	vmin.u32 v7, $0xF;
	v2 =	vcvt.s32.f32 v9;
	v8 =	vadd.f32 $1.258291200e+07, v8  }
0x5f6: {  	[tilespmem:s4+$0x20] =	vst v3;
	v6 =	vadd.s32 $0xB4C00008, v6;
	v3 =	vcvt.s32.f32 v7;
	v5 =	vadd.f32 $-7.500000000e+00, v5  }
0x5f7: {  	vm0 =	vgt.s32 v6, $0x0;
	[tilespmem:s4+$0x30] =	vst v1;
	v2 =	vadd.f32 $-7.500000000e+00, v2;
	v1 =	vadd.s32 $0xB4C00008, v8  }
0x5f8: {  	v6 =	vnsel vm0, $0x0, v6;
	vm14 =	vgt.s32 v1, $0x0;
	[tilespmem:s5+$0xFFFFFFC0] =	vst v5  }
0x5f9: {  	[tilespmem:s5+$0xFFFFFFE0] =	vst v2;
	v2 =	vadd.f32 $-7.500000000e+00, v3;
	v3 =	vadd.s32 $0xB4C00008, v4;
	v4 =	vmin.u32 v6, $0xF  }
0x5fa: {  	v1 =	vnsel vm14, $0x0, v1;
	[tilespmem:s4+$0xFFFFFFC0] =	vst v0;
	v6 =	vcvt.s32.f32 v4  }
0x5fb: {  	[tilespmem:s4+$0xFFFFFFE0] =	vst v9;
	vm15 =	vgt.s32 v3, $0x0;
	v1 =	vmin.u32 v1, $0xF  }
0x5fc: {  	[tilespmem:s5+$0x10] =	vst v2;
	v2 =	vnsel vm15, $0x0, v3;
	v3 =	vcvt.s32.f32 v1;
	v5 =	vadd.f32 $-7.500000000e+00, v6  }
0x5fd: {  	[tilespmem:s4+$0x10] =	vst v7;
	v0 =	vmin.u32 v2, $0xF  }
0x5fe: {  	v2 =	vcvt.s32.f32 v0;
	v3 =	vadd.f32 $-7.500000000e+00, v3;
	[tilespmem:s5+$0xFFFFFFF0] =	vst v5  }
0x5ff: {  	[tilespmem:s4+$0xFFFFFFF0] =	vst v4  }
0x600: {  	[tilespmem:s5+$0xFFFFFFD0] =	vst v3;
	v2 =	vadd.f32 $-7.500000000e+00, v2  }
0x601: {  	[tilespmem:s4+$0xFFFFFFD0] =	vst v1  }
0x602: {  	[tilespmem:s5+$0x0] =	vst v2  }
0x603: {  	[tilespmem:s4+$0x0] =	vst v0  }
0x604: {  	[hbm4b:s16+s1] =	stream.linear.scatter [tilespmem:s24], [sflag:$0x4], $0x4000, $0x38;
	[tilespmem:$0x1C000] =	vst v63  }
0x605: {  	_ = 	snop  }
0x606: {  	[hbm4b:s17+s1] =	stream.linear.scatter [tilespmem:s25], [sflag:$0x4], $0x4000, $0x38;
	[tilespmem:$0x1C000] =	vst v63  }
0x607: {  	_ =	swait.ge [sflag:s23], $0x4000  }
0x608: {  	[sflag:s23] =	ssyncset.done $0x0  }
0x609: {  	[sflag:s23] =	ssyncadd.s32 $0xFFFFC000  }
0x60a: {  	_ =	swait.ge [sflag:s0], $0x4000  }
0x60b: {  	[sflag:s0] =	ssyncset.done $0x0  }
0x60c: {  	[sflag:s0] =	ssyncadd.s32 $0xFFFFC000  }
0x60d: {  	_ =	swait.ge [sflag:s0], $0x4000  }
0x60e: {  	[sflag:s0] =	ssyncset.done $0x0  }
0x60f: {  	s7 =	simm.s32 $0x40;
	[sflag:s0] =	ssyncadd.s32 $0xFFFFC000  }
0x610: {  	v0 =	vld [tilespmem:s7+$0xFFFFFFC0]  }
0x611: {  	v1 =	vld [tilespmem:s7+$0x20]  }
0x612: {  	v2 =	vld [tilespmem:s7+$0x30]  }
0x613: {  	v3 =	vld [tilespmem:s7+$0x0]  }
0x614: {  	v4 =	vld [tilespmem:s7+$0x10]  }
0x615: {  	v5 =	vld [tilespmem:s7+$0xFFFFFFF0]  }
0x616: {  	v6 =	vld [tilespmem:s7+$0xFFFFFFE0]  }
0x617: {  	s8 =	simm.s32 $0xC0;
	v7 =	vld [tilespmem:s7+$0xFFFFFFD0]  }
0x618: {  	v10 =	vld [tilespmem:s8+$0xFFFFFFC0]  }
0x619: {  	v13 =	vld [tilespmem:s8+$0x20]  }
0x61a: {  	v17 =	vld [tilespmem:s8+$0x10];
	v0 =	vadd.f32 $-5.000000000e-01, v0  }
0x61b: {  	v1 =	vadd.f32 $-5.000000000e-01, v1;
	v2 =	vadd.f32 $-5.000000000e-01, v2  }
0x61c: {  	v3 =	vadd.f32 $-5.000000000e-01, v3;
	v4 =	vadd.f32 $-5.000000000e-01, v4  }
0x61d: {  	v5 =	vadd.f32 $-5.000000000e-01, v5;
	v6 =	vadd.f32 $-5.000000000e-01, v6  }
0x61e: {  	v7 =	vadd.f32 $-5.000000000e-01, v7;
	v10 =	vadd.f32 $-5.000000000e-01, v10  }
0x61f: {  	v13 =	vadd.f32 $-5.000000000e-01, v13;
	v59 =	vadd.f32 $-5.000000000e-01, v17  }
0x620: {  	v0 =	vadd.f32 $1.258291200e+07, v0;
	v1 =	vadd.f32 $1.258291200e+07, v1  }
0x621: {  	v2 =	vadd.f32 $1.258291200e+07, v2;
	v4 =	vadd.f32 $1.258291200e+07, v4  }
0x622: {  	v6 =	vadd.f32 $1.258291200e+07, v6;
	v5 =	vadd.f32 $1.258291200e+07, v5  }
0x623: {  	v3 =	vadd.f32 $1.258291200e+07, v3;
	v7 =	vadd.f32 $1.258291200e+07, v7;
	v0 =	vadd.s32 $0xB4C00008, v0  }
0x624: {  	v1 =	vadd.s32 $0xB4C00008, v1;
	v2 =	vadd.s32 $0xB4C00008, v2;
	v4 =	vadd.s32 $0xB4C00008, v4  }
0x625: {  	v6 =	vadd.s32 $0xB4C00008, v6;
	v5 =	vadd.s32 $0xB4C00008, v5;
	v7 =	vadd.s32 $0xB4C00008, v7  }
0x626: {  	vm4 =	vgt.s32 v0, $0x0;
	vm1 =	vgt.s32 v1, $0x0;
	vm5 =	vgt.s32 v2, $0x0  }
0x627: {  	vm6 =	vgt.s32 v4, $0x0;
	vm7 =	vgt.s32 v6, $0x0;
	v1 =	vnsel vm1, $0x0, v1  }
0x628: {  	vm8 =	vgt.s32 v5, $0x0;
	v2 =	vnsel vm5, $0x0, v2;
	v1 =	vmin.u32 v1, $0xF  }
0x629: {  	v6 =	vnsel vm7, $0x0, v6;
	v2 =	vmin.u32 v2, $0xF;
	v8 =	vcvt.s32.f32 v1  }
0x62a: {  	v4 =	vnsel vm6, $0x0, v4;
	v6 =	vmin.u32 v6, $0xF;
	v9 =	vcvt.s32.f32 v2  }
0x62b: {  	v4 =	vmin.u32 v4, $0xF;
	v15 =	vcvt.s32.f32 v6;
	v8 =	vadd.f32 $-7.500000000e+00, v8  }
0x62c: {  	s9 =	simm.s32 $0x10040;
	vm9 =	vgt.s32 v7, $0x0;
	v12 =	vcvt.s32.f32 v4;
	v9 =	vadd.f32 $-7.500000000e+00, v9  }
0x62d: {  	v11 =	vld [tilespmem:s8+$0x30];
	v0 =	vnsel vm4, $0x0, v0;
	v5 =	vnsel vm8, $0x0, v5;
	v15 =	vadd.f32 $-7.500000000e+00, v15;
	[tilespmem:s9+$0x20] =	vst v8  }
0x62e: {  	v16 =	vld [tilespmem:s8+$0x0];
	v7 =	vnsel vm9, $0x0, v7;
	v5 =	vmin.u32 v5, $0xF;
	v12 =	vadd.f32 $-7.500000000e+00, v12;
	[tilespmem:s9+$0x30] =	vst v9  }
0x62f: {  	v18 =	vld [tilespmem:s8+$0xFFFFFFF0];
	v0 =	vmin.u32 v0, $0xF;
	v58 =	vmin.u32 v7, $0xF;
	v7 =	vcvt.s32.f32 v5;
	[tilespmem:s9+$0xFFFFFFE0] =	vst v15  }
0x630: {  	s3 =	simm.s32 $0x18040;
	v13 =	vadd.f32 $1.258291200e+07, v13;
	v3 =	vadd.s32 $0xB4C00008, v3;
	v14 =	vcvt.s32.f32 v0;
	[tilespmem:s9+$0x10] =	vst v12  }
0x631: {  	vm10 =	vgt.s32 v3, $0x0;
	v7 =	vadd.f32 $-7.500000000e+00, v7;
	[tilespmem:s3+$0x20] =	vst v1;
	v1 =	vadd.f32 $1.258291200e+07, v10  }
0x632: {  	v3 =	vnsel vm10, $0x0, v3;
	v8 =	vadd.f32 $-7.500000000e+00, v14;
	[tilespmem:s3+$0x30] =	vst v2;
	v2 =	vadd.f32 $-5.000000000e-01, v11  }
0x633: {  	v9 =	vadd.f32 $-5.000000000e-01, v16;
	v10 =	vld [tilespmem:s8+$0xFFFFFFE0];
	[tilespmem:s3+$0xFFFFFFE0] =	vst v6;
	v6 =	vcvt.s32.f32 v58;
	v1 =	vadd.s32 $0xB4C00008, v1  }
0x634: {  	v11 =	vadd.f32 $-5.000000000e-01, v18;
	[tilespmem:s9+$0xFFFFFFC0] =	vst v8;
	v2 =	vadd.f32 $1.258291200e+07, v2;
	vm11 =	vgt.s32 v1, $0x0  }
0x635: {  	[tilespmem:s3+$0xFFFFFFC0] =	vst v0;
	v0 =	vadd.f32 $1.258291200e+07, v59;
	v6 =	vadd.f32 $-7.500000000e+00, v6;
	v60 =	vnsel vm11, $0x0, v1  }
0x636: {  	[tilespmem:s3+$0x10] =	vst v4;
	v1 =	vadd.s32 $0xB4C00008, v13;
	v4 =	vadd.s32 $0xB4C00008, v2;
	v2 =	vmin.u32 v3, $0xF  }
0x637: {  	v0 =	vadd.s32 $0xB4C00008, v0;
	[tilespmem:s9+$0xFFFFFFD0] =	vst v6;
	v6 =	vadd.f32 $1.258291200e+07, v11;
	vm12 =	vgt.s32 v1, $0x0  }
0x638: {  	v61 =	vld [tilespmem:s8+$0xFFFFFFD0];
	v10 =	vadd.f32 $-5.000000000e-01, v10;
	vm13 =	vgt.s32 v4, $0x0;
	v1 =	vnsel vm12, $0x0, v1  }
0x639: {  	[tilespmem:s9+$0xFFFFFFF0] =	vst v7;
	v8 =	vcvt.s32.f32 v2;
	vm14 =	vgt.s32 v0, $0x0;
	v3 =	vmin.u32 v1, $0xF  }
0x63a: {  	[tilespmem:s3+$0xFFFFFFF0] =	vst v5;
	v1 =	vnsel vm13, $0x0, v4;
	v5 =	vadd.f32 $1.258291200e+07, v10;
	v4 =	vcvt.s32.f32 v3  }
0x63b: {  	v7 =	vnsel vm14, $0x0, v0;
	v8 =	vadd.f32 $-7.500000000e+00, v8;
	v1 =	vmin.u32 v1, $0xF  }
0x63c: {  	[tilespmem:s3+$0xFFFFFFD0] =	vst v58;
	v10 =	vcvt.s32.f32 v1;
	v63 =	vadd.s32 $0xB4C00008, v5;
	v62 =	vadd.f32 $-7.500000000e+00, v4  }
0x63d: {  	s6 =	simm.s32 $0x80;
	s5 =	simm.s32 $0x100C0;
	s7 =	simm.s32 $0x100C0;
	v0 =	vmin.u32 v60, $0xF;
	[tilespmem:s9+$0x0] =	vst v8;
	v8 =	vadd.f32 $-5.000000000e-01, v61;
	vm15 =	vgt.s32 v63, $0x0  }
0x63e: {  	s4 =	simm.s32 $0x180C0;
	s8 =	simm.s32 $0x180C0;
	s9 =	simm.s32 $0x140;
	v4 =	vadd.f32 $1.258291200e+07, v9;
	v5 =	vadd.f32 $-7.500000000e+00, v10;
	v9 =	vnsel vm15, $0x0, v63;
	[tilespmem:s7+$0x20] =	vst v62  }
.LBB2_32:
0x63f: {  	v10 =	vld [tilespmem:s9+$0xFFFFFFC0];
	s6 =	sadd.s32 $0x80, s6;
	v7 =	vmin.u32 v7, $0xF;
	s7 =	sadd.s32 $0x80, s7;
	s8 =	sadd.s32 $0x80, s8;
	[tilespmem:s3+$0x0] =	vst v2  }
0x640: {  	v9 =	vmin.u32 v9, $0xF;
	s3 =	smov.u32 s4;
	v2 =	vld [tilespmem:s9+$0x30];
	p0 =	slt.u32 s6, $0x3F80;
	v8 =	vadd.f32 $1.258291200e+07, v8;
	v11 =	vcvt.s32.f32 v7;
	[tilespmem:s4+$0x20] =	vst v3;
	s4 =	smov.u32 s8  }
0x641: {  	v12 =	vcvt.s32.f32 v0;
	v6 =	vadd.s32 $0xB4C00008, v6;
	v13 =	vcvt.s32.f32 v9;
	v3 =	vld [tilespmem:s9+$0x20];
	[tilespmem:s5+$0x30] =	vst v5  }
0x642: {  	v4 =	vadd.s32 $0xB4C00008, v4;
	vm0 =	vgt.s32 v6, $0x0;
	v5 =	vld [tilespmem:s9+$0x0];
	v8 =	vadd.s32 $0xB4C00008, v8;
	[tilespmem:s3+$0x30] =	vst v1  }
0x643: {  	v6 =	vnsel vm0, $0x0, v6;
	v13 =	vadd.f32 $-7.500000000e+00, v13;
	v1 =	vld [tilespmem:s9+$0x10];
	vm1 =	vgt.s32 v8, $0x0  }
0x644: {  	v6 =	vmin.u32 v6, $0xF;
	v10 =	vadd.f32 $-5.000000000e-01, v10;
	v14 =	vld [tilespmem:s9+$0xFFFFFFF0];
	v8 =	vnsel vm1, $0x0, v8  }
0x645: {  	v12 =	vadd.f32 $-7.500000000e+00, v12;
	vm0 =	vgt.s32 v4, $0x0;
	v11 =	vadd.f32 $-7.500000000e+00, v11;
	v15 =	vld [tilespmem:s9+$0xFFFFFFD0];
	[tilespmem:s5+$0xFFFFFFE0] =	vst v13  }
0x646: {  	v8 =	vmin.u32 v8, $0xF;
	v10 =	vadd.f32 $1.258291200e+07, v10;
	v13 =	vld [tilespmem:s9+$0xFFFFFFE0];
	[tilespmem:s3+$0xFFFFFFE0] =	vst v9;
	v9 =	vcvt.s32.f32 v6  }
0x647: {  	v4 =	vnsel vm0, $0x0, v4;
	v3 =	vadd.f32 $-5.000000000e-01, v3;
	v16 =	vadd.f32 $-5.000000000e-01, v5;
	[tilespmem:s5+$0x10] =	vst v11  }
0x648: {  	v2 =	vadd.f32 $-5.000000000e-01, v2;
	v5 =	vadd.s32 $0xB4C00008, v10;
	v1 =	vadd.f32 $-5.000000000e-01, v1;
	[tilespmem:s3+$0x10] =	vst v7  }
0x649: {  	v3 =	vadd.f32 $1.258291200e+07, v3;
	vm0 =	vgt.s32 v5, $0x0;
	v10 =	vadd.f32 $-5.000000000e-01, v14;
	[tilespmem:s5+$0xFFFFFFC0] =	vst v12  }
0x64a: {  	v2 =	vadd.f32 $1.258291200e+07, v2;
	v7 =	vadd.f32 $-7.500000000e+00, v9;
	[tilespmem:s3+$0xFFFFFFC0] =	vst v0;
	v0 =	vcvt.s32.f32 v8  }
0x64b: {  	v9 =	vnsel vm0, $0x0, v5;
	v3 =	vadd.s32 $0xB4C00008, v3;
	v5 =	vadd.f32 $-5.000000000e-01, v13  }
0x64c: {  	v11 =	vadd.s32 $0xB4C00008, v2;
	v2 =	vmin.u32 v4, $0xF;
	vm0 =	vgt.s32 v3, $0x0;
	[tilespmem:s5+$0xFFFFFFF0] =	vst v7  }
0x64d: {  	v4 =	vcvt.s32.f32 v2;
	v3 =	vnsel vm0, $0x0, v3;
	vm0 =	vgt.s32 v11, $0x0;
	[tilespmem:s3+$0xFFFFFFF0] =	vst v6  }
0x64e: {  	v6 =	vadd.f32 $1.258291200e+07, v1;
	v3 =	vmin.u32 v3, $0xF;
	v1 =	vnsel vm0, $0x0, v11  }
0x64f: {  	v0 =	vadd.f32 $-7.500000000e+00, v0;
	v7 =	vcvt.s32.f32 v3;
	v1 =	vmin.u32 v1, $0xF  }
.Ltmp15:
0x650: {  	v5 =	vadd.f32 $1.258291200e+07, v5;
	v6 =	vadd.s32 $0xB4C00008, v6;
	v11 =	vcvt.s32.f32 v1;
	(pc) =	sbr.rel @p0 .LBB2_32-.Ltmp15, $4  }
0x651: {  	vm0 =	vgt.s32 v6, $0x0;
	v12 =	vadd.f32 $-7.500000000e+00, v7;
	[tilespmem:s5+$0xFFFFFFD0] =	vst v0;
	v0 =	vadd.f32 $-7.500000000e+00, v4  }
0x652: {  	v13 =	vadd.s32 $0xB4C00008, v5;
	v7 =	vnsel vm0, $0x0, v6;
	v5 =	vadd.f32 $-7.500000000e+00, v11;
	[tilespmem:s3+$0xFFFFFFD0] =	vst v8  }
0x653: {  	vm0 =	vgt.s32 v13, $0x0;
	v6 =	vadd.f32 $1.258291200e+07, v10;
	v4 =	vadd.f32 $1.258291200e+07, v16;
	[tilespmem:s5+$0x0] =	vst v0;
	s5 =	smov.u32 s7  }
0x654: {  	s9 =	sadd.s32 $0x80, s9;
	v8 =	vadd.f32 $-5.000000000e-01, v15;
	v0 =	vmin.u32 v9, $0xF;
	v9 =	vnsel vm0, $0x0, v13;
	[tilespmem:s7+$0x20] =	vst v12  }
0x655: {  	v9 =	vmin.u32 v9, $0xF;
	[tilespmem:s3+$0x0] =	vst v2;
	v55 =	vcvt.s32.f32 v0  }
0x656: {  	v7 =	vmin.u32 v7, $0xF;
	[tilespmem:s4+$0x20] =	vst v3;
	v53 =	vcvt.s32.f32 v9  }
0x657: {  	v6 =	vadd.s32 $0xB4C00008, v6;
	[tilespmem:s5+$0x30] =	vst v5;
	v54 =	vcvt.s32.f32 v7;
	v5 =	vadd.f32 $-7.500000000e+00, v55  }
0x658: {  	v58 =	vadd.s32 $0xB4C00008, v4;
	vm0 =	vgt.s32 v6, $0x0;
	[tilespmem:s4+$0x30] =	vst v1;
	v2 =	vadd.f32 $-7.500000000e+00, v53  }
0x659: {  	v8 =	vadd.f32 $1.258291200e+07, v8;
	v6 =	vnsel vm0, $0x0, v6;
	v57 =	vadd.f32 $-7.500000000e+00, v54;
	[tilespmem:s5+$0xFFFFFFC0] =	vst v5  }
0x65a: {  	vm15 =	vgt.s32 v58, $0x0;
	v59 =	vmin.u32 v6, $0xF;
	[tilespmem:s5+$0xFFFFFFE0] =	vst v2  }
0x65b: {  	v60 =	vnsel vm15, $0x0, v58;
	v56 =	vadd.s32 $0xB4C00008, v8;
	v6 =	vcvt.s32.f32 v59;
	[tilespmem:s5+$0x10] =	vst v57  }
0x65c: {  	v63 =	vmin.u32 v60, $0xF;
	vm14 =	vgt.s32 v56, $0x0;
	[tilespmem:s4+$0xFFFFFFC0] =	vst v0  }
0x65d: {  	v1 =	vnsel vm14, $0x0, v56;
	v2 =	vcvt.s32.f32 v63;
	[tilespmem:s4+$0xFFFFFFE0] =	vst v9;
	v62 =	vadd.f32 $-7.500000000e+00, v6  }
0x65e: {  	v1 =	vmin.u32 v1, $0xF;
	[tilespmem:s4+$0x10] =	vst v7  }
0x65f: {  	v61 =	vcvt.s32.f32 v1;
	v2 =	vadd.f32 $-7.500000000e+00, v2;
	[tilespmem:s5+$0xFFFFFFF0] =	vst v62  }
0x660: {  	[tilespmem:s4+$0xFFFFFFF0] =	vst v59  }
0x661: {  	v3 =	vadd.f32 $-7.500000000e+00, v61;
	[tilespmem:s5+$0x0] =	vst v2  }
0x662: {  	[tilespmem:s4+$0x0] =	vst v63  }
0x663: {  	[tilespmem:s5+$0xFFFFFFD0] =	vst v3  }
0x664: {  	[tilespmem:s4+$0xFFFFFFD0] =	vst v1  }
0x665: {  	[hbm4b:s18+s1] =	stream.linear.scatter [tilespmem:s28], [sflag:$0x5], $0x4000, $0x38;
	[tilespmem:$0x1C000] =	vst v63  }
0x666: {  	_ = 	snop  }
0x667: {  	[hbm4b:s19+s1] =	stream.linear.scatter [tilespmem:s29], [sflag:$0x5], $0x4000, $0x38;
	[tilespmem:$0x1C000] =	vst v63  }
0x668: {  	_ =	swait.ge [sflag:s31], $0x4000  }
0x669: {  	[sflag:s31] =	ssyncset.done $0x0  }
0x66a: {  	[sflag:s31] =	ssyncadd.s32 $0xFFFFC000  }
0x66b: {  	_ =	swait.ge [sflag:s31], $0x4000  }
0x66c: {  	[sflag:s31] =	ssyncset.done $0x0  }
0x66d: {  	s2 =	sadd.s32 $0x1, s2;
	[sflag:s31] =	ssyncadd.s32 $0xFFFFC000  }
0x66e: {  	p0 =	sne.s32 s2, s20;
	_ =	swait.ge [sflag:s0], $0x4000  }
.Ltmp16:
0x66f: {  	[sflag:s0] =	ssyncset.done $0x0;
	(pc) =	sbr.rel @p0 .LBB2_1-.Ltmp16, $4  }
0x670: {  	[sflag:s0] =	ssyncadd.s32 $0xFFFFC000  }
0x671: {  	_ =	swait.ge [sflag:s0], $0x4000  }
0x672: {  	[sflag:s0] =	ssyncset.done $0x0  }
0x673: {  	[sflag:s0] =	ssyncadd.s32 $0xFFFFC000  }
0x674: {  	_ =	sfence.sel $0x180000  }
0x675: {  	[bflag:$0x0] =	sbarrier.arrive $0xFFFF  }
0x676: {  	_ =	strace $0x90000047  }
0x677: {  	s0 =	stileid.u32;
	[bflag:$0x2] =	sbarrier.arrive $0xFFFF  }
0x678: {  	p0 =	sne.s32 s0, $0x0;
	s0 =	rddreg [dreg:$0x3]  }
0x679: {  	s0 =	sadd.s32 @!p0 $0x100000, s0  }
0x67a: {  	[sflag:s0] =	ssyncadd.tile.s32 @!p0 $0x1;
	_ =	shalt  }
.Lfunc_end2:
_tile_overlayer_lowered:
.L_overlay_start_2:
0x67b: {  	(tag) =	ssettag $0x2  }
0x67c: {  	s0 =	rddreg [dreg:$0x0];
	s2 =	stileid.u32  }
0x67d: {  	s1 =	rddreg [dreg:$0x1];
	p0 =	sne.s32 s2, $0x0  }
0x67e: {  	s3 =	rddreg [dreg:$0x2];
	[bflag:$0x3] =	sbarrier.arrive $0xFFFF;
	s2 =	simm.s32 @!p0 $0x1C06  }
0x67f: {  	[timem:s3], [sflag:s2] =	dma.local @!p0 [hbm:s0], s1  }
0x680: {  	s0 =	simm.s32 @!p0 $0x6  }
0x681: {  	_ =	swait.ge @!p0 [sflag:s0], s1  }
0x682: {  	s1 =	ssub.s32 @!p0 $0x0, s1;
	[sflag:s0] =	ssyncset.done @!p0 $0x0  }
0x683: {  	[sflag:s0] =	ssyncadd.s32 @!p0 s1  }
0x684: {  	[bflag:$0x3] =	sbarrier.arrive $0xFFFF  }
0x685: {  	_ =	shalt  }

</sc_bundles>
